<compile_context>
chip_gen: v7x
topology: tpu7x:2x2x1
jax: 0.10.2.dev20260603
libtpu: 0.0.44.dev20260713+nightly
codegen_flags: <defaults>
</compile_context>

<pallas_src>
import functools
import jax
import jax.numpy as jnp
from jax import lax
from jax.experimental import pallas as pl
from jax.experimental.pallas import tpu as pltpu
from jax.experimental.pallas import tpu_sc as plsc

N = 10000
NPAD = 10240
E = 160000
EB = 128
NBATCH = E // EB
BPT = 79
EPAD = 161792
H = 256
HH = 128
RPT = NPAD // 16
RB = 512
GRID = NPAD // RB
KNN = 6
CMAX = 1024

_mesh = plsc.VectorSubcoreMesh(core_axis_name="c", subcore_axis_name="s")


def _nbatches(s):
    return (NBATCH - 1 - s) // 16 + 1


@functools.partial(
    pl.kernel, mesh=_mesh,
    out_type=(jax.ShapeDtypeStruct((NPAD,), jnp.float32),
              jax.ShapeDtypeStruct((NPAD,), jnp.float32)),
    scratch_types=[pltpu.VMEM_SHARED((NPAD,), jnp.float32),
                   pltpu.VMEM((EB,), jnp.float32),
                   pltpu.VMEM((BPT * EB,), jnp.int32),
                   pltpu.VMEM((BPT * EB,), jnp.int32),
                   pltpu.VMEM((EB,), jnp.int32)],
)
def _stats_sc(src_hbm, dst_hbm, z_hbm, ones_hbm, deg_hbm, kill_hbm,
              acc, onesv, sall, dall, midx):
    c = lax.axis_index("c")
    s = lax.axis_index("s")
    pltpu.sync_copy(z_hbm, acc.at[pl.ds(s * RPT, RPT)])
    pltpu.sync_copy(ones_hbm, onesv)
    start = 78 * s + jnp.minimum(s, 2)
    nb = 78 + jnp.where(s < 2, 1, 0)
    pltpu.sync_copy(dst_hbm.at[pl.ds(start * EB, BPT * EB)], dall)

    @pl.when(c == 1)
    def _lds():
        pltpu.sync_copy(src_hbm.at[pl.ds(start * EB, BPT * EB)], sall)

    plsc.subcore_barrier()

    @pl.when(c == 0)
    def _deg():
        def body(i, carry):
            for j in range(EB // 16):
                o = i * EB + 16 * j
                midx[pl.ds(16 * j, 16)] = dall[pl.ds(o, 16)]
            pltpu.sync_copy(onesv, acc.at[midx], add=True)
            return carry
        lax.fori_loop(0, nb, body, 0)

    @pl.when(c == 1)
    def _kill():
        def body(i, carry):
            for j in range(EB // 16):
                o = i * EB + 16 * j
                midx[pl.ds(16 * j, 16)] = jnp.maximum(
                    sall[pl.ds(o, 16)], dall[pl.ds(o, 16)])
            pltpu.sync_copy(onesv, acc.at[midx], add=True)
            return carry
        lax.fori_loop(0, nb, body, 0)

    plsc.subcore_barrier()

    @pl.when(c == 0)
    def _out0():
        pltpu.sync_copy(acc.at[pl.ds(s * RPT, RPT)],
                        deg_hbm.at[pl.ds(s * RPT, RPT)])

    @pl.when(c == 1)
    def _out1():
        pltpu.sync_copy(acc.at[pl.ds(s * RPT, RPT)],
                        kill_hbm.at[pl.ds(s * RPT, RPT)])


@functools.partial(
    pl.kernel, mesh=_mesh,
    out_type=(jax.ShapeDtypeStruct((NPAD, HH), jnp.float32),
              jax.ShapeDtypeStruct((NPAD, HH), jnp.float32)),
    scratch_types=[pltpu.VMEM_SHARED((NPAD, HH), jnp.float32),
                   pltpu.VMEM((EB, HH), jnp.float32),
                   pltpu.VMEM((EB, HH), jnp.float32),
                   pltpu.VMEM((BPT * EB,), jnp.int32),
                   pltpu.VMEM((EB,), jnp.int32),
                   pltpu.VMEM((EB,), jnp.int32),
                   pltpu.SemaphoreType.DMA,
                   pltpu.SemaphoreType.DMA],
)
def _segsum_sc(hp0_hbm, hp1_hbm, src_hbm, dst_hbm, z2_hbm, s0_hbm, s1_hbm,
               acc, rows_a, rows_b, sall, didx_a, didx_b, sem_a, sem_b):
    c = lax.axis_index("c")
    s = lax.axis_index("s")
    pltpu.sync_copy(z2_hbm, acc.at[pl.ds(s * RPT, RPT)])
    start = 78 * s + jnp.minimum(s, 2)
    nb = 78 + jnp.where(s < 2, 1, 0)
    pltpu.sync_copy(src_hbm.at[pl.ds(start * EB, BPT * EB)], sall)
    plsc.subcore_barrier()

    def gather(bi, rows, sem):
        idx = sall.at[pl.ds(bi * EB, EB)]

        @pl.when(c == 0)
        def _g0():
            pltpu.async_copy(hp0_hbm.at[idx], rows, sem)

        @pl.when(c == 1)
        def _g1():
            pltpu.async_copy(hp1_hbm.at[idx], rows, sem)

    def drain(rows, sem):
        pltpu.make_async_copy(hp0_hbm.at[pl.ds(0, EB)], rows, sem).wait()

    def scatter(bi, rows, didx):
        pltpu.sync_copy(dst_hbm.at[pl.ds((start + bi) * EB, EB)], didx)
        pltpu.sync_copy(rows, acc.at[didx], add=True)

    gather(0, rows_a, sem_a)

    def body(i, carry):
        gather(2 * i + 1, rows_b, sem_b)
        drain(rows_a, sem_a)
        scatter(2 * i, rows_a, didx_a)

        @pl.when(2 * i + 2 < nb)
        def _pf():
            gather(2 * i + 2, rows_a, sem_a)

        drain(rows_b, sem_b)
        scatter(2 * i + 1, rows_b, didx_b)
        return carry

    lax.fori_loop(0, 39, body, 0)

    @pl.when(nb > 78)
    def _tail():
        drain(rows_a, sem_a)
        scatter(78, rows_a, didx_a)

    plsc.subcore_barrier()

    @pl.when(c == 0)
    def _out0():
        pltpu.sync_copy(acc.at[pl.ds(s * RPT, RPT)],
                        s0_hbm.at[pl.ds(s * RPT, RPT)])

    @pl.when(c == 1)
    def _out1():
        pltpu.sync_copy(acc.at[pl.ds(s * RPT, RPT)],
                        s1_hbm.at[pl.ds(s * RPT, RPT)])


@functools.partial(
    pl.kernel, mesh=_mesh,
    out_type=jax.ShapeDtypeStruct((CMAX,), jnp.float32),
    scratch_types=[pltpu.VMEM_SHARED((2 * CMAX,), jnp.float32),
                   pltpu.VMEM((RPT,), jnp.float32),
                   pltpu.VMEM((RPT,), jnp.float32),
                   pltpu.VMEM((EB,), jnp.int32),
                   pltpu.VMEM((EB,), jnp.float32)],
)
def _scan_sc(cand_hbm, rank_hbm, z_hbm, clist_hbm, acc2, cb, rb, idx, val):
    c = lax.axis_index("c")
    s = lax.axis_index("s")

    @pl.when(c == 0)
    def _run():
        pltpu.sync_copy(z_hbm.at[pl.ds(0, EB)], acc2.at[pl.ds(s * EB, EB)])
        pltpu.sync_copy(cand_hbm.at[pl.ds(s * RPT, RPT)], cb)
        pltpu.sync_copy(rank_hbm.at[pl.ds(s * RPT, RPT)], rb)
        plsc.subcore_barrier()

        def body(i, carry):
            for j in range(EB // 16):
                o = i * EB + 16 * j
                v = cb[pl.ds(o, 16)]
                rk = rb[pl.ds(o, 16)].astype(jnp.int32)
                nidx = lax.iota(jnp.int32, 16) + (s * RPT + o)
                trash = CMAX + jnp.bitwise_and(nidx, CMAX - 1)
                idx[pl.ds(16 * j, 16)] = jnp.where(v > 0.5, rk, trash)
                val[pl.ds(16 * j, 16)] = nidx.astype(jnp.float32)
            pltpu.sync_copy(val, acc2.at[idx], add=True)
            return carry

        lax.fori_loop(0, RPT // EB, body, 0)
        plsc.subcore_barrier()

        @pl.when(s < CMAX // EB)
        def _out():
            pltpu.sync_copy(acc2.at[pl.ds(s * EB, EB)],
                            clist_hbm.at[pl.ds(s * EB, EB)])


@functools.partial(
    pl.kernel, mesh=_mesh,
    out_type=(jax.ShapeDtypeStruct((CMAX, H), jnp.float32),
              jax.ShapeDtypeStruct((CMAX, 128), jnp.float32)),
    scratch_types=[pltpu.VMEM((EB,), jnp.int32),
                   pltpu.VMEM((EB,), jnp.float32),
                   pltpu.VMEM((EB, H), jnp.float32),
                   pltpu.VMEM((EB, 128), jnp.float32),
                   pltpu.SemaphoreType.DMA],
)
def _gather_sc(clist_hbm, x1_hbm, pos_hbm, x1c_hbm, posc_hbm,
               idxb, clf, rx, rp, sem):
    c = lax.axis_index("c")
    s = lax.axis_index("s")

    @pl.when(s < CMAX // EB)
    def _run():
        pltpu.sync_copy(clist_hbm.at[pl.ds(s * EB, EB)], clf)
        for j in range(EB // 16):
            idxb[pl.ds(16 * j, 16)] = clf[pl.ds(16 * j, 16)].astype(
                jnp.int32)

        @pl.when(c == 0)
        def _x1():
            pltpu.async_copy(x1_hbm.at[idxb], rx, sem).wait()
            pltpu.sync_copy(rx, x1c_hbm.at[pl.ds(s * EB, EB)])

        @pl.when(c == 1)
        def _pos():
            pltpu.async_copy(pos_hbm.at[idxb], rp, sem).wait()
            pltpu.sync_copy(rp, posc_hbm.at[pl.ds(s * EB, EB)])


def _conv_prep_body(x_ref, w_ref, b_ref, deg_ref, kill_ref,
                    hp0_ref, hp1_ref, p1_ref, dinv_ref, cand_ref,
                    rank_ref, mc_ref, carry_ref):
    i = pl.program_id(0)
    h = jnp.dot(x_ref[...], w_ref[...], preferred_element_type=jnp.float32)
    dinv = lax.rsqrt(deg_ref[...] + 2.0)
    hp = dinv * h
    hp0_ref[...] = hp[:, :HH]
    hp1_ref[...] = hp[:, HH:]
    p1_ref[...] = 2.0 * dinv * dinv * h + b_ref[...]
    dinv_ref[...] = dinv

    @pl.when(i == 0)
    def _init():
        carry_ref[0, 0] = 0.0

    ridx = lax.broadcasted_iota(jnp.int32, (RB, 1), 0) + i * RB
    keep = jnp.where(
        jnp.logical_and(kill_ref[...] == 0.0, ridx < N), 1.0, 0.0)
    rr = lax.broadcasted_iota(jnp.int32, (RB, RB), 0)
    cc = lax.broadcasted_iota(jnp.int32, (RB, RB), 1)
    tri = jnp.where(cc <= rr, 1.0, 0.0)
    p = jnp.dot(tri, keep, preferred_element_type=jnp.float32)
    carry = carry_ref[0, 0]
    rank = p - keep + carry
    cand_ref[...] = keep * jnp.where(rank < 1000.0, 1.0, 0.0)
    rank_ref[...] = rank
    new_carry = carry + jnp.sum(keep)
    carry_ref[0, 0] = new_carry

    @pl.when(i == GRID - 1)
    def _emit_m():
        mc_ref[...] = jnp.zeros((1, 16), jnp.float32) + jnp.minimum(
            new_carry, 1000.0)


def _conv_prep(x, w, b2, deg2, kill2):
    return pl.pallas_call(
        _conv_prep_body,
        grid=(GRID,),
        in_specs=[pl.BlockSpec((RB, H), lambda i: (i, 0)),
                  pl.BlockSpec((H, H), lambda i: (0, 0)),
                  pl.BlockSpec((1, H), lambda i: (0, 0)),
                  pl.BlockSpec((RB, 1), lambda i: (i, 0)),
                  pl.BlockSpec((RB, 1), lambda i: (i, 0))],
        out_specs=[pl.BlockSpec((RB, HH), lambda i: (i, 0)),
                   pl.BlockSpec((RB, HH), lambda i: (i, 0)),
                   pl.BlockSpec((RB, H), lambda i: (i, 0)),
                   pl.BlockSpec((RB, 1), lambda i: (i, 0)),
                   pl.BlockSpec((RB, 1), lambda i: (i, 0)),
                   pl.BlockSpec((RB, 1), lambda i: (i, 0)),
                   pl.BlockSpec((1, 16), lambda i: (0, 0))],
        out_shape=[jax.ShapeDtypeStruct((NPAD, HH), jnp.float32),
                   jax.ShapeDtypeStruct((NPAD, HH), jnp.float32),
                   jax.ShapeDtypeStruct((NPAD, H), jnp.float32),
                   jax.ShapeDtypeStruct((NPAD, 1), jnp.float32),
                   jax.ShapeDtypeStruct((NPAD, 1), jnp.float32),
                   jax.ShapeDtypeStruct((NPAD, 1), jnp.float32),
                   jax.ShapeDtypeStruct((1, 16), jnp.float32)],
        scratch_shapes=[pltpu.SMEM((1, 1), jnp.float32)],
    )(x, w, b2, deg2, kill2)


def _finish_body(s0_ref, s1_ref, p_ref, dinv_ref, o_ref):
    sall = jnp.concatenate([s0_ref[...], s1_ref[...]], axis=1)
    o_ref[...] = jnp.maximum(dinv_ref[...] * sall + p_ref[...], 0.0)


def _conv_finish(s0, s1, p, dinv2):
    return pl.pallas_call(
        _finish_body,
        grid=(GRID,),
        in_specs=[pl.BlockSpec((RB, HH), lambda i: (i, 0)),
                  pl.BlockSpec((RB, HH), lambda i: (i, 0)),
                  pl.BlockSpec((RB, H), lambda i: (i, 0)),
                  pl.BlockSpec((RB, 1), lambda i: (i, 0))],
        out_specs=pl.BlockSpec((RB, H), lambda i: (i, 0)),
        out_shape=jax.ShapeDtypeStruct((NPAD, H), jnp.float32),
    )(s0, s1, p, dinv2)


def _interp_body(posq_ref, posc_ref, m_ref, x1c_ref, wup_ref, bup_ref,
                 dinv_ref, hp0_ref, hp1_ref, p2_ref):
    pq = posq_ref[...]
    pc = posc_ref[...]
    dmat = jnp.zeros((RB, CMAX), jnp.float32)
    for k in range(3):
        diff = pq[:, k:k + 1] - pc[:, k][None, :]
        dmat = dmat + diff * diff
    m = m_ref[0, 0]
    col = lax.broadcasted_iota(jnp.int32, (RB, CMAX), 1).astype(jnp.float32)
    dmat = jnp.where(col < m, dmat, jnp.inf)
    wmat = jnp.zeros((RB, CMAX), jnp.float32)
    den = jnp.zeros((RB, 1), jnp.float32)
    for _ in range(KNN):
        mn = jnp.min(dmat, axis=1, keepdims=True)
        w = 1.0 / jnp.maximum(mn, 1e-16)
        cstar = jnp.min(jnp.where(dmat <= mn, col, 2.0 * CMAX),
                        axis=1, keepdims=True)
        sel = col == cstar
        wmat = wmat + jnp.where(sel, w, 0.0)
        den = den + w
        dmat = jnp.where(sel, jnp.inf, dmat)
    xu = jnp.dot(wmat, x1c_ref[...],
                 preferred_element_type=jnp.float32) / den
    h2 = jnp.dot(xu, wup_ref[...], preferred_element_type=jnp.float32)
    dinv = dinv_ref[...]
    hp = dinv * h2
    hp0_ref[...] = hp[:, :HH]
    hp1_ref[...] = hp[:, HH:]
    p2_ref[...] = 2.0 * dinv * dinv * h2 + bup_ref[...]


def _interp(pos16, posc, m16, x1c, wup, bup2, dinv2):
    return pl.pallas_call(
        _interp_body,
        grid=(GRID,),
        in_specs=[pl.BlockSpec((RB, 16), lambda i: (i, 0)),
                  pl.BlockSpec((CMAX, 128), lambda i: (0, 0)),
                  pl.BlockSpec((1, 16), lambda i: (0, 0)),
                  pl.BlockSpec((CMAX, H), lambda i: (0, 0)),
                  pl.BlockSpec((H, H), lambda i: (0, 0)),
                  pl.BlockSpec((1, H), lambda i: (0, 0)),
                  pl.BlockSpec((RB, 1), lambda i: (i, 0))],
        out_specs=[pl.BlockSpec((RB, HH), lambda i: (i, 0)),
                   pl.BlockSpec((RB, HH), lambda i: (i, 0)),
                   pl.BlockSpec((RB, H), lambda i: (i, 0))],
        out_shape=[jax.ShapeDtypeStruct((NPAD, HH), jnp.float32),
                   jax.ShapeDtypeStruct((NPAD, HH), jnp.float32),
                   jax.ShapeDtypeStruct((NPAD, H), jnp.float32)],
    )(pos16, posc, m16, x1c, wup, bup2, dinv2)


def _final_body(s0_ref, s1_ref, p_ref, dinv_ref, wl_ref, bl_ref, o_ref):
    sall = jnp.concatenate([s0_ref[...], s1_ref[...]], axis=1)
    xu2 = jnp.maximum(dinv_ref[...] * sall + p_ref[...], 0.0)
    o_ref[...] = jnp.dot(xu2, wl_ref[...],
                         preferred_element_type=jnp.float32) + bl_ref[...]


def _final(s0, s1, p, dinv2, wl, bl2):
    return pl.pallas_call(
        _final_body,
        grid=(GRID,),
        in_specs=[pl.BlockSpec((RB, HH), lambda i: (i, 0)),
                  pl.BlockSpec((RB, HH), lambda i: (i, 0)),
                  pl.BlockSpec((RB, H), lambda i: (i, 0)),
                  pl.BlockSpec((RB, 1), lambda i: (i, 0)),
                  pl.BlockSpec((H, H), lambda i: (0, 0)),
                  pl.BlockSpec((1, H), lambda i: (0, 0))],
        out_specs=pl.BlockSpec((RB, H), lambda i: (i, 0)),
        out_shape=jax.ShapeDtypeStruct((NPAD, H), jnp.float32),
    )(s0, s1, p, dinv2, wl, bl2)


@jax.jit
def kernel(x, pos, edge_index, batch, W_down, b_down, W_up, b_up,
           W_lin, b_lin):
    src = jnp.pad(edge_index[0].astype(jnp.int32), (0, EPAD - E))
    dst = jnp.pad(edge_index[1].astype(jnp.int32), (0, EPAD - E))
    x_pad = jnp.pad(x, ((0, NPAD - N), (0, 0)))
    pos16 = jnp.pad(pos, ((0, NPAD - N), (0, 13)))
    pos128 = jnp.pad(pos, ((0, NPAD - N), (0, 125)))
    z1 = jnp.zeros((RPT,), jnp.float32)
    z2 = jnp.zeros((RPT, HH), jnp.float32)
    ones = jnp.ones((EB,), jnp.float32)

    deg, kill = _stats_sc(src, dst, z1, ones)
    hp0, hp1, p1, dinv2, cand2, rank2, mcount = _conv_prep(
        x_pad, W_down, b_down[None, :], deg[:, None], kill[:, None])
    s0, s1 = _segsum_sc(hp0, hp1, src, dst, z2)
    clist = _scan_sc(cand2[:, 0], rank2[:, 0], z1)
    x1 = _conv_finish(s0, s1, p1, dinv2)
    x1c, posc = _gather_sc(clist, x1, pos128)
    h2p0, h2p1, p2 = _interp(pos16, posc, mcount, x1c,
                             W_up, b_up[None, :], dinv2)
    s20, s21 = _segsum_sc(h2p0, h2p1, src, dst, z2)
    out = _final(s20, s21, p2, dinv2, W_lin, b_lin[None, :])
    return out[:N]

# --- scband reference (transcript-rebuilt; emitter-appended) ---
"""Pipeline reference for scband-gaeone-hop-76175539962408 (READ-ONLY COPY).

The authoritative reference and input builder live on the scoring server;
editing this copy changes nothing except your own understanding.
"""

import jax, jax.numpy as jnp
import numpy as np

IMPROVED_FILL = 2.0

def gcn_conv(x, src, dst, num_nodes, W, b):
    # GCNConv with improved=True: self-loop weight 2, symmetric normalization
    loop = jnp.arange(num_nodes)
    s = jnp.concatenate([src, loop])
    d = jnp.concatenate([dst, loop])
    w = jnp.concatenate([jnp.ones((src.shape[0],), jnp.float32),
                         jnp.full((num_nodes,), IMPROVED_FILL, jnp.float32)])
    deg = jax.ops.segment_sum(w, d, num_segments=num_nodes)
    dinv = jnp.where(deg > 0, deg ** -0.5, 0.0)
    norm = dinv[s] * w * dinv[d]
    h = x @ W
    out = jax.ops.segment_sum(norm[:, None] * h[s], d, num_segments=num_nodes)
    return out + b

def pool_one_hop(edge_index, num_nodes, max_nodes):
    # one-hop pooling: keep nodes that are local index-minima over their
    # (symmetrized) one-hop neighborhood -> deterministic independent set
    src = edge_index[0]
    dst = edge_index[1]
    neigh_min = jnp.full((num_nodes,), num_nodes, dtype=src.dtype)
    neigh_min = neigh_min.at[dst].min(src)
    neigh_min = neigh_min.at[src].min(dst)
    keep = jnp.arange(num_nodes) < neigh_min
    order = jnp.argsort(jnp.logical_not(keep), stable=True)
    count = jnp.sum(keep)
    perm = order[:max_nodes]
    valid = jnp.arange(max_nodes) < jnp.minimum(count, max_nodes)
    return perm, valid

def knn_graph(pos, batch, k, valid=None):
    # KnnEdges(start_k=6, k_increment=1) at level 0 -> k = 6
    n = pos.shape[0]
    d2 = jnp.sum((pos[:, None, :] - pos[None, :, :]) ** 2, axis=-1)
    same = batch[:, None] == batch[None, :]
    d2 = jnp.where(same, d2, jnp.inf)
    d2 = jnp.where(jnp.eye(n, dtype=bool), jnp.inf, d2)
    if valid is not None:
        d2 = jnp.where(valid[None, :], d2, jnp.inf)
    _, idx = jax.lax.top_k(-d2, k)
    dst = jnp.repeat(jnp.arange(n), k)
    src = idx.reshape(-1)
    return src, dst

def knn_interpolate(x, pos_x, pos_y, batch_x, batch_y, k, valid_x=None):
    # PyG knn_interpolate: inverse squared-distance weighted average of k-NN
    d2 = jnp.sum((pos_y[:, None, :] - pos_x[None, :, :]) ** 2, axis=-1)
    same = batch_y[:, None] == batch_x[None, :]
    d2 = jnp.where(same, d2, jnp.inf)
    if valid_x is not None:
        d2 = jnp.where(valid_x[None, :], d2, jnp.inf)
    neg, idx = jax.lax.top_k(-d2, k)
    sq = -neg
    w = 1.0 / jnp.clip(sq, 1e-16, None)
    num = jnp.sum(w[:, :, None] * x[idx], axis=1)
    den = jnp.sum(w, axis=1, keepdims=True)
    return num / den

def setup_inputs(seed: int = 0):
    key = jax.random.key(seed)
    ks = jax.random.split(key, 10)
    n, e, din, h = 10000, 160000, 256, 256
    x = jax.random.normal(ks[0], (n, din), jnp.float32)
    pos = jax.random.uniform(ks[1], (n, 3), jnp.float32)
    edge_index = jax.random.randint(ks[2], (2, e), 0, n)
    batch = jnp.zeros((n,), jnp.int32)
    W_down = jax.random.normal(ks[3], (din, h), jnp.float32) * (1.0 / np.sqrt(din))
    b_down = jnp.zeros((h,), jnp.float32)
    W_up = jax.random.normal(ks[4], (h, h), jnp.float32) * (1.0 / np.sqrt(h))
    b_up = jnp.zeros((h,), jnp.float32)
    W_lin = jax.random.normal(ks[5], (h, h), jnp.float32) * (1.0 / np.sqrt(h))
    b_lin = jnp.zeros((h,), jnp.float32)
    return {"x": x, "pos": pos, "edge_index": edge_index, "batch": batch,
            "W_down": W_down, "b_down": b_down, "W_up": W_up, "b_up": b_up,
            "W_lin": W_lin, "b_lin": b_lin}

def reference(x, pos, edge_index, batch, W_down, b_down, W_up, b_up, W_lin, b_lin):
    n0 = x.shape[0]
    src0 = edge_index[0]
    dst0 = edge_index[1]
    # down path (depth = 1)
    x1 = jax.nn.relu(gcn_conv(x, src0, dst0, n0, W_down, b_down))
    perm, perm_valid = pool_one_hop(edge_index, n0, 1000)
    batch1 = batch[perm]
    pos1 = pos[perm]
    knn_src, knn_dst = knn_graph(pos1, batch1, 6, perm_valid)  # KnnEdges level-0 edges
    x1 = x1[perm]
    # up path (depth = 1): interpolate back to level-0, conv on original edges
    xu = knn_interpolate(x1, pos1, pos, batch1, batch, 6, perm_valid)
    xu = jax.nn.relu(gcn_conv(xu, src0, dst0, n0, W_up, b_up))
    out = xu @ W_lin + b_lin
    return out

if __name__ == "__main__":
    import jax
    _d = setup_inputs()
    print(jax.jit(kernel)(*tuple(_d.values())))

</pallas_src>

<mosaic_0001>
#map = affine_map<(d0, d1) -> (0)>
module attributes {stable_mosaic.version = 14 : i64} {
  func.func @_scan_sc(%arg0: i32, %arg1: i32, %arg2: memref<10240xf32, #tpu.memory_space<hbm>>, %arg3: memref<10240xf32, #tpu.memory_space<hbm>>, %arg4: memref<640xf32, #tpu.memory_space<hbm>>, %arg5: memref<1024xf32, #tpu.memory_space<hbm>>, %arg6: memref<2048xf32, #tpu.memory_space<vmem_shared>>, %arg7: memref<640xf32, #tpu.memory_space<vmem>>, %arg8: memref<640xf32, #tpu.memory_space<vmem>>, %arg9: memref<128xi32, #tpu.memory_space<vmem>>, %arg10: memref<128xf32, #tpu.memory_space<vmem>>) attributes {dimension_semantics = [#tpu.dimension_semantics<core_parallel>, #tpu.dimension_semantics<subcore_parallel>], iteration_bounds = array<i64: 2, 16>, scalar_prefetch = 0 : i64, scratch_operands = 5 : i64, tpu.core_type = #tpu.core_type<sc_vector_subcore>, window_params = [{transform_indices = #map}, {transform_indices = #map}, {transform_indices = #map}, {transform_indices = #map}]} {
    %eq3A = arith.constant 0 : i32
    %eq3A_0 = arith.cmpi eq, %arg0, %eq3A : i32
    %convert_element_type3A = arith.extui %eq3A_0 : i1 to i32
    %cond3A = arith.constant 0 : i32
    %cond3A_1 = arith.cmpi ne, %convert_element_type3A, %cond3A : i32
    scf.if %cond3A_1 {
      %mul3A = arith.constant 128 : i32
      %mul3A_2 = arith.muli %arg1, %mul3A : i32
      "tpu.region"() ({
        %run_scoped3A = tpu.sem_alloc : memref<!tpu.dma_semaphore, #tpu.memory_space<semaphore_mem>>
        %dma_start3A = tpu.memref_slice %arg6[%mul3A_2] : memref<2048xf32, #tpu.memory_space<vmem_shared>> -> memref<128xf32, #tpu.memory_space<vmem_shared>>
        %dma_start3A_17 = arith.constant 0 : i32
        %dma_start3A_18 = tpu.memref_slice %arg4[%dma_start3A_17] : memref<640xf32, #tpu.memory_space<hbm>> -> memref<128xf32, #tpu.memory_space<hbm>>
        tpu.enqueue_dma source(%dma_start3A_18 : memref<128xf32, #tpu.memory_space<hbm>>) target(%dma_start3A : memref<128xf32, #tpu.memory_space<vmem_shared>>) target_semaphore(%run_scoped3A : memref<!tpu.dma_semaphore, #tpu.memory_space<semaphore_mem>>)
        %dma_wait3A = tpu.memref_slice %arg6[%mul3A_2] : memref<2048xf32, #tpu.memory_space<vmem_shared>> -> memref<128xf32, #tpu.memory_space<vmem_shared>>
        %dma_wait3A_19 = arith.constant 0 : i32
        %dma_wait3A_20 = tpu.memref_slice %arg4[%dma_wait3A_19] : memref<640xf32, #tpu.memory_space<hbm>> -> memref<128xf32, #tpu.memory_space<hbm>>
        tpu.wait_dma2 semaphore(%run_scoped3A : memref<!tpu.dma_semaphore, #tpu.memory_space<semaphore_mem>>) src(%dma_wait3A_20 : memref<128xf32, #tpu.memory_space<hbm>>) dst(%dma_wait3A : memref<128xf32, #tpu.memory_space<vmem_shared>>)
        tpu.yield
      }) : () -> ()
      %mul3A_3 = arith.constant 640 : i32
      %mul3A_4 = arith.muli %arg1, %mul3A_3 : i32
      "tpu.region"() ({
        %run_scoped3A = tpu.sem_alloc : memref<!tpu.dma_semaphore, #tpu.memory_space<semaphore_mem>>
        %dma_start3A = tpu.memref_slice %arg2[%mul3A_4] : memref<10240xf32, #tpu.memory_space<hbm>> -> memref<640xf32, #tpu.memory_space<hbm>>
        %dma_start3A_17 = tpu.memref_slice %arg2[%mul3A_4] : memref<10240xf32, #tpu.memory_space<hbm>> -> memref<640xf32, #tpu.memory_space<hbm>>
        tpu.enqueue_dma source(%dma_start3A_17 : memref<640xf32, #tpu.memory_space<hbm>>) target(%arg7 : memref<640xf32, #tpu.memory_space<vmem>>) target_semaphore(%run_scoped3A : memref<!tpu.dma_semaphore, #tpu.memory_space<semaphore_mem>>)
        %dma_wait3A = tpu.memref_slice %arg2[%mul3A_4] : memref<10240xf32, #tpu.memory_space<hbm>> -> memref<640xf32, #tpu.memory_space<hbm>>
        %dma_wait3A_18 = tpu.memref_slice %arg2[%mul3A_4] : memref<10240xf32, #tpu.memory_space<hbm>> -> memref<640xf32, #tpu.memory_space<hbm>>
        tpu.wait_dma2 semaphore(%run_scoped3A : memref<!tpu.dma_semaphore, #tpu.memory_space<semaphore_mem>>) src(%dma_wait3A_18 : memref<640xf32, #tpu.memory_space<hbm>>) dst(%arg7 : memref<640xf32, #tpu.memory_space<vmem>>)
        tpu.yield
      }) : () -> ()
      %mul3A_5 = arith.constant 640 : i32
      %mul3A_6 = arith.muli %arg1, %mul3A_5 : i32
      "tpu.region"() ({
        %run_scoped3A = tpu.sem_alloc : memref<!tpu.dma_semaphore, #tpu.memory_space<semaphore_mem>>
        %dma_start3A = tpu.memref_slice %arg3[%mul3A_6] : memref<10240xf32, #tpu.memory_space<hbm>> -> memref<640xf32, #tpu.memory_space<hbm>>
        %dma_start3A_17 = tpu.memref_slice %arg3[%mul3A_6] : memref<10240xf32, #tpu.memory_space<hbm>> -> memref<640xf32, #tpu.memory_space<hbm>>
        tpu.enqueue_dma source(%dma_start3A_17 : memref<640xf32, #tpu.memory_space<hbm>>) target(%arg8 : memref<640xf32, #tpu.memory_space<vmem>>) target_semaphore(%run_scoped3A : memref<!tpu.dma_semaphore, #tpu.memory_space<semaphore_mem>>)
        %dma_wait3A = tpu.memref_slice %arg3[%mul3A_6] : memref<10240xf32, #tpu.memory_space<hbm>> -> memref<640xf32, #tpu.memory_space<hbm>>
        %dma_wait3A_18 = tpu.memref_slice %arg3[%mul3A_6] : memref<10240xf32, #tpu.memory_space<hbm>> -> memref<640xf32, #tpu.memory_space<hbm>>
        tpu.wait_dma2 semaphore(%run_scoped3A : memref<!tpu.dma_semaphore, #tpu.memory_space<semaphore_mem>>) src(%dma_wait3A_18 : memref<640xf32, #tpu.memory_space<hbm>>) dst(%arg8 : memref<640xf32, #tpu.memory_space<vmem>>)
        tpu.yield
      }) : () -> ()
      %barrier3A = arith.constant 0 : index
      tpu.barrier barrier_id(%barrier3A)
      %scan3A = arith.constant 0 : i32
      %scan3A_7 = arith.constant 0 : i32
      %scan3A_8 = arith.constant 5 : i32
      %scan3A_9 = arith.addi %scan3A_7, %scan3A_8 : i32
      %scan3A_10 = arith.constant 1 : i32
      scf.for %scan3A_17 = %scan3A_7 to %scan3A_9 step %scan3A_10  : i32 {
        %mul3A_18 = arith.constant 128 : i32
        %mul3A_19 = arith.muli %scan3A_17, %mul3A_18 : i32
        %add3A = arith.constant 0 : i32
        %add3A_20 = arith.addi %mul3A_19, %add3A : i32
        %get3A = arith.index_cast %add3A_20 : i32 to index
        %get3A_21 = tpu.vector_load %arg7[%get3A] {strides = array<i32>} : memref<640xf32, #tpu.memory_space<vmem>>, vector<16xf32>,
        %get3A_22 = vector.shape_cast %get3A_21 : vector<16xf32> to vector<16xf32>
        %get3A_23 = arith.index_cast %add3A_20 : i32 to index
        %get3A_24 = tpu.vector_load %arg8[%get3A_23] {strides = array<i32>} : memref<640xf32, #tpu.memory_space<vmem>>, vector<16xf32>,
        %get3A_25 = vector.shape_cast %get3A_24 : vector<16xf32> to vector<16xf32>
        %convert_element_type3A_26 = arith.fptosi %get3A_25 : vector<16xf32> to vector<16xi32>
        %iota3A = tpu.iota {dimensions = array<i32: 0>} : vector<16xi32>
        %mul3A_27 = arith.constant 640 : i32
        %mul3A_28 = arith.muli %arg1, %mul3A_27 : i32
        %add3A_29 = arith.addi %mul3A_28, %add3A_20 : i32
        %add3A_30 = vector.broadcast %add3A_29 : i32 to vector<16xi32>
        %add3A_31 = arith.addi %iota3A, %add3A_30 : vector<16xi32>
        %and3A = arith.constant 1023 : i32
        %and3A_32 = vector.broadcast %and3A : i32 to vector<16xi32>
        %and3A_33 = arith.andi %add3A_31, %and3A_32 : vector<16xi32>
        %add3A_34 = arith.constant 1024 : i32
        %add3A_35 = vector.broadcast %add3A_34 : i32 to vector<16xi32>
        %add3A_36 = arith.addi %add3A_35, %and3A_33 : vector<16xi32>
        %gt3A = arith.constant 5.000000e-01 : f32
        %gt3A_37 = vector.broadcast %gt3A : f32 to vector<16xf32>
        %gt3A_38 = arith.cmpf ogt, %get3A_22, %gt3A_37 : vector<16xf32>
        %select_n3A = arith.select %gt3A_38, %convert_element_type3A_26, %add3A_36 : vector<16xi1>, vector<16xi32>
        %swap3A = arith.constant 0 : index
        %swap3A_39 = tpu.vector_load %arg9[%swap3A] {strides = array<i32>} : memref<128xi32, #tpu.memory_space<vmem>>, vector<16xi32>,
        %swap3A_40 = vector.shape_cast %swap3A_39 : vector<16xi32> to vector<16xi32>
        %swap3A_41 = vector.shape_cast %select_n3A : vector<16xi32> to vector<16xi32>
        tpu.vector_store %arg9[%swap3A], %swap3A_41 {strides = array<i32>} : memref<128xi32, #tpu.memory_space<vmem>>, vector<16xi32>,
        %convert_element_type3A_42 = arith.sitofp %add3A_31 : vector<16xi32> to vector<16xf32>
        %swap3A_43 = arith.constant 0 : index
        %swap3A_44 = tpu.vector_load %arg10[%swap3A_43] {strides = array<i32>} : memref<128xf32, #tpu.memory_space<vmem>>, vector<16xf32>,
        %swap3A_45 = vector.shape_cast %swap3A_44 : vector<16xf32> to vector<16xf32>
        %swap3A_46 = vector.shape_cast %convert_element_type3A_42 : vector<16xf32> to vector<16xf32>
        tpu.vector_store %arg10[%swap3A_43], %swap3A_46 {strides = array<i32>} : memref<128xf32, #tpu.memory_space<vmem>>, vector<16xf32>,
        %mul3A_47 = arith.constant 128 : i32
        %mul3A_48 = arith.muli %scan3A_17, %mul3A_47 : i32
        %add3A_49 = arith.constant 16 : i32
        %add3A_50 = arith.addi %mul3A_48, %add3A_49 : i32
        %get3A_51 = arith.index_cast %add3A_50 : i32 to index
        %get3A_52 = tpu.vector_load %arg7[%get3A_51] {strides = array<i32>} : memref<640xf32, #tpu.memory_space<vmem>>, vector<16xf32>,
        %get3A_53 = vector.shape_cast %get3A_52 : vector<16xf32> to vector<16xf32>
        %get3A_54 = arith.index_cast %add3A_50 : i32 to index
        %get3A_55 = tpu.vector_load %arg8[%get3A_54] {strides = array<i32>} : memref<640xf32, #tpu.memory_space<vmem>>, vector<16xf32>,
        %get3A_56 = vector.shape_cast %get3A_55 : vector<16xf32> to vector<16xf32>
        %convert_element_type3A_57 = arith.fptosi %get3A_56 : vector<16xf32> to vector<16xi32>
        %iota3A_58 = tpu.iota {dimensions = array<i32: 0>} : vector<16xi32>
        %mul3A_59 = arith.constant 640 : i32
        %mul3A_60 = arith.muli %arg1, %mul3A_59 : i32
        %add3A_61 = arith.addi %mul3A_60, %add3A_50 : i32
        %add3A_62 = vector.broadcast %add3A_61 : i32 to vector<16xi32>
        %add3A_63 = arith.addi %iota3A_58, %add3A_62 : vector<16xi32>
        %and3A_64 = arith.constant 1023 : i32
        %and3A_65 = vector.broadcast %and3A_64 : i32 to vector<16xi32>
        %and3A_66 = arith.andi %add3A_63, %and3A_65 : vector<16xi32>
        %add3A_67 = arith.constant 1024 : i32
        %add3A_68 = vector.broadcast %add3A_67 : i32 to vector<16xi32>
        %add3A_69 = arith.addi %add3A_68, %and3A_66 : vector<16xi32>
        %gt3A_70 = arith.constant 5.000000e-01 : f32
        %gt3A_71 = vector.broadcast %gt3A_70 : f32 to vector<16xf32>
        %gt3A_72 = arith.cmpf ogt, %get3A_53, %gt3A_71 : vector<16xf32>
        %select_n3A_73 = arith.select %gt3A_72, %convert_element_type3A_57, %add3A_69 : vector<16xi1>, vector<16xi32>
        %swap3A_74 = arith.constant 16 : index
        %swap3A_75 = tpu.vector_load %arg9[%swap3A_74] {strides = array<i32>} : memref<128xi32, #tpu.memory_space<vmem>>, vector<16xi32>,
        %swap3A_76 = vector.shape_cast %swap3A_75 : vector<16xi32> to vector<16xi32>
        %swap3A_77 = vector.shape_cast %select_n3A_73 : vector<16xi32> to vector<16xi32>
        tpu.vector_store %arg9[%swap3A_74], %swap3A_77 {strides = array<i32>} : memref<128xi32, #tpu.memory_space<vmem>>, vector<16xi32>,
        %convert_element_type3A_78 = arith.sitofp %add3A_63 : vector<16xi32> to vector<16xf32>
        %swap3A_79 = arith.constant 16 : index
        %swap3A_80 = tpu.vector_load %arg10[%swap3A_79] {strides = array<i32>} : memref<128xf32, #tpu.memory_space<vmem>>, vector<16xf32>,
        %swap3A_81 = vector.shape_cast %swap3A_80 : vector<16xf32> to vector<16xf32>
        %swap3A_82 = vector.shape_cast %convert_element_type3A_78 : vector<16xf32> to vector<16xf32>
        tpu.vector_store %arg10[%swap3A_79], %swap3A_82 {strides = array<i32>} : memref<128xf32, #tpu.memory_space<vmem>>, vector<16xf32>,
        %mul3A_83 = arith.constant 128 : i32
        %mul3A_84 = arith.muli %scan3A_17, %mul3A_83 : i32
        %add3A_85 = arith.constant 32 : i32
        %add3A_86 = arith.addi %mul3A_84, %add3A_85 : i32
        %get3A_87 = arith.index_cast %add3A_86 : i32 to index
        %get3A_88 = tpu.vector_load %arg7[%get3A_87] {strides = array<i32>} : memref<640xf32, #tpu.memory_space<vmem>>, vector<16xf32>,
        %get3A_89 = vector.shape_cast %get3A_88 : vector<16xf32> to vector<16xf32>
        %get3A_90 = arith.index_cast %add3A_86 : i32 to index
        %get3A_91 = tpu.vector_load %arg8[%get3A_90] {strides = array<i32>} : memref<640xf32, #tpu.memory_space<vmem>>, vector<16xf32>,
        %get3A_92 = vector.shape_cast %get3A_91 : vector<16xf32> to vector<16xf32>
        %convert_element_type3A_93 = arith.fptosi %get3A_92 : vector<16xf32> to vector<16xi32>
        %iota3A_94 = tpu.iota {dimensions = array<i32: 0>} : vector<16xi32>
        %mul3A_95 = arith.constant 640 : i32
        %mul3A_96 = arith.muli %arg1, %mul3A_95 : i32
        %add3A_97 = arith.addi %mul3A_96, %add3A_86 : i32
        %add3A_98 = vector.broadcast %add3A_97 : i32 to vector<16xi32>
        %add3A_99 = arith.addi %iota3A_94, %add3A_98 : vector<16xi32>
        %and3A_100 = arith.constant 1023 : i32
        %and3A_101 = vector.broadcast %and3A_100 : i32 to vector<16xi32>
        %and3A_102 = arith.andi %add3A_99, %and3A_101 : vector<16xi32>
        %add3A_103 = arith.constant 1024 : i32
        %add3A_104 = vector.broadcast %add3A_103 : i32 to vector<16xi32>
        %add3A_105 = arith.addi %add3A_104, %and3A_102 : vector<16xi32>
        %gt3A_106 = arith.constant 5.000000e-01 : f32
        %gt3A_107 = vector.broadcast %gt3A_106 : f32 to vector<16xf32>
        %gt3A_108 = arith.cmpf ogt, %get3A_89, %gt3A_107 : vector<16xf32>
        %select_n3A_109 = arith.select %gt3A_108, %convert_element_type3A_93, %add3A_105 : vector<16xi1>, vector<16xi32>
        %swap3A_110 = arith.constant 32 : index
        %swap3A_111 = tpu.vector_load %arg9[%swap3A_110] {strides = array<i32>} : memref<128xi32, #tpu.memory_space<vmem>>, vector<16xi32>,
        %swap3A_112 = vector.shape_cast %swap3A_111 : vector<16xi32> to vector<16xi32>
        %swap3A_113 = vector.shape_cast %select_n3A_109 : vector<16xi32> to vector<16xi32>
        tpu.vector_store %arg9[%swap3A_110], %swap3A_113 {strides = array<i32>} : memref<128xi32, #tpu.memory_space<vmem>>, vector<16xi32>,
        %convert_element_type3A_114 = arith.sitofp %add3A_99 : vector<16xi32> to vector<16xf32>
        %swap3A_115 = arith.constant 32 : index
        %swap3A_116 = tpu.vector_load %arg10[%swap3A_115] {strides = array<i32>} : memref<128xf32, #tpu.memory_space<vmem>>, vector<16xf32>,
        %swap3A_117 = vector.shape_cast %swap3A_116 : vector<16xf32> to vector<16xf32>
        %swap3A_118 = vector.shape_cast %convert_element_type3A_114 : vector<16xf32> to vector<16xf32>
        tpu.vector_store %arg10[%swap3A_115], %swap3A_118 {strides = array<i32>} : memref<128xf32, #tpu.memory_space<vmem>>, vector<16xf32>,
        %mul3A_119 = arith.constant 128 : i32
        %mul3A_120 = arith.muli %scan3A_17, %mul3A_119 : i32
        %add3A_121 = arith.constant 48 : i32
        %add3A_122 = arith.addi %mul3A_120, %add3A_121 : i32
        %get3A_123 = arith.index_cast %add3A_122 : i32 to index
        %get3A_124 = tpu.vector_load %arg7[%get3A_123] {strides = array<i32>} : memref<640xf32, #tpu.memory_space<vmem>>, vector<16xf32>,
        %get3A_125 = vector.shape_cast %get3A_124 : vector<16xf32> to vector<16xf32>
        %get3A_126 = arith.index_cast %add3A_122 : i32 to index
        %get3A_127 = tpu.vector_load %arg8[%get3A_126] {strides = array<i32>} : memref<640xf32, #tpu.memory_space<vmem>>, vector<16xf32>,
        %get3A_128 = vector.shape_cast %get3A_127 : vector<16xf32> to vector<16xf32>
        %convert_element_type3A_129 = arith.fptosi %get3A_128 : vector<16xf32> to vector<16xi32>
        %iota3A_130 = tpu.iota {dimensions = array<i32: 0>} : vector<16xi32>
        %mul3A_131 = arith.constant 640 : i32
        %mul3A_132 = arith.muli %arg1, %mul3A_131 : i32
        %add3A_133 = arith.addi %mul3A_132, %add3A_122 : i32
        %add3A_134 = vector.broadcast %add3A_133 : i32 to vector<16xi32>
        %add3A_135 = arith.addi %iota3A_130, %add3A_134 : vector<16xi32>
        %and3A_136 = arith.constant 1023 : i32
        %and3A_137 = vector.broadcast %and3A_136 : i32 to vector<16xi32>
        %and3A_138 = arith.andi %add3A_135, %and3A_137 : vector<16xi32>
        %add3A_139 = arith.constant 1024 : i32
        %add3A_140 = vector.broadcast %add3A_139 : i32 to vector<16xi32>
        %add3A_141 = arith.addi %add3A_140, %and3A_138 : vector<16xi32>
        %gt3A_142 = arith.constant 5.000000e-01 : f32
        %gt3A_143 = vector.broadcast %gt3A_142 : f32 to vector<16xf32>
        %gt3A_144 = arith.cmpf ogt, %get3A_125, %gt3A_143 : vector<16xf32>
        %select_n3A_145 = arith.select %gt3A_144, %convert_element_type3A_129, %add3A_141 : vector<16xi1>, vector<16xi32>
        %swap3A_146 = arith.constant 48 : index
        %swap3A_147 = tpu.vector_load %arg9[%swap3A_146] {strides = array<i32>} : memref<128xi32, #tpu.memory_space<vmem>>, vector<16xi32>,
        %swap3A_148 = vector.shape_cast %swap3A_147 : vector<16xi32> to vector<16xi32>
        %swap3A_149 = vector.shape_cast %select_n3A_145 : vector<16xi32> to vector<16xi32>
        tpu.vector_store %arg9[%swap3A_146], %swap3A_149 {strides = array<i32>} : memref<128xi32, #tpu.memory_space<vmem>>, vector<16xi32>,
        %convert_element_type3A_150 = arith.sitofp %add3A_135 : vector<16xi32> to vector<16xf32>
        %swap3A_151 = arith.constant 48 : index
        %swap3A_152 = tpu.vector_load %arg10[%swap3A_151] {strides = array<i32>} : memref<128xf32, #tpu.memory_space<vmem>>, vector<16xf32>,
        %swap3A_153 = vector.shape_cast %swap3A_152 : vector<16xf32> to vector<16xf32>
        %swap3A_154 = vector.shape_cast %convert_element_type3A_150 : vector<16xf32> to vector<16xf32>
        tpu.vector_store %arg10[%swap3A_151], %swap3A_154 {strides = array<i32>} : memref<128xf32, #tpu.memory_space<vmem>>, vector<16xf32>,
        %mul3A_155 = arith.constant 128 : i32
        %mul3A_156 = arith.muli %scan3A_17, %mul3A_155 : i32
        %add3A_157 = arith.constant 64 : i32
        %add3A_158 = arith.addi %mul3A_156, %add3A_157 : i32
        %get3A_159 = arith.index_cast %add3A_158 : i32 to index
        %get3A_160 = tpu.vector_load %arg7[%get3A_159] {strides = array<i32>} : memref<640xf32, #tpu.memory_space<vmem>>, vector<16xf32>,
        %get3A_161 = vector.shape_cast %get3A_160 : vector<16xf32> to vector<16xf32>
        %get3A_162 = arith.index_cast %add3A_158 : i32 to index
        %get3A_163 = tpu.vector_load %arg8[%get3A_162] {strides = array<i32>} : memref<640xf32, #tpu.memory_space<vmem>>, vector<16xf32>,
        %get3A_164 = vector.shape_cast %get3A_163 : vector<16xf32> to vector<16xf32>
        %convert_element_type3A_165 = arith.fptosi %get3A_164 : vector<16xf32> to vector<16xi32>
        %iota3A_166 = tpu.iota {dimensions = array<i32: 0>} : vector<16xi32>
        %mul3A_167 = arith.constant 640 : i32
        %mul3A_168 = arith.muli %arg1, %mul3A_167 : i32
        %add3A_169 = arith.addi %mul3A_168, %add3A_158 : i32
        %add3A_170 = vector.broadcast %add3A_169 : i32 to vector<16xi32>
        %add3A_171 = arith.addi %iota3A_166, %add3A_170 : vector<16xi32>
        %and3A_172 = arith.constant 1023 : i32
        %and3A_173 = vector.broadcast %and3A_172 : i32 to vector<16xi32>
        %and3A_174 = arith.andi %add3A_171, %and3A_173 : vector<16xi32>
        %add3A_175 = arith.constant 1024 : i32
        %add3A_176 = vector.broadcast %add3A_175 : i32 to vector<16xi32>
        %add3A_177 = arith.addi %add3A_176, %and3A_174 : vector<16xi32>
        %gt3A_178 = arith.constant 5.000000e-01 : f32
        %gt3A_179 = vector.broadcast %gt3A_178 : f32 to vector<16xf32>
        %gt3A_180 = arith.cmpf ogt, %get3A_161, %gt3A_179 : vector<16xf32>
        %select_n3A_181 = arith.select %gt3A_180, %convert_element_type3A_165, %add3A_177 : vector<16xi1>, vector<16xi32>
        %swap3A_182 = arith.constant 64 : index
        %swap3A_183 = tpu.vector_load %arg9[%swap3A_182] {strides = array<i32>} : memref<128xi32, #tpu.memory_space<vmem>>, vector<16xi32>,
        %swap3A_184 = vector.shape_cast %swap3A_183 : vector<16xi32> to vector<16xi32>
        %swap3A_185 = vector.shape_cast %select_n3A_181 : vector<16xi32> to vector<16xi32>
        tpu.vector_store %arg9[%swap3A_182], %swap3A_185 {strides = array<i32>} : memref<128xi32, #tpu.memory_space<vmem>>, vector<16xi32>,
        %convert_element_type3A_186 = arith.sitofp %add3A_171 : vector<16xi32> to vector<16xf32>
        %swap3A_187 = arith.constant 64 : index
        %swap3A_188 = tpu.vector_load %arg10[%swap3A_187] {strides = array<i32>} : memref<128xf32, #tpu.memory_space<vmem>>, vector<16xf32>,
        %swap3A_189 = vector.shape_cast %swap3A_188 : vector<16xf32> to vector<16xf32>
        %swap3A_190 = vector.shape_cast %convert_element_type3A_186 : vector<16xf32> to vector<16xf32>
        tpu.vector_store %arg10[%swap3A_187], %swap3A_190 {strides = array<i32>} : memref<128xf32, #tpu.memory_space<vmem>>, vector<16xf32>,
        %mul3A_191 = arith.constant 128 : i32
        %mul3A_192 = arith.muli %scan3A_17, %mul3A_191 : i32
        %add3A_193 = arith.constant 80 : i32
        %add3A_194 = arith.addi %mul3A_192, %add3A_193 : i32
        %get3A_195 = arith.index_cast %add3A_194 : i32 to index
        %get3A_196 = tpu.vector_load %arg7[%get3A_195] {strides = array<i32>} : memref<640xf32, #tpu.memory_space<vmem>>, vector<16xf32>,
        %get3A_197 = vector.shape_cast %get3A_196 : vector<16xf32> to vector<16xf32>
        %get3A_198 = arith.index_cast %add3A_194 : i32 to index
        %get3A_199 = tpu.vector_load %arg8[%get3A_198] {strides = array<i32>} : memref<640xf32, #tpu.memory_space<vmem>>, vector<16xf32>,
        %get3A_200 = vector.shape_cast %get3A_199 : vector<16xf32> to vector<16xf32>
        %convert_element_type3A_201 = arith.fptosi %get3A_200 : vector<16xf32> to vector<16xi32>
        %iota3A_202 = tpu.iota {dimensions = array<i32: 0>} : vector<16xi32>
        %mul3A_203 = arith.constant 640 : i32
        %mul3A_204 = arith.muli %arg1, %mul3A_203 : i32
        %add3A_205 = arith.addi %mul3A_204, %add3A_194 : i32
        %add3A_206 = vector.broadcast %add3A_205 : i32 to vector<16xi32>
        %add3A_207 = arith.addi %iota3A_202, %add3A_206 : vector<16xi32>
        %and3A_208 = arith.constant 1023 : i32
        %and3A_209 = vector.broadcast %and3A_208 : i32 to vector<16xi32>
        %and3A_210 = arith.andi %add3A_207, %and3A_209 : vector<16xi32>
        %add3A_211 = arith.constant 1024 : i32
        %add3A_212 = vector.broadcast %add3A_211 : i32 to vector<16xi32>
        %add3A_213 = arith.addi %add3A_212, %and3A_210 : vector<16xi32>
        %gt3A_214 = arith.constant 5.000000e-01 : f32
        %gt3A_215 = vector.broadcast %gt3A_214 : f32 to vector<16xf32>
        %gt3A_216 = arith.cmpf ogt, %get3A_197, %gt3A_215 : vector<16xf32>
        %select_n3A_217 = arith.select %gt3A_216, %convert_element_type3A_201, %add3A_213 : vector<16xi1>, vector<16xi32>
        %swap3A_218 = arith.constant 80 : index
        %swap3A_219 = tpu.vector_load %arg9[%swap3A_218] {strides = array<i32>} : memref<128xi32, #tpu.memory_space<vmem>>, vector<16xi32>,
        %swap3A_220 = vector.shape_cast %swap3A_219 : vector<16xi32> to vector<16xi32>
        %swap3A_221 = vector.shape_cast %select_n3A_217 : vector<16xi32> to vector<16xi32>
        tpu.vector_store %arg9[%swap3A_218], %swap3A_221 {strides = array<i32>} : memref<128xi32, #tpu.memory_space<vmem>>, vector<16xi32>,
        %convert_element_type3A_222 = arith.sitofp %add3A_207 : vector<16xi32> to vector<16xf32>
        %swap3A_223 = arith.constant 80 : index
        %swap3A_224 = tpu.vector_load %arg10[%swap3A_223] {strides = array<i32>} : memref<128xf32, #tpu.memory_space<vmem>>, vector<16xf32>,
        %swap3A_225 = vector.shape_cast %swap3A_224 : vector<16xf32> to vector<16xf32>
        %swap3A_226 = vector.shape_cast %convert_element_type3A_222 : vector<16xf32> to vector<16xf32>
        tpu.vector_store %arg10[%swap3A_223], %swap3A_226 {strides = array<i32>} : memref<128xf32, #tpu.memory_space<vmem>>, vector<16xf32>,
        %mul3A_227 = arith.constant 128 : i32
        %mul3A_228 = arith.muli %scan3A_17, %mul3A_227 : i32
        %add3A_229 = arith.constant 96 : i32
        %add3A_230 = arith.addi %mul3A_228, %add3A_229 : i32
        %get3A_231 = arith.index_cast %add3A_230 : i32 to index
        %get3A_232 = tpu.vector_load %arg7[%get3A_231] {strides = array<i32>} : memref<640xf32, #tpu.memory_space<vmem>>, vector<16xf32>,
        %get3A_233 = vector.shape_cast %get3A_232 : vector<16xf32> to vector<16xf32>
        %get3A_234 = arith.index_cast %add3A_230 : i32 to index
        %get3A_235 = tpu.vector_load %arg8[%get3A_234] {strides = array<i32>} : memref<640xf32, #tpu.memory_space<vmem>>, vector<16xf32>,
        %get3A_236 = vector.shape_cast %get3A_235 : vector<16xf32> to vector<16xf32>
        %convert_element_type3A_237 = arith.fptosi %get3A_236 : vector<16xf32> to vector<16xi32>
        %iota3A_238 = tpu.iota {dimensions = array<i32: 0>} : vector<16xi32>
        %mul3A_239 = arith.constant 640 : i32
        %mul3A_240 = arith.muli %arg1, %mul3A_239 : i32
        %add3A_241 = arith.addi %mul3A_240, %add3A_230 : i32
        %add3A_242 = vector.broadcast %add3A_241 : i32 to vector<16xi32>
        %add3A_243 = arith.addi %iota3A_238, %add3A_242 : vector<16xi32>
        %and3A_244 = arith.constant 1023 : i32
        %and3A_245 = vector.broadcast %and3A_244 : i32 to vector<16xi32>
        %and3A_246 = arith.andi %add3A_243, %and3A_245 : vector<16xi32>
        %add3A_247 = arith.constant 1024 : i32
        %add3A_248 = vector.broadcast %add3A_247 : i32 to vector<16xi32>
        %add3A_249 = arith.addi %add3A_248, %and3A_246 : vector<16xi32>
        %gt3A_250 = arith.constant 5.000000e-01 : f32
        %gt3A_251 = vector.broadcast %gt3A_250 : f32 to vector<16xf32>
        %gt3A_252 = arith.cmpf ogt, %get3A_233, %gt3A_251 : vector<16xf32>
        %select_n3A_253 = arith.select %gt3A_252, %convert_element_type3A_237, %add3A_249 : vector<16xi1>, vector<16xi32>
        %swap3A_254 = arith.constant 96 : index
        %swap3A_255 = tpu.vector_load %arg9[%swap3A_254] {strides = array<i32>} : memref<128xi32, #tpu.memory_space<vmem>>, vector<16xi32>,
        %swap3A_256 = vector.shape_cast %swap3A_255 : vector<16xi32> to vector<16xi32>
        %swap3A_257 = vector.shape_cast %select_n3A_253 : vector<16xi32> to vector<16xi32>
        tpu.vector_store %arg9[%swap3A_254], %swap3A_257 {strides = array<i32>} : memref<128xi32, #tpu.memory_space<vmem>>, vector<16xi32>,
        %convert_element_type3A_258 = arith.sitofp %add3A_243 : vector<16xi32> to vector<16xf32>
        %swap3A_259 = arith.constant 96 : index
        %swap3A_260 = tpu.vector_load %arg10[%swap3A_259] {strides = array<i32>} : memref<128xf32, #tpu.memory_space<vmem>>, vector<16xf32>,
        %swap3A_261 = vector.shape_cast %swap3A_260 : vector<16xf32> to vector<16xf32>
        %swap3A_262 = vector.shape_cast %convert_element_type3A_258 : vector<16xf32> to vector<16xf32>
        tpu.vector_store %arg10[%swap3A_259], %swap3A_262 {strides = array<i32>} : memref<128xf32, #tpu.memory_space<vmem>>, vector<16xf32>,
        %mul3A_263 = arith.constant 128 : i32
        %mul3A_264 = arith.muli %scan3A_17, %mul3A_263 : i32
        %add3A_265 = arith.constant 112 : i32
        %add3A_266 = arith.addi %mul3A_264, %add3A_265 : i32
        %get3A_267 = arith.index_cast %add3A_266 : i32 to index
        %get3A_268 = tpu.vector_load %arg7[%get3A_267] {strides = array<i32>} : memref<640xf32, #tpu.memory_space<vmem>>, vector<16xf32>,
        %get3A_269 = vector.shape_cast %get3A_268 : vector<16xf32> to vector<16xf32>
        %get3A_270 = arith.index_cast %add3A_266 : i32 to index
        %get3A_271 = tpu.vector_load %arg8[%get3A_270] {strides = array<i32>} : memref<640xf32, #tpu.memory_space<vmem>>, vector<16xf32>,
        %get3A_272 = vector.shape_cast %get3A_271 : vector<16xf32> to vector<16xf32>
        %convert_element_type3A_273 = arith.fptosi %get3A_272 : vector<16xf32> to vector<16xi32>
        %iota3A_274 = tpu.iota {dimensions = array<i32: 0>} : vector<16xi32>
        %mul3A_275 = arith.constant 640 : i32
        %mul3A_276 = arith.muli %arg1, %mul3A_275 : i32
        %add3A_277 = arith.addi %mul3A_276, %add3A_266 : i32
        %add3A_278 = vector.broadcast %add3A_277 : i32 to vector<16xi32>
        %add3A_279 = arith.addi %iota3A_274, %add3A_278 : vector<16xi32>
        %and3A_280 = arith.constant 1023 : i32
        %and3A_281 = vector.broadcast %and3A_280 : i32 to vector<16xi32>
        %and3A_282 = arith.andi %add3A_279, %and3A_281 : vector<16xi32>
        %add3A_283 = arith.constant 1024 : i32
        %add3A_284 = vector.broadcast %add3A_283 : i32 to vector<16xi32>
        %add3A_285 = arith.addi %add3A_284, %and3A_282 : vector<16xi32>
        %gt3A_286 = arith.constant 5.000000e-01 : f32
        %gt3A_287 = vector.broadcast %gt3A_286 : f32 to vector<16xf32>
        %gt3A_288 = arith.cmpf ogt, %get3A_269, %gt3A_287 : vector<16xf32>
        %select_n3A_289 = arith.select %gt3A_288, %convert_element_type3A_273, %add3A_285 : vector<16xi1>, vector<16xi32>
        %swap3A_290 = arith.constant 112 : index
        %swap3A_291 = tpu.vector_load %arg9[%swap3A_290] {strides = array<i32>} : memref<128xi32, #tpu.memory_space<vmem>>, vector<16xi32>,
        %swap3A_292 = vector.shape_cast %swap3A_291 : vector<16xi32> to vector<16xi32>
        %swap3A_293 = vector.shape_cast %select_n3A_289 : vector<16xi32> to vector<16xi32>
        tpu.vector_store %arg9[%swap3A_290], %swap3A_293 {strides = array<i32>} : memref<128xi32, #tpu.memory_space<vmem>>, vector<16xi32>,
        %convert_element_type3A_294 = arith.sitofp %add3A_279 : vector<16xi32> to vector<16xf32>
        %swap3A_295 = arith.constant 112 : index
        %swap3A_296 = tpu.vector_load %arg10[%swap3A_295] {strides = array<i32>} : memref<128xf32, #tpu.memory_space<vmem>>, vector<16xf32>,
        %swap3A_297 = vector.shape_cast %swap3A_296 : vector<16xf32> to vector<16xf32>
        %swap3A_298 = vector.shape_cast %convert_element_type3A_294 : vector<16xf32> to vector<16xf32>
        tpu.vector_store %arg10[%swap3A_295], %swap3A_298 {strides = array<i32>} : memref<128xf32, #tpu.memory_space<vmem>>, vector<16xf32>,
        "tpu.region"() ({
          %run_scoped3A = tpu.sem_alloc : memref<!tpu.dma_semaphore, #tpu.memory_space<semaphore_mem>>
          %dma_start3A = arith.constant 0 : i32
          %dma_start3A_299 = tpu.memref_slice %arg6[%dma_start3A] : memref<2048xf32, #tpu.memory_space<vmem_shared>> -> memref<2048xf32, #tpu.memory_space<vmem_shared>>
          tpu.enqueue_indirect_dma source(%arg10 : memref<128xf32, #tpu.memory_space<vmem>>) target(%dma_start3A_299 : memref<2048xf32, #tpu.memory_space<vmem_shared>>) offsets(%arg9 : memref<128xi32, #tpu.memory_space<vmem>>) semaphore(%run_scoped3A : memref<!tpu.dma_semaphore, #tpu.memory_space<semaphore_mem>>) {add = true}
          %dma_wait3A = arith.constant 0 : i32
          %dma_wait3A_300 = tpu.memref_slice %arg6[%dma_wait3A] : memref<2048xf32, #tpu.memory_space<vmem_shared>> -> memref<2048xf32, #tpu.memory_space<vmem_shared>>
          tpu.wait_indirect_dma semaphore(%run_scoped3A : memref<!tpu.dma_semaphore, #tpu.memory_space<semaphore_mem>>) src(%arg10 : memref<128xf32, #tpu.memory_space<vmem>>) dst(%dma_wait3A_300 : memref<2048xf32, #tpu.memory_space<vmem_shared>>)
          tpu.yield
        }) : () -> ()
      }
      %scan3A_11 = arith.constant 5 : i32
      %barrier3A_12 = arith.constant 0 : index
      tpu.barrier barrier_id(%barrier3A_12)
      %lt3A = arith.constant 8 : i32
      %lt3A_13 = arith.cmpi slt, %arg1, %lt3A : i32
      %convert_element_type3A_14 = arith.extui %lt3A_13 : i1 to i32
      %cond3A_15 = arith.constant 0 : i32
      %cond3A_16 = arith.cmpi ne, %convert_element_type3A_14, %cond3A_15 : i32
      scf.if %cond3A_16 {
        %mul3A_17 = arith.constant 128 : i32
        %mul3A_18 = arith.muli %arg1, %mul3A_17 : i32
        %mul3A_19 = arith.constant 128 : i32
        %mul3A_20 = arith.muli %arg1, %mul3A_19 : i32
        "tpu.region"() ({
          %run_scoped3A = tpu.sem_alloc : memref<!tpu.dma_semaphore, #tpu.memory_space<semaphore_mem>>
          %dma_start3A = tpu.memref_slice %arg5[%mul3A_20] : memref<1024xf32, #tpu.memory_space<hbm>> -> memref<128xf32, #tpu.memory_space<hbm>>
          %dma_start3A_21 = tpu.memref_slice %arg6[%mul3A_18] : memref<2048xf32, #tpu.memory_space<vmem_shared>> -> memref<128xf32, #tpu.memory_space<vmem_shared>>
          tpu.enqueue_dma source(%dma_start3A_21 : memref<128xf32, #tpu.memory_space<vmem_shared>>) target(%dma_start3A : memref<128xf32, #tpu.memory_space<hbm>>) target_semaphore(%run_scoped3A : memref<!tpu.dma_semaphore, #tpu.memory_space<semaphore_mem>>)
          %dma_wait3A = tpu.memref_slice %arg5[%mul3A_20] : memref<1024xf32, #tpu.memory_space<hbm>> -> memref<128xf32, #tpu.memory_space<hbm>>
          %dma_wait3A_22 = tpu.memref_slice %arg6[%mul3A_18] : memref<2048xf32, #tpu.memory_space<vmem_shared>> -> memref<128xf32, #tpu.memory_space<vmem_shared>>
          tpu.wait_dma2 semaphore(%run_scoped3A : memref<!tpu.dma_semaphore, #tpu.memory_space<semaphore_mem>>) src(%dma_wait3A_22 : memref<128xf32, #tpu.memory_space<vmem_shared>>) dst(%dma_wait3A : memref<128xf32, #tpu.memory_space<hbm>>)
          tpu.yield
        }) : () -> ()
      } else {
      }
    } else {
    }
    return
  }
}

#map = affine_map<(d0, d1) -> (0)>
module attributes {stable_mosaic.version = 14 : i64} {
  func.func @_stats_sc(%arg0: i32, %arg1: i32, %arg2: memref<161792xi32, #tpu.memory_space<hbm>>, %arg3: memref<161792xi32, #tpu.memory_space<hbm>>, %arg4: memref<640xf32, #tpu.memory_space<hbm>>, %arg5: memref<128xf32, #tpu.memory_space<hbm>>, %arg6: memref<10240xf32, #tpu.memory_space<hbm>>, %arg7: memref<10240xf32, #tpu.memory_space<hbm>>, %arg8: memref<10240xf32, #tpu.memory_space<vmem_shared>>, %arg9: memref<128xf32, #tpu.memory_space<vmem>>, %arg10: memref<10112xi32, #tpu.memory_space<vmem>>, %arg11: memref<10112xi32, #tpu.memory_space<vmem>>, %arg12: memref<128xi32, #tpu.memory_space<vmem>>) attributes {dimension_semantics = [#tpu.dimension_semantics<core_parallel>, #tpu.dimension_semantics<subcore_parallel>], iteration_bounds = array<i64: 2, 16>, scalar_prefetch = 0 : i64, scratch_operands = 5 : i64, tpu.core_type = #tpu.core_type<sc_vector_subcore>, window_params = [{transform_indices = #map}, {transform_indices = #map}, {transform_indices = #map}, {transform_indices = #map}, {transform_indices = #map}, {transform_indices = #map}]} {
    %mul3A = arith.constant 640 : i32
    %mul3A_0 = arith.muli %arg1, %mul3A : i32
    "tpu.region"() ({
      %run_scoped3A = tpu.sem_alloc : memref<!tpu.dma_semaphore, #tpu.memory_space<semaphore_mem>>
      %dma_start3A = tpu.memref_slice %arg8[%mul3A_0] : memref<10240xf32, #tpu.memory_space<vmem_shared>> -> memref<640xf32, #tpu.memory_space<vmem_shared>>
      tpu.enqueue_dma source(%arg4 : memref<640xf32, #tpu.memory_space<hbm>>) target(%dma_start3A : memref<640xf32, #tpu.memory_space<vmem_shared>>) target_semaphore(%run_scoped3A : memref<!tpu.dma_semaphore, #tpu.memory_space<semaphore_mem>>)
      %dma_wait3A = tpu.memref_slice %arg8[%mul3A_0] : memref<10240xf32, #tpu.memory_space<vmem_shared>> -> memref<640xf32, #tpu.memory_space<vmem_shared>>
      tpu.wait_dma2 semaphore(%run_scoped3A : memref<!tpu.dma_semaphore, #tpu.memory_space<semaphore_mem>>) src(%arg4 : memref<640xf32, #tpu.memory_space<hbm>>) dst(%dma_wait3A : memref<640xf32, #tpu.memory_space<vmem_shared>>)
      tpu.yield
    }) : () -> ()
    "tpu.region"() ({
      %run_scoped3A = tpu.sem_alloc : memref<!tpu.dma_semaphore, #tpu.memory_space<semaphore_mem>>
      tpu.enqueue_dma source(%arg5 : memref<128xf32, #tpu.memory_space<hbm>>) target(%arg9 : memref<128xf32, #tpu.memory_space<vmem>>) target_semaphore(%run_scoped3A : memref<!tpu.dma_semaphore, #tpu.memory_space<semaphore_mem>>)
      tpu.wait_dma2 semaphore(%run_scoped3A : memref<!tpu.dma_semaphore, #tpu.memory_space<semaphore_mem>>) src(%arg5 : memref<128xf32, #tpu.memory_space<hbm>>) dst(%arg9 : memref<128xf32, #tpu.memory_space<vmem>>)
      tpu.yield
    }) : () -> ()
    %mul3A_1 = arith.constant 78 : i32
    %mul3A_2 = arith.muli %mul3A_1, %arg1 : i32
    %min3A = arith.constant 2 : i32
    %min3A_3 = arith.minsi %arg1, %min3A : i32
    %add3A = arith.addi %mul3A_2, %min3A_3 : i32
    %lt3A = arith.constant 2 : i32
    %lt3A_4 = arith.cmpi slt, %arg1, %lt3A : i32
    %jit3A = arith.constant 1 : i32
    %jit3A_5 = arith.constant 0 : i32
    %select_n3A = arith.select %lt3A_4, %jit3A, %jit3A_5 : i32
    %add3A_6 = arith.constant 78 : i32
    %add3A_7 = arith.addi %add3A_6, %select_n3A : i32
    %mul3A_8 = arith.constant 128 : i32
    %mul3A_9 = arith.muli %add3A, %mul3A_8 : i32
    "tpu.region"() ({
      %run_scoped3A = tpu.sem_alloc : memref<!tpu.dma_semaphore, #tpu.memory_space<semaphore_mem>>
      %dma_start3A = tpu.memref_slice %arg3[%mul3A_9] : memref<161792xi32, #tpu.memory_space<hbm>> -> memref<10112xi32, #tpu.memory_space<hbm>>
      %dma_start3A_33 = tpu.memref_slice %arg3[%mul3A_9] : memref<161792xi32, #tpu.memory_space<hbm>> -> memref<10112xi32, #tpu.memory_space<hbm>>
      tpu.enqueue_dma source(%dma_start3A_33 : memref<10112xi32, #tpu.memory_space<hbm>>) target(%arg11 : memref<10112xi32, #tpu.memory_space<vmem>>) target_semaphore(%run_scoped3A : memref<!tpu.dma_semaphore, #tpu.memory_space<semaphore_mem>>)
      %dma_wait3A = tpu.memref_slice %arg3[%mul3A_9] : memref<161792xi32, #tpu.memory_space<hbm>> -> memref<10112xi32, #tpu.memory_space<hbm>>
      %dma_wait3A_34 = tpu.memref_slice %arg3[%mul3A_9] : memref<161792xi32, #tpu.memory_space<hbm>> -> memref<10112xi32, #tpu.memory_space<hbm>>
      tpu.wait_dma2 semaphore(%run_scoped3A : memref<!tpu.dma_semaphore, #tpu.memory_space<semaphore_mem>>) src(%dma_wait3A_34 : memref<10112xi32, #tpu.memory_space<hbm>>) dst(%arg11 : memref<10112xi32, #tpu.memory_space<vmem>>)
      tpu.yield
    }) : () -> ()
    %eq3A = arith.constant 1 : i32
    %eq3A_10 = arith.cmpi eq, %arg0, %eq3A : i32
    %convert_element_type3A = arith.extui %eq3A_10 : i1 to i32
    %cond3A = arith.constant 0 : i32
    %cond3A_11 = arith.cmpi ne, %convert_element_type3A, %cond3A : i32
    scf.if %cond3A_11 {
      %mul3A_33 = arith.constant 128 : i32
      %mul3A_34 = arith.muli %add3A, %mul3A_33 : i32
      "tpu.region"() ({
        %run_scoped3A = tpu.sem_alloc : memref<!tpu.dma_semaphore, #tpu.memory_space<semaphore_mem>>
        %dma_start3A = tpu.memref_slice %arg2[%mul3A_34] : memref<161792xi32, #tpu.memory_space<hbm>> -> memref<10112xi32, #tpu.memory_space<hbm>>
        %dma_start3A_35 = tpu.memref_slice %arg2[%mul3A_34] : memref<161792xi32, #tpu.memory_space<hbm>> -> memref<10112xi32, #tpu.memory_space<hbm>>
        tpu.enqueue_dma source(%dma_start3A_35 : memref<10112xi32, #tpu.memory_space<hbm>>) target(%arg10 : memref<10112xi32, #tpu.memory_space<vmem>>) target_semaphore(%run_scoped3A : memref<!tpu.dma_semaphore, #tpu.memory_space<semaphore_mem>>)
        %dma_wait3A = tpu.memref_slice %arg2[%mul3A_34] : memref<161792xi32, #tpu.memory_space<hbm>> -> memref<10112xi32, #tpu.memory_space<hbm>>
        %dma_wait3A_36 = tpu.memref_slice %arg2[%mul3A_34] : memref<161792xi32, #tpu.memory_space<hbm>> -> memref<10112xi32, #tpu.memory_space<hbm>>
        tpu.wait_dma2 semaphore(%run_scoped3A : memref<!tpu.dma_semaphore, #tpu.memory_space<semaphore_mem>>) src(%dma_wait3A_36 : memref<10112xi32, #tpu.memory_space<hbm>>) dst(%arg10 : memref<10112xi32, #tpu.memory_space<vmem>>)
        tpu.yield
      }) : () -> ()
    } else {
    }
    %barrier3A = arith.constant 0 : index
    tpu.barrier barrier_id(%barrier3A)
    %eq3A_12 = arith.constant 0 : i32
    %eq3A_13 = arith.cmpi eq, %arg0, %eq3A_12 : i32
    %convert_element_type3A_14 = arith.extui %eq3A_13 : i1 to i32
    %cond3A_15 = arith.constant 0 : i32
    %cond3A_16 = arith.cmpi ne, %convert_element_type3A_14, %cond3A_15 : i32
    scf.if %cond3A_16 {
      %while3A = arith.constant 0 : i32
      %while3A_33 = arith.constant 0 : i32
      %while3A_34 = arith.subi %add3A_7, %while3A_33 : i32
      %while3A_35 = arith.addi %while3A_33, %while3A_34 : i32
      %while3A_36 = arith.constant 1 : i32
      %while3A_37 = arith.divsi %while3A_34, %while3A_36 : i32
      %while3A_38 = arith.muli %while3A_37, %while3A_36 : i32
      %while3A_39 = arith.addi %while3A_33, %while3A_38 : i32
      %while3A_40 = arith.constant 1 : i32
      scf.for %while3A_42 = %while3A_33 to %while3A_39 step %while3A_40  : i32 {
        %mul3A_43 = arith.constant 128 : i32
        %mul3A_44 = arith.muli %while3A_42, %mul3A_43 : i32
        %add3A_45 = arith.constant 0 : i32
        %add3A_46 = arith.addi %mul3A_44, %add3A_45 : i32
        %get3A = arith.index_cast %add3A_46 : i32 to index
        %get3A_47 = tpu.vector_load %arg11[%get3A] {strides = array<i32>} : memref<10112xi32, #tpu.memory_space<vmem>>, vector<16xi32>,
        %get3A_48 = vector.shape_cast %get3A_47 : vector<16xi32> to vector<16xi32>
        %swap3A = arith.constant 0 : index
        %swap3A_49 = tpu.vector_load %arg12[%swap3A] {strides = array<i32>} : memref<128xi32, #tpu.memory_space<vmem>>, vector<16xi32>,
        %swap3A_50 = vector.shape_cast %swap3A_49 : vector<16xi32> to vector<16xi32>
        %swap3A_51 = vector.shape_cast %get3A_48 : vector<16xi32> to vector<16xi32>
        tpu.vector_store %arg12[%swap3A], %swap3A_51 {strides = array<i32>} : memref<128xi32, #tpu.memory_space<vmem>>, vector<16xi32>,
        %mul3A_52 = arith.constant 128 : i32
        %mul3A_53 = arith.muli %while3A_42, %mul3A_52 : i32
        %add3A_54 = arith.constant 16 : i32
        %add3A_55 = arith.addi %mul3A_53, %add3A_54 : i32
        %get3A_56 = arith.index_cast %add3A_55 : i32 to index
        %get3A_57 = tpu.vector_load %arg11[%get3A_56] {strides = array<i32>} : memref<10112xi32, #tpu.memory_space<vmem>>, vector<16xi32>,
        %get3A_58 = vector.shape_cast %get3A_57 : vector<16xi32> to vector<16xi32>
        %swap3A_59 = arith.constant 16 : index
        %swap3A_60 = tpu.vector_load %arg12[%swap3A_59] {strides = array<i32>} : memref<128xi32, #tpu.memory_space<vmem>>, vector<16xi32>,
        %swap3A_61 = vector.shape_cast %swap3A_60 : vector<16xi32> to vector<16xi32>
        %swap3A_62 = vector.shape_cast %get3A_58 : vector<16xi32> to vector<16xi32>
        tpu.vector_store %arg12[%swap3A_59], %swap3A_62 {strides = array<i32>} : memref<128xi32, #tpu.memory_space<vmem>>, vector<16xi32>,
        %mul3A_63 = arith.constant 128 : i32
        %mul3A_64 = arith.muli %while3A_42, %mul3A_63 : i32
        %add3A_65 = arith.constant 32 : i32
        %add3A_66 = arith.addi %mul3A_64, %add3A_65 : i32
        %get3A_67 = arith.index_cast %add3A_66 : i32 to index
        %get3A_68 = tpu.vector_load %arg11[%get3A_67] {strides = array<i32>} : memref<10112xi32, #tpu.memory_space<vmem>>, vector<16xi32>,
        %get3A_69 = vector.shape_cast %get3A_68 : vector<16xi32> to vector<16xi32>
        %swap3A_70 = arith.constant 32 : index
        %swap3A_71 = tpu.vector_load %arg12[%swap3A_70] {strides = array<i32>} : memref<128xi32, #tpu.memory_space<vmem>>, vector<16xi32>,
        %swap3A_72 = vector.shape_cast %swap3A_71 : vector<16xi32> to vector<16xi32>
        %swap3A_73 = vector.shape_cast %get3A_69 : vector<16xi32> to vector<16xi32>
        tpu.vector_store %arg12[%swap3A_70], %swap3A_73 {strides = array<i32>} : memref<128xi32, #tpu.memory_space<vmem>>, vector<16xi32>,
        %mul3A_74 = arith.constant 128 : i32
        %mul3A_75 = arith.muli %while3A_42, %mul3A_74 : i32
        %add3A_76 = arith.constant 48 : i32
        %add3A_77 = arith.addi %mul3A_75, %add3A_76 : i32
        %get3A_78 = arith.index_cast %add3A_77 : i32 to index
        %get3A_79 = tpu.vector_load %arg11[%get3A_78] {strides = array<i32>} : memref<10112xi32, #tpu.memory_space<vmem>>, vector<16xi32>,
        %get3A_80 = vector.shape_cast %get3A_79 : vector<16xi32> to vector<16xi32>
        %swap3A_81 = arith.constant 48 : index
        %swap3A_82 = tpu.vector_load %arg12[%swap3A_81] {strides = array<i32>} : memref<128xi32, #tpu.memory_space<vmem>>, vector<16xi32>,
        %swap3A_83 = vector.shape_cast %swap3A_82 : vector<16xi32> to vector<16xi32>
        %swap3A_84 = vector.shape_cast %get3A_80 : vector<16xi32> to vector<16xi32>
        tpu.vector_store %arg12[%swap3A_81], %swap3A_84 {strides = array<i32>} : memref<128xi32, #tpu.memory_space<vmem>>, vector<16xi32>,
        %mul3A_85 = arith.constant 128 : i32
        %mul3A_86 = arith.muli %while3A_42, %mul3A_85 : i32
        %add3A_87 = arith.constant 64 : i32
        %add3A_88 = arith.addi %mul3A_86, %add3A_87 : i32
        %get3A_89 = arith.index_cast %add3A_88 : i32 to index
        %get3A_90 = tpu.vector_load %arg11[%get3A_89] {strides = array<i32>} : memref<10112xi32, #tpu.memory_space<vmem>>, vector<16xi32>,
        %get3A_91 = vector.shape_cast %get3A_90 : vector<16xi32> to vector<16xi32>
        %swap3A_92 = arith.constant 64 : index
        %swap3A_93 = tpu.vector_load %arg12[%swap3A_92] {strides = array<i32>} : memref<128xi32, #tpu.memory_space<vmem>>, vector<16xi32>,
        %swap3A_94 = vector.shape_cast %swap3A_93 : vector<16xi32> to vector<16xi32>
        %swap3A_95 = vector.shape_cast %get3A_91 : vector<16xi32> to vector<16xi32>
        tpu.vector_store %arg12[%swap3A_92], %swap3A_95 {strides = array<i32>} : memref<128xi32, #tpu.memory_space<vmem>>, vector<16xi32>,
        %mul3A_96 = arith.constant 128 : i32
        %mul3A_97 = arith.muli %while3A_42, %mul3A_96 : i32
        %add3A_98 = arith.constant 80 : i32
        %add3A_99 = arith.addi %mul3A_97, %add3A_98 : i32
        %get3A_100 = arith.index_cast %add3A_99 : i32 to index
        %get3A_101 = tpu.vector_load %arg11[%get3A_100] {strides = array<i32>} : memref<10112xi32, #tpu.memory_space<vmem>>, vector<16xi32>,
        %get3A_102 = vector.shape_cast %get3A_101 : vector<16xi32> to vector<16xi32>
        %swap3A_103 = arith.constant 80 : index
        %swap3A_104 = tpu.vector_load %arg12[%swap3A_103] {strides = array<i32>} : memref<128xi32, #tpu.memory_space<vmem>>, vector<16xi32>,
        %swap3A_105 = vector.shape_cast %swap3A_104 : vector<16xi32> to vector<16xi32>
        %swap3A_106 = vector.shape_cast %get3A_102 : vector<16xi32> to vector<16xi32>
        tpu.vector_store %arg12[%swap3A_103], %swap3A_106 {strides = array<i32>} : memref<128xi32, #tpu.memory_space<vmem>>, vector<16xi32>,
        %mul3A_107 = arith.constant 128 : i32
        %mul3A_108 = arith.muli %while3A_42, %mul3A_107 : i32
        %add3A_109 = arith.constant 96 : i32
        %add3A_110 = arith.addi %mul3A_108, %add3A_109 : i32
        %get3A_111 = arith.index_cast %add3A_110 : i32 to index
        %get3A_112 = tpu.vector_load %arg11[%get3A_111] {strides = array<i32>} : memref<10112xi32, #tpu.memory_space<vmem>>, vector<16xi32>,
        %get3A_113 = vector.shape_cast %get3A_112 : vector<16xi32> to vector<16xi32>
        %swap3A_114 = arith.constant 96 : index
        %swap3A_115 = tpu.vector_load %arg12[%swap3A_114] {strides = array<i32>} : memref<128xi32, #tpu.memory_space<vmem>>, vector<16xi32>,
        %swap3A_116 = vector.shape_cast %swap3A_115 : vector<16xi32> to vector<16xi32>
        %swap3A_117 = vector.shape_cast %get3A_113 : vector<16xi32> to vector<16xi32>
        tpu.vector_store %arg12[%swap3A_114], %swap3A_117 {strides = array<i32>} : memref<128xi32, #tpu.memory_space<vmem>>, vector<16xi32>,
        %mul3A_118 = arith.constant 128 : i32
        %mul3A_119 = arith.muli %while3A_42, %mul3A_118 : i32
        %add3A_120 = arith.constant 112 : i32
        %add3A_121 = arith.addi %mul3A_119, %add3A_120 : i32
        %get3A_122 = arith.index_cast %add3A_121 : i32 to index
        %get3A_123 = tpu.vector_load %arg11[%get3A_122] {strides = array<i32>} : memref<10112xi32, #tpu.memory_space<vmem>>, vector<16xi32>,
        %get3A_124 = vector.shape_cast %get3A_123 : vector<16xi32> to vector<16xi32>
        %swap3A_125 = arith.constant 112 : index
        %swap3A_126 = tpu.vector_load %arg12[%swap3A_125] {strides = array<i32>} : memref<128xi32, #tpu.memory_space<vmem>>, vector<16xi32>,
        %swap3A_127 = vector.shape_cast %swap3A_126 : vector<16xi32> to vector<16xi32>
        %swap3A_128 = vector.shape_cast %get3A_124 : vector<16xi32> to vector<16xi32>
        tpu.vector_store %arg12[%swap3A_125], %swap3A_128 {strides = array<i32>} : memref<128xi32, #tpu.memory_space<vmem>>, vector<16xi32>,
        "tpu.region"() ({
          %run_scoped3A = tpu.sem_alloc : memref<!tpu.dma_semaphore, #tpu.memory_space<semaphore_mem>>
          %dma_start3A = arith.constant 0 : i32
          %dma_start3A_129 = tpu.memref_slice %arg8[%dma_start3A] : memref<10240xf32, #tpu.memory_space<vmem_shared>> -> memref<10240xf32, #tpu.memory_space<vmem_shared>>
          tpu.enqueue_indirect_dma source(%arg9 : memref<128xf32, #tpu.memory_space<vmem>>) target(%dma_start3A_129 : memref<10240xf32, #tpu.memory_space<vmem_shared>>) offsets(%arg12 : memref<128xi32, #tpu.memory_space<vmem>>) semaphore(%run_scoped3A : memref<!tpu.dma_semaphore, #tpu.memory_space<semaphore_mem>>) {add = true}
          %dma_wait3A = arith.constant 0 : i32
          %dma_wait3A_130 = tpu.memref_slice %arg8[%dma_wait3A] : memref<10240xf32, #tpu.memory_space<vmem_shared>> -> memref<10240xf32, #tpu.memory_space<vmem_shared>>
          tpu.wait_indirect_dma semaphore(%run_scoped3A : memref<!tpu.dma_semaphore, #tpu.memory_space<semaphore_mem>>) src(%arg9 : memref<128xf32, #tpu.memory_space<vmem>>) dst(%dma_wait3A_130 : memref<10240xf32, #tpu.memory_space<vmem_shared>>)
          tpu.yield
        }) : () -> ()
      }
      %while3A_41 = arith.constant 1 : i32
      scf.for %while3A_42 = %while3A_39 to %while3A_35 step %while3A_41  : i32 {
        %mul3A_43 = arith.constant 128 : i32
        %mul3A_44 = arith.muli %while3A_42, %mul3A_43 : i32
        %add3A_45 = arith.constant 0 : i32
        %add3A_46 = arith.addi %mul3A_44, %add3A_45 : i32
        %get3A = arith.index_cast %add3A_46 : i32 to index
        %get3A_47 = tpu.vector_load %arg11[%get3A] {strides = array<i32>} : memref<10112xi32, #tpu.memory_space<vmem>>, vector<16xi32>,
        %get3A_48 = vector.shape_cast %get3A_47 : vector<16xi32> to vector<16xi32>
        %swap3A = arith.constant 0 : index
        %swap3A_49 = tpu.vector_load %arg12[%swap3A] {strides = array<i32>} : memref<128xi32, #tpu.memory_space<vmem>>, vector<16xi32>,
        %swap3A_50 = vector.shape_cast %swap3A_49 : vector<16xi32> to vector<16xi32>
        %swap3A_51 = vector.shape_cast %get3A_48 : vector<16xi32> to vector<16xi32>
        tpu.vector_store %arg12[%swap3A], %swap3A_51 {strides = array<i32>} : memref<128xi32, #tpu.memory_space<vmem>>, vector<16xi32>,
        %mul3A_52 = arith.constant 128 : i32
        %mul3A_53 = arith.muli %while3A_42, %mul3A_52 : i32
        %add3A_54 = arith.constant 16 : i32
        %add3A_55 = arith.addi %mul3A_53, %add3A_54 : i32
        %get3A_56 = arith.index_cast %add3A_55 : i32 to index
        %get3A_57 = tpu.vector_load %arg11[%get3A_56] {strides = array<i32>} : memref<10112xi32, #tpu.memory_space<vmem>>, vector<16xi32>,
        %get3A_58 = vector.shape_cast %get3A_57 : vector<16xi32> to vector<16xi32>
        %swap3A_59 = arith.constant 16 : index
        %swap3A_60 = tpu.vector_load %arg12[%swap3A_59] {strides = array<i32>} : memref<128xi32, #tpu.memory_space<vmem>>, vector<16xi32>,
        %swap3A_61 = vector.shape_cast %swap3A_60 : vector<16xi32> to vector<16xi32>
        %swap3A_62 = vector.shape_cast %get3A_58 : vector<16xi32> to vector<16xi32>
        tpu.vector_store %arg12[%swap3A_59], %swap3A_62 {strides = array<i32>} : memref<128xi32, #tpu.memory_space<vmem>>, vector<16xi32>,
        %mul3A_63 = arith.constant 128 : i32
        %mul3A_64 = arith.muli %while3A_42, %mul3A_63 : i32
        %add3A_65 = arith.constant 32 : i32
        %add3A_66 = arith.addi %mul3A_64, %add3A_65 : i32
        %get3A_67 = arith.index_cast %add3A_66 : i32 to index
        %get3A_68 = tpu.vector_load %arg11[%get3A_67] {strides = array<i32>} : memref<10112xi32, #tpu.memory_space<vmem>>, vector<16xi32>,
        %get3A_69 = vector.shape_cast %get3A_68 : vector<16xi32> to vector<16xi32>
        %swap3A_70 = arith.constant 32 : index
        %swap3A_71 = tpu.vector_load %arg12[%swap3A_70] {strides = array<i32>} : memref<128xi32, #tpu.memory_space<vmem>>, vector<16xi32>,
        %swap3A_72 = vector.shape_cast %swap3A_71 : vector<16xi32> to vector<16xi32>
        %swap3A_73 = vector.shape_cast %get3A_69 : vector<16xi32> to vector<16xi32>
        tpu.vector_store %arg12[%swap3A_70], %swap3A_73 {strides = array<i32>} : memref<128xi32, #tpu.memory_space<vmem>>, vector<16xi32>,
        %mul3A_74 = arith.constant 128 : i32
        %mul3A_75 = arith.muli %while3A_42, %mul3A_74 : i32
        %add3A_76 = arith.constant 48 : i32
        %add3A_77 = arith.addi %mul3A_75, %add3A_76 : i32
        %get3A_78 = arith.index_cast %add3A_77 : i32 to index
        %get3A_79 = tpu.vector_load %arg11[%get3A_78] {strides = array<i32>} : memref<10112xi32, #tpu.memory_space<vmem>>, vector<16xi32>,
        %get3A_80 = vector.shape_cast %get3A_79 : vector<16xi32> to vector<16xi32>
        %swap3A_81 = arith.constant 48 : index
        %swap3A_82 = tpu.vector_load %arg12[%swap3A_81] {strides = array<i32>} : memref<128xi32, #tpu.memory_space<vmem>>, vector<16xi32>,
        %swap3A_83 = vector.shape_cast %swap3A_82 : vector<16xi32> to vector<16xi32>
        %swap3A_84 = vector.shape_cast %get3A_80 : vector<16xi32> to vector<16xi32>
        tpu.vector_store %arg12[%swap3A_81], %swap3A_84 {strides = array<i32>} : memref<128xi32, #tpu.memory_space<vmem>>, vector<16xi32>,
        %mul3A_85 = arith.constant 128 : i32
        %mul3A_86 = arith.muli %while3A_42, %mul3A_85 : i32
        %add3A_87 = arith.constant 64 : i32
        %add3A_88 = arith.addi %mul3A_86, %add3A_87 : i32
        %get3A_89 = arith.index_cast %add3A_88 : i32 to index
        %get3A_90 = tpu.vector_load %arg11[%get3A_89] {strides = array<i32>} : memref<10112xi32, #tpu.memory_space<vmem>>, vector<16xi32>,
        %get3A_91 = vector.shape_cast %get3A_90 : vector<16xi32> to vector<16xi32>
        %swap3A_92 = arith.constant 64 : index
        %swap3A_93 = tpu.vector_load %arg12[%swap3A_92] {strides = array<i32>} : memref<128xi32, #tpu.memory_space<vmem>>, vector<16xi32>,
        %swap3A_94 = vector.shape_cast %swap3A_93 : vector<16xi32> to vector<16xi32>
        %swap3A_95 = vector.shape_cast %get3A_91 : vector<16xi32> to vector<16xi32>
        tpu.vector_store %arg12[%swap3A_92], %swap3A_95 {strides = array<i32>} : memref<128xi32, #tpu.memory_space<vmem>>, vector<16xi32>,
        %mul3A_96 = arith.constant 128 : i32
        %mul3A_97 = arith.muli %while3A_42, %mul3A_96 : i32
        %add3A_98 = arith.constant 80 : i32
        %add3A_99 = arith.addi %mul3A_97, %add3A_98 : i32
        %get3A_100 = arith.index_cast %add3A_99 : i32 to index
        %get3A_101 = tpu.vector_load %arg11[%get3A_100] {strides = array<i32>} : memref<10112xi32, #tpu.memory_space<vmem>>, vector<16xi32>,
        %get3A_102 = vector.shape_cast %get3A_101 : vector<16xi32> to vector<16xi32>
        %swap3A_103 = arith.constant 80 : index
        %swap3A_104 = tpu.vector_load %arg12[%swap3A_103] {strides = array<i32>} : memref<128xi32, #tpu.memory_space<vmem>>, vector<16xi32>,
        %swap3A_105 = vector.shape_cast %swap3A_104 : vector<16xi32> to vector<16xi32>
        %swap3A_106 = vector.shape_cast %get3A_102 : vector<16xi32> to vector<16xi32>
        tpu.vector_store %arg12[%swap3A_103], %swap3A_106 {strides = array<i32>} : memref<128xi32, #tpu.memory_space<vmem>>, vector<16xi32>,
        %mul3A_107 = arith.constant 128 : i32
        %mul3A_108 = arith.muli %while3A_42, %mul3A_107 : i32
        %add3A_109 = arith.constant 96 : i32
        %add3A_110 = arith.addi %mul3A_108, %add3A_109 : i32
        %get3A_111 = arith.index_cast %add3A_110 : i32 to index
        %get3A_112 = tpu.vector_load %arg11[%get3A_111] {strides = array<i32>} : memref<10112xi32, #tpu.memory_space<vmem>>, vector<16xi32>,
        %get3A_113 = vector.shape_cast %get3A_112 : vector<16xi32> to vector<16xi32>
        %swap3A_114 = arith.constant 96 : index
        %swap3A_115 = tpu.vector_load %arg12[%swap3A_114] {strides = array<i32>} : memref<128xi32, #tpu.memory_space<vmem>>, vector<16xi32>,
        %swap3A_116 = vector.shape_cast %swap3A_115 : vector<16xi32> to vector<16xi32>
        %swap3A_117 = vector.shape_cast %get3A_113 : vector<16xi32> to vector<16xi32>
        tpu.vector_store %arg12[%swap3A_114], %swap3A_117 {strides = array<i32>} : memref<128xi32, #tpu.memory_space<vmem>>, vector<16xi32>,
        %mul3A_118 = arith.constant 128 : i32
        %mul3A_119 = arith.muli %while3A_42, %mul3A_118 : i32
        %add3A_120 = arith.constant 112 : i32
        %add3A_121 = arith.addi %mul3A_119, %add3A_120 : i32
        %get3A_122 = arith.index_cast %add3A_121 : i32 to index
        %get3A_123 = tpu.vector_load %arg11[%get3A_122] {strides = array<i32>} : memref<10112xi32, #tpu.memory_space<vmem>>, vector<16xi32>,
        %get3A_124 = vector.shape_cast %get3A_123 : vector<16xi32> to vector<16xi32>
        %swap3A_125 = arith.constant 112 : index
        %swap3A_126 = tpu.vector_load %arg12[%swap3A_125] {strides = array<i32>} : memref<128xi32, #tpu.memory_space<vmem>>, vector<16xi32>,
        %swap3A_127 = vector.shape_cast %swap3A_126 : vector<16xi32> to vector<16xi32>
        %swap3A_128 = vector.shape_cast %get3A_124 : vector<16xi32> to vector<16xi32>
        tpu.vector_store %arg12[%swap3A_125], %swap3A_128 {strides = array<i32>} : memref<128xi32, #tpu.memory_space<vmem>>, vector<16xi32>,
        "tpu.region"() ({
          %run_scoped3A = tpu.sem_alloc : memref<!tpu.dma_semaphore, #tpu.memory_space<semaphore_mem>>
          %dma_start3A = arith.constant 0 : i32
          %dma_start3A_129 = tpu.memref_slice %arg8[%dma_start3A] : memref<10240xf32, #tpu.memory_space<vmem_shared>> -> memref<10240xf32, #tpu.memory_space<vmem_shared>>
          tpu.enqueue_indirect_dma source(%arg9 : memref<128xf32, #tpu.memory_space<vmem>>) target(%dma_start3A_129 : memref<10240xf32, #tpu.memory_space<vmem_shared>>) offsets(%arg12 : memref<128xi32, #tpu.memory_space<vmem>>) semaphore(%run_scoped3A : memref<!tpu.dma_semaphore, #tpu.memory_space<semaphore_mem>>) {add = true}
          %dma_wait3A = arith.constant 0 : i32
          %dma_wait3A_130 = tpu.memref_slice %arg8[%dma_wait3A] : memref<10240xf32, #tpu.memory_space<vmem_shared>> -> memref<10240xf32, #tpu.memory_space<vmem_shared>>
          tpu.wait_indirect_dma semaphore(%run_scoped3A : memref<!tpu.dma_semaphore, #tpu.memory_space<semaphore_mem>>) src(%arg9 : memref<128xf32, #tpu.memory_space<vmem>>) dst(%dma_wait3A_130 : memref<10240xf32, #tpu.memory_space<vmem_shared>>)
          tpu.yield
        }) : () -> ()
      }
    } else {
    }
    %eq3A_17 = arith.constant 1 : i32
    %eq3A_18 = arith.cmpi eq, %arg0, %eq3A_17 : i32
    %convert_element_type3A_19 = arith.extui %eq3A_18 : i1 to i32
    %cond3A_20 = arith.constant 0 : i32
    %cond3A_21 = arith.cmpi ne, %convert_element_type3A_19, %cond3A_20 : i32
    scf.if %cond3A_21 {
      %while3A = arith.constant 0 : i32
      %while3A_33 = arith.constant 0 : i32
      %while3A_34 = arith.subi %add3A_7, %while3A_33 : i32
      %while3A_35 = arith.addi %while3A_33, %while3A_34 : i32
      %while3A_36 = arith.constant 1 : i32
      %while3A_37 = arith.divsi %while3A_34, %while3A_36 : i32
      %while3A_38 = arith.muli %while3A_37, %while3A_36 : i32
      %while3A_39 = arith.addi %while3A_33, %while3A_38 : i32
      %while3A_40 = arith.constant 1 : i32
      scf.for %while3A_42 = %while3A_33 to %while3A_39 step %while3A_40  : i32 {
        %mul3A_43 = arith.constant 128 : i32
        %mul3A_44 = arith.muli %while3A_42, %mul3A_43 : i32
        %add3A_45 = arith.constant 0 : i32
        %add3A_46 = arith.addi %mul3A_44, %add3A_45 : i32
        %get3A = arith.index_cast %add3A_46 : i32 to index
        %get3A_47 = tpu.vector_load %arg10[%get3A] {strides = array<i32>} : memref<10112xi32, #tpu.memory_space<vmem>>, vector<16xi32>,
        %get3A_48 = vector.shape_cast %get3A_47 : vector<16xi32> to vector<16xi32>
        %get3A_49 = arith.index_cast %add3A_46 : i32 to index
        %get3A_50 = tpu.vector_load %arg11[%get3A_49] {strides = array<i32>} : memref<10112xi32, #tpu.memory_space<vmem>>, vector<16xi32>,
        %get3A_51 = vector.shape_cast %get3A_50 : vector<16xi32> to vector<16xi32>
        %max3A = arith.maxsi %get3A_48, %get3A_51 : vector<16xi32>
        %swap3A = arith.constant 0 : index
        %swap3A_52 = tpu.vector_load %arg12[%swap3A] {strides = array<i32>} : memref<128xi32, #tpu.memory_space<vmem>>, vector<16xi32>,
        %swap3A_53 = vector.shape_cast %swap3A_52 : vector<16xi32> to vector<16xi32>
        %swap3A_54 = vector.shape_cast %max3A : vector<16xi32> to vector<16xi32>
        tpu.vector_store %arg12[%swap3A], %swap3A_54 {strides = array<i32>} : memref<128xi32, #tpu.memory_space<vmem>>, vector<16xi32>,
        %mul3A_55 = arith.constant 128 : i32
        %mul3A_56 = arith.muli %while3A_42, %mul3A_55 : i32
        %add3A_57 = arith.constant 16 : i32
        %add3A_58 = arith.addi %mul3A_56, %add3A_57 : i32
        %get3A_59 = arith.index_cast %add3A_58 : i32 to index
        %get3A_60 = tpu.vector_load %arg10[%get3A_59] {strides = array<i32>} : memref<10112xi32, #tpu.memory_space<vmem>>, vector<16xi32>,
        %get3A_61 = vector.shape_cast %get3A_60 : vector<16xi32> to vector<16xi32>
        %get3A_62 = arith.index_cast %add3A_58 : i32 to index
        %get3A_63 = tpu.vector_load %arg11[%get3A_62] {strides = array<i32>} : memref<10112xi32, #tpu.memory_space<vmem>>, vector<16xi32>,
        %get3A_64 = vector.shape_cast %get3A_63 : vector<16xi32> to vector<16xi32>
        %max3A_65 = arith.maxsi %get3A_61, %get3A_64 : vector<16xi32>
        %swap3A_66 = arith.constant 16 : index
        %swap3A_67 = tpu.vector_load %arg12[%swap3A_66] {strides = array<i32>} : memref<128xi32, #tpu.memory_space<vmem>>, vector<16xi32>,
        %swap3A_68 = vector.shape_cast %swap3A_67 : vector<16xi32> to vector<16xi32>
        %swap3A_69 = vector.shape_cast %max3A_65 : vector<16xi32> to vector<16xi32>
        tpu.vector_store %arg12[%swap3A_66], %swap3A_69 {strides = array<i32>} : memref<128xi32, #tpu.memory_space<vmem>>, vector<16xi32>,
        %mul3A_70 = arith.constant 128 : i32
        %mul3A_71 = arith.muli %while3A_42, %mul3A_70 : i32
        %add3A_72 = arith.constant 32 : i32
        %add3A_73 = arith.addi %mul3A_71, %add3A_72 : i32
        %get3A_74 = arith.index_cast %add3A_73 : i32 to index
        %get3A_75 = tpu.vector_load %arg10[%get3A_74] {strides = array<i32>} : memref<10112xi32, #tpu.memory_space<vmem>>, vector<16xi32>,
        %get3A_76 = vector.shape_cast %get3A_75 : vector<16xi32> to vector<16xi32>
        %get3A_77 = arith.index_cast %add3A_73 : i32 to index
        %get3A_78 = tpu.vector_load %arg11[%get3A_77] {strides = array<i32>} : memref<10112xi32, #tpu.memory_space<vmem>>, vector<16xi32>,
        %get3A_79 = vector.shape_cast %get3A_78 : vector<16xi32> to vector<16xi32>
        %max3A_80 = arith.maxsi %get3A_76, %get3A_79 : vector<16xi32>
        %swap3A_81 = arith.constant 32 : index
        %swap3A_82 = tpu.vector_load %arg12[%swap3A_81] {strides = array<i32>} : memref<128xi32, #tpu.memory_space<vmem>>, vector<16xi32>,
        %swap3A_83 = vector.shape_cast %swap3A_82 : vector<16xi32> to vector<16xi32>
        %swap3A_84 = vector.shape_cast %max3A_80 : vector<16xi32> to vector<16xi32>
        tpu.vector_store %arg12[%swap3A_81], %swap3A_84 {strides = array<i32>} : memref<128xi32, #tpu.memory_space<vmem>>, vector<16xi32>,
        %mul3A_85 = arith.constant 128 : i32
        %mul3A_86 = arith.muli %while3A_42, %mul3A_85 : i32
        %add3A_87 = arith.constant 48 : i32
        %add3A_88 = arith.addi %mul3A_86, %add3A_87 : i32
        %get3A_89 = arith.index_cast %add3A_88 : i32 to index
        %get3A_90 = tpu.vector_load %arg10[%get3A_89] {strides = array<i32>} : memref<10112xi32, #tpu.memory_space<vmem>>, vector<16xi32>,
        %get3A_91 = vector.shape_cast %get3A_90 : vector<16xi32> to vector<16xi32>
        %get3A_92 = arith.index_cast %add3A_88 : i32 to index
        %get3A_93 = tpu.vector_load %arg11[%get3A_92] {strides = array<i32>} : memref<10112xi32, #tpu.memory_space<vmem>>, vector<16xi32>,
        %get3A_94 = vector.shape_cast %get3A_93 : vector<16xi32> to vector<16xi32>
        %max3A_95 = arith.maxsi %get3A_91, %get3A_94 : vector<16xi32>
        %swap3A_96 = arith.constant 48 : index
        %swap3A_97 = tpu.vector_load %arg12[%swap3A_96] {strides = array<i32>} : memref<128xi32, #tpu.memory_space<vmem>>, vector<16xi32>,
        %swap3A_98 = vector.shape_cast %swap3A_97 : vector<16xi32> to vector<16xi32>
        %swap3A_99 = vector.shape_cast %max3A_95 : vector<16xi32> to vector<16xi32>
        tpu.vector_store %arg12[%swap3A_96], %swap3A_99 {strides = array<i32>} : memref<128xi32, #tpu.memory_space<vmem>>, vector<16xi32>,
        %mul3A_100 = arith.constant 128 : i32
        %mul3A_101 = arith.muli %while3A_42, %mul3A_100 : i32
        %add3A_102 = arith.constant 64 : i32
        %add3A_103 = arith.addi %mul3A_101, %add3A_102 : i32
        %get3A_104 = arith.index_cast %add3A_103 : i32 to index
        %get3A_105 = tpu.vector_load %arg10[%get3A_104] {strides = array<i32>} : memref<10112xi32, #tpu.memory_space<vmem>>, vector<16xi32>,
        %get3A_106 = vector.shape_cast %get3A_105 : vector<16xi32> to vector<16xi32>
        %get3A_107 = arith.index_cast %add3A_103 : i32 to index
        %get3A_108 = tpu.vector_load %arg11[%get3A_107] {strides = array<i32>} : memref<10112xi32, #tpu.memory_space<vmem>>, vector<16xi32>,
        %get3A_109 = vector.shape_cast %get3A_108 : vector<16xi32> to vector<16xi32>
        %max3A_110 = arith.maxsi %get3A_106, %get3A_109 : vector<16xi32>
        %swap3A_111 = arith.constant 64 : index
        %swap3A_112 = tpu.vector_load %arg12[%swap3A_111] {strides = array<i32>} : memref<128xi32, #tpu.memory_space<vmem>>, vector<16xi32>,
        %swap3A_113 = vector.shape_cast %swap3A_112 : vector<16xi32> to vector<16xi32>
        %swap3A_114 = vector.shape_cast %max3A_110 : vector<16xi32> to vector<16xi32>
        tpu.vector_store %arg12[%swap3A_111], %swap3A_114 {strides = array<i32>} : memref<128xi32, #tpu.memory_space<vmem>>, vector<16xi32>,
        %mul3A_115 = arith.constant 128 : i32
        %mul3A_116 = arith.muli %while3A_42, %mul3A_115 : i32
        %add3A_117 = arith.constant 80 : i32
        %add3A_118 = arith.addi %mul3A_116, %add3A_117 : i32
        %get3A_119 = arith.index_cast %add3A_118 : i32 to index
        %get3A_120 = tpu.vector_load %arg10[%get3A_119] {strides = array<i32>} : memref<10112xi32, #tpu.memory_space<vmem>>, vector<16xi32>,
        %get3A_121 = vector.shape_cast %get3A_120 : vector<16xi32> to vector<16xi32>
        %get3A_122 = arith.index_cast %add3A_118 : i32 to index
        %get3A_123 = tpu.vector_load %arg11[%get3A_122] {strides = array<i32>} : memref<10112xi32, #tpu.memory_space<vmem>>, vector<16xi32>,
        %get3A_124 = vector.shape_cast %get3A_123 : vector<16xi32> to vector<16xi32>
        %max3A_125 = arith.maxsi %get3A_121, %get3A_124 : vector<16xi32>
        %swap3A_126 = arith.constant 80 : index
        %swap3A_127 = tpu.vector_load %arg12[%swap3A_126] {strides = array<i32>} : memref<128xi32, #tpu.memory_space<vmem>>, vector<16xi32>,
        %swap3A_128 = vector.shape_cast %swap3A_127 : vector<16xi32> to vector<16xi32>
        %swap3A_129 = vector.shape_cast %max3A_125 : vector<16xi32> to vector<16xi32>
        tpu.vector_store %arg12[%swap3A_126], %swap3A_129 {strides = array<i32>} : memref<128xi32, #tpu.memory_space<vmem>>, vector<16xi32>,
        %mul3A_130 = arith.constant 128 : i32
        %mul3A_131 = arith.muli %while3A_42, %mul3A_130 : i32
        %add3A_132 = arith.constant 96 : i32
        %add3A_133 = arith.addi %mul3A_131, %add3A_132 : i32
        %get3A_134 = arith.index_cast %add3A_133 : i32 to index
        %get3A_135 = tpu.vector_load %arg10[%get3A_134] {strides = array<i32>} : memref<10112xi32, #tpu.memory_space<vmem>>, vector<16xi32>,
        %get3A_136 = vector.shape_cast %get3A_135 : vector<16xi32> to vector<16xi32>
        %get3A_137 = arith.index_cast %add3A_133 : i32 to index
        %get3A_138 = tpu.vector_load %arg11[%get3A_137] {strides = array<i32>} : memref<10112xi32, #tpu.memory_space<vmem>>, vector<16xi32>,
        %get3A_139 = vector.shape_cast %get3A_138 : vector<16xi32> to vector<16xi32>
        %max3A_140 = arith.maxsi %get3A_136, %get3A_139 : vector<16xi32>
        %swap3A_141 = arith.constant 96 : index
        %swap3A_142 = tpu.vector_load %arg12[%swap3A_141] {strides = array<i32>} : memref<128xi32, #tpu.memory_space<vmem>>, vector<16xi32>,
        %swap3A_143 = vector.shape_cast %swap3A_142 : vector<16xi32> to vector<16xi32>
        %swap3A_144 = vector.shape_cast %max3A_140 : vector<16xi32> to vector<16xi32>
        tpu.vector_store %arg12[%swap3A_141], %swap3A_144 {strides = array<i32>} : memref<128xi32, #tpu.memory_space<vmem>>, vector<16xi32>,
        %mul3A_145 = arith.constant 128 : i32
        %mul3A_146 = arith.muli %while3A_42, %mul3A_145 : i32
        %add3A_147 = arith.constant 112 : i32
        %add3A_148 = arith.addi %mul3A_146, %add3A_147 : i32
        %get3A_149 = arith.index_cast %add3A_148 : i32 to index
        %get3A_150 = tpu.vector_load %arg10[%get3A_149] {strides = array<i32>} : memref<10112xi32, #tpu.memory_space<vmem>>, vector<16xi32>,
        %get3A_151 = vector.shape_cast %get3A_150 : vector<16xi32> to vector<16xi32>
        %get3A_152 = arith.index_cast %add3A_148 : i32 to index
        %get3A_153 = tpu.vector_load %arg11[%get3A_152] {strides = array<i32>} : memref<10112xi32, #tpu.memory_space<vmem>>, vector<16xi32>,
        %get3A_154 = vector.shape_cast %get3A_153 : vector<16xi32> to vector<16xi32>
        %max3A_155 = arith.maxsi %get3A_151, %get3A_154 : vector<16xi32>
        %swap3A_156 = arith.constant 112 : index
        %swap3A_157 = tpu.vector_load %arg12[%swap3A_156] {strides = array<i32>} : memref<128xi32, #tpu.memory_space<vmem>>, vector<16xi32>,
        %swap3A_158 = vector.shape_cast %swap3A_157 : vector<16xi32> to vector<16xi32>
        %swap3A_159 = vector.shape_cast %max3A_155 : vector<16xi32> to vector<16xi32>
        tpu.vector_store %arg12[%swap3A_156], %swap3A_159 {strides = array<i32>} : memref<128xi32, #tpu.memory_space<vmem>>, vector<16xi32>,
        "tpu.region"() ({
          %run_scoped3A = tpu.sem_alloc : memref<!tpu.dma_semaphore, #tpu.memory_space<semaphore_mem>>
          %dma_start3A = arith.constant 0 : i32
          %dma_start3A_160 = tpu.memref_slice %arg8[%dma_start3A] : memref<10240xf32, #tpu.memory_space<vmem_shared>> -> memref<10240xf32, #tpu.memory_space<vmem_shared>>
          tpu.enqueue_indirect_dma source(%arg9 : memref<128xf32, #tpu.memory_space<vmem>>) target(%dma_start3A_160 : memref<10240xf32, #tpu.memory_space<vmem_shared>>) offsets(%arg12 : memref<128xi32, #tpu.memory_space<vmem>>) semaphore(%run_scoped3A : memref<!tpu.dma_semaphore, #tpu.memory_space<semaphore_mem>>) {add = true}
          %dma_wait3A = arith.constant 0 : i32
          %dma_wait3A_161 = tpu.memref_slice %arg8[%dma_wait3A] : memref<10240xf32, #tpu.memory_space<vmem_shared>> -> memref<10240xf32, #tpu.memory_space<vmem_shared>>
          tpu.wait_indirect_dma semaphore(%run_scoped3A : memref<!tpu.dma_semaphore, #tpu.memory_space<semaphore_mem>>) src(%arg9 : memref<128xf32, #tpu.memory_space<vmem>>) dst(%dma_wait3A_161 : memref<10240xf32, #tpu.memory_space<vmem_shared>>)
          tpu.yield
        }) : () -> ()
      }
      %while3A_41 = arith.constant 1 : i32
      scf.for %while3A_42 = %while3A_39 to %while3A_35 step %while3A_41  : i32 {
        %mul3A_43 = arith.constant 128 : i32
        %mul3A_44 = arith.muli %while3A_42, %mul3A_43 : i32
        %add3A_45 = arith.constant 0 : i32
        %add3A_46 = arith.addi %mul3A_44, %add3A_45 : i32
        %get3A = arith.index_cast %add3A_46 : i32 to index
        %get3A_47 = tpu.vector_load %arg10[%get3A] {strides = array<i32>} : memref<10112xi32, #tpu.memory_space<vmem>>, vector<16xi32>,
        %get3A_48 = vector.shape_cast %get3A_47 : vector<16xi32> to vector<16xi32>
        %get3A_49 = arith.index_cast %add3A_46 : i32 to index
        %get3A_50 = tpu.vector_load %arg11[%get3A_49] {strides = array<i32>} : memref<10112xi32, #tpu.memory_space<vmem>>, vector<16xi32>,
        %get3A_51 = vector.shape_cast %get3A_50 : vector<16xi32> to vector<16xi32>
        %max3A = arith.maxsi %get3A_48, %get3A_51 : vector<16xi32>
        %swap3A = arith.constant 0 : index
        %swap3A_52 = tpu.vector_load %arg12[%swap3A] {strides = array<i32>} : memref<128xi32, #tpu.memory_space<vmem>>, vector<16xi32>,
        %swap3A_53 = vector.shape_cast %swap3A_52 : vector<16xi32> to vector<16xi32>
        %swap3A_54 = vector.shape_cast %max3A : vector<16xi32> to vector<16xi32>
        tpu.vector_store %arg12[%swap3A], %swap3A_54 {strides = array<i32>} : memref<128xi32, #tpu.memory_space<vmem>>, vector<16xi32>,
        %mul3A_55 = arith.constant 128 : i32
        %mul3A_56 = arith.muli %while3A_42, %mul3A_55 : i32
        %add3A_57 = arith.constant 16 : i32
        %add3A_58 = arith.addi %mul3A_56, %add3A_57 : i32
        %get3A_59 = arith.index_cast %add3A_58 : i32 to index
        %get3A_60 = tpu.vector_load %arg10[%get3A_59] {strides = array<i32>} : memref<10112xi32, #tpu.memory_space<vmem>>, vector<16xi32>,
        %get3A_61 = vector.shape_cast %get3A_60 : vector<16xi32> to vector<16xi32>
        %get3A_62 = arith.index_cast %add3A_58 : i32 to index
        %get3A_63 = tpu.vector_load %arg11[%get3A_62] {strides = array<i32>} : memref<10112xi32, #tpu.memory_space<vmem>>, vector<16xi32>,
        %get3A_64 = vector.shape_cast %get3A_63 : vector<16xi32> to vector<16xi32>
        %max3A_65 = arith.maxsi %get3A_61, %get3A_64 : vector<16xi32>
        %swap3A_66 = arith.constant 16 : index
        %swap3A_67 = tpu.vector_load %arg12[%swap3A_66] {strides = array<i32>} : memref<128xi32, #tpu.memory_space<vmem>>, vector<16xi32>,
        %swap3A_68 = vector.shape_cast %swap3A_67 : vector<16xi32> to vector<16xi32>
        %swap3A_69 = vector.shape_cast %max3A_65 : vector<16xi32> to vector<16xi32>
        tpu.vector_store %arg12[%swap3A_66], %swap3A_69 {strides = array<i32>} : memref<128xi32, #tpu.memory_space<vmem>>, vector<16xi32>,
        %mul3A_70 = arith.constant 128 : i32
        %mul3A_71 = arith.muli %while3A_42, %mul3A_70 : i32
        %add3A_72 = arith.constant 32 : i32
        %add3A_73 = arith.addi %mul3A_71, %add3A_72 : i32
        %get3A_74 = arith.index_cast %add3A_73 : i32 to index
        %get3A_75 = tpu.vector_load %arg10[%get3A_74] {strides = array<i32>} : memref<10112xi32, #tpu.memory_space<vmem>>, vector<16xi32>,
        %get3A_76 = vector.shape_cast %get3A_75 : vector<16xi32> to vector<16xi32>
        %get3A_77 = arith.index_cast %add3A_73 : i32 to index
        %get3A_78 = tpu.vector_load %arg11[%get3A_77] {strides = array<i32>} : memref<10112xi32, #tpu.memory_space<vmem>>, vector<16xi32>,
        %get3A_79 = vector.shape_cast %get3A_78 : vector<16xi32> to vector<16xi32>
        %max3A_80 = arith.maxsi %get3A_76, %get3A_79 : vector<16xi32>
        %swap3A_81 = arith.constant 32 : index
        %swap3A_82 = tpu.vector_load %arg12[%swap3A_81] {strides = array<i32>} : memref<128xi32, #tpu.memory_space<vmem>>, vector<16xi32>,
        %swap3A_83 = vector.shape_cast %swap3A_82 : vector<16xi32> to vector<16xi32>
        %swap3A_84 = vector.shape_cast %max3A_80 : vector<16xi32> to vector<16xi32>
        tpu.vector_store %arg12[%swap3A_81], %swap3A_84 {strides = array<i32>} : memref<128xi32, #tpu.memory_space<vmem>>, vector<16xi32>,
        %mul3A_85 = arith.constant 128 : i32
        %mul3A_86 = arith.muli %while3A_42, %mul3A_85 : i32
        %add3A_87 = arith.constant 48 : i32
        %add3A_88 = arith.addi %mul3A_86, %add3A_87 : i32
        %get3A_89 = arith.index_cast %add3A_88 : i32 to index
        %get3A_90 = tpu.vector_load %arg10[%get3A_89] {strides = array<i32>} : memref<10112xi32, #tpu.memory_space<vmem>>, vector<16xi32>,
        %get3A_91 = vector.shape_cast %get3A_90 : vector<16xi32> to vector<16xi32>
        %get3A_92 = arith.index_cast %add3A_88 : i32 to index
        %get3A_93 = tpu.vector_load %arg11[%get3A_92] {strides = array<i32>} : memref<10112xi32, #tpu.memory_space<vmem>>, vector<16xi32>,
        %get3A_94 = vector.shape_cast %get3A_93 : vector<16xi32> to vector<16xi32>
        %max3A_95 = arith.maxsi %get3A_91, %get3A_94 : vector<16xi32>
        %swap3A_96 = arith.constant 48 : index
        %swap3A_97 = tpu.vector_load %arg12[%swap3A_96] {strides = array<i32>} : memref<128xi32, #tpu.memory_space<vmem>>, vector<16xi32>,
        %swap3A_98 = vector.shape_cast %swap3A_97 : vector<16xi32> to vector<16xi32>
        %swap3A_99 = vector.shape_cast %max3A_95 : vector<16xi32> to vector<16xi32>
        tpu.vector_store %arg12[%swap3A_96], %swap3A_99 {strides = array<i32>} : memref<128xi32, #tpu.memory_space<vmem>>, vector<16xi32>,
        %mul3A_100 = arith.constant 128 : i32
        %mul3A_101 = arith.muli %while3A_42, %mul3A_100 : i32
        %add3A_102 = arith.constant 64 : i32
        %add3A_103 = arith.addi %mul3A_101, %add3A_102 : i32
        %get3A_104 = arith.index_cast %add3A_103 : i32 to index
        %get3A_105 = tpu.vector_load %arg10[%get3A_104] {strides = array<i32>} : memref<10112xi32, #tpu.memory_space<vmem>>, vector<16xi32>,
        %get3A_106 = vector.shape_cast %get3A_105 : vector<16xi32> to vector<16xi32>
        %get3A_107 = arith.index_cast %add3A_103 : i32 to index
        %get3A_108 = tpu.vector_load %arg11[%get3A_107] {strides = array<i32>} : memref<10112xi32, #tpu.memory_space<vmem>>, vector<16xi32>,
        %get3A_109 = vector.shape_cast %get3A_108 : vector<16xi32> to vector<16xi32>
        %max3A_110 = arith.maxsi %get3A_106, %get3A_109 : vector<16xi32>
        %swap3A_111 = arith.constant 64 : index
        %swap3A_112 = tpu.vector_load %arg12[%swap3A_111] {strides = array<i32>} : memref<128xi32, #tpu.memory_space<vmem>>, vector<16xi32>,
        %swap3A_113 = vector.shape_cast %swap3A_112 : vector<16xi32> to vector<16xi32>
        %swap3A_114 = vector.shape_cast %max3A_110 : vector<16xi32> to vector<16xi32>
        tpu.vector_store %arg12[%swap3A_111], %swap3A_114 {strides = array<i32>} : memref<128xi32, #tpu.memory_space<vmem>>, vector<16xi32>,
        %mul3A_115 = arith.constant 128 : i32
        %mul3A_116 = arith.muli %while3A_42, %mul3A_115 : i32
        %add3A_117 = arith.constant 80 : i32
        %add3A_118 = arith.addi %mul3A_116, %add3A_117 : i32
        %get3A_119 = arith.index_cast %add3A_118 : i32 to index
        %get3A_120 = tpu.vector_load %arg10[%get3A_119] {strides = array<i32>} : memref<10112xi32, #tpu.memory_space<vmem>>, vector<16xi32>,
        %get3A_121 = vector.shape_cast %get3A_120 : vector<16xi32> to vector<16xi32>
        %get3A_122 = arith.index_cast %add3A_118 : i32 to index
        %get3A_123 = tpu.vector_load %arg11[%get3A_122] {strides = array<i32>} : memref<10112xi32, #tpu.memory_space<vmem>>, vector<16xi32>,
        %get3A_124 = vector.shape_cast %get3A_123 : vector<16xi32> to vector<16xi32>
        %max3A_125 = arith.maxsi %get3A_121, %get3A_124 : vector<16xi32>
        %swap3A_126 = arith.constant 80 : index
        %swap3A_127 = tpu.vector_load %arg12[%swap3A_126] {strides = array<i32>} : memref<128xi32, #tpu.memory_space<vmem>>, vector<16xi32>,
        %swap3A_128 = vector.shape_cast %swap3A_127 : vector<16xi32> to vector<16xi32>
        %swap3A_129 = vector.shape_cast %max3A_125 : vector<16xi32> to vector<16xi32>
        tpu.vector_store %arg12[%swap3A_126], %swap3A_129 {strides = array<i32>} : memref<128xi32, #tpu.memory_space<vmem>>, vector<16xi32>,
        %mul3A_130 = arith.constant 128 : i32
        %mul3A_131 = arith.muli %while3A_42, %mul3A_130 : i32
        %add3A_132 = arith.constant 96 : i32
        %add3A_133 = arith.addi %mul3A_131, %add3A_132 : i32
        %get3A_134 = arith.index_cast %add3A_133 : i32 to index
        %get3A_135 = tpu.vector_load %arg10[%get3A_134] {strides = array<i32>} : memref<10112xi32, #tpu.memory_space<vmem>>, vector<16xi32>,
        %get3A_136 = vector.shape_cast %get3A_135 : vector<16xi32> to vector<16xi32>
        %get3A_137 = arith.index_cast %add3A_133 : i32 to index
        %get3A_138 = tpu.vector_load %arg11[%get3A_137] {strides = array<i32>} : memref<10112xi32, #tpu.memory_space<vmem>>, vector<16xi32>,
        %get3A_139 = vector.shape_cast %get3A_138 : vector<16xi32> to vector<16xi32>
        %max3A_140 = arith.maxsi %get3A_136, %get3A_139 : vector<16xi32>
        %swap3A_141 = arith.constant 96 : index
        %swap3A_142 = tpu.vector_load %arg12[%swap3A_141] {strides = array<i32>} : memref<128xi32, #tpu.memory_space<vmem>>, vector<16xi32>,
        %swap3A_143 = vector.shape_cast %swap3A_142 : vector<16xi32> to vector<16xi32>
        %swap3A_144 = vector.shape_cast %max3A_140 : vector<16xi32> to vector<16xi32>
        tpu.vector_store %arg12[%swap3A_141], %swap3A_144 {strides = array<i32>} : memref<128xi32, #tpu.memory_space<vmem>>, vector<16xi32>,
        %mul3A_145 = arith.constant 128 : i32
        %mul3A_146 = arith.muli %while3A_42, %mul3A_145 : i32
        %add3A_147 = arith.constant 112 : i32
        %add3A_148 = arith.addi %mul3A_146, %add3A_147 : i32
        %get3A_149 = arith.index_cast %add3A_148 : i32 to index
        %get3A_150 = tpu.vector_load %arg10[%get3A_149] {strides = array<i32>} : memref<10112xi32, #tpu.memory_space<vmem>>, vector<16xi32>,
        %get3A_151 = vector.shape_cast %get3A_150 : vector<16xi32> to vector<16xi32>
        %get3A_152 = arith.index_cast %add3A_148 : i32 to index
        %get3A_153 = tpu.vector_load %arg11[%get3A_152] {strides = array<i32>} : memref<10112xi32, #tpu.memory_space<vmem>>, vector<16xi32>,
        %get3A_154 = vector.shape_cast %get3A_153 : vector<16xi32> to vector<16xi32>
        %max3A_155 = arith.maxsi %get3A_151, %get3A_154 : vector<16xi32>
        %swap3A_156 = arith.constant 112 : index
        %swap3A_157 = tpu.vector_load %arg12[%swap3A_156] {strides = array<i32>} : memref<128xi32, #tpu.memory_space<vmem>>, vector<16xi32>,
        %swap3A_158 = vector.shape_cast %swap3A_157 : vector<16xi32> to vector<16xi32>
        %swap3A_159 = vector.shape_cast %max3A_155 : vector<16xi32> to vector<16xi32>
        tpu.vector_store %arg12[%swap3A_156], %swap3A_159 {strides = array<i32>} : memref<128xi32, #tpu.memory_space<vmem>>, vector<16xi32>,
        "tpu.region"() ({
          %run_scoped3A = tpu.sem_alloc : memref<!tpu.dma_semaphore, #tpu.memory_space<semaphore_mem>>
          %dma_start3A = arith.constant 0 : i32
          %dma_start3A_160 = tpu.memref_slice %arg8[%dma_start3A] : memref<10240xf32, #tpu.memory_space<vmem_shared>> -> memref<10240xf32, #tpu.memory_space<vmem_shared>>
          tpu.enqueue_indirect_dma source(%arg9 : memref<128xf32, #tpu.memory_space<vmem>>) target(%dma_start3A_160 : memref<10240xf32, #tpu.memory_space<vmem_shared>>) offsets(%arg12 : memref<128xi32, #tpu.memory_space<vmem>>) semaphore(%run_scoped3A : memref<!tpu.dma_semaphore, #tpu.memory_space<semaphore_mem>>) {add = true}
          %dma_wait3A = arith.constant 0 : i32
          %dma_wait3A_161 = tpu.memref_slice %arg8[%dma_wait3A] : memref<10240xf32, #tpu.memory_space<vmem_shared>> -> memref<10240xf32, #tpu.memory_space<vmem_shared>>
          tpu.wait_indirect_dma semaphore(%run_scoped3A : memref<!tpu.dma_semaphore, #tpu.memory_space<semaphore_mem>>) src(%arg9 : memref<128xf32, #tpu.memory_space<vmem>>) dst(%dma_wait3A_161 : memref<10240xf32, #tpu.memory_space<vmem_shared>>)
          tpu.yield
        }) : () -> ()
      }
    } else {
    }
    %barrier3A_22 = arith.constant 0 : index
    tpu.barrier barrier_id(%barrier3A_22)
    %eq3A_23 = arith.constant 0 : i32
    %eq3A_24 = arith.cmpi eq, %arg0, %eq3A_23 : i32
    %convert_element_type3A_25 = arith.extui %eq3A_24 : i1 to i32
    %cond3A_26 = arith.constant 0 : i32
    %cond3A_27 = arith.cmpi ne, %convert_element_type3A_25, %cond3A_26 : i32
    scf.if %cond3A_27 {
      %mul3A_33 = arith.constant 640 : i32
      %mul3A_34 = arith.muli %arg1, %mul3A_33 : i32
      %mul3A_35 = arith.constant 640 : i32
      %mul3A_36 = arith.muli %arg1, %mul3A_35 : i32
      "tpu.region"() ({
        %run_scoped3A = tpu.sem_alloc : memref<!tpu.dma_semaphore, #tpu.memory_space<semaphore_mem>>
        %dma_start3A = tpu.memref_slice %arg6[%mul3A_36] : memref<10240xf32, #tpu.memory_space<hbm>> -> memref<640xf32, #tpu.memory_space<hbm>>
        %dma_start3A_37 = tpu.memref_slice %arg8[%mul3A_34] : memref<10240xf32, #tpu.memory_space<vmem_shared>> -> memref<640xf32, #tpu.memory_space<vmem_shared>>
        tpu.enqueue_dma source(%dma_start3A_37 : memref<640xf32, #tpu.memory_space<vmem_shared>>) target(%dma_start3A : memref<640xf32, #tpu.memory_space<hbm>>) target_semaphore(%run_scoped3A : memref<!tpu.dma_semaphore, #tpu.memory_space<semaphore_mem>>)
        %dma_wait3A = tpu.memref_slice %arg6[%mul3A_36] : memref<10240xf32, #tpu.memory_space<hbm>> -> memref<640xf32, #tpu.memory_space<hbm>>
        %dma_wait3A_38 = tpu.memref_slice %arg8[%mul3A_34] : memref<10240xf32, #tpu.memory_space<vmem_shared>> -> memref<640xf32, #tpu.memory_space<vmem_shared>>
        tpu.wait_dma2 semaphore(%run_scoped3A : memref<!tpu.dma_semaphore, #tpu.memory_space<semaphore_mem>>) src(%dma_wait3A_38 : memref<640xf32, #tpu.memory_space<vmem_shared>>) dst(%dma_wait3A : memref<640xf32, #tpu.memory_space<hbm>>)
        tpu.yield
      }) : () -> ()
    } else {
    }
    %eq3A_28 = arith.constant 1 : i32
    %eq3A_29 = arith.cmpi eq, %arg0, %eq3A_28 : i32
    %convert_element_type3A_30 = arith.extui %eq3A_29 : i1 to i32
    %cond3A_31 = arith.constant 0 : i32
    %cond3A_32 = arith.cmpi ne, %convert_element_type3A_30, %cond3A_31 : i32
    scf.if %cond3A_32 {
      %mul3A_33 = arith.constant 640 : i32
      %mul3A_34 = arith.muli %arg1, %mul3A_33 : i32
      %mul3A_35 = arith.constant 640 : i32
      %mul3A_36 = arith.muli %arg1, %mul3A_35 : i32
      "tpu.region"() ({
        %run_scoped3A = tpu.sem_alloc : memref<!tpu.dma_semaphore, #tpu.memory_space<semaphore_mem>>
        %dma_start3A = tpu.memref_slice %arg7[%mul3A_36] : memref<10240xf32, #tpu.memory_space<hbm>> -> memref<640xf32, #tpu.memory_space<hbm>>
        %dma_start3A_37 = tpu.memref_slice %arg8[%mul3A_34] : memref<10240xf32, #tpu.memory_space<vmem_shared>> -> memref<640xf32, #tpu.memory_space<vmem_shared>>
        tpu.enqueue_dma source(%dma_start3A_37 : memref<640xf32, #tpu.memory_space<vmem_shared>>) target(%dma_start3A : memref<640xf32, #tpu.memory_space<hbm>>) target_semaphore(%run_scoped3A : memref<!tpu.dma_semaphore, #tpu.memory_space<semaphore_mem>>)
        %dma_wait3A = tpu.memref_slice %arg7[%mul3A_36] : memref<10240xf32, #tpu.memory_space<hbm>> -> memref<640xf32, #tpu.memory_space<hbm>>
        %dma_wait3A_38 = tpu.memref_slice %arg8[%mul3A_34] : memref<10240xf32, #tpu.memory_space<vmem_shared>> -> memref<640xf32, #tpu.memory_space<vmem_shared>>
        tpu.wait_dma2 semaphore(%run_scoped3A : memref<!tpu.dma_semaphore, #tpu.memory_space<semaphore_mem>>) src(%dma_wait3A_38 : memref<640xf32, #tpu.memory_space<vmem_shared>>) dst(%dma_wait3A : memref<640xf32, #tpu.memory_space<hbm>>)
        tpu.yield
      }) : () -> ()
    } else {
    }
    return
  }
}

#map = affine_map<(d0, d1) -> (0, 0)>
#map1 = affine_map<(d0, d1) -> (0)>
module attributes {stable_mosaic.version = 14 : i64} {
  func.func @_segsum_sc(%arg0: i32, %arg1: i32, %arg2: memref<10240x128xf32, #tpu.memory_space<hbm>>, %arg3: memref<10240x128xf32, #tpu.memory_space<hbm>>, %arg4: memref<161792xi32, #tpu.memory_space<hbm>>, %arg5: memref<161792xi32, #tpu.memory_space<hbm>>, %arg6: memref<640x128xf32, #tpu.memory_space<hbm>>, %arg7: memref<10240x128xf32, #tpu.memory_space<hbm>>, %arg8: memref<10240x128xf32, #tpu.memory_space<hbm>>, %arg9: memref<10240x128xf32, #tpu.memory_space<vmem_shared>>, %arg10: memref<128x128xf32, #tpu.memory_space<vmem>>, %arg11: memref<128x128xf32, #tpu.memory_space<vmem>>, %arg12: memref<10112xi32, #tpu.memory_space<vmem>>, %arg13: memref<128xi32, #tpu.memory_space<vmem>>, %arg14: memref<128xi32, #tpu.memory_space<vmem>>, %arg15: memref<!tpu.dma_semaphore, #tpu.memory_space<semaphore_mem>>, %arg16: memref<!tpu.dma_semaphore, #tpu.memory_space<semaphore_mem>>) attributes {dimension_semantics = [#tpu.dimension_semantics<core_parallel>, #tpu.dimension_semantics<subcore_parallel>], iteration_bounds = array<i64: 2, 16>, scalar_prefetch = 0 : i64, scratch_operands = 8 : i64, tpu.core_type = #tpu.core_type<sc_vector_subcore>, window_params = [{transform_indices = #map}, {transform_indices = #map}, {transform_indices = #map1}, {transform_indices = #map1}, {transform_indices = #map}, {transform_indices = #map}, {transform_indices = #map}]} {
    %mul3A = arith.constant 640 : i32
    %mul3A_0 = arith.muli %arg1, %mul3A : i32
    "tpu.region"() ({
      %run_scoped3A = tpu.sem_alloc : memref<!tpu.dma_semaphore, #tpu.memory_space<semaphore_mem>>
      %dma_start3A = arith.constant 0 : i32
      %dma_start3A_37 = tpu.memref_slice %arg9[%mul3A_0, %dma_start3A] : memref<10240x128xf32, #tpu.memory_space<vmem_shared>> -> memref<640x128xf32, #tpu.memory_space<vmem_shared>>
      tpu.enqueue_dma source(%arg6 : memref<640x128xf32, #tpu.memory_space<hbm>>) target(%dma_start3A_37 : memref<640x128xf32, #tpu.memory_space<vmem_shared>>) target_semaphore(%run_scoped3A : memref<!tpu.dma_semaphore, #tpu.memory_space<semaphore_mem>>)
      %dma_wait3A = arith.constant 0 : i32
      %dma_wait3A_38 = tpu.memref_slice %arg9[%mul3A_0, %dma_wait3A] : memref<10240x128xf32, #tpu.memory_space<vmem_shared>> -> memref<640x128xf32, #tpu.memory_space<vmem_shared>>
      tpu.wait_dma2 semaphore(%run_scoped3A : memref<!tpu.dma_semaphore, #tpu.memory_space<semaphore_mem>>) src(%arg6 : memref<640x128xf32, #tpu.memory_space<hbm>>) dst(%dma_wait3A_38 : memref<640x128xf32, #tpu.memory_space<vmem_shared>>)
      tpu.yield
    }) : () -> ()
    %mul3A_1 = arith.constant 78 : i32
    %mul3A_2 = arith.muli %mul3A_1, %arg1 : i32
    %min3A = arith.constant 2 : i32
    %min3A_3 = arith.minsi %arg1, %min3A : i32
    %add3A = arith.addi %mul3A_2, %min3A_3 : i32
    %lt3A = arith.constant 2 : i32
    %lt3A_4 = arith.cmpi slt, %arg1, %lt3A : i32
    %jit3A = arith.constant 1 : i32
    %jit3A_5 = arith.constant 0 : i32
    %select_n3A = arith.select %lt3A_4, %jit3A, %jit3A_5 : i32
    %add3A_6 = arith.constant 78 : i32
    %add3A_7 = arith.addi %add3A_6, %select_n3A : i32
    %mul3A_8 = arith.constant 128 : i32
    %mul3A_9 = arith.muli %add3A, %mul3A_8 : i32
    "tpu.region"() ({
      %run_scoped3A = tpu.sem_alloc : memref<!tpu.dma_semaphore, #tpu.memory_space<semaphore_mem>>
      %dma_start3A = tpu.memref_slice %arg4[%mul3A_9] : memref<161792xi32, #tpu.memory_space<hbm>> -> memref<10112xi32, #tpu.memory_space<hbm>>
      %dma_start3A_37 = tpu.memref_slice %arg4[%mul3A_9] : memref<161792xi32, #tpu.memory_space<hbm>> -> memref<10112xi32, #tpu.memory_space<hbm>>
      tpu.enqueue_dma source(%dma_start3A_37 : memref<10112xi32, #tpu.memory_space<hbm>>) target(%arg12 : memref<10112xi32, #tpu.memory_space<vmem>>) target_semaphore(%run_scoped3A : memref<!tpu.dma_semaphore, #tpu.memory_space<semaphore_mem>>)
      %dma_wait3A = tpu.memref_slice %arg4[%mul3A_9] : memref<161792xi32, #tpu.memory_space<hbm>> -> memref<10112xi32, #tpu.memory_space<hbm>>
      %dma_wait3A_38 = tpu.memref_slice %arg4[%mul3A_9] : memref<161792xi32, #tpu.memory_space<hbm>> -> memref<10112xi32, #tpu.memory_space<hbm>>
      tpu.wait_dma2 semaphore(%run_scoped3A : memref<!tpu.dma_semaphore, #tpu.memory_space<semaphore_mem>>) src(%dma_wait3A_38 : memref<10112xi32, #tpu.memory_space<hbm>>) dst(%arg12 : memref<10112xi32, #tpu.memory_space<vmem>>)
      tpu.yield
    }) : () -> ()
    %barrier3A = arith.constant 0 : index
    tpu.barrier barrier_id(%barrier3A)
    %eq3A = arith.constant 0 : i32
    %eq3A_10 = arith.cmpi eq, %arg0, %eq3A : i32
    %convert_element_type3A = arith.extui %eq3A_10 : i1 to i32
    %cond3A = arith.constant 0 : i32
    %cond3A_11 = arith.cmpi ne, %convert_element_type3A, %cond3A : i32
    scf.if %cond3A_11 {
      %dma_start3A = arith.constant 0 : i32
      %dma_start3A_37 = tpu.memref_slice %arg12[%dma_start3A] : memref<10112xi32, #tpu.memory_space<vmem>> -> memref<128xi32, #tpu.memory_space<vmem>>
      %dma_start3A_38 = arith.constant 0 : i32
      %dma_start3A_39 = arith.constant 0 : i32
      %dma_start3A_40 = tpu.memref_slice %arg2[%dma_start3A_38, %dma_start3A_39] : memref<10240x128xf32, #tpu.memory_space<hbm>> -> memref<10240x128xf32, #tpu.memory_space<hbm>>
      tpu.enqueue_indirect_dma source(%dma_start3A_40 : memref<10240x128xf32, #tpu.memory_space<hbm>>) target(%arg10 : memref<128x128xf32, #tpu.memory_space<vmem>>) offsets(%dma_start3A_37 : memref<128xi32, #tpu.memory_space<vmem>>) semaphore(%arg15 : memref<!tpu.dma_semaphore, #tpu.memory_space<semaphore_mem>>)
    } else {
    }
    %eq3A_12 = arith.constant 1 : i32
    %eq3A_13 = arith.cmpi eq, %arg0, %eq3A_12 : i32
    %convert_element_type3A_14 = arith.extui %eq3A_13 : i1 to i32
    %cond3A_15 = arith.constant 0 : i32
    %cond3A_16 = arith.cmpi ne, %convert_element_type3A_14, %cond3A_15 : i32
    scf.if %cond3A_16 {
      %dma_start3A = arith.constant 0 : i32
      %dma_start3A_37 = tpu.memref_slice %arg12[%dma_start3A] : memref<10112xi32, #tpu.memory_space<vmem>> -> memref<128xi32, #tpu.memory_space<vmem>>
      %dma_start3A_38 = arith.constant 0 : i32
      %dma_start3A_39 = arith.constant 0 : i32
      %dma_start3A_40 = tpu.memref_slice %arg3[%dma_start3A_38, %dma_start3A_39] : memref<10240x128xf32, #tpu.memory_space<hbm>> -> memref<10240x128xf32, #tpu.memory_space<hbm>>
      tpu.enqueue_indirect_dma source(%dma_start3A_40 : memref<10240x128xf32, #tpu.memory_space<hbm>>) target(%arg10 : memref<128x128xf32, #tpu.memory_space<vmem>>) offsets(%dma_start3A_37 : memref<128xi32, #tpu.memory_space<vmem>>) semaphore(%arg15 : memref<!tpu.dma_semaphore, #tpu.memory_space<semaphore_mem>>)
    } else {
    }
    %scan3A = arith.constant 0 : i32
    %scan3A_17 = arith.constant 0 : i32
    %scan3A_18 = arith.constant 39 : i32
    %scan3A_19 = arith.addi %scan3A_17, %scan3A_18 : i32
    %scan3A_20 = arith.constant 1 : i32
    scf.for %scan3A_37 = %scan3A_17 to %scan3A_19 step %scan3A_20  : i32 {
      %mul3A_38 = arith.constant 2 : i32
      %mul3A_39 = arith.muli %mul3A_38, %scan3A_37 : i32
      %add3A_40 = arith.constant 1 : i32
      %add3A_41 = arith.addi %mul3A_39, %add3A_40 : i32
      %mul3A_42 = arith.constant 128 : i32
      %mul3A_43 = arith.muli %add3A_41, %mul3A_42 : i32
      %eq3A_44 = arith.constant 0 : i32
      %eq3A_45 = arith.cmpi eq, %arg0, %eq3A_44 : i32
      %convert_element_type3A_46 = arith.extui %eq3A_45 : i1 to i32
      %cond3A_47 = arith.constant 0 : i32
      %cond3A_48 = arith.cmpi ne, %convert_element_type3A_46, %cond3A_47 : i32
      scf.if %cond3A_48 {
        %dma_start3A = tpu.memref_slice %arg12[%mul3A_43] : memref<10112xi32, #tpu.memory_space<vmem>> -> memref<128xi32, #tpu.memory_space<vmem>>
        %dma_start3A_85 = arith.constant 0 : i32
        %dma_start3A_86 = arith.constant 0 : i32
        %dma_start3A_87 = tpu.memref_slice %arg2[%dma_start3A_85, %dma_start3A_86] : memref<10240x128xf32, #tpu.memory_space<hbm>> -> memref<10240x128xf32, #tpu.memory_space<hbm>>
        tpu.enqueue_indirect_dma source(%dma_start3A_87 : memref<10240x128xf32, #tpu.memory_space<hbm>>) target(%arg11 : memref<128x128xf32, #tpu.memory_space<vmem>>) offsets(%dma_start3A : memref<128xi32, #tpu.memory_space<vmem>>) semaphore(%arg16 : memref<!tpu.dma_semaphore, #tpu.memory_space<semaphore_mem>>)
      } else {
      }
      %eq3A_49 = arith.constant 1 : i32
      %eq3A_50 = arith.cmpi eq, %arg0, %eq3A_49 : i32
      %convert_element_type3A_51 = arith.extui %eq3A_50 : i1 to i32
      %cond3A_52 = arith.constant 0 : i32
      %cond3A_53 = arith.cmpi ne, %convert_element_type3A_51, %cond3A_52 : i32
      scf.if %cond3A_53 {
        %dma_start3A = tpu.memref_slice %arg12[%mul3A_43] : memref<10112xi32, #tpu.memory_space<vmem>> -> memref<128xi32, #tpu.memory_space<vmem>>
        %dma_start3A_85 = arith.constant 0 : i32
        %dma_start3A_86 = arith.constant 0 : i32
        %dma_start3A_87 = tpu.memref_slice %arg3[%dma_start3A_85, %dma_start3A_86] : memref<10240x128xf32, #tpu.memory_space<hbm>> -> memref<10240x128xf32, #tpu.memory_space<hbm>>
        tpu.enqueue_indirect_dma source(%dma_start3A_87 : memref<10240x128xf32, #tpu.memory_space<hbm>>) target(%arg11 : memref<128x128xf32, #tpu.memory_space<vmem>>) offsets(%dma_start3A : memref<128xi32, #tpu.memory_space<vmem>>) semaphore(%arg16 : memref<!tpu.dma_semaphore, #tpu.memory_space<semaphore_mem>>)
      } else {
      }
      %dma_wait3A = arith.constant 0 : i32
      %dma_wait3A_54 = arith.constant 0 : i32
      %dma_wait3A_55 = tpu.memref_slice %arg2[%dma_wait3A, %dma_wait3A_54] : memref<10240x128xf32, #tpu.memory_space<hbm>> -> memref<128x128xf32, #tpu.memory_space<hbm>>
      %dma_wait3A_56 = arith.constant 0 : i32
      %dma_wait3A_57 = arith.constant 0 : i32
      %dma_wait3A_58 = tpu.memref_slice %arg2[%dma_wait3A_56, %dma_wait3A_57] : memref<10240x128xf32, #tpu.memory_space<hbm>> -> memref<128x128xf32, #tpu.memory_space<hbm>>
      tpu.wait_dma2 semaphore(%arg15 : memref<!tpu.dma_semaphore, #tpu.memory_space<semaphore_mem>>) src(%dma_wait3A_58 : memref<128x128xf32, #tpu.memory_space<hbm>>) dst(%arg10 : memref<128x128xf32, #tpu.memory_space<vmem>>)
      %mul3A_59 = arith.constant 2 : i32
      %mul3A_60 = arith.muli %mul3A_59, %scan3A_37 : i32
      %add3A_61 = arith.addi %add3A, %mul3A_60 : i32
      %mul3A_62 = arith.constant 128 : i32
      %mul3A_63 = arith.muli %add3A_61, %mul3A_62 : i32
      "tpu.region"() ({
        %run_scoped3A = tpu.sem_alloc : memref<!tpu.dma_semaphore, #tpu.memory_space<semaphore_mem>>
        %dma_start3A = tpu.memref_slice %arg5[%mul3A_63] : memref<161792xi32, #tpu.memory_space<hbm>> -> memref<128xi32, #tpu.memory_space<hbm>>
        %dma_start3A_85 = tpu.memref_slice %arg5[%mul3A_63] : memref<161792xi32, #tpu.memory_space<hbm>> -> memref<128xi32, #tpu.memory_space<hbm>>
        tpu.enqueue_dma source(%dma_start3A_85 : memref<128xi32, #tpu.memory_space<hbm>>) target(%arg13 : memref<128xi32, #tpu.memory_space<vmem>>) target_semaphore(%run_scoped3A : memref<!tpu.dma_semaphore, #tpu.memory_space<semaphore_mem>>)
        %dma_wait3A_86 = tpu.memref_slice %arg5[%mul3A_63] : memref<161792xi32, #tpu.memory_space<hbm>> -> memref<128xi32, #tpu.memory_space<hbm>>
        %dma_wait3A_87 = tpu.memref_slice %arg5[%mul3A_63] : memref<161792xi32, #tpu.memory_space<hbm>> -> memref<128xi32, #tpu.memory_space<hbm>>
        tpu.wait_dma2 semaphore(%run_scoped3A : memref<!tpu.dma_semaphore, #tpu.memory_space<semaphore_mem>>) src(%dma_wait3A_87 : memref<128xi32, #tpu.memory_space<hbm>>) dst(%arg13 : memref<128xi32, #tpu.memory_space<vmem>>)
        tpu.yield
      }) : () -> ()
      "tpu.region"() ({
        %run_scoped3A = tpu.sem_alloc : memref<!tpu.dma_semaphore, #tpu.memory_space<semaphore_mem>>
        %dma_start3A = arith.constant 0 : i32
        %dma_start3A_85 = arith.constant 0 : i32
        %dma_start3A_86 = tpu.memref_slice %arg9[%dma_start3A, %dma_start3A_85] : memref<10240x128xf32, #tpu.memory_space<vmem_shared>> -> memref<10240x128xf32, #tpu.memory_space<vmem_shared>>
        tpu.enqueue_indirect_dma source(%arg10 : memref<128x128xf32, #tpu.memory_space<vmem>>) target(%dma_start3A_86 : memref<10240x128xf32, #tpu.memory_space<vmem_shared>>) offsets(%arg13 : memref<128xi32, #tpu.memory_space<vmem>>) semaphore(%run_scoped3A : memref<!tpu.dma_semaphore, #tpu.memory_space<semaphore_mem>>) {add = true}
        %dma_wait3A_87 = arith.constant 0 : i32
        %dma_wait3A_88 = arith.constant 0 : i32
        %dma_wait3A_89 = tpu.memref_slice %arg9[%dma_wait3A_87, %dma_wait3A_88] : memref<10240x128xf32, #tpu.memory_space<vmem_shared>> -> memref<10240x128xf32, #tpu.memory_space<vmem_shared>>
        tpu.wait_indirect_dma semaphore(%run_scoped3A : memref<!tpu.dma_semaphore, #tpu.memory_space<semaphore_mem>>) src(%arg10 : memref<128x128xf32, #tpu.memory_space<vmem>>) dst(%dma_wait3A_89 : memref<10240x128xf32, #tpu.memory_space<vmem_shared>>)
        tpu.yield
      }) : () -> ()
      %mul3A_64 = arith.constant 2 : i32
      %mul3A_65 = arith.muli %mul3A_64, %scan3A_37 : i32
      %add3A_66 = arith.constant 2 : i32
      %add3A_67 = arith.addi %mul3A_65, %add3A_66 : i32
      %lt3A_68 = arith.cmpi slt, %add3A_67, %add3A_7 : i32
      %convert_element_type3A_69 = arith.extui %lt3A_68 : i1 to i32
      %cond3A_70 = arith.constant 0 : i32
      %cond3A_71 = arith.cmpi ne, %convert_element_type3A_69, %cond3A_70 : i32
      scf.if %cond3A_71 {
        %mul3A_85 = arith.constant 2 : i32
        %mul3A_86 = arith.muli %mul3A_85, %scan3A_37 : i32
        %add3A_87 = arith.constant 2 : i32
        %add3A_88 = arith.addi %mul3A_86, %add3A_87 : i32
        %mul3A_89 = arith.constant 128 : i32
        %mul3A_90 = arith.muli %add3A_88, %mul3A_89 : i32
        %eq3A_91 = arith.constant 0 : i32
        %eq3A_92 = arith.cmpi eq, %arg0, %eq3A_91 : i32
        %convert_element_type3A_93 = arith.extui %eq3A_92 : i1 to i32
        %cond3A_94 = arith.constant 0 : i32
        %cond3A_95 = arith.cmpi ne, %convert_element_type3A_93, %cond3A_94 : i32
        scf.if %cond3A_95 {
          %dma_start3A = tpu.memref_slice %arg12[%mul3A_90] : memref<10112xi32, #tpu.memory_space<vmem>> -> memref<128xi32, #tpu.memory_space<vmem>>
          %dma_start3A_101 = arith.constant 0 : i32
          %dma_start3A_102 = arith.constant 0 : i32
          %dma_start3A_103 = tpu.memref_slice %arg2[%dma_start3A_101, %dma_start3A_102] : memref<10240x128xf32, #tpu.memory_space<hbm>> -> memref<10240x128xf32, #tpu.memory_space<hbm>>
          tpu.enqueue_indirect_dma source(%dma_start3A_103 : memref<10240x128xf32, #tpu.memory_space<hbm>>) target(%arg10 : memref<128x128xf32, #tpu.memory_space<vmem>>) offsets(%dma_start3A : memref<128xi32, #tpu.memory_space<vmem>>) semaphore(%arg15 : memref<!tpu.dma_semaphore, #tpu.memory_space<semaphore_mem>>)
        } else {
        }
        %eq3A_96 = arith.constant 1 : i32
        %eq3A_97 = arith.cmpi eq, %arg0, %eq3A_96 : i32
        %convert_element_type3A_98 = arith.extui %eq3A_97 : i1 to i32
        %cond3A_99 = arith.constant 0 : i32
        %cond3A_100 = arith.cmpi ne, %convert_element_type3A_98, %cond3A_99 : i32
        scf.if %cond3A_100 {
          %dma_start3A = tpu.memref_slice %arg12[%mul3A_90] : memref<10112xi32, #tpu.memory_space<vmem>> -> memref<128xi32, #tpu.memory_space<vmem>>
          %dma_start3A_101 = arith.constant 0 : i32
          %dma_start3A_102 = arith.constant 0 : i32
          %dma_start3A_103 = tpu.memref_slice %arg3[%dma_start3A_101, %dma_start3A_102] : memref<10240x128xf32, #tpu.memory_space<hbm>> -> memref<10240x128xf32, #tpu.memory_space<hbm>>
          tpu.enqueue_indirect_dma source(%dma_start3A_103 : memref<10240x128xf32, #tpu.memory_space<hbm>>) target(%arg10 : memref<128x128xf32, #tpu.memory_space<vmem>>) offsets(%dma_start3A : memref<128xi32, #tpu.memory_space<vmem>>) semaphore(%arg15 : memref<!tpu.dma_semaphore, #tpu.memory_space<semaphore_mem>>)
        } else {
        }
      } else {
      }
      %dma_wait3A_72 = arith.constant 0 : i32
      %dma_wait3A_73 = arith.constant 0 : i32
      %dma_wait3A_74 = tpu.memref_slice %arg2[%dma_wait3A_72, %dma_wait3A_73] : memref<10240x128xf32, #tpu.memory_space<hbm>> -> memref<128x128xf32, #tpu.memory_space<hbm>>
      %dma_wait3A_75 = arith.constant 0 : i32
      %dma_wait3A_76 = arith.constant 0 : i32
      %dma_wait3A_77 = tpu.memref_slice %arg2[%dma_wait3A_75, %dma_wait3A_76] : memref<10240x128xf32, #tpu.memory_space<hbm>> -> memref<128x128xf32, #tpu.memory_space<hbm>>
      tpu.wait_dma2 semaphore(%arg16 : memref<!tpu.dma_semaphore, #tpu.memory_space<semaphore_mem>>) src(%dma_wait3A_77 : memref<128x128xf32, #tpu.memory_space<hbm>>) dst(%arg11 : memref<128x128xf32, #tpu.memory_space<vmem>>)
      %mul3A_78 = arith.constant 2 : i32
      %mul3A_79 = arith.muli %mul3A_78, %scan3A_37 : i32
      %add3A_80 = arith.constant 1 : i32
      %add3A_81 = arith.addi %mul3A_79, %add3A_80 : i32
      %add3A_82 = arith.addi %add3A, %add3A_81 : i32
      %mul3A_83 = arith.constant 128 : i32
      %mul3A_84 = arith.muli %add3A_82, %mul3A_83 : i32
      "tpu.region"() ({
        %run_scoped3A = tpu.sem_alloc : memref<!tpu.dma_semaphore, #tpu.memory_space<semaphore_mem>>
        %dma_start3A = tpu.memref_slice %arg5[%mul3A_84] : memref<161792xi32, #tpu.memory_space<hbm>> -> memref<128xi32, #tpu.memory_space<hbm>>
        %dma_start3A_85 = tpu.memref_slice %arg5[%mul3A_84] : memref<161792xi32, #tpu.memory_space<hbm>> -> memref<128xi32, #tpu.memory_space<hbm>>
        tpu.enqueue_dma source(%dma_start3A_85 : memref<128xi32, #tpu.memory_space<hbm>>) target(%arg14 : memref<128xi32, #tpu.memory_space<vmem>>) target_semaphore(%run_scoped3A : memref<!tpu.dma_semaphore, #tpu.memory_space<semaphore_mem>>)
        %dma_wait3A_86 = tpu.memref_slice %arg5[%mul3A_84] : memref<161792xi32, #tpu.memory_space<hbm>> -> memref<128xi32, #tpu.memory_space<hbm>>
        %dma_wait3A_87 = tpu.memref_slice %arg5[%mul3A_84] : memref<161792xi32, #tpu.memory_space<hbm>> -> memref<128xi32, #tpu.memory_space<hbm>>
        tpu.wait_dma2 semaphore(%run_scoped3A : memref<!tpu.dma_semaphore, #tpu.memory_space<semaphore_mem>>) src(%dma_wait3A_87 : memref<128xi32, #tpu.memory_space<hbm>>) dst(%arg14 : memref<128xi32, #tpu.memory_space<vmem>>)
        tpu.yield
      }) : () -> ()
      "tpu.region"() ({
        %run_scoped3A = tpu.sem_alloc : memref<!tpu.dma_semaphore, #tpu.memory_space<semaphore_mem>>
        %dma_start3A = arith.constant 0 : i32
        %dma_start3A_85 = arith.constant 0 : i32
        %dma_start3A_86 = tpu.memref_slice %arg9[%dma_start3A, %dma_start3A_85] : memref<10240x128xf32, #tpu.memory_space<vmem_shared>> -> memref<10240x128xf32, #tpu.memory_space<vmem_shared>>
        tpu.enqueue_indirect_dma source(%arg11 : memref<128x128xf32, #tpu.memory_space<vmem>>) target(%dma_start3A_86 : memref<10240x128xf32, #tpu.memory_space<vmem_shared>>) offsets(%arg14 : memref<128xi32, #tpu.memory_space<vmem>>) semaphore(%run_scoped3A : memref<!tpu.dma_semaphore, #tpu.memory_space<semaphore_mem>>) {add = true}
        %dma_wait3A_87 = arith.constant 0 : i32
        %dma_wait3A_88 = arith.constant 0 : i32
        %dma_wait3A_89 = tpu.memref_slice %arg9[%dma_wait3A_87, %dma_wait3A_88] : memref<10240x128xf32, #tpu.memory_space<vmem_shared>> -> memref<10240x128xf32, #tpu.memory_space<vmem_shared>>
        tpu.wait_indirect_dma semaphore(%run_scoped3A : memref<!tpu.dma_semaphore, #tpu.memory_space<semaphore_mem>>) src(%arg11 : memref<128x128xf32, #tpu.memory_space<vmem>>) dst(%dma_wait3A_89 : memref<10240x128xf32, #tpu.memory_space<vmem_shared>>)
        tpu.yield
      }) : () -> ()
    }
    %scan3A_21 = arith.constant 39 : i32
    %gt3A = arith.constant 78 : i32
    %gt3A_22 = arith.cmpi sgt, %add3A_7, %gt3A : i32
    %convert_element_type3A_23 = arith.extui %gt3A_22 : i1 to i32
    %cond3A_24 = arith.constant 0 : i32
    %cond3A_25 = arith.cmpi ne, %convert_element_type3A_23, %cond3A_24 : i32
    scf.if %cond3A_25 {
      %dma_wait3A = arith.constant 0 : i32
      %dma_wait3A_37 = arith.constant 0 : i32
      %dma_wait3A_38 = tpu.memref_slice %arg2[%dma_wait3A, %dma_wait3A_37] : memref<10240x128xf32, #tpu.memory_space<hbm>> -> memref<128x128xf32, #tpu.memory_space<hbm>>
      %dma_wait3A_39 = arith.constant 0 : i32
      %dma_wait3A_40 = arith.constant 0 : i32
      %dma_wait3A_41 = tpu.memref_slice %arg2[%dma_wait3A_39, %dma_wait3A_40] : memref<10240x128xf32, #tpu.memory_space<hbm>> -> memref<128x128xf32, #tpu.memory_space<hbm>>
      tpu.wait_dma2 semaphore(%arg15 : memref<!tpu.dma_semaphore, #tpu.memory_space<semaphore_mem>>) src(%dma_wait3A_41 : memref<128x128xf32, #tpu.memory_space<hbm>>) dst(%arg10 : memref<128x128xf32, #tpu.memory_space<vmem>>)
      %add3A_42 = arith.constant 78 : i32
      %add3A_43 = arith.addi %add3A, %add3A_42 : i32
      %mul3A_44 = arith.constant 128 : i32
      %mul3A_45 = arith.muli %add3A_43, %mul3A_44 : i32
      "tpu.region"() ({
        %run_scoped3A = tpu.sem_alloc : memref<!tpu.dma_semaphore, #tpu.memory_space<semaphore_mem>>
        %dma_start3A = tpu.memref_slice %arg5[%mul3A_45] : memref<161792xi32, #tpu.memory_space<hbm>> -> memref<128xi32, #tpu.memory_space<hbm>>
        %dma_start3A_46 = tpu.memref_slice %arg5[%mul3A_45] : memref<161792xi32, #tpu.memory_space<hbm>> -> memref<128xi32, #tpu.memory_space<hbm>>
        tpu.enqueue_dma source(%dma_start3A_46 : memref<128xi32, #tpu.memory_space<hbm>>) target(%arg13 : memref<128xi32, #tpu.memory_space<vmem>>) target_semaphore(%run_scoped3A : memref<!tpu.dma_semaphore, #tpu.memory_space<semaphore_mem>>)
        %dma_wait3A_47 = tpu.memref_slice %arg5[%mul3A_45] : memref<161792xi32, #tpu.memory_space<hbm>> -> memref<128xi32, #tpu.memory_space<hbm>>
        %dma_wait3A_48 = tpu.memref_slice %arg5[%mul3A_45] : memref<161792xi32, #tpu.memory_space<hbm>> -> memref<128xi32, #tpu.memory_space<hbm>>
        tpu.wait_dma2 semaphore(%run_scoped3A : memref<!tpu.dma_semaphore, #tpu.memory_space<semaphore_mem>>) src(%dma_wait3A_48 : memref<128xi32, #tpu.memory_space<hbm>>) dst(%arg13 : memref<128xi32, #tpu.memory_space<vmem>>)
        tpu.yield
      }) : () -> ()
      "tpu.region"() ({
        %run_scoped3A = tpu.sem_alloc : memref<!tpu.dma_semaphore, #tpu.memory_space<semaphore_mem>>
        %dma_start3A = arith.constant 0 : i32
        %dma_start3A_46 = arith.constant 0 : i32
        %dma_start3A_47 = tpu.memref_slice %arg9[%dma_start3A, %dma_start3A_46] : memref<10240x128xf32, #tpu.memory_space<vmem_shared>> -> memref<10240x128xf32, #tpu.memory_space<vmem_shared>>
        tpu.enqueue_indirect_dma source(%arg10 : memref<128x128xf32, #tpu.memory_space<vmem>>) target(%dma_start3A_47 : memref<10240x128xf32, #tpu.memory_space<vmem_shared>>) offsets(%arg13 : memref<128xi32, #tpu.memory_space<vmem>>) semaphore(%run_scoped3A : memref<!tpu.dma_semaphore, #tpu.memory_space<semaphore_mem>>) {add = true}
        %dma_wait3A_48 = arith.constant 0 : i32
        %dma_wait3A_49 = arith.constant 0 : i32
        %dma_wait3A_50 = tpu.memref_slice %arg9[%dma_wait3A_48, %dma_wait3A_49] : memref<10240x128xf32, #tpu.memory_space<vmem_shared>> -> memref<10240x128xf32, #tpu.memory_space<vmem_shared>>
        tpu.wait_indirect_dma semaphore(%run_scoped3A : memref<!tpu.dma_semaphore, #tpu.memory_space<semaphore_mem>>) src(%arg10 : memref<128x128xf32, #tpu.memory_space<vmem>>) dst(%dma_wait3A_50 : memref<10240x128xf32, #tpu.memory_space<vmem_shared>>)
        tpu.yield
      }) : () -> ()
    } else {
    }
    %barrier3A_26 = arith.constant 0 : index
    tpu.barrier barrier_id(%barrier3A_26)
    %eq3A_27 = arith.constant 0 : i32
    %eq3A_28 = arith.cmpi eq, %arg0, %eq3A_27 : i32
    %convert_element_type3A_29 = arith.extui %eq3A_28 : i1 to i32
    %cond3A_30 = arith.constant 0 : i32
    %cond3A_31 = arith.cmpi ne, %convert_element_type3A_29, %cond3A_30 : i32
    scf.if %cond3A_31 {
      %mul3A_37 = arith.constant 640 : i32
      %mul3A_38 = arith.muli %arg1, %mul3A_37 : i32
      %mul3A_39 = arith.constant 640 : i32
      %mul3A_40 = arith.muli %arg1, %mul3A_39 : i32
      "tpu.region"() ({
        %run_scoped3A = tpu.sem_alloc : memref<!tpu.dma_semaphore, #tpu.memory_space<semaphore_mem>>
        %dma_start3A = arith.constant 0 : i32
        %dma_start3A_41 = tpu.memref_slice %arg7[%mul3A_40, %dma_start3A] : memref<10240x128xf32, #tpu.memory_space<hbm>> -> memref<640x128xf32, #tpu.memory_space<hbm>>
        %dma_start3A_42 = arith.constant 0 : i32
        %dma_start3A_43 = tpu.memref_slice %arg9[%mul3A_38, %dma_start3A_42] : memref<10240x128xf32, #tpu.memory_space<vmem_shared>> -> memref<640x128xf32, #tpu.memory_space<vmem_shared>>
        tpu.enqueue_dma source(%dma_start3A_43 : memref<640x128xf32, #tpu.memory_space<vmem_shared>>) target(%dma_start3A_41 : memref<640x128xf32, #tpu.memory_space<hbm>>) target_semaphore(%run_scoped3A : memref<!tpu.dma_semaphore, #tpu.memory_space<semaphore_mem>>)
        %dma_wait3A = arith.constant 0 : i32
        %dma_wait3A_44 = tpu.memref_slice %arg7[%mul3A_40, %dma_wait3A] : memref<10240x128xf32, #tpu.memory_space<hbm>> -> memref<640x128xf32, #tpu.memory_space<hbm>>
        %dma_wait3A_45 = arith.constant 0 : i32
        %dma_wait3A_46 = tpu.memref_slice %arg9[%mul3A_38, %dma_wait3A_45] : memref<10240x128xf32, #tpu.memory_space<vmem_shared>> -> memref<640x128xf32, #tpu.memory_space<vmem_shared>>
        tpu.wait_dma2 semaphore(%run_scoped3A : memref<!tpu.dma_semaphore, #tpu.memory_space<semaphore_mem>>) src(%dma_wait3A_46 : memref<640x128xf32, #tpu.memory_space<vmem_shared>>) dst(%dma_wait3A_44 : memref<640x128xf32, #tpu.memory_space<hbm>>)
        tpu.yield
      }) : () -> ()
    } else {
    }
    %eq3A_32 = arith.constant 1 : i32
    %eq3A_33 = arith.cmpi eq, %arg0, %eq3A_32 : i32
    %convert_element_type3A_34 = arith.extui %eq3A_33 : i1 to i32
    %cond3A_35 = arith.constant 0 : i32
    %cond3A_36 = arith.cmpi ne, %convert_element_type3A_34, %cond3A_35 : i32
    scf.if %cond3A_36 {
      %mul3A_37 = arith.constant 640 : i32
      %mul3A_38 = arith.muli %arg1, %mul3A_37 : i32
      %mul3A_39 = arith.constant 640 : i32
      %mul3A_40 = arith.muli %arg1, %mul3A_39 : i32
      "tpu.region"() ({
        %run_scoped3A = tpu.sem_alloc : memref<!tpu.dma_semaphore, #tpu.memory_space<semaphore_mem>>
        %dma_start3A = arith.constant 0 : i32
        %dma_start3A_41 = tpu.memref_slice %arg8[%mul3A_40, %dma_start3A] : memref<10240x128xf32, #tpu.memory_space<hbm>> -> memref<640x128xf32, #tpu.memory_space<hbm>>
        %dma_start3A_42 = arith.constant 0 : i32
        %dma_start3A_43 = tpu.memref_slice %arg9[%mul3A_38, %dma_start3A_42] : memref<10240x128xf32, #tpu.memory_space<vmem_shared>> -> memref<640x128xf32, #tpu.memory_space<vmem_shared>>
        tpu.enqueue_dma source(%dma_start3A_43 : memref<640x128xf32, #tpu.memory_space<vmem_shared>>) target(%dma_start3A_41 : memref<640x128xf32, #tpu.memory_space<hbm>>) target_semaphore(%run_scoped3A : memref<!tpu.dma_semaphore, #tpu.memory_space<semaphore_mem>>)
        %dma_wait3A = arith.constant 0 : i32
        %dma_wait3A_44 = tpu.memref_slice %arg8[%mul3A_40, %dma_wait3A] : memref<10240x128xf32, #tpu.memory_space<hbm>> -> memref<640x128xf32, #tpu.memory_space<hbm>>
        %dma_wait3A_45 = arith.constant 0 : i32
        %dma_wait3A_46 = tpu.memref_slice %arg9[%mul3A_38, %dma_wait3A_45] : memref<10240x128xf32, #tpu.memory_space<vmem_shared>> -> memref<640x128xf32, #tpu.memory_space<vmem_shared>>
        tpu.wait_dma2 semaphore(%run_scoped3A : memref<!tpu.dma_semaphore, #tpu.memory_space<semaphore_mem>>) src(%dma_wait3A_46 : memref<640x128xf32, #tpu.memory_space<vmem_shared>>) dst(%dma_wait3A_44 : memref<640x128xf32, #tpu.memory_space<hbm>>)
        tpu.yield
      }) : () -> ()
    } else {
    }
    return
  }
}

#map = affine_map<(d0, d1) -> (0)>
#map1 = affine_map<(d0, d1) -> (0, 0)>
module attributes {stable_mosaic.version = 14 : i64} {
  func.func @_gather_sc(%arg0: i32, %arg1: i32, %arg2: memref<1024xf32, #tpu.memory_space<hbm>>, %arg3: memref<10240x256xf32, #tpu.memory_space<hbm>>, %arg4: memref<10240x128xf32, #tpu.memory_space<hbm>>, %arg5: memref<1024x256xf32, #tpu.memory_space<hbm>>, %arg6: memref<1024x128xf32, #tpu.memory_space<hbm>>, %arg7: memref<128xi32, #tpu.memory_space<vmem>>, %arg8: memref<128xf32, #tpu.memory_space<vmem>>, %arg9: memref<128x256xf32, #tpu.memory_space<vmem>>, %arg10: memref<128x128xf32, #tpu.memory_space<vmem>>, %arg11: memref<!tpu.dma_semaphore, #tpu.memory_space<semaphore_mem>>) attributes {dimension_semantics = [#tpu.dimension_semantics<core_parallel>, #tpu.dimension_semantics<subcore_parallel>], iteration_bounds = array<i64: 2, 16>, scalar_prefetch = 0 : i64, scratch_operands = 5 : i64, tpu.core_type = #tpu.core_type<sc_vector_subcore>, window_params = [{transform_indices = #map}, {transform_indices = #map1}, {transform_indices = #map1}, {transform_indices = #map1}, {transform_indices = #map1}]} {
    %lt3A = arith.constant 8 : i32
    %lt3A_0 = arith.cmpi slt, %arg1, %lt3A : i32
    %convert_element_type3A = arith.extui %lt3A_0 : i1 to i32
    %cond3A = arith.constant 0 : i32
    %cond3A_1 = arith.cmpi ne, %convert_element_type3A, %cond3A : i32
    scf.if %cond3A_1 {
      %mul3A = arith.constant 128 : i32
      %mul3A_2 = arith.muli %arg1, %mul3A : i32
      "tpu.region"() ({
        %run_scoped3A = tpu.sem_alloc : memref<!tpu.dma_semaphore, #tpu.memory_space<semaphore_mem>>
        %dma_start3A = tpu.memref_slice %arg2[%mul3A_2] : memref<1024xf32, #tpu.memory_space<hbm>> -> memref<128xf32, #tpu.memory_space<hbm>>
        %dma_start3A_74 = tpu.memref_slice %arg2[%mul3A_2] : memref<1024xf32, #tpu.memory_space<hbm>> -> memref<128xf32, #tpu.memory_space<hbm>>
        tpu.enqueue_dma source(%dma_start3A_74 : memref<128xf32, #tpu.memory_space<hbm>>) target(%arg8 : memref<128xf32, #tpu.memory_space<vmem>>) target_semaphore(%run_scoped3A : memref<!tpu.dma_semaphore, #tpu.memory_space<semaphore_mem>>)
        %dma_wait3A = tpu.memref_slice %arg2[%mul3A_2] : memref<1024xf32, #tpu.memory_space<hbm>> -> memref<128xf32, #tpu.memory_space<hbm>>
        %dma_wait3A_75 = tpu.memref_slice %arg2[%mul3A_2] : memref<1024xf32, #tpu.memory_space<hbm>> -> memref<128xf32, #tpu.memory_space<hbm>>
        tpu.wait_dma2 semaphore(%run_scoped3A : memref<!tpu.dma_semaphore, #tpu.memory_space<semaphore_mem>>) src(%dma_wait3A_75 : memref<128xf32, #tpu.memory_space<hbm>>) dst(%arg8 : memref<128xf32, #tpu.memory_space<vmem>>)
        tpu.yield
      }) : () -> ()
      %get3A = arith.constant 0 : index
      %get3A_3 = tpu.vector_load %arg8[%get3A] {strides = array<i32>} : memref<128xf32, #tpu.memory_space<vmem>>, vector<16xf32>,
      %get3A_4 = vector.shape_cast %get3A_3 : vector<16xf32> to vector<16xf32>
      %convert_element_type3A_5 = arith.fptosi %get3A_4 : vector<16xf32> to vector<16xi32>
      %swap3A = arith.constant 0 : index
      %swap3A_6 = tpu.vector_load %arg7[%swap3A] {strides = array<i32>} : memref<128xi32, #tpu.memory_space<vmem>>, vector<16xi32>,
      %swap3A_7 = vector.shape_cast %swap3A_6 : vector<16xi32> to vector<16xi32>
      %swap3A_8 = vector.shape_cast %convert_element_type3A_5 : vector<16xi32> to vector<16xi32>
      tpu.vector_store %arg7[%swap3A], %swap3A_8 {strides = array<i32>} : memref<128xi32, #tpu.memory_space<vmem>>, vector<16xi32>,
      %get3A_9 = arith.constant 16 : index
      %get3A_10 = tpu.vector_load %arg8[%get3A_9] {strides = array<i32>} : memref<128xf32, #tpu.memory_space<vmem>>, vector<16xf32>,
      %get3A_11 = vector.shape_cast %get3A_10 : vector<16xf32> to vector<16xf32>
      %convert_element_type3A_12 = arith.fptosi %get3A_11 : vector<16xf32> to vector<16xi32>
      %swap3A_13 = arith.constant 16 : index
      %swap3A_14 = tpu.vector_load %arg7[%swap3A_13] {strides = array<i32>} : memref<128xi32, #tpu.memory_space<vmem>>, vector<16xi32>,
      %swap3A_15 = vector.shape_cast %swap3A_14 : vector<16xi32> to vector<16xi32>
      %swap3A_16 = vector.shape_cast %convert_element_type3A_12 : vector<16xi32> to vector<16xi32>
      tpu.vector_store %arg7[%swap3A_13], %swap3A_16 {strides = array<i32>} : memref<128xi32, #tpu.memory_space<vmem>>, vector<16xi32>,
      %get3A_17 = arith.constant 32 : index
      %get3A_18 = tpu.vector_load %arg8[%get3A_17] {strides = array<i32>} : memref<128xf32, #tpu.memory_space<vmem>>, vector<16xf32>,
      %get3A_19 = vector.shape_cast %get3A_18 : vector<16xf32> to vector<16xf32>
      %convert_element_type3A_20 = arith.fptosi %get3A_19 : vector<16xf32> to vector<16xi32>
      %swap3A_21 = arith.constant 32 : index
      %swap3A_22 = tpu.vector_load %arg7[%swap3A_21] {strides = array<i32>} : memref<128xi32, #tpu.memory_space<vmem>>, vector<16xi32>,
      %swap3A_23 = vector.shape_cast %swap3A_22 : vector<16xi32> to vector<16xi32>
      %swap3A_24 = vector.shape_cast %convert_element_type3A_20 : vector<16xi32> to vector<16xi32>
      tpu.vector_store %arg7[%swap3A_21], %swap3A_24 {strides = array<i32>} : memref<128xi32, #tpu.memory_space<vmem>>, vector<16xi32>,
      %get3A_25 = arith.constant 48 : index
      %get3A_26 = tpu.vector_load %arg8[%get3A_25] {strides = array<i32>} : memref<128xf32, #tpu.memory_space<vmem>>, vector<16xf32>,
      %get3A_27 = vector.shape_cast %get3A_26 : vector<16xf32> to vector<16xf32>
      %convert_element_type3A_28 = arith.fptosi %get3A_27 : vector<16xf32> to vector<16xi32>
      %swap3A_29 = arith.constant 48 : index
      %swap3A_30 = tpu.vector_load %arg7[%swap3A_29] {strides = array<i32>} : memref<128xi32, #tpu.memory_space<vmem>>, vector<16xi32>,
      %swap3A_31 = vector.shape_cast %swap3A_30 : vector<16xi32> to vector<16xi32>
      %swap3A_32 = vector.shape_cast %convert_element_type3A_28 : vector<16xi32> to vector<16xi32>
      tpu.vector_store %arg7[%swap3A_29], %swap3A_32 {strides = array<i32>} : memref<128xi32, #tpu.memory_space<vmem>>, vector<16xi32>,
      %get3A_33 = arith.constant 64 : index
      %get3A_34 = tpu.vector_load %arg8[%get3A_33] {strides = array<i32>} : memref<128xf32, #tpu.memory_space<vmem>>, vector<16xf32>,
      %get3A_35 = vector.shape_cast %get3A_34 : vector<16xf32> to vector<16xf32>
      %convert_element_type3A_36 = arith.fptosi %get3A_35 : vector<16xf32> to vector<16xi32>
      %swap3A_37 = arith.constant 64 : index
      %swap3A_38 = tpu.vector_load %arg7[%swap3A_37] {strides = array<i32>} : memref<128xi32, #tpu.memory_space<vmem>>, vector<16xi32>,
      %swap3A_39 = vector.shape_cast %swap3A_38 : vector<16xi32> to vector<16xi32>
      %swap3A_40 = vector.shape_cast %convert_element_type3A_36 : vector<16xi32> to vector<16xi32>
      tpu.vector_store %arg7[%swap3A_37], %swap3A_40 {strides = array<i32>} : memref<128xi32, #tpu.memory_space<vmem>>, vector<16xi32>,
      %get3A_41 = arith.constant 80 : index
      %get3A_42 = tpu.vector_load %arg8[%get3A_41] {strides = array<i32>} : memref<128xf32, #tpu.memory_space<vmem>>, vector<16xf32>,
      %get3A_43 = vector.shape_cast %get3A_42 : vector<16xf32> to vector<16xf32>
      %convert_element_type3A_44 = arith.fptosi %get3A_43 : vector<16xf32> to vector<16xi32>
      %swap3A_45 = arith.constant 80 : index
      %swap3A_46 = tpu.vector_load %arg7[%swap3A_45] {strides = array<i32>} : memref<128xi32, #tpu.memory_space<vmem>>, vector<16xi32>,
      %swap3A_47 = vector.shape_cast %swap3A_46 : vector<16xi32> to vector<16xi32>
      %swap3A_48 = vector.shape_cast %convert_element_type3A_44 : vector<16xi32> to vector<16xi32>
      tpu.vector_store %arg7[%swap3A_45], %swap3A_48 {strides = array<i32>} : memref<128xi32, #tpu.memory_space<vmem>>, vector<16xi32>,
      %get3A_49 = arith.constant 96 : index
      %get3A_50 = tpu.vector_load %arg8[%get3A_49] {strides = array<i32>} : memref<128xf32, #tpu.memory_space<vmem>>, vector<16xf32>,
      %get3A_51 = vector.shape_cast %get3A_50 : vector<16xf32> to vector<16xf32>
      %convert_element_type3A_52 = arith.fptosi %get3A_51 : vector<16xf32> to vector<16xi32>
      %swap3A_53 = arith.constant 96 : index
      %swap3A_54 = tpu.vector_load %arg7[%swap3A_53] {strides = array<i32>} : memref<128xi32, #tpu.memory_space<vmem>>, vector<16xi32>,
      %swap3A_55 = vector.shape_cast %swap3A_54 : vector<16xi32> to vector<16xi32>
      %swap3A_56 = vector.shape_cast %convert_element_type3A_52 : vector<16xi32> to vector<16xi32>
      tpu.vector_store %arg7[%swap3A_53], %swap3A_56 {strides = array<i32>} : memref<128xi32, #tpu.memory_space<vmem>>, vector<16xi32>,
      %get3A_57 = arith.constant 112 : index
      %get3A_58 = tpu.vector_load %arg8[%get3A_57] {strides = array<i32>} : memref<128xf32, #tpu.memory_space<vmem>>, vector<16xf32>,
      %get3A_59 = vector.shape_cast %get3A_58 : vector<16xf32> to vector<16xf32>
      %convert_element_type3A_60 = arith.fptosi %get3A_59 : vector<16xf32> to vector<16xi32>
      %swap3A_61 = arith.constant 112 : index
      %swap3A_62 = tpu.vector_load %arg7[%swap3A_61] {strides = array<i32>} : memref<128xi32, #tpu.memory_space<vmem>>, vector<16xi32>,
      %swap3A_63 = vector.shape_cast %swap3A_62 : vector<16xi32> to vector<16xi32>
      %swap3A_64 = vector.shape_cast %convert_element_type3A_60 : vector<16xi32> to vector<16xi32>
      tpu.vector_store %arg7[%swap3A_61], %swap3A_64 {strides = array<i32>} : memref<128xi32, #tpu.memory_space<vmem>>, vector<16xi32>,
      %eq3A = arith.constant 0 : i32
      %eq3A_65 = arith.cmpi eq, %arg0, %eq3A : i32
      %convert_element_type3A_66 = arith.extui %eq3A_65 : i1 to i32
      %cond3A_67 = arith.constant 0 : i32
      %cond3A_68 = arith.cmpi ne, %convert_element_type3A_66, %cond3A_67 : i32
      scf.if %cond3A_68 {
        %dma_start3A = arith.constant 0 : i32
        %dma_start3A_74 = arith.constant 0 : i32
        %dma_start3A_75 = tpu.memref_slice %arg3[%dma_start3A, %dma_start3A_74] : memref<10240x256xf32, #tpu.memory_space<hbm>> -> memref<10240x256xf32, #tpu.memory_space<hbm>>
        tpu.enqueue_indirect_dma source(%dma_start3A_75 : memref<10240x256xf32, #tpu.memory_space<hbm>>) target(%arg9 : memref<128x256xf32, #tpu.memory_space<vmem>>) offsets(%arg7 : memref<128xi32, #tpu.memory_space<vmem>>) semaphore(%arg11 : memref<!tpu.dma_semaphore, #tpu.memory_space<semaphore_mem>>)
        %dma_wait3A = arith.constant 0 : i32
        %dma_wait3A_76 = arith.constant 0 : i32
        %dma_wait3A_77 = tpu.memref_slice %arg3[%dma_wait3A, %dma_wait3A_76] : memref<10240x256xf32, #tpu.memory_space<hbm>> -> memref<10240x256xf32, #tpu.memory_space<hbm>>
        tpu.wait_indirect_dma semaphore(%arg11 : memref<!tpu.dma_semaphore, #tpu.memory_space<semaphore_mem>>) src(%dma_wait3A_77 : memref<10240x256xf32, #tpu.memory_space<hbm>>) dst(%arg9 : memref<128x256xf32, #tpu.memory_space<vmem>>)
        %mul3A_78 = arith.constant 128 : i32
        %mul3A_79 = arith.muli %arg1, %mul3A_78 : i32
        "tpu.region"() ({
          %run_scoped3A = tpu.sem_alloc : memref<!tpu.dma_semaphore, #tpu.memory_space<semaphore_mem>>
          %dma_start3A_80 = arith.constant 0 : i32
          %dma_start3A_81 = tpu.memref_slice %arg5[%mul3A_79, %dma_start3A_80] : memref<1024x256xf32, #tpu.memory_space<hbm>> -> memref<128x256xf32, #tpu.memory_space<hbm>>
          %dma_start3A_82 = arith.constant 0 : i32
          %dma_start3A_83 = tpu.memref_slice %arg5[%mul3A_79, %dma_start3A_82] : memref<1024x256xf32, #tpu.memory_space<hbm>> -> memref<128x256xf32, #tpu.memory_space<hbm>>
          tpu.enqueue_dma source(%arg9 : memref<128x256xf32, #tpu.memory_space<vmem>>) target(%dma_start3A_83 : memref<128x256xf32, #tpu.memory_space<hbm>>) target_semaphore(%run_scoped3A : memref<!tpu.dma_semaphore, #tpu.memory_space<semaphore_mem>>)
          %dma_wait3A_84 = arith.constant 0 : i32
          %dma_wait3A_85 = tpu.memref_slice %arg5[%mul3A_79, %dma_wait3A_84] : memref<1024x256xf32, #tpu.memory_space<hbm>> -> memref<128x256xf32, #tpu.memory_space<hbm>>
          %dma_wait3A_86 = arith.constant 0 : i32
          %dma_wait3A_87 = tpu.memref_slice %arg5[%mul3A_79, %dma_wait3A_86] : memref<1024x256xf32, #tpu.memory_space<hbm>> -> memref<128x256xf32, #tpu.memory_space<hbm>>
          tpu.wait_dma2 semaphore(%run_scoped3A : memref<!tpu.dma_semaphore, #tpu.memory_space<semaphore_mem>>) src(%arg9 : memref<128x256xf32, #tpu.memory_space<vmem>>) dst(%dma_wait3A_87 : memref<128x256xf32, #tpu.memory_space<hbm>>)
          tpu.yield
        }) : () -> ()
      } else {
      }
      %eq3A_69 = arith.constant 1 : i32
      %eq3A_70 = arith.cmpi eq, %arg0, %eq3A_69 : i32
      %convert_element_type3A_71 = arith.extui %eq3A_70 : i1 to i32
      %cond3A_72 = arith.constant 0 : i32
      %cond3A_73 = arith.cmpi ne, %convert_element_type3A_71, %cond3A_72 : i32
      scf.if %cond3A_73 {
        %dma_start3A = arith.constant 0 : i32
        %dma_start3A_74 = arith.constant 0 : i32
        %dma_start3A_75 = tpu.memref_slice %arg4[%dma_start3A, %dma_start3A_74] : memref<10240x128xf32, #tpu.memory_space<hbm>> -> memref<10240x128xf32, #tpu.memory_space<hbm>>
        tpu.enqueue_indirect_dma source(%dma_start3A_75 : memref<10240x128xf32, #tpu.memory_space<hbm>>) target(%arg10 : memref<128x128xf32, #tpu.memory_space<vmem>>) offsets(%arg7 : memref<128xi32, #tpu.memory_space<vmem>>) semaphore(%arg11 : memref<!tpu.dma_semaphore, #tpu.memory_space<semaphore_mem>>)
        %dma_wait3A = arith.constant 0 : i32
        %dma_wait3A_76 = arith.constant 0 : i32
        %dma_wait3A_77 = tpu.memref_slice %arg4[%dma_wait3A, %dma_wait3A_76] : memref<10240x128xf32, #tpu.memory_space<hbm>> -> memref<10240x128xf32, #tpu.memory_space<hbm>>
        tpu.wait_indirect_dma semaphore(%arg11 : memref<!tpu.dma_semaphore, #tpu.memory_space<semaphore_mem>>) src(%dma_wait3A_77 : memref<10240x128xf32, #tpu.memory_space<hbm>>) dst(%arg10 : memref<128x128xf32, #tpu.memory_space<vmem>>)
        %mul3A_78 = arith.constant 128 : i32
        %mul3A_79 = arith.muli %arg1, %mul3A_78 : i32
        "tpu.region"() ({
          %run_scoped3A = tpu.sem_alloc : memref<!tpu.dma_semaphore, #tpu.memory_space<semaphore_mem>>
          %dma_start3A_80 = arith.constant 0 : i32
          %dma_start3A_81 = tpu.memref_slice %arg6[%mul3A_79, %dma_start3A_80] : memref<1024x128xf32, #tpu.memory_space<hbm>> -> memref<128x128xf32, #tpu.memory_space<hbm>>
          %dma_start3A_82 = arith.constant 0 : i32
          %dma_start3A_83 = tpu.memref_slice %arg6[%mul3A_79, %dma_start3A_82] : memref<1024x128xf32, #tpu.memory_space<hbm>> -> memref<128x128xf32, #tpu.memory_space<hbm>>
          tpu.enqueue_dma source(%arg10 : memref<128x128xf32, #tpu.memory_space<vmem>>) target(%dma_start3A_83 : memref<128x128xf32, #tpu.memory_space<hbm>>) target_semaphore(%run_scoped3A : memref<!tpu.dma_semaphore, #tpu.memory_space<semaphore_mem>>)
          %dma_wait3A_84 = arith.constant 0 : i32
          %dma_wait3A_85 = tpu.memref_slice %arg6[%mul3A_79, %dma_wait3A_84] : memref<1024x128xf32, #tpu.memory_space<hbm>> -> memref<128x128xf32, #tpu.memory_space<hbm>>
          %dma_wait3A_86 = arith.constant 0 : i32
          %dma_wait3A_87 = tpu.memref_slice %arg6[%mul3A_79, %dma_wait3A_86] : memref<1024x128xf32, #tpu.memory_space<hbm>> -> memref<128x128xf32, #tpu.memory_space<hbm>>
          tpu.wait_dma2 semaphore(%run_scoped3A : memref<!tpu.dma_semaphore, #tpu.memory_space<semaphore_mem>>) src(%arg10 : memref<128x128xf32, #tpu.memory_space<vmem>>) dst(%dma_wait3A_87 : memref<128x128xf32, #tpu.memory_space<hbm>>)
          tpu.yield
        }) : () -> ()
      } else {
      }
    } else {
    }
    return
  }
}

#map = affine_map<(d0, d1) -> (0, 0)>
#map1 = affine_map<(d0, d1) -> (0)>
module attributes {stable_mosaic.version = 14 : i64} {
  func.func @_segsum_sc(%arg0: i32, %arg1: i32, %arg2: memref<10240x128xf32, #tpu.memory_space<hbm>>, %arg3: memref<10240x128xf32, #tpu.memory_space<hbm>>, %arg4: memref<161792xi32, #tpu.memory_space<hbm>>, %arg5: memref<161792xi32, #tpu.memory_space<hbm>>, %arg6: memref<640x128xf32, #tpu.memory_space<hbm>>, %arg7: memref<10240x128xf32, #tpu.memory_space<hbm>>, %arg8: memref<10240x128xf32, #tpu.memory_space<hbm>>, %arg9: memref<10240x128xf32, #tpu.memory_space<vmem_shared>>, %arg10: memref<128x128xf32, #tpu.memory_space<vmem>>, %arg11: memref<128x128xf32, #tpu.memory_space<vmem>>, %arg12: memref<10112xi32, #tpu.memory_space<vmem>>, %arg13: memref<128xi32, #tpu.memory_space<vmem>>, %arg14: memref<128xi32, #tpu.memory_space<vmem>>, %arg15: memref<!tpu.dma_semaphore, #tpu.memory_space<semaphore_mem>>, %arg16: memref<!tpu.dma_semaphore, #tpu.memory_space<semaphore_mem>>) attributes {dimension_semantics = [#tpu.dimension_semantics<core_parallel>, #tpu.dimension_semantics<subcore_parallel>], iteration_bounds = array<i64: 2, 16>, scalar_prefetch = 0 : i64, scratch_operands = 8 : i64, tpu.core_type = #tpu.core_type<sc_vector_subcore>, window_params = [{transform_indices = #map}, {transform_indices = #map}, {transform_indices = #map1}, {transform_indices = #map1}, {transform_indices = #map}, {transform_indices = #map}, {transform_indices = #map}]} {
    %mul3A = arith.constant 640 : i32
    %mul3A_0 = arith.muli %arg1, %mul3A : i32
    "tpu.region"() ({
      %run_scoped3A = tpu.sem_alloc : memref<!tpu.dma_semaphore, #tpu.memory_space<semaphore_mem>>
      %dma_start3A = arith.constant 0 : i32
      %dma_start3A_37 = tpu.memref_slice %arg9[%mul3A_0, %dma_start3A] : memref<10240x128xf32, #tpu.memory_space<vmem_shared>> -> memref<640x128xf32, #tpu.memory_space<vmem_shared>>
      tpu.enqueue_dma source(%arg6 : memref<640x128xf32, #tpu.memory_space<hbm>>) target(%dma_start3A_37 : memref<640x128xf32, #tpu.memory_space<vmem_shared>>) target_semaphore(%run_scoped3A : memref<!tpu.dma_semaphore, #tpu.memory_space<semaphore_mem>>)
      %dma_wait3A = arith.constant 0 : i32
      %dma_wait3A_38 = tpu.memref_slice %arg9[%mul3A_0, %dma_wait3A] : memref<10240x128xf32, #tpu.memory_space<vmem_shared>> -> memref<640x128xf32, #tpu.memory_space<vmem_shared>>
      tpu.wait_dma2 semaphore(%run_scoped3A : memref<!tpu.dma_semaphore, #tpu.memory_space<semaphore_mem>>) src(%arg6 : memref<640x128xf32, #tpu.memory_space<hbm>>) dst(%dma_wait3A_38 : memref<640x128xf32, #tpu.memory_space<vmem_shared>>)
      tpu.yield
    }) : () -> ()
    %mul3A_1 = arith.constant 78 : i32
    %mul3A_2 = arith.muli %mul3A_1, %arg1 : i32
    %min3A = arith.constant 2 : i32
    %min3A_3 = arith.minsi %arg1, %min3A : i32
    %add3A = arith.addi %mul3A_2, %min3A_3 : i32
    %lt3A = arith.constant 2 : i32
    %lt3A_4 = arith.cmpi slt, %arg1, %lt3A : i32
    %jit3A = arith.constant 1 : i32
    %jit3A_5 = arith.constant 0 : i32
    %select_n3A = arith.select %lt3A_4, %jit3A, %jit3A_5 : i32
    %add3A_6 = arith.constant 78 : i32
    %add3A_7 = arith.addi %add3A_6, %select_n3A : i32
    %mul3A_8 = arith.constant 128 : i32
    %mul3A_9 = arith.muli %add3A, %mul3A_8 : i32
    "tpu.region"() ({
      %run_scoped3A = tpu.sem_alloc : memref<!tpu.dma_semaphore, #tpu.memory_space<semaphore_mem>>
      %dma_start3A = tpu.memref_slice %arg4[%mul3A_9] : memref<161792xi32, #tpu.memory_space<hbm>> -> memref<10112xi32, #tpu.memory_space<hbm>>
      %dma_start3A_37 = tpu.memref_slice %arg4[%mul3A_9] : memref<161792xi32, #tpu.memory_space<hbm>> -> memref<10112xi32, #tpu.memory_space<hbm>>
      tpu.enqueue_dma source(%dma_start3A_37 : memref<10112xi32, #tpu.memory_space<hbm>>) target(%arg12 : memref<10112xi32, #tpu.memory_space<vmem>>) target_semaphore(%run_scoped3A : memref<!tpu.dma_semaphore, #tpu.memory_space<semaphore_mem>>)
      %dma_wait3A = tpu.memref_slice %arg4[%mul3A_9] : memref<161792xi32, #tpu.memory_space<hbm>> -> memref<10112xi32, #tpu.memory_space<hbm>>
      %dma_wait3A_38 = tpu.memref_slice %arg4[%mul3A_9] : memref<161792xi32, #tpu.memory_space<hbm>> -> memref<10112xi32, #tpu.memory_space<hbm>>
      tpu.wait_dma2 semaphore(%run_scoped3A : memref<!tpu.dma_semaphore, #tpu.memory_space<semaphore_mem>>) src(%dma_wait3A_38 : memref<10112xi32, #tpu.memory_space<hbm>>) dst(%arg12 : memref<10112xi32, #tpu.memory_space<vmem>>)
      tpu.yield
    }) : () -> ()
    %barrier3A = arith.constant 0 : index
    tpu.barrier barrier_id(%barrier3A)
    %eq3A = arith.constant 0 : i32
    %eq3A_10 = arith.cmpi eq, %arg0, %eq3A : i32
    %convert_element_type3A = arith.extui %eq3A_10 : i1 to i32
    %cond3A = arith.constant 0 : i32
    %cond3A_11 = arith.cmpi ne, %convert_element_type3A, %cond3A : i32
    scf.if %cond3A_11 {
      %dma_start3A = arith.constant 0 : i32
      %dma_start3A_37 = tpu.memref_slice %arg12[%dma_start3A] : memref<10112xi32, #tpu.memory_space<vmem>> -> memref<128xi32, #tpu.memory_space<vmem>>
      %dma_start3A_38 = arith.constant 0 : i32
      %dma_start3A_39 = arith.constant 0 : i32
      %dma_start3A_40 = tpu.memref_slice %arg2[%dma_start3A_38, %dma_start3A_39] : memref<10240x128xf32, #tpu.memory_space<hbm>> -> memref<10240x128xf32, #tpu.memory_space<hbm>>
      tpu.enqueue_indirect_dma source(%dma_start3A_40 : memref<10240x128xf32, #tpu.memory_space<hbm>>) target(%arg10 : memref<128x128xf32, #tpu.memory_space<vmem>>) offsets(%dma_start3A_37 : memref<128xi32, #tpu.memory_space<vmem>>) semaphore(%arg15 : memref<!tpu.dma_semaphore, #tpu.memory_space<semaphore_mem>>)
    } else {
    }
    %eq3A_12 = arith.constant 1 : i32
    %eq3A_13 = arith.cmpi eq, %arg0, %eq3A_12 : i32
    %convert_element_type3A_14 = arith.extui %eq3A_13 : i1 to i32
    %cond3A_15 = arith.constant 0 : i32
    %cond3A_16 = arith.cmpi ne, %convert_element_type3A_14, %cond3A_15 : i32
    scf.if %cond3A_16 {
      %dma_start3A = arith.constant 0 : i32
      %dma_start3A_37 = tpu.memref_slice %arg12[%dma_start3A] : memref<10112xi32, #tpu.memory_space<vmem>> -> memref<128xi32, #tpu.memory_space<vmem>>
      %dma_start3A_38 = arith.constant 0 : i32
      %dma_start3A_39 = arith.constant 0 : i32
      %dma_start3A_40 = tpu.memref_slice %arg3[%dma_start3A_38, %dma_start3A_39] : memref<10240x128xf32, #tpu.memory_space<hbm>> -> memref<10240x128xf32, #tpu.memory_space<hbm>>
      tpu.enqueue_indirect_dma source(%dma_start3A_40 : memref<10240x128xf32, #tpu.memory_space<hbm>>) target(%arg10 : memref<128x128xf32, #tpu.memory_space<vmem>>) offsets(%dma_start3A_37 : memref<128xi32, #tpu.memory_space<vmem>>) semaphore(%arg15 : memref<!tpu.dma_semaphore, #tpu.memory_space<semaphore_mem>>)
    } else {
    }
    %scan3A = arith.constant 0 : i32
    %scan3A_17 = arith.constant 0 : i32
    %scan3A_18 = arith.constant 39 : i32
    %scan3A_19 = arith.addi %scan3A_17, %scan3A_18 : i32
    %scan3A_20 = arith.constant 1 : i32
    scf.for %scan3A_37 = %scan3A_17 to %scan3A_19 step %scan3A_20  : i32 {
      %mul3A_38 = arith.constant 2 : i32
      %mul3A_39 = arith.muli %mul3A_38, %scan3A_37 : i32
      %add3A_40 = arith.constant 1 : i32
      %add3A_41 = arith.addi %mul3A_39, %add3A_40 : i32
      %mul3A_42 = arith.constant 128 : i32
      %mul3A_43 = arith.muli %add3A_41, %mul3A_42 : i32
      %eq3A_44 = arith.constant 0 : i32
      %eq3A_45 = arith.cmpi eq, %arg0, %eq3A_44 : i32
      %convert_element_type3A_46 = arith.extui %eq3A_45 : i1 to i32
      %cond3A_47 = arith.constant 0 : i32
      %cond3A_48 = arith.cmpi ne, %convert_element_type3A_46, %cond3A_47 : i32
      scf.if %cond3A_48 {
        %dma_start3A = tpu.memref_slice %arg12[%mul3A_43] : memref<10112xi32, #tpu.memory_space<vmem>> -> memref<128xi32, #tpu.memory_space<vmem>>
        %dma_start3A_85 = arith.constant 0 : i32
        %dma_start3A_86 = arith.constant 0 : i32
        %dma_start3A_87 = tpu.memref_slice %arg2[%dma_start3A_85, %dma_start3A_86] : memref<10240x128xf32, #tpu.memory_space<hbm>> -> memref<10240x128xf32, #tpu.memory_space<hbm>>
        tpu.enqueue_indirect_dma source(%dma_start3A_87 : memref<10240x128xf32, #tpu.memory_space<hbm>>) target(%arg11 : memref<128x128xf32, #tpu.memory_space<vmem>>) offsets(%dma_start3A : memref<128xi32, #tpu.memory_space<vmem>>) semaphore(%arg16 : memref<!tpu.dma_semaphore, #tpu.memory_space<semaphore_mem>>)
      } else {
      }
      %eq3A_49 = arith.constant 1 : i32
      %eq3A_50 = arith.cmpi eq, %arg0, %eq3A_49 : i32
      %convert_element_type3A_51 = arith.extui %eq3A_50 : i1 to i32
      %cond3A_52 = arith.constant 0 : i32
      %cond3A_53 = arith.cmpi ne, %convert_element_type3A_51, %cond3A_52 : i32
      scf.if %cond3A_53 {
        %dma_start3A = tpu.memref_slice %arg12[%mul3A_43] : memref<10112xi32, #tpu.memory_space<vmem>> -> memref<128xi32, #tpu.memory_space<vmem>>
        %dma_start3A_85 = arith.constant 0 : i32
        %dma_start3A_86 = arith.constant 0 : i32
        %dma_start3A_87 = tpu.memref_slice %arg3[%dma_start3A_85, %dma_start3A_86] : memref<10240x128xf32, #tpu.memory_space<hbm>> -> memref<10240x128xf32, #tpu.memory_space<hbm>>
        tpu.enqueue_indirect_dma source(%dma_start3A_87 : memref<10240x128xf32, #tpu.memory_space<hbm>>) target(%arg11 : memref<128x128xf32, #tpu.memory_space<vmem>>) offsets(%dma_start3A : memref<128xi32, #tpu.memory_space<vmem>>) semaphore(%arg16 : memref<!tpu.dma_semaphore, #tpu.memory_space<semaphore_mem>>)
      } else {
      }
      %dma_wait3A = arith.constant 0 : i32
      %dma_wait3A_54 = arith.constant 0 : i32
      %dma_wait3A_55 = tpu.memref_slice %arg2[%dma_wait3A, %dma_wait3A_54] : memref<10240x128xf32, #tpu.memory_space<hbm>> -> memref<128x128xf32, #tpu.memory_space<hbm>>
      %dma_wait3A_56 = arith.constant 0 : i32
      %dma_wait3A_57 = arith.constant 0 : i32
      %dma_wait3A_58 = tpu.memref_slice %arg2[%dma_wait3A_56, %dma_wait3A_57] : memref<10240x128xf32, #tpu.memory_space<hbm>> -> memref<128x128xf32, #tpu.memory_space<hbm>>
      tpu.wait_dma2 semaphore(%arg15 : memref<!tpu.dma_semaphore, #tpu.memory_space<semaphore_mem>>) src(%dma_wait3A_58 : memref<128x128xf32, #tpu.memory_space<hbm>>) dst(%arg10 : memref<128x128xf32, #tpu.memory_space<vmem>>)
      %mul3A_59 = arith.constant 2 : i32
      %mul3A_60 = arith.muli %mul3A_59, %scan3A_37 : i32
      %add3A_61 = arith.addi %add3A, %mul3A_60 : i32
      %mul3A_62 = arith.constant 128 : i32
      %mul3A_63 = arith.muli %add3A_61, %mul3A_62 : i32
      "tpu.region"() ({
        %run_scoped3A = tpu.sem_alloc : memref<!tpu.dma_semaphore, #tpu.memory_space<semaphore_mem>>
        %dma_start3A = tpu.memref_slice %arg5[%mul3A_63] : memref<161792xi32, #tpu.memory_space<hbm>> -> memref<128xi32, #tpu.memory_space<hbm>>
        %dma_start3A_85 = tpu.memref_slice %arg5[%mul3A_63] : memref<161792xi32, #tpu.memory_space<hbm>> -> memref<128xi32, #tpu.memory_space<hbm>>
        tpu.enqueue_dma source(%dma_start3A_85 : memref<128xi32, #tpu.memory_space<hbm>>) target(%arg13 : memref<128xi32, #tpu.memory_space<vmem>>) target_semaphore(%run_scoped3A : memref<!tpu.dma_semaphore, #tpu.memory_space<semaphore_mem>>)
        %dma_wait3A_86 = tpu.memref_slice %arg5[%mul3A_63] : memref<161792xi32, #tpu.memory_space<hbm>> -> memref<128xi32, #tpu.memory_space<hbm>>
        %dma_wait3A_87 = tpu.memref_slice %arg5[%mul3A_63] : memref<161792xi32, #tpu.memory_space<hbm>> -> memref<128xi32, #tpu.memory_space<hbm>>
        tpu.wait_dma2 semaphore(%run_scoped3A : memref<!tpu.dma_semaphore, #tpu.memory_space<semaphore_mem>>) src(%dma_wait3A_87 : memref<128xi32, #tpu.memory_space<hbm>>) dst(%arg13 : memref<128xi32, #tpu.memory_space<vmem>>)
        tpu.yield
      }) : () -> ()
      "tpu.region"() ({
        %run_scoped3A = tpu.sem_alloc : memref<!tpu.dma_semaphore, #tpu.memory_space<semaphore_mem>>
        %dma_start3A = arith.constant 0 : i32
        %dma_start3A_85 = arith.constant 0 : i32
        %dma_start3A_86 = tpu.memref_slice %arg9[%dma_start3A, %dma_start3A_85] : memref<10240x128xf32, #tpu.memory_space<vmem_shared>> -> memref<10240x128xf32, #tpu.memory_space<vmem_shared>>
        tpu.enqueue_indirect_dma source(%arg10 : memref<128x128xf32, #tpu.memory_space<vmem>>) target(%dma_start3A_86 : memref<10240x128xf32, #tpu.memory_space<vmem_shared>>) offsets(%arg13 : memref<128xi32, #tpu.memory_space<vmem>>) semaphore(%run_scoped3A : memref<!tpu.dma_semaphore, #tpu.memory_space<semaphore_mem>>) {add = true}
        %dma_wait3A_87 = arith.constant 0 : i32
        %dma_wait3A_88 = arith.constant 0 : i32
        %dma_wait3A_89 = tpu.memref_slice %arg9[%dma_wait3A_87, %dma_wait3A_88] : memref<10240x128xf32, #tpu.memory_space<vmem_shared>> -> memref<10240x128xf32, #tpu.memory_space<vmem_shared>>
        tpu.wait_indirect_dma semaphore(%run_scoped3A : memref<!tpu.dma_semaphore, #tpu.memory_space<semaphore_mem>>) src(%arg10 : memref<128x128xf32, #tpu.memory_space<vmem>>) dst(%dma_wait3A_89 : memref<10240x128xf32, #tpu.memory_space<vmem_shared>>)
        tpu.yield
      }) : () -> ()
      %mul3A_64 = arith.constant 2 : i32
      %mul3A_65 = arith.muli %mul3A_64, %scan3A_37 : i32
      %add3A_66 = arith.constant 2 : i32
      %add3A_67 = arith.addi %mul3A_65, %add3A_66 : i32
      %lt3A_68 = arith.cmpi slt, %add3A_67, %add3A_7 : i32
      %convert_element_type3A_69 = arith.extui %lt3A_68 : i1 to i32
      %cond3A_70 = arith.constant 0 : i32
      %cond3A_71 = arith.cmpi ne, %convert_element_type3A_69, %cond3A_70 : i32
      scf.if %cond3A_71 {
        %mul3A_85 = arith.constant 2 : i32
        %mul3A_86 = arith.muli %mul3A_85, %scan3A_37 : i32
        %add3A_87 = arith.constant 2 : i32
        %add3A_88 = arith.addi %mul3A_86, %add3A_87 : i32
        %mul3A_89 = arith.constant 128 : i32
        %mul3A_90 = arith.muli %add3A_88, %mul3A_89 : i32
        %eq3A_91 = arith.constant 0 : i32
        %eq3A_92 = arith.cmpi eq, %arg0, %eq3A_91 : i32
        %convert_element_type3A_93 = arith.extui %eq3A_92 : i1 to i32
        %cond3A_94 = arith.constant 0 : i32
        %cond3A_95 = arith.cmpi ne, %convert_element_type3A_93, %cond3A_94 : i32
        scf.if %cond3A_95 {
          %dma_start3A = tpu.memref_slice %arg12[%mul3A_90] : memref<10112xi32, #tpu.memory_space<vmem>> -> memref<128xi32, #tpu.memory_space<vmem>>
          %dma_start3A_101 = arith.constant 0 : i32
          %dma_start3A_102 = arith.constant 0 : i32
          %dma_start3A_103 = tpu.memref_slice %arg2[%dma_start3A_101, %dma_start3A_102] : memref<10240x128xf32, #tpu.memory_space<hbm>> -> memref<10240x128xf32, #tpu.memory_space<hbm>>
          tpu.enqueue_indirect_dma source(%dma_start3A_103 : memref<10240x128xf32, #tpu.memory_space<hbm>>) target(%arg10 : memref<128x128xf32, #tpu.memory_space<vmem>>) offsets(%dma_start3A : memref<128xi32, #tpu.memory_space<vmem>>) semaphore(%arg15 : memref<!tpu.dma_semaphore, #tpu.memory_space<semaphore_mem>>)
        } else {
        }
        %eq3A_96 = arith.constant 1 : i32
        %eq3A_97 = arith.cmpi eq, %arg0, %eq3A_96 : i32
        %convert_element_type3A_98 = arith.extui %eq3A_97 : i1 to i32
        %cond3A_99 = arith.constant 0 : i32
        %cond3A_100 = arith.cmpi ne, %convert_element_type3A_98, %cond3A_99 : i32
        scf.if %cond3A_100 {
          %dma_start3A = tpu.memref_slice %arg12[%mul3A_90] : memref<10112xi32, #tpu.memory_space<vmem>> -> memref<128xi32, #tpu.memory_space<vmem>>
          %dma_start3A_101 = arith.constant 0 : i32
          %dma_start3A_102 = arith.constant 0 : i32
          %dma_start3A_103 = tpu.memref_slice %arg3[%dma_start3A_101, %dma_start3A_102] : memref<10240x128xf32, #tpu.memory_space<hbm>> -> memref<10240x128xf32, #tpu.memory_space<hbm>>
          tpu.enqueue_indirect_dma source(%dma_start3A_103 : memref<10240x128xf32, #tpu.memory_space<hbm>>) target(%arg10 : memref<128x128xf32, #tpu.memory_space<vmem>>) offsets(%dma_start3A : memref<128xi32, #tpu.memory_space<vmem>>) semaphore(%arg15 : memref<!tpu.dma_semaphore, #tpu.memory_space<semaphore_mem>>)
        } else {
        }
      } else {
      }
      %dma_wait3A_72 = arith.constant 0 : i32
      %dma_wait3A_73 = arith.constant 0 : i32
      %dma_wait3A_74 = tpu.memref_slice %arg2[%dma_wait3A_72, %dma_wait3A_73] : memref<10240x128xf32, #tpu.memory_space<hbm>> -> memref<128x128xf32, #tpu.memory_space<hbm>>
      %dma_wait3A_75 = arith.constant 0 : i32
      %dma_wait3A_76 = arith.constant 0 : i32
      %dma_wait3A_77 = tpu.memref_slice %arg2[%dma_wait3A_75, %dma_wait3A_76] : memref<10240x128xf32, #tpu.memory_space<hbm>> -> memref<128x128xf32, #tpu.memory_space<hbm>>
      tpu.wait_dma2 semaphore(%arg16 : memref<!tpu.dma_semaphore, #tpu.memory_space<semaphore_mem>>) src(%dma_wait3A_77 : memref<128x128xf32, #tpu.memory_space<hbm>>) dst(%arg11 : memref<128x128xf32, #tpu.memory_space<vmem>>)
      %mul3A_78 = arith.constant 2 : i32
      %mul3A_79 = arith.muli %mul3A_78, %scan3A_37 : i32
      %add3A_80 = arith.constant 1 : i32
      %add3A_81 = arith.addi %mul3A_79, %add3A_80 : i32
      %add3A_82 = arith.addi %add3A, %add3A_81 : i32
      %mul3A_83 = arith.constant 128 : i32
      %mul3A_84 = arith.muli %add3A_82, %mul3A_83 : i32
      "tpu.region"() ({
        %run_scoped3A = tpu.sem_alloc : memref<!tpu.dma_semaphore, #tpu.memory_space<semaphore_mem>>
        %dma_start3A = tpu.memref_slice %arg5[%mul3A_84] : memref<161792xi32, #tpu.memory_space<hbm>> -> memref<128xi32, #tpu.memory_space<hbm>>
        %dma_start3A_85 = tpu.memref_slice %arg5[%mul3A_84] : memref<161792xi32, #tpu.memory_space<hbm>> -> memref<128xi32, #tpu.memory_space<hbm>>
        tpu.enqueue_dma source(%dma_start3A_85 : memref<128xi32, #tpu.memory_space<hbm>>) target(%arg14 : memref<128xi32, #tpu.memory_space<vmem>>) target_semaphore(%run_scoped3A : memref<!tpu.dma_semaphore, #tpu.memory_space<semaphore_mem>>)
        %dma_wait3A_86 = tpu.memref_slice %arg5[%mul3A_84] : memref<161792xi32, #tpu.memory_space<hbm>> -> memref<128xi32, #tpu.memory_space<hbm>>
        %dma_wait3A_87 = tpu.memref_slice %arg5[%mul3A_84] : memref<161792xi32, #tpu.memory_space<hbm>> -> memref<128xi32, #tpu.memory_space<hbm>>
        tpu.wait_dma2 semaphore(%run_scoped3A : memref<!tpu.dma_semaphore, #tpu.memory_space<semaphore_mem>>) src(%dma_wait3A_87 : memref<128xi32, #tpu.memory_space<hbm>>) dst(%arg14 : memref<128xi32, #tpu.memory_space<vmem>>)
        tpu.yield
      }) : () -> ()
      "tpu.region"() ({
        %run_scoped3A = tpu.sem_alloc : memref<!tpu.dma_semaphore, #tpu.memory_space<semaphore_mem>>
        %dma_start3A = arith.constant 0 : i32
        %dma_start3A_85 = arith.constant 0 : i32
        %dma_start3A_86 = tpu.memref_slice %arg9[%dma_start3A, %dma_start3A_85] : memref<10240x128xf32, #tpu.memory_space<vmem_shared>> -> memref<10240x128xf32, #tpu.memory_space<vmem_shared>>
        tpu.enqueue_indirect_dma source(%arg11 : memref<128x128xf32, #tpu.memory_space<vmem>>) target(%dma_start3A_86 : memref<10240x128xf32, #tpu.memory_space<vmem_shared>>) offsets(%arg14 : memref<128xi32, #tpu.memory_space<vmem>>) semaphore(%run_scoped3A : memref<!tpu.dma_semaphore, #tpu.memory_space<semaphore_mem>>) {add = true}
        %dma_wait3A_87 = arith.constant 0 : i32
        %dma_wait3A_88 = arith.constant 0 : i32
        %dma_wait3A_89 = tpu.memref_slice %arg9[%dma_wait3A_87, %dma_wait3A_88] : memref<10240x128xf32, #tpu.memory_space<vmem_shared>> -> memref<10240x128xf32, #tpu.memory_space<vmem_shared>>
        tpu.wait_indirect_dma semaphore(%run_scoped3A : memref<!tpu.dma_semaphore, #tpu.memory_space<semaphore_mem>>) src(%arg11 : memref<128x128xf32, #tpu.memory_space<vmem>>) dst(%dma_wait3A_89 : memref<10240x128xf32, #tpu.memory_space<vmem_shared>>)
        tpu.yield
      }) : () -> ()
    }
    %scan3A_21 = arith.constant 39 : i32
    %gt3A = arith.constant 78 : i32
    %gt3A_22 = arith.cmpi sgt, %add3A_7, %gt3A : i32
    %convert_element_type3A_23 = arith.extui %gt3A_22 : i1 to i32
    %cond3A_24 = arith.constant 0 : i32
    %cond3A_25 = arith.cmpi ne, %convert_element_type3A_23, %cond3A_24 : i32
    scf.if %cond3A_25 {
      %dma_wait3A = arith.constant 0 : i32
      %dma_wait3A_37 = arith.constant 0 : i32
      %dma_wait3A_38 = tpu.memref_slice %arg2[%dma_wait3A, %dma_wait3A_37] : memref<10240x128xf32, #tpu.memory_space<hbm>> -> memref<128x128xf32, #tpu.memory_space<hbm>>
      %dma_wait3A_39 = arith.constant 0 : i32
      %dma_wait3A_40 = arith.constant 0 : i32
      %dma_wait3A_41 = tpu.memref_slice %arg2[%dma_wait3A_39, %dma_wait3A_40] : memref<10240x128xf32, #tpu.memory_space<hbm>> -> memref<128x128xf32, #tpu.memory_space<hbm>>
      tpu.wait_dma2 semaphore(%arg15 : memref<!tpu.dma_semaphore, #tpu.memory_space<semaphore_mem>>) src(%dma_wait3A_41 : memref<128x128xf32, #tpu.memory_space<hbm>>) dst(%arg10 : memref<128x128xf32, #tpu.memory_space<vmem>>)
      %add3A_42 = arith.constant 78 : i32
      %add3A_43 = arith.addi %add3A, %add3A_42 : i32
      %mul3A_44 = arith.constant 128 : i32
      %mul3A_45 = arith.muli %add3A_43, %mul3A_44 : i32
      "tpu.region"() ({
        %run_scoped3A = tpu.sem_alloc : memref<!tpu.dma_semaphore, #tpu.memory_space<semaphore_mem>>
        %dma_start3A = tpu.memref_slice %arg5[%mul3A_45] : memref<161792xi32, #tpu.memory_space<hbm>> -> memref<128xi32, #tpu.memory_space<hbm>>
        %dma_start3A_46 = tpu.memref_slice %arg5[%mul3A_45] : memref<161792xi32, #tpu.memory_space<hbm>> -> memref<128xi32, #tpu.memory_space<hbm>>
        tpu.enqueue_dma source(%dma_start3A_46 : memref<128xi32, #tpu.memory_space<hbm>>) target(%arg13 : memref<128xi32, #tpu.memory_space<vmem>>) target_semaphore(%run_scoped3A : memref<!tpu.dma_semaphore, #tpu.memory_space<semaphore_mem>>)
        %dma_wait3A_47 = tpu.memref_slice %arg5[%mul3A_45] : memref<161792xi32, #tpu.memory_space<hbm>> -> memref<128xi32, #tpu.memory_space<hbm>>
        %dma_wait3A_48 = tpu.memref_slice %arg5[%mul3A_45] : memref<161792xi32, #tpu.memory_space<hbm>> -> memref<128xi32, #tpu.memory_space<hbm>>
        tpu.wait_dma2 semaphore(%run_scoped3A : memref<!tpu.dma_semaphore, #tpu.memory_space<semaphore_mem>>) src(%dma_wait3A_48 : memref<128xi32, #tpu.memory_space<hbm>>) dst(%arg13 : memref<128xi32, #tpu.memory_space<vmem>>)
        tpu.yield
      }) : () -> ()
      "tpu.region"() ({
        %run_scoped3A = tpu.sem_alloc : memref<!tpu.dma_semaphore, #tpu.memory_space<semaphore_mem>>
        %dma_start3A = arith.constant 0 : i32
        %dma_start3A_46 = arith.constant 0 : i32
        %dma_start3A_47 = tpu.memref_slice %arg9[%dma_start3A, %dma_start3A_46] : memref<10240x128xf32, #tpu.memory_space<vmem_shared>> -> memref<10240x128xf32, #tpu.memory_space<vmem_shared>>
        tpu.enqueue_indirect_dma source(%arg10 : memref<128x128xf32, #tpu.memory_space<vmem>>) target(%dma_start3A_47 : memref<10240x128xf32, #tpu.memory_space<vmem_shared>>) offsets(%arg13 : memref<128xi32, #tpu.memory_space<vmem>>) semaphore(%run_scoped3A : memref<!tpu.dma_semaphore, #tpu.memory_space<semaphore_mem>>) {add = true}
        %dma_wait3A_48 = arith.constant 0 : i32
        %dma_wait3A_49 = arith.constant 0 : i32
        %dma_wait3A_50 = tpu.memref_slice %arg9[%dma_wait3A_48, %dma_wait3A_49] : memref<10240x128xf32, #tpu.memory_space<vmem_shared>> -> memref<10240x128xf32, #tpu.memory_space<vmem_shared>>
        tpu.wait_indirect_dma semaphore(%run_scoped3A : memref<!tpu.dma_semaphore, #tpu.memory_space<semaphore_mem>>) src(%arg10 : memref<128x128xf32, #tpu.memory_space<vmem>>) dst(%dma_wait3A_50 : memref<10240x128xf32, #tpu.memory_space<vmem_shared>>)
        tpu.yield
      }) : () -> ()
    } else {
    }
    %barrier3A_26 = arith.constant 0 : index
    tpu.barrier barrier_id(%barrier3A_26)
    %eq3A_27 = arith.constant 0 : i32
    %eq3A_28 = arith.cmpi eq, %arg0, %eq3A_27 : i32
    %convert_element_type3A_29 = arith.extui %eq3A_28 : i1 to i32
    %cond3A_30 = arith.constant 0 : i32
    %cond3A_31 = arith.cmpi ne, %convert_element_type3A_29, %cond3A_30 : i32
    scf.if %cond3A_31 {
      %mul3A_37 = arith.constant 640 : i32
      %mul3A_38 = arith.muli %arg1, %mul3A_37 : i32
      %mul3A_39 = arith.constant 640 : i32
      %mul3A_40 = arith.muli %arg1, %mul3A_39 : i32
      "tpu.region"() ({
        %run_scoped3A = tpu.sem_alloc : memref<!tpu.dma_semaphore, #tpu.memory_space<semaphore_mem>>
        %dma_start3A = arith.constant 0 : i32
        %dma_start3A_41 = tpu.memref_slice %arg7[%mul3A_40, %dma_start3A] : memref<10240x128xf32, #tpu.memory_space<hbm>> -> memref<640x128xf32, #tpu.memory_space<hbm>>
        %dma_start3A_42 = arith.constant 0 : i32
        %dma_start3A_43 = tpu.memref_slice %arg9[%mul3A_38, %dma_start3A_42] : memref<10240x128xf32, #tpu.memory_space<vmem_shared>> -> memref<640x128xf32, #tpu.memory_space<vmem_shared>>
        tpu.enqueue_dma source(%dma_start3A_43 : memref<640x128xf32, #tpu.memory_space<vmem_shared>>) target(%dma_start3A_41 : memref<640x128xf32, #tpu.memory_space<hbm>>) target_semaphore(%run_scoped3A : memref<!tpu.dma_semaphore, #tpu.memory_space<semaphore_mem>>)
        %dma_wait3A = arith.constant 0 : i32
        %dma_wait3A_44 = tpu.memref_slice %arg7[%mul3A_40, %dma_wait3A] : memref<10240x128xf32, #tpu.memory_space<hbm>> -> memref<640x128xf32, #tpu.memory_space<hbm>>
        %dma_wait3A_45 = arith.constant 0 : i32
        %dma_wait3A_46 = tpu.memref_slice %arg9[%mul3A_38, %dma_wait3A_45] : memref<10240x128xf32, #tpu.memory_space<vmem_shared>> -> memref<640x128xf32, #tpu.memory_space<vmem_shared>>
        tpu.wait_dma2 semaphore(%run_scoped3A : memref<!tpu.dma_semaphore, #tpu.memory_space<semaphore_mem>>) src(%dma_wait3A_46 : memref<640x128xf32, #tpu.memory_space<vmem_shared>>) dst(%dma_wait3A_44 : memref<640x128xf32, #tpu.memory_space<hbm>>)
        tpu.yield
      }) : () -> ()
    } else {
    }
    %eq3A_32 = arith.constant 1 : i32
    %eq3A_33 = arith.cmpi eq, %arg0, %eq3A_32 : i32
    %convert_element_type3A_34 = arith.extui %eq3A_33 : i1 to i32
    %cond3A_35 = arith.constant 0 : i32
    %cond3A_36 = arith.cmpi ne, %convert_element_type3A_34, %cond3A_35 : i32
    scf.if %cond3A_36 {
      %mul3A_37 = arith.constant 640 : i32
      %mul3A_38 = arith.muli %arg1, %mul3A_37 : i32
      %mul3A_39 = arith.constant 640 : i32
      %mul3A_40 = arith.muli %arg1, %mul3A_39 : i32
      "tpu.region"() ({
        %run_scoped3A = tpu.sem_alloc : memref<!tpu.dma_semaphore, #tpu.memory_space<semaphore_mem>>
        %dma_start3A = arith.constant 0 : i32
        %dma_start3A_41 = tpu.memref_slice %arg8[%mul3A_40, %dma_start3A] : memref<10240x128xf32, #tpu.memory_space<hbm>> -> memref<640x128xf32, #tpu.memory_space<hbm>>
        %dma_start3A_42 = arith.constant 0 : i32
        %dma_start3A_43 = tpu.memref_slice %arg9[%mul3A_38, %dma_start3A_42] : memref<10240x128xf32, #tpu.memory_space<vmem_shared>> -> memref<640x128xf32, #tpu.memory_space<vmem_shared>>
        tpu.enqueue_dma source(%dma_start3A_43 : memref<640x128xf32, #tpu.memory_space<vmem_shared>>) target(%dma_start3A_41 : memref<640x128xf32, #tpu.memory_space<hbm>>) target_semaphore(%run_scoped3A : memref<!tpu.dma_semaphore, #tpu.memory_space<semaphore_mem>>)
        %dma_wait3A = arith.constant 0 : i32
        %dma_wait3A_44 = tpu.memref_slice %arg8[%mul3A_40, %dma_wait3A] : memref<10240x128xf32, #tpu.memory_space<hbm>> -> memref<640x128xf32, #tpu.memory_space<hbm>>
        %dma_wait3A_45 = arith.constant 0 : i32
        %dma_wait3A_46 = tpu.memref_slice %arg9[%mul3A_38, %dma_wait3A_45] : memref<10240x128xf32, #tpu.memory_space<vmem_shared>> -> memref<640x128xf32, #tpu.memory_space<vmem_shared>>
        tpu.wait_dma2 semaphore(%run_scoped3A : memref<!tpu.dma_semaphore, #tpu.memory_space<semaphore_mem>>) src(%dma_wait3A_46 : memref<640x128xf32, #tpu.memory_space<vmem_shared>>) dst(%dma_wait3A_44 : memref<640x128xf32, #tpu.memory_space<hbm>>)
        tpu.yield
      }) : () -> ()
    } else {
    }
    return
  }
}

module attributes {stable_mosaic.version = 14 : i64} {
  func.func @_conv_prep_body(%arg0: i32, %arg1: memref<512x256xf32, #tpu.memory_space<vmem>>, %arg2: memref<256x256xf32, #tpu.memory_space<vmem>>, %arg3: memref<1x256xf32, #tpu.memory_space<vmem>>, %arg4: memref<512x1xf32, #tpu.memory_space<vmem>>, %arg5: memref<512x1xf32, #tpu.memory_space<vmem>>, %arg6: memref<512x128xf32, #tpu.memory_space<vmem>>, %arg7: memref<512x128xf32, #tpu.memory_space<vmem>>, %arg8: memref<512x256xf32, #tpu.memory_space<vmem>>, %arg9: memref<512x1xf32, #tpu.memory_space<vmem>>, %arg10: memref<512x1xf32, #tpu.memory_space<vmem>>, %arg11: memref<512x1xf32, #tpu.memory_space<vmem>>, %arg12: memref<1x16xf32, #tpu.memory_space<vmem>>, %arg13: memref<1x1xf32, #tpu.memory_space<smem>>) attributes {dimension_semantics = [#tpu.dimension_semantics<arbitrary>], iteration_bounds = array<i64: 20>, scalar_prefetch = 0 : i64, scratch_operands = 1 : i64, tpu.core_type = #tpu.core_type<tc>, window_params = [{transform_indices = @transform_0, window_bounds = array<i64: 512, 256>}, {pipeline_mode = #tpu.pipeline_mode<synchronous>, transform_indices = @transform_1, window_bounds = array<i64: 256, 256>}, {pipeline_mode = #tpu.pipeline_mode<synchronous>, transform_indices = @transform_2, window_bounds = array<i64: 1, 256>}, {transform_indices = @transform_3, window_bounds = array<i64: 512, 1>}, {transform_indices = @transform_4, window_bounds = array<i64: 512, 1>}, {transform_indices = @transform_5, window_bounds = array<i64: 512, 128>}, {transform_indices = @transform_6, window_bounds = array<i64: 512, 128>}, {transform_indices = @transform_7, window_bounds = array<i64: 512, 256>}, {transform_indices = @transform_8, window_bounds = array<i64: 512, 1>}, {transform_indices = @transform_9, window_bounds = array<i64: 512, 1>}, {transform_indices = @transform_10, window_bounds = array<i64: 512, 1>}, {pipeline_mode = #tpu.pipeline_mode<synchronous>, transform_indices = @transform_11, window_bounds = array<i64: 1, 16>}]} {
    %get3A = arith.constant 0 : index
    %get3A_0 = arith.constant 0 : index
    %get3A_1 = vector.load %arg1[%get3A, %get3A_0] : memref<512x256xf32, #tpu.memory_space<vmem>>, vector<512x256xf32>
    %get3A_2 = arith.constant 0 : index
    %get3A_3 = arith.constant 0 : index
    %get3A_4 = vector.load %arg2[%get3A_2, %get3A_3] : memref<256x256xf32, #tpu.memory_space<vmem>>, vector<256x256xf32>
    %dot_general3A = arith.constant dense<0.000000e+00> : vector<512x256xf32>
    %dot_general3A_5 = tpu.matmul %get3A_1, %get3A_4, %dot_general3A {dimension_numbers = #tpu.dot_dimension_numbers<[1], [0], [0], [1], [0, 0, 1, 1], [], []>, transpose_lhs_hint = false} : vector<512x256xf32>, vector<256x256xf32>, vector<512x256xf32> -> vector<512x256xf32>
    %get3A_6 = arith.constant 0 : index
    %get3A_7 = arith.constant 0 : index
    %get3A_8 = vector.load %arg4[%get3A_6, %get3A_7] : memref<512x1xf32, #tpu.memory_space<vmem>>, vector<512x1xf32>
    %add3A = arith.constant 2.000000e+00 : f32
    %add3A_9 = vector.broadcast %add3A : f32 to vector<512x1xf32>
    %add3A_10 = arith.addf %get3A_8, %add3A_9 : vector<512x1xf32>
    %rsqrt3A = math.rsqrt %add3A_10 : vector<512x1xf32>
    %mul3A = vector.broadcast %rsqrt3A : vector<512x1xf32> to vector<512x256xf32>
    %mul3A_11 = arith.mulf %mul3A, %dot_general3A_5 : vector<512x256xf32>
    %slice3A = vector.extract_strided_slice %mul3A_11 {offsets = [0, 0], sizes = [512, 128], strides = [1, 1]} : vector<512x256xf32> to vector<512x128xf32>
    %swap3A = arith.constant 0 : index
    %swap3A_12 = arith.constant 0 : index
    %swap3A_13 = vector.load %arg6[%swap3A, %swap3A_12] : memref<512x128xf32, #tpu.memory_space<vmem>>, vector<512x128xf32>
    tpu.vector_store %arg6[%swap3A, %swap3A_12], %slice3A {strides = array<i32>} : memref<512x128xf32, #tpu.memory_space<vmem>>, vector<512x128xf32>,
    %slice3A_14 = vector.extract_strided_slice %mul3A_11 {offsets = [0, 128], sizes = [512, 128], strides = [1, 1]} : vector<512x256xf32> to vector<512x128xf32>
    %swap3A_15 = arith.constant 0 : index
    %swap3A_16 = arith.constant 0 : index
    %swap3A_17 = vector.load %arg7[%swap3A_15, %swap3A_16] : memref<512x128xf32, #tpu.memory_space<vmem>>, vector<512x128xf32>
    tpu.vector_store %arg7[%swap3A_15, %swap3A_16], %slice3A_14 {strides = array<i32>} : memref<512x128xf32, #tpu.memory_space<vmem>>, vector<512x128xf32>,
    %mul3A_18 = arith.constant 2.000000e+00 : f32
    %mul3A_19 = vector.broadcast %mul3A_18 : f32 to vector<512x1xf32>
    %mul3A_20 = arith.mulf %mul3A_19, %rsqrt3A : vector<512x1xf32>
    %mul3A_21 = arith.mulf %mul3A_20, %rsqrt3A : vector<512x1xf32>
    %mul3A_22 = vector.broadcast %mul3A_21 : vector<512x1xf32> to vector<512x256xf32>
    %mul3A_23 = arith.mulf %mul3A_22, %dot_general3A_5 : vector<512x256xf32>
    %get3A_24 = arith.constant 0 : index
    %get3A_25 = arith.constant 0 : index
    %get3A_26 = vector.load %arg3[%get3A_24, %get3A_25] : memref<1x256xf32, #tpu.memory_space<vmem>>, vector<1x256xf32>
    %add3A_27 = vector.broadcast %get3A_26 : vector<1x256xf32> to vector<512x256xf32>
    %add3A_28 = arith.addf %mul3A_23, %add3A_27 : vector<512x256xf32>
    %swap3A_29 = arith.constant 0 : index
    %swap3A_30 = arith.constant 0 : index
    %swap3A_31 = vector.load %arg8[%swap3A_29, %swap3A_30] : memref<512x256xf32, #tpu.memory_space<vmem>>, vector<512x256xf32>
    tpu.vector_store %arg8[%swap3A_29, %swap3A_30], %add3A_28 {strides = array<i32>} : memref<512x256xf32, #tpu.memory_space<vmem>>, vector<512x256xf32>,
    %swap3A_32 = arith.constant 0 : index
    %swap3A_33 = arith.constant 0 : index
    %swap3A_34 = vector.load %arg9[%swap3A_32, %swap3A_33] : memref<512x1xf32, #tpu.memory_space<vmem>>, vector<512x1xf32>
    tpu.vector_store %arg9[%swap3A_32, %swap3A_33], %rsqrt3A {strides = array<i32>} : memref<512x1xf32, #tpu.memory_space<vmem>>, vector<512x1xf32>,
    %eq3A = arith.constant 0 : i32
    %eq3A_35 = arith.cmpi eq, %arg0, %eq3A : i32
    %convert_element_type3A = arith.extui %eq3A_35 : i1 to i32
    %cond3A = arith.constant 0 : i32
    %cond3A_36 = arith.cmpi ne, %convert_element_type3A, %cond3A : i32
    scf.if %cond3A_36 {
      %swap3A_93 = arith.constant 0.000000e+00 : f32
      %swap3A_94 = arith.constant 0 : index
      %swap3A_95 = arith.constant 0 : index
      %swap3A_96 = memref.load %arg13[%swap3A_94, %swap3A_95] : memref<1x1xf32, #tpu.memory_space<smem>>
      memref.store %swap3A_93, %arg13[%swap3A_94, %swap3A_95] : memref<1x1xf32, #tpu.memory_space<smem>>
    } else {
    }
    %iota3A = tpu.iota {dimensions = array<i32: 0>} : vector<512x1xi32>
    %mul3A_37 = arith.constant 512 : i32
    %mul3A_38 = arith.muli %arg0, %mul3A_37 : i32
    %add3A_39 = vector.broadcast %mul3A_38 : i32 to vector<512x1xi32>
    %add3A_40 = arith.addi %iota3A, %add3A_39 : vector<512x1xi32>
    %get3A_41 = arith.constant 0 : index
    %get3A_42 = arith.constant 0 : index
    %get3A_43 = vector.load %arg5[%get3A_41, %get3A_42] : memref<512x1xf32, #tpu.memory_space<vmem>>, vector<512x1xf32>
    %eq3A_44 = arith.constant 0.000000e+00 : f32
    %eq3A_45 = vector.broadcast %eq3A_44 : f32 to vector<512x1xf32>
    %eq3A_46 = arith.cmpf oeq, %get3A_43, %eq3A_45 : vector<512x1xf32>
    %lt3A = arith.constant 10000 : i32
    %lt3A_47 = vector.broadcast %lt3A : i32 to vector<512x1xi32>
    %lt3A_48 = arith.cmpi slt, %add3A_40, %lt3A_47 : vector<512x1xi32>
    %and3A = arith.andi %eq3A_46, %lt3A_48 : vector<512x1xi1>
    %jit3A = arith.constant 1.000000e+00 : f32
    %jit3A_49 = arith.constant 0.000000e+00 : f32
    %broadcast_in_dim3A = vector.broadcast %jit3A : f32 to vector<512x1xf32>
    %broadcast_in_dim3A_50 = vector.broadcast %jit3A_49 : f32 to vector<512x1xf32>
    %select_n3A = arith.select %and3A, %broadcast_in_dim3A, %broadcast_in_dim3A_50 : vector<512x1xi1>, vector<512x1xf32>
    %iota3A_51 = tpu.iota {dimensions = array<i32: 0>} : vector<512x512xi32>
    %iota3A_52 = tpu.iota {dimensions = array<i32: 1>} : vector<512x512xi32>
    %le3A = arith.cmpi sle, %iota3A_52, %iota3A_51 : vector<512x512xi32>
    %jit3A_53 = arith.constant 1.000000e+00 : f32
    %jit3A_54 = arith.constant 0.000000e+00 : f32
    %broadcast_in_dim3A_55 = vector.broadcast %jit3A_53 : f32 to vector<512x512xf32>
    %broadcast_in_dim3A_56 = vector.broadcast %jit3A_54 : f32 to vector<512x512xf32>
    %select_n3A_57 = arith.select %le3A, %broadcast_in_dim3A_55, %broadcast_in_dim3A_56 : vector<512x512xi1>, vector<512x512xf32>
    %dot_general3A_58 = arith.constant dense<0.000000e+00> : vector<512x1xf32>
    %dot_general3A_59 = tpu.matmul %select_n3A_57, %select_n3A, %dot_general3A_58 {dimension_numbers = #tpu.dot_dimension_numbers<[1], [0], [0], [1], [0, 0, 1, 1], [], []>, transpose_lhs_hint = false} : vector<512x512xf32>, vector<512x1xf32>, vector<512x1xf32> -> vector<512x1xf32>
    %get3A_60 = arith.constant 0 : index
    %get3A_61 = arith.constant 0 : index
    %get3A_62 = memref.load %arg13[%get3A_60, %get3A_61] : memref<1x1xf32, #tpu.memory_space<smem>>
    %sub3A = arith.subf %dot_general3A_59, %select_n3A : vector<512x1xf32>
    %add3A_63 = vector.broadcast %get3A_62 : f32 to vector<512x1xf32>
    %add3A_64 = arith.addf %sub3A, %add3A_63 : vector<512x1xf32>
    %lt3A_65 = arith.constant 1.000000e+03 : f32
    %lt3A_66 = vector.broadcast %lt3A_65 : f32 to vector<512x1xf32>
    %lt3A_67 = arith.cmpf olt, %add3A_64, %lt3A_66 : vector<512x1xf32>
    %jit3A_68 = arith.constant 1.000000e+00 : f32
    %jit3A_69 = arith.constant 0.000000e+00 : f32
    %broadcast_in_dim3A_70 = vector.broadcast %jit3A_68 : f32 to vector<512x1xf32>
    %broadcast_in_dim3A_71 = vector.broadcast %jit3A_69 : f32 to vector<512x1xf32>
    %select_n3A_72 = arith.select %lt3A_67, %broadcast_in_dim3A_70, %broadcast_in_dim3A_71 : vector<512x1xi1>, vector<512x1xf32>
    %mul3A_73 = arith.mulf %select_n3A, %select_n3A_72 : vector<512x1xf32>
    %swap3A_74 = arith.constant 0 : index
    %swap3A_75 = arith.constant 0 : index
    %swap3A_76 = vector.load %arg10[%swap3A_74, %swap3A_75] : memref<512x1xf32, #tpu.memory_space<vmem>>, vector<512x1xf32>
    tpu.vector_store %arg10[%swap3A_74, %swap3A_75], %mul3A_73 {strides = array<i32>} : memref<512x1xf32, #tpu.memory_space<vmem>>, vector<512x1xf32>,
    %swap3A_77 = arith.constant 0 : index
    %swap3A_78 = arith.constant 0 : index
    %swap3A_79 = vector.load %arg11[%swap3A_77, %swap3A_78] : memref<512x1xf32, #tpu.memory_space<vmem>>, vector<512x1xf32>
    tpu.vector_store %arg11[%swap3A_77, %swap3A_78], %add3A_64 {strides = array<i32>} : memref<512x1xf32, #tpu.memory_space<vmem>>, vector<512x1xf32>,
    %reduce_sum3A = vector.shape_cast %select_n3A : vector<512x1xf32> to vector<1x512x1xf32>
    %reduce_sum3A_80 = arith.constant dense<0.000000e+00> : vector<1xf32>
    %reduce_sum3A_81 = vector.multi_reduction <add>, %reduce_sum3A, %reduce_sum3A_80 [1, 2] : vector<1x512x1xf32> to vector<1xf32>
    %reduce_sum3A_82 = vector.shape_cast %reduce_sum3A_81 : vector<1xf32> to vector<1x1x1xf32>
    %reduce_sum3A_83 = vector.extract %reduce_sum3A_82[0, 0, 0] : f32 from vector<1x1x1xf32>
    %add3A_84 = arith.addf %get3A_62, %reduce_sum3A_83 : f32
    %swap3A_85 = arith.constant 0 : index
    %swap3A_86 = arith.constant 0 : index
    %swap3A_87 = memref.load %arg13[%swap3A_85, %swap3A_86] : memref<1x1xf32, #tpu.memory_space<smem>>
    memref.store %add3A_84, %arg13[%swap3A_85, %swap3A_86] : memref<1x1xf32, #tpu.memory_space<smem>>
    %eq3A_88 = arith.constant 19 : i32
    %eq3A_89 = arith.cmpi eq, %arg0, %eq3A_88 : i32
    %convert_element_type3A_90 = arith.extui %eq3A_89 : i1 to i32
    %cond3A_91 = arith.constant 0 : i32
    %cond3A_92 = arith.cmpi ne, %convert_element_type3A_90, %cond3A_91 : i32
    scf.if %cond3A_92 {
      %broadcast_in_dim3A_93 = arith.constant 0.000000e+00 : f32
      %broadcast_in_dim3A_94 = vector.broadcast %broadcast_in_dim3A_93 : f32 to vector<1x16xf32>
      %min3A = arith.constant 1.000000e+03 : f32
      %min3A_95 = arith.minimumf %add3A_84, %min3A : f32
      %add3A_96 = vector.broadcast %min3A_95 : f32 to vector<1x16xf32>
      %add3A_97 = arith.addf %broadcast_in_dim3A_94, %add3A_96 : vector<1x16xf32>
      %swap3A_98 = arith.constant 0 : index
      %swap3A_99 = arith.constant 0 : index
      %swap3A_100 = vector.load %arg12[%swap3A_98, %swap3A_99] : memref<1x16xf32, #tpu.memory_space<vmem>>, vector<1x16xf32>
      tpu.vector_store %arg12[%swap3A_98, %swap3A_99], %add3A_97 {strides = array<i32>} : memref<1x16xf32, #tpu.memory_space<vmem>>, vector<1x16xf32>,
    } else {
    }
    return
  }
  func.func @transform_0(%arg0: i32) -> (i32, i32) {
    %c0_i32 = arith.constant 0 : i32
    %c0_i32_0 = arith.constant 0 : i32
    return %arg0, %c0_i32 : i32, i32
  }
  func.func @transform_1(%arg0: i32) -> (i32, i32) {
    %c0_i32 = arith.constant 0 : i32
    %c0_i32_0 = arith.constant 0 : i32
    %c0_i32_1 = arith.constant 0 : i32
    return %c0_i32, %c0_i32_0 : i32, i32
  }
  func.func @transform_2(%arg0: i32) -> (i32, i32) {
    %c0_i32 = arith.constant 0 : i32
    %c0_i32_0 = arith.constant 0 : i32
    %c0_i32_1 = arith.constant 0 : i32
    return %c0_i32, %c0_i32_0 : i32, i32
  }
  func.func @transform_3(%arg0: i32) -> (i32, i32) {
    %c0_i32 = arith.constant 0 : i32
    %c0_i32_0 = arith.constant 0 : i32
    return %arg0, %c0_i32 : i32, i32
  }
  func.func @transform_4(%arg0: i32) -> (i32, i32) {
    %c0_i32 = arith.constant 0 : i32
    %c0_i32_0 = arith.constant 0 : i32
    return %arg0, %c0_i32 : i32, i32
  }
  func.func @transform_5(%arg0: i32) -> (i32, i32) {
    %c0_i32 = arith.constant 0 : i32
    %c0_i32_0 = arith.constant 0 : i32
    return %arg0, %c0_i32 : i32, i32
  }
  func.func @transform_6(%arg0: i32) -> (i32, i32) {
    %c0_i32 = arith.constant 0 : i32
    %c0_i32_0 = arith.constant 0 : i32
    return %arg0, %c0_i32 : i32, i32
  }
  func.func @transform_7(%arg0: i32) -> (i32, i32) {
    %c0_i32 = arith.constant 0 : i32
    %c0_i32_0 = arith.constant 0 : i32
    return %arg0, %c0_i32 : i32, i32
  }
  func.func @transform_8(%arg0: i32) -> (i32, i32) {
    %c0_i32 = arith.constant 0 : i32
    %c0_i32_0 = arith.constant 0 : i32
    return %arg0, %c0_i32 : i32, i32
  }
  func.func @transform_9(%arg0: i32) -> (i32, i32) {
    %c0_i32 = arith.constant 0 : i32
    %c0_i32_0 = arith.constant 0 : i32
    return %arg0, %c0_i32 : i32, i32
  }
  func.func @transform_10(%arg0: i32) -> (i32, i32) {
    %c0_i32 = arith.constant 0 : i32
    %c0_i32_0 = arith.constant 0 : i32
    return %arg0, %c0_i32 : i32, i32
  }
  func.func @transform_11(%arg0: i32) -> (i32, i32) {
    %c0_i32 = arith.constant 0 : i32
    %c0_i32_0 = arith.constant 0 : i32
    %c0_i32_1 = arith.constant 0 : i32
    return %c0_i32, %c0_i32_0 : i32, i32
  }
}

module attributes {stable_mosaic.version = 14 : i64} {
  func.func @_finish_body(%arg0: i32, %arg1: memref<512x128xf32, #tpu.memory_space<vmem>>, %arg2: memref<512x128xf32, #tpu.memory_space<vmem>>, %arg3: memref<512x256xf32, #tpu.memory_space<vmem>>, %arg4: memref<512x1xf32, #tpu.memory_space<vmem>>, %arg5: memref<512x256xf32, #tpu.memory_space<vmem>>) attributes {dimension_semantics = [#tpu.dimension_semantics<arbitrary>], iteration_bounds = array<i64: 20>, scalar_prefetch = 0 : i64, scratch_operands = 0 : i64, tpu.core_type = #tpu.core_type<tc>, window_params = [{transform_indices = @transform_0, window_bounds = array<i64: 512, 128>}, {transform_indices = @transform_1, window_bounds = array<i64: 512, 128>}, {transform_indices = @transform_2, window_bounds = array<i64: 512, 256>}, {transform_indices = @transform_3, window_bounds = array<i64: 512, 1>}, {transform_indices = @transform_4, window_bounds = array<i64: 512, 256>}]} {
    %get3A = arith.constant 0 : index
    %get3A_0 = arith.constant 0 : index
    %get3A_1 = vector.load %arg1[%get3A, %get3A_0] : memref<512x128xf32, #tpu.memory_space<vmem>>, vector<512x128xf32>
    %get3A_2 = arith.constant 0 : index
    %get3A_3 = arith.constant 0 : index
    %get3A_4 = vector.load %arg2[%get3A_2, %get3A_3] : memref<512x128xf32, #tpu.memory_space<vmem>>, vector<512x128xf32>
    %concatenate3A = tpu.concatenate %get3A_1, %get3A_4 in 1 : vector<512x128xf32>, vector<512x128xf32> -> vector<512x256xf32>
    %get3A_5 = arith.constant 0 : index
    %get3A_6 = arith.constant 0 : index
    %get3A_7 = vector.load %arg4[%get3A_5, %get3A_6] : memref<512x1xf32, #tpu.memory_space<vmem>>, vector<512x1xf32>
    %mul3A = vector.broadcast %get3A_7 : vector<512x1xf32> to vector<512x256xf32>
    %mul3A_8 = arith.mulf %mul3A, %concatenate3A : vector<512x256xf32>
    %get3A_9 = arith.constant 0 : index
    %get3A_10 = arith.constant 0 : index
    %get3A_11 = vector.load %arg3[%get3A_9, %get3A_10] : memref<512x256xf32, #tpu.memory_space<vmem>>, vector<512x256xf32>
    %add3A = arith.addf %mul3A_8, %get3A_11 : vector<512x256xf32>
    %max3A = arith.constant 0.000000e+00 : f32
    %max3A_12 = vector.broadcast %max3A : f32 to vector<512x256xf32>
    %max3A_13 = arith.maximumf %add3A, %max3A_12 : vector<512x256xf32>
    %swap3A = arith.constant 0 : index
    %swap3A_14 = arith.constant 0 : index
    %swap3A_15 = vector.load %arg5[%swap3A, %swap3A_14] : memref<512x256xf32, #tpu.memory_space<vmem>>, vector<512x256xf32>
    tpu.vector_store %arg5[%swap3A, %swap3A_14], %max3A_13 {strides = array<i32>} : memref<512x256xf32, #tpu.memory_space<vmem>>, vector<512x256xf32>,
    return
  }
  func.func @transform_0(%arg0: i32) -> (i32, i32) {
    %c0_i32 = arith.constant 0 : i32
    %c0_i32_0 = arith.constant 0 : i32
    return %arg0, %c0_i32 : i32, i32
  }
  func.func @transform_1(%arg0: i32) -> (i32, i32) {
    %c0_i32 = arith.constant 0 : i32
    %c0_i32_0 = arith.constant 0 : i32
    return %arg0, %c0_i32 : i32, i32
  }
  func.func @transform_2(%arg0: i32) -> (i32, i32) {
    %c0_i32 = arith.constant 0 : i32
    %c0_i32_0 = arith.constant 0 : i32
    return %arg0, %c0_i32 : i32, i32
  }
  func.func @transform_3(%arg0: i32) -> (i32, i32) {
    %c0_i32 = arith.constant 0 : i32
    %c0_i32_0 = arith.constant 0 : i32
    return %arg0, %c0_i32 : i32, i32
  }
  func.func @transform_4(%arg0: i32) -> (i32, i32) {
    %c0_i32 = arith.constant 0 : i32
    %c0_i32_0 = arith.constant 0 : i32
    return %arg0, %c0_i32 : i32, i32
  }
}

module attributes {stable_mosaic.version = 14 : i64} {
  func.func @_interp_body(%arg0: i32, %arg1: memref<512x16xf32, #tpu.memory_space<vmem>>, %arg2: memref<1024x128xf32, #tpu.memory_space<vmem>>, %arg3: memref<1x16xf32, #tpu.memory_space<vmem>>, %arg4: memref<1024x256xf32, #tpu.memory_space<vmem>>, %arg5: memref<256x256xf32, #tpu.memory_space<vmem>>, %arg6: memref<1x256xf32, #tpu.memory_space<vmem>>, %arg7: memref<512x1xf32, #tpu.memory_space<vmem>>, %arg8: memref<512x128xf32, #tpu.memory_space<vmem>>, %arg9: memref<512x128xf32, #tpu.memory_space<vmem>>, %arg10: memref<512x256xf32, #tpu.memory_space<vmem>>) attributes {dimension_semantics = [#tpu.dimension_semantics<arbitrary>], iteration_bounds = array<i64: 20>, scalar_prefetch = 0 : i64, scratch_operands = 0 : i64, tpu.core_type = #tpu.core_type<tc>, window_params = [{transform_indices = @transform_0, window_bounds = array<i64: 512, 16>}, {pipeline_mode = #tpu.pipeline_mode<synchronous>, transform_indices = @transform_1, window_bounds = array<i64: 1024, 128>}, {pipeline_mode = #tpu.pipeline_mode<synchronous>, transform_indices = @transform_2, window_bounds = array<i64: 1, 16>}, {pipeline_mode = #tpu.pipeline_mode<synchronous>, transform_indices = @transform_3, window_bounds = array<i64: 1024, 256>}, {pipeline_mode = #tpu.pipeline_mode<synchronous>, transform_indices = @transform_4, window_bounds = array<i64: 256, 256>}, {pipeline_mode = #tpu.pipeline_mode<synchronous>, transform_indices = @transform_5, window_bounds = array<i64: 1, 256>}, {transform_indices = @transform_6, window_bounds = array<i64: 512, 1>}, {transform_indices = @transform_7, window_bounds = array<i64: 512, 128>}, {transform_indices = @transform_8, window_bounds = array<i64: 512, 128>}, {transform_indices = @transform_9, window_bounds = array<i64: 512, 256>}]} {
    %get3A = arith.constant 0 : index
    %get3A_0 = arith.constant 0 : index
    %get3A_1 = vector.load %arg1[%get3A, %get3A_0] : memref<512x16xf32, #tpu.memory_space<vmem>>, vector<512x16xf32>
    %get3A_2 = arith.constant 0 : index
    %get3A_3 = arith.constant 0 : index
    %get3A_4 = vector.load %arg2[%get3A_2, %get3A_3] : memref<1024x128xf32, #tpu.memory_space<vmem>>, vector<1024x128xf32>
    %broadcast_in_dim3A = arith.constant 0.000000e+00 : f32
    %broadcast_in_dim3A_5 = vector.broadcast %broadcast_in_dim3A : f32 to vector<512x1024xf32>
    %slice3A = vector.extract_strided_slice %get3A_1 {offsets = [0, 0], sizes = [512, 1], strides = [1, 1]} : vector<512x16xf32> to vector<512x1xf32>
    %slice3A_6 = vector.extract_strided_slice %get3A_4 {offsets = [0, 0], sizes = [1024, 1], strides = [1, 1]} : vector<1024x128xf32> to vector<1024x1xf32>
    %squeeze3A = vector.shape_cast %slice3A_6 : vector<1024x1xf32> to vector<1024xf32>
    %broadcast_in_dim3A_7 = vector.shape_cast %squeeze3A : vector<1024xf32> to vector<1x1024xf32>
    %sub3A = vector.broadcast %slice3A : vector<512x1xf32> to vector<512x1024xf32>
    %sub3A_8 = vector.broadcast %broadcast_in_dim3A_7 : vector<1x1024xf32> to vector<512x1024xf32>
    %sub3A_9 = arith.subf %sub3A, %sub3A_8 : vector<512x1024xf32>
    %mul3A = arith.mulf %sub3A_9, %sub3A_9 : vector<512x1024xf32>
    %add3A = arith.addf %broadcast_in_dim3A_5, %mul3A : vector<512x1024xf32>
    %slice3A_10 = vector.extract_strided_slice %get3A_1 {offsets = [0, 1], sizes = [512, 1], strides = [1, 1]} : vector<512x16xf32> to vector<512x1xf32>
    %slice3A_11 = vector.extract_strided_slice %get3A_4 {offsets = [0, 1], sizes = [1024, 1], strides = [1, 1]} : vector<1024x128xf32> to vector<1024x1xf32>
    %squeeze3A_12 = vector.shape_cast %slice3A_11 : vector<1024x1xf32> to vector<1024xf32>
    %broadcast_in_dim3A_13 = vector.shape_cast %squeeze3A_12 : vector<1024xf32> to vector<1x1024xf32>
    %sub3A_14 = vector.broadcast %slice3A_10 : vector<512x1xf32> to vector<512x1024xf32>
    %sub3A_15 = vector.broadcast %broadcast_in_dim3A_13 : vector<1x1024xf32> to vector<512x1024xf32>
    %sub3A_16 = arith.subf %sub3A_14, %sub3A_15 : vector<512x1024xf32>
    %mul3A_17 = arith.mulf %sub3A_16, %sub3A_16 : vector<512x1024xf32>
    %add3A_18 = arith.addf %add3A, %mul3A_17 : vector<512x1024xf32>
    %slice3A_19 = vector.extract_strided_slice %get3A_1 {offsets = [0, 2], sizes = [512, 1], strides = [1, 1]} : vector<512x16xf32> to vector<512x1xf32>
    %slice3A_20 = vector.extract_strided_slice %get3A_4 {offsets = [0, 2], sizes = [1024, 1], strides = [1, 1]} : vector<1024x128xf32> to vector<1024x1xf32>
    %squeeze3A_21 = vector.shape_cast %slice3A_20 : vector<1024x1xf32> to vector<1024xf32>
    %broadcast_in_dim3A_22 = vector.shape_cast %squeeze3A_21 : vector<1024xf32> to vector<1x1024xf32>
    %sub3A_23 = vector.broadcast %slice3A_19 : vector<512x1xf32> to vector<512x1024xf32>
    %sub3A_24 = vector.broadcast %broadcast_in_dim3A_22 : vector<1x1024xf32> to vector<512x1024xf32>
    %sub3A_25 = arith.subf %sub3A_23, %sub3A_24 : vector<512x1024xf32>
    %mul3A_26 = arith.mulf %sub3A_25, %sub3A_25 : vector<512x1024xf32>
    %add3A_27 = arith.addf %add3A_18, %mul3A_26 : vector<512x1024xf32>
    %get3A_28 = arith.constant 0 : index
    %get3A_29 = arith.constant 0 : index
    %get3A_30 = vector.load %arg3[%get3A_28, %get3A_29] : memref<1x16xf32, #tpu.memory_space<vmem>>, vector<1x1xf32>
    %get3A_31 = vector.extract %get3A_30[0, 0] : f32 from vector<1x1xf32>
    %iota3A = tpu.iota {dimensions = array<i32: 1>} : vector<512x1024xi32>
    %convert_element_type3A = arith.sitofp %iota3A : vector<512x1024xi32> to vector<512x1024xf32>
    %lt3A = vector.broadcast %get3A_31 : f32 to vector<512x1024xf32>
    %lt3A_32 = arith.cmpf olt, %convert_element_type3A, %lt3A : vector<512x1024xf32>
    %jit3A = arith.constant 0x7F800000 : f32
    %broadcast_in_dim3A_33 = vector.broadcast %jit3A : f32 to vector<512x1024xf32>
    %select_n3A = arith.select %lt3A_32, %add3A_27, %broadcast_in_dim3A_33 : vector<512x1024xi1>, vector<512x1024xf32>
    %broadcast_in_dim3A_34 = arith.constant 0.000000e+00 : f32
    %broadcast_in_dim3A_35 = vector.broadcast %broadcast_in_dim3A_34 : f32 to vector<512x1024xf32>
    %broadcast_in_dim3A_36 = arith.constant 0.000000e+00 : f32
    %broadcast_in_dim3A_37 = vector.broadcast %broadcast_in_dim3A_36 : f32 to vector<512x1xf32>
    %reduce_min3A = arith.constant dense<0x7F800000> : vector<512xf32>
    %reduce_min3A_38 = vector.multi_reduction <minimumf>, %select_n3A, %reduce_min3A [1] : vector<512x1024xf32> to vector<512xf32>
    %broadcast_in_dim3A_39 = vector.shape_cast %reduce_min3A_38 : vector<512xf32> to vector<512x1xf32>
    %max3A = arith.constant 1.000000e-16 : f32
    %max3A_40 = vector.broadcast %max3A : f32 to vector<512x1xf32>
    %max3A_41 = arith.maximumf %broadcast_in_dim3A_39, %max3A_40 : vector<512x1xf32>
    %div3A = arith.constant 1.000000e+00 : f32
    %div3A_42 = vector.broadcast %div3A : f32 to vector<512x1xf32>
    %div3A_43 = arith.divf %div3A_42, %max3A_41 : vector<512x1xf32>
    %le3A = vector.broadcast %broadcast_in_dim3A_39 : vector<512x1xf32> to vector<512x1024xf32>
    %le3A_44 = arith.cmpf ole, %select_n3A, %le3A : vector<512x1024xf32>
    %jit3A_45 = arith.constant 2.048000e+03 : f32
    %broadcast_in_dim3A_46 = vector.broadcast %jit3A_45 : f32 to vector<512x1024xf32>
    %select_n3A_47 = arith.select %le3A_44, %convert_element_type3A, %broadcast_in_dim3A_46 : vector<512x1024xi1>, vector<512x1024xf32>
    %reduce_min3A_48 = arith.constant dense<0x7F800000> : vector<512xf32>
    %reduce_min3A_49 = vector.multi_reduction <minimumf>, %select_n3A_47, %reduce_min3A_48 [1] : vector<512x1024xf32> to vector<512xf32>
    %broadcast_in_dim3A_50 = vector.shape_cast %reduce_min3A_49 : vector<512xf32> to vector<512x1xf32>
    %eq3A = vector.broadcast %broadcast_in_dim3A_50 : vector<512x1xf32> to vector<512x1024xf32>
    %eq3A_51 = arith.cmpf oeq, %convert_element_type3A, %eq3A : vector<512x1024xf32>
    %jit3A_52 = arith.constant 0.000000e+00 : f32
    %broadcast_in_dim3A_53 = vector.shape_cast %div3A_43 : vector<512x1xf32> to vector<512x1xf32>
    %broadcast_in_dim3A_54 = vector.broadcast %broadcast_in_dim3A_53 : vector<512x1xf32> to vector<512x1024xf32>
    %broadcast_in_dim3A_55 = vector.broadcast %jit3A_52 : f32 to vector<512x1024xf32>
    %select_n3A_56 = arith.select %eq3A_51, %broadcast_in_dim3A_54, %broadcast_in_dim3A_55 : vector<512x1024xi1>, vector<512x1024xf32>
    %add3A_57 = arith.addf %broadcast_in_dim3A_35, %select_n3A_56 : vector<512x1024xf32>
    %add3A_58 = arith.addf %broadcast_in_dim3A_37, %div3A_43 : vector<512x1xf32>
    %jit3A_59 = arith.constant 0x7F800000 : f32
    %broadcast_in_dim3A_60 = vector.broadcast %jit3A_59 : f32 to vector<512x1024xf32>
    %select_n3A_61 = arith.select %eq3A_51, %broadcast_in_dim3A_60, %select_n3A : vector<512x1024xi1>, vector<512x1024xf32>
    %reduce_min3A_62 = arith.constant dense<0x7F800000> : vector<512xf32>
    %reduce_min3A_63 = vector.multi_reduction <minimumf>, %select_n3A_61, %reduce_min3A_62 [1] : vector<512x1024xf32> to vector<512xf32>
    %broadcast_in_dim3A_64 = vector.shape_cast %reduce_min3A_63 : vector<512xf32> to vector<512x1xf32>
    %max3A_65 = arith.constant 1.000000e-16 : f32
    %max3A_66 = vector.broadcast %max3A_65 : f32 to vector<512x1xf32>
    %max3A_67 = arith.maximumf %broadcast_in_dim3A_64, %max3A_66 : vector<512x1xf32>
    %div3A_68 = arith.constant 1.000000e+00 : f32
    %div3A_69 = vector.broadcast %div3A_68 : f32 to vector<512x1xf32>
    %div3A_70 = arith.divf %div3A_69, %max3A_67 : vector<512x1xf32>
    %le3A_71 = vector.broadcast %broadcast_in_dim3A_64 : vector<512x1xf32> to vector<512x1024xf32>
    %le3A_72 = arith.cmpf ole, %select_n3A_61, %le3A_71 : vector<512x1024xf32>
    %jit3A_73 = arith.constant 2.048000e+03 : f32
    %broadcast_in_dim3A_74 = vector.broadcast %jit3A_73 : f32 to vector<512x1024xf32>
    %select_n3A_75 = arith.select %le3A_72, %convert_element_type3A, %broadcast_in_dim3A_74 : vector<512x1024xi1>, vector<512x1024xf32>
    %reduce_min3A_76 = arith.constant dense<0x7F800000> : vector<512xf32>
    %reduce_min3A_77 = vector.multi_reduction <minimumf>, %select_n3A_75, %reduce_min3A_76 [1] : vector<512x1024xf32> to vector<512xf32>
    %broadcast_in_dim3A_78 = vector.shape_cast %reduce_min3A_77 : vector<512xf32> to vector<512x1xf32>
    %eq3A_79 = vector.broadcast %broadcast_in_dim3A_78 : vector<512x1xf32> to vector<512x1024xf32>
    %eq3A_80 = arith.cmpf oeq, %convert_element_type3A, %eq3A_79 : vector<512x1024xf32>
    %jit3A_81 = arith.constant 0.000000e+00 : f32
    %broadcast_in_dim3A_82 = vector.shape_cast %div3A_70 : vector<512x1xf32> to vector<512x1xf32>
    %broadcast_in_dim3A_83 = vector.broadcast %broadcast_in_dim3A_82 : vector<512x1xf32> to vector<512x1024xf32>
    %broadcast_in_dim3A_84 = vector.broadcast %jit3A_81 : f32 to vector<512x1024xf32>
    %select_n3A_85 = arith.select %eq3A_80, %broadcast_in_dim3A_83, %broadcast_in_dim3A_84 : vector<512x1024xi1>, vector<512x1024xf32>
    %add3A_86 = arith.addf %add3A_57, %select_n3A_85 : vector<512x1024xf32>
    %add3A_87 = arith.addf %add3A_58, %div3A_70 : vector<512x1xf32>
    %jit3A_88 = arith.constant 0x7F800000 : f32
    %broadcast_in_dim3A_89 = vector.broadcast %jit3A_88 : f32 to vector<512x1024xf32>
    %select_n3A_90 = arith.select %eq3A_80, %broadcast_in_dim3A_89, %select_n3A_61 : vector<512x1024xi1>, vector<512x1024xf32>
    %reduce_min3A_91 = arith.constant dense<0x7F800000> : vector<512xf32>
    %reduce_min3A_92 = vector.multi_reduction <minimumf>, %select_n3A_90, %reduce_min3A_91 [1] : vector<512x1024xf32> to vector<512xf32>
    %broadcast_in_dim3A_93 = vector.shape_cast %reduce_min3A_92 : vector<512xf32> to vector<512x1xf32>
    %max3A_94 = arith.constant 1.000000e-16 : f32
    %max3A_95 = vector.broadcast %max3A_94 : f32 to vector<512x1xf32>
    %max3A_96 = arith.maximumf %broadcast_in_dim3A_93, %max3A_95 : vector<512x1xf32>
    %div3A_97 = arith.constant 1.000000e+00 : f32
    %div3A_98 = vector.broadcast %div3A_97 : f32 to vector<512x1xf32>
    %div3A_99 = arith.divf %div3A_98, %max3A_96 : vector<512x1xf32>
    %le3A_100 = vector.broadcast %broadcast_in_dim3A_93 : vector<512x1xf32> to vector<512x1024xf32>
    %le3A_101 = arith.cmpf ole, %select_n3A_90, %le3A_100 : vector<512x1024xf32>
    %jit3A_102 = arith.constant 2.048000e+03 : f32
    %broadcast_in_dim3A_103 = vector.broadcast %jit3A_102 : f32 to vector<512x1024xf32>
    %select_n3A_104 = arith.select %le3A_101, %convert_element_type3A, %broadcast_in_dim3A_103 : vector<512x1024xi1>, vector<512x1024xf32>
    %reduce_min3A_105 = arith.constant dense<0x7F800000> : vector<512xf32>
    %reduce_min3A_106 = vector.multi_reduction <minimumf>, %select_n3A_104, %reduce_min3A_105 [1] : vector<512x1024xf32> to vector<512xf32>
    %broadcast_in_dim3A_107 = vector.shape_cast %reduce_min3A_106 : vector<512xf32> to vector<512x1xf32>
    %eq3A_108 = vector.broadcast %broadcast_in_dim3A_107 : vector<512x1xf32> to vector<512x1024xf32>
    %eq3A_109 = arith.cmpf oeq, %convert_element_type3A, %eq3A_108 : vector<512x1024xf32>
    %jit3A_110 = arith.constant 0.000000e+00 : f32
    %broadcast_in_dim3A_111 = vector.shape_cast %div3A_99 : vector<512x1xf32> to vector<512x1xf32>
    %broadcast_in_dim3A_112 = vector.broadcast %broadcast_in_dim3A_111 : vector<512x1xf32> to vector<512x1024xf32>
    %broadcast_in_dim3A_113 = vector.broadcast %jit3A_110 : f32 to vector<512x1024xf32>
    %select_n3A_114 = arith.select %eq3A_109, %broadcast_in_dim3A_112, %broadcast_in_dim3A_113 : vector<512x1024xi1>, vector<512x1024xf32>
    %add3A_115 = arith.addf %add3A_86, %select_n3A_114 : vector<512x1024xf32>
    %add3A_116 = arith.addf %add3A_87, %div3A_99 : vector<512x1xf32>
    %jit3A_117 = arith.constant 0x7F800000 : f32
    %broadcast_in_dim3A_118 = vector.broadcast %jit3A_117 : f32 to vector<512x1024xf32>
    %select_n3A_119 = arith.select %eq3A_109, %broadcast_in_dim3A_118, %select_n3A_90 : vector<512x1024xi1>, vector<512x1024xf32>
    %reduce_min3A_120 = arith.constant dense<0x7F800000> : vector<512xf32>
    %reduce_min3A_121 = vector.multi_reduction <minimumf>, %select_n3A_119, %reduce_min3A_120 [1] : vector<512x1024xf32> to vector<512xf32>
    %broadcast_in_dim3A_122 = vector.shape_cast %reduce_min3A_121 : vector<512xf32> to vector<512x1xf32>
    %max3A_123 = arith.constant 1.000000e-16 : f32
    %max3A_124 = vector.broadcast %max3A_123 : f32 to vector<512x1xf32>
    %max3A_125 = arith.maximumf %broadcast_in_dim3A_122, %max3A_124 : vector<512x1xf32>
    %div3A_126 = arith.constant 1.000000e+00 : f32
    %div3A_127 = vector.broadcast %div3A_126 : f32 to vector<512x1xf32>
    %div3A_128 = arith.divf %div3A_127, %max3A_125 : vector<512x1xf32>
    %le3A_129 = vector.broadcast %broadcast_in_dim3A_122 : vector<512x1xf32> to vector<512x1024xf32>
    %le3A_130 = arith.cmpf ole, %select_n3A_119, %le3A_129 : vector<512x1024xf32>
    %jit3A_131 = arith.constant 2.048000e+03 : f32
    %broadcast_in_dim3A_132 = vector.broadcast %jit3A_131 : f32 to vector<512x1024xf32>
    %select_n3A_133 = arith.select %le3A_130, %convert_element_type3A, %broadcast_in_dim3A_132 : vector<512x1024xi1>, vector<512x1024xf32>
    %reduce_min3A_134 = arith.constant dense<0x7F800000> : vector<512xf32>
    %reduce_min3A_135 = vector.multi_reduction <minimumf>, %select_n3A_133, %reduce_min3A_134 [1] : vector<512x1024xf32> to vector<512xf32>
    %broadcast_in_dim3A_136 = vector.shape_cast %reduce_min3A_135 : vector<512xf32> to vector<512x1xf32>
    %eq3A_137 = vector.broadcast %broadcast_in_dim3A_136 : vector<512x1xf32> to vector<512x1024xf32>
    %eq3A_138 = arith.cmpf oeq, %convert_element_type3A, %eq3A_137 : vector<512x1024xf32>
    %jit3A_139 = arith.constant 0.000000e+00 : f32
    %broadcast_in_dim3A_140 = vector.shape_cast %div3A_128 : vector<512x1xf32> to vector<512x1xf32>
    %broadcast_in_dim3A_141 = vector.broadcast %broadcast_in_dim3A_140 : vector<512x1xf32> to vector<512x1024xf32>
    %broadcast_in_dim3A_142 = vector.broadcast %jit3A_139 : f32 to vector<512x1024xf32>
    %select_n3A_143 = arith.select %eq3A_138, %broadcast_in_dim3A_141, %broadcast_in_dim3A_142 : vector<512x1024xi1>, vector<512x1024xf32>
    %add3A_144 = arith.addf %add3A_115, %select_n3A_143 : vector<512x1024xf32>
    %add3A_145 = arith.addf %add3A_116, %div3A_128 : vector<512x1xf32>
    %jit3A_146 = arith.constant 0x7F800000 : f32
    %broadcast_in_dim3A_147 = vector.broadcast %jit3A_146 : f32 to vector<512x1024xf32>
    %select_n3A_148 = arith.select %eq3A_138, %broadcast_in_dim3A_147, %select_n3A_119 : vector<512x1024xi1>, vector<512x1024xf32>
    %reduce_min3A_149 = arith.constant dense<0x7F800000> : vector<512xf32>
    %reduce_min3A_150 = vector.multi_reduction <minimumf>, %select_n3A_148, %reduce_min3A_149 [1] : vector<512x1024xf32> to vector<512xf32>
    %broadcast_in_dim3A_151 = vector.shape_cast %reduce_min3A_150 : vector<512xf32> to vector<512x1xf32>
    %max3A_152 = arith.constant 1.000000e-16 : f32
    %max3A_153 = vector.broadcast %max3A_152 : f32 to vector<512x1xf32>
    %max3A_154 = arith.maximumf %broadcast_in_dim3A_151, %max3A_153 : vector<512x1xf32>
    %div3A_155 = arith.constant 1.000000e+00 : f32
    %div3A_156 = vector.broadcast %div3A_155 : f32 to vector<512x1xf32>
    %div3A_157 = arith.divf %div3A_156, %max3A_154 : vector<512x1xf32>
    %le3A_158 = vector.broadcast %broadcast_in_dim3A_151 : vector<512x1xf32> to vector<512x1024xf32>
    %le3A_159 = arith.cmpf ole, %select_n3A_148, %le3A_158 : vector<512x1024xf32>
    %jit3A_160 = arith.constant 2.048000e+03 : f32
    %broadcast_in_dim3A_161 = vector.broadcast %jit3A_160 : f32 to vector<512x1024xf32>
    %select_n3A_162 = arith.select %le3A_159, %convert_element_type3A, %broadcast_in_dim3A_161 : vector<512x1024xi1>, vector<512x1024xf32>
    %reduce_min3A_163 = arith.constant dense<0x7F800000> : vector<512xf32>
    %reduce_min3A_164 = vector.multi_reduction <minimumf>, %select_n3A_162, %reduce_min3A_163 [1] : vector<512x1024xf32> to vector<512xf32>
    %broadcast_in_dim3A_165 = vector.shape_cast %reduce_min3A_164 : vector<512xf32> to vector<512x1xf32>
    %eq3A_166 = vector.broadcast %broadcast_in_dim3A_165 : vector<512x1xf32> to vector<512x1024xf32>
    %eq3A_167 = arith.cmpf oeq, %convert_element_type3A, %eq3A_166 : vector<512x1024xf32>
    %jit3A_168 = arith.constant 0.000000e+00 : f32
    %broadcast_in_dim3A_169 = vector.shape_cast %div3A_157 : vector<512x1xf32> to vector<512x1xf32>
    %broadcast_in_dim3A_170 = vector.broadcast %broadcast_in_dim3A_169 : vector<512x1xf32> to vector<512x1024xf32>
    %broadcast_in_dim3A_171 = vector.broadcast %jit3A_168 : f32 to vector<512x1024xf32>
    %select_n3A_172 = arith.select %eq3A_167, %broadcast_in_dim3A_170, %broadcast_in_dim3A_171 : vector<512x1024xi1>, vector<512x1024xf32>
    %add3A_173 = arith.addf %add3A_144, %select_n3A_172 : vector<512x1024xf32>
    %add3A_174 = arith.addf %add3A_145, %div3A_157 : vector<512x1xf32>
    %jit3A_175 = arith.constant 0x7F800000 : f32
    %broadcast_in_dim3A_176 = vector.broadcast %jit3A_175 : f32 to vector<512x1024xf32>
    %select_n3A_177 = arith.select %eq3A_167, %broadcast_in_dim3A_176, %select_n3A_148 : vector<512x1024xi1>, vector<512x1024xf32>
    %reduce_min3A_178 = arith.constant dense<0x7F800000> : vector<512xf32>
    %reduce_min3A_179 = vector.multi_reduction <minimumf>, %select_n3A_177, %reduce_min3A_178 [1] : vector<512x1024xf32> to vector<512xf32>
    %broadcast_in_dim3A_180 = vector.shape_cast %reduce_min3A_179 : vector<512xf32> to vector<512x1xf32>
    %max3A_181 = arith.constant 1.000000e-16 : f32
    %max3A_182 = vector.broadcast %max3A_181 : f32 to vector<512x1xf32>
    %max3A_183 = arith.maximumf %broadcast_in_dim3A_180, %max3A_182 : vector<512x1xf32>
    %div3A_184 = arith.constant 1.000000e+00 : f32
    %div3A_185 = vector.broadcast %div3A_184 : f32 to vector<512x1xf32>
    %div3A_186 = arith.divf %div3A_185, %max3A_183 : vector<512x1xf32>
    %le3A_187 = vector.broadcast %broadcast_in_dim3A_180 : vector<512x1xf32> to vector<512x1024xf32>
    %le3A_188 = arith.cmpf ole, %select_n3A_177, %le3A_187 : vector<512x1024xf32>
    %jit3A_189 = arith.constant 2.048000e+03 : f32
    %broadcast_in_dim3A_190 = vector.broadcast %jit3A_189 : f32 to vector<512x1024xf32>
    %select_n3A_191 = arith.select %le3A_188, %convert_element_type3A, %broadcast_in_dim3A_190 : vector<512x1024xi1>, vector<512x1024xf32>
    %reduce_min3A_192 = arith.constant dense<0x7F800000> : vector<512xf32>
    %reduce_min3A_193 = vector.multi_reduction <minimumf>, %select_n3A_191, %reduce_min3A_192 [1] : vector<512x1024xf32> to vector<512xf32>
    %broadcast_in_dim3A_194 = vector.shape_cast %reduce_min3A_193 : vector<512xf32> to vector<512x1xf32>
    %eq3A_195 = vector.broadcast %broadcast_in_dim3A_194 : vector<512x1xf32> to vector<512x1024xf32>
    %eq3A_196 = arith.cmpf oeq, %convert_element_type3A, %eq3A_195 : vector<512x1024xf32>
    %jit3A_197 = arith.constant 0.000000e+00 : f32
    %broadcast_in_dim3A_198 = vector.shape_cast %div3A_186 : vector<512x1xf32> to vector<512x1xf32>
    %broadcast_in_dim3A_199 = vector.broadcast %broadcast_in_dim3A_198 : vector<512x1xf32> to vector<512x1024xf32>
    %broadcast_in_dim3A_200 = vector.broadcast %jit3A_197 : f32 to vector<512x1024xf32>
    %select_n3A_201 = arith.select %eq3A_196, %broadcast_in_dim3A_199, %broadcast_in_dim3A_200 : vector<512x1024xi1>, vector<512x1024xf32>
    %add3A_202 = arith.addf %add3A_173, %select_n3A_201 : vector<512x1024xf32>
    %add3A_203 = arith.addf %add3A_174, %div3A_186 : vector<512x1xf32>
    %get3A_204 = arith.constant 0 : index
    %get3A_205 = arith.constant 0 : index
    %get3A_206 = vector.load %arg4[%get3A_204, %get3A_205] : memref<1024x256xf32, #tpu.memory_space<vmem>>, vector<1024x256xf32>
    %dot_general3A = arith.constant dense<0.000000e+00> : vector<512x256xf32>
    %dot_general3A_207 = tpu.matmul %add3A_202, %get3A_206, %dot_general3A {dimension_numbers = #tpu.dot_dimension_numbers<[1], [0], [0], [1], [0, 0, 1, 1], [], []>, transpose_lhs_hint = false} : vector<512x1024xf32>, vector<1024x256xf32>, vector<512x256xf32> -> vector<512x256xf32>
    %div3A_208 = vector.broadcast %add3A_203 : vector<512x1xf32> to vector<512x256xf32>
    %div3A_209 = arith.divf %dot_general3A_207, %div3A_208 : vector<512x256xf32>
    %get3A_210 = arith.constant 0 : index
    %get3A_211 = arith.constant 0 : index
    %get3A_212 = vector.load %arg5[%get3A_210, %get3A_211] : memref<256x256xf32, #tpu.memory_space<vmem>>, vector<256x256xf32>
    %dot_general3A_213 = arith.constant dense<0.000000e+00> : vector<512x256xf32>
    %dot_general3A_214 = tpu.matmul %div3A_209, %get3A_212, %dot_general3A_213 {dimension_numbers = #tpu.dot_dimension_numbers<[1], [0], [0], [1], [0, 0, 1, 1], [], []>, transpose_lhs_hint = false} : vector<512x256xf32>, vector<256x256xf32>, vector<512x256xf32> -> vector<512x256xf32>
    %get3A_215 = arith.constant 0 : index
    %get3A_216 = arith.constant 0 : index
    %get3A_217 = vector.load %arg7[%get3A_215, %get3A_216] : memref<512x1xf32, #tpu.memory_space<vmem>>, vector<512x1xf32>
    %mul3A_218 = vector.broadcast %get3A_217 : vector<512x1xf32> to vector<512x256xf32>
    %mul3A_219 = arith.mulf %mul3A_218, %dot_general3A_214 : vector<512x256xf32>
    %slice3A_220 = vector.extract_strided_slice %mul3A_219 {offsets = [0, 0], sizes = [512, 128], strides = [1, 1]} : vector<512x256xf32> to vector<512x128xf32>
    %swap3A = arith.constant 0 : index
    %swap3A_221 = arith.constant 0 : index
    %swap3A_222 = vector.load %arg8[%swap3A, %swap3A_221] : memref<512x128xf32, #tpu.memory_space<vmem>>, vector<512x128xf32>
    tpu.vector_store %arg8[%swap3A, %swap3A_221], %slice3A_220 {strides = array<i32>} : memref<512x128xf32, #tpu.memory_space<vmem>>, vector<512x128xf32>,
    %slice3A_223 = vector.extract_strided_slice %mul3A_219 {offsets = [0, 128], sizes = [512, 128], strides = [1, 1]} : vector<512x256xf32> to vector<512x128xf32>
    %swap3A_224 = arith.constant 0 : index
    %swap3A_225 = arith.constant 0 : index
    %swap3A_226 = vector.load %arg9[%swap3A_224, %swap3A_225] : memref<512x128xf32, #tpu.memory_space<vmem>>, vector<512x128xf32>
    tpu.vector_store %arg9[%swap3A_224, %swap3A_225], %slice3A_223 {strides = array<i32>} : memref<512x128xf32, #tpu.memory_space<vmem>>, vector<512x128xf32>,
    %mul3A_227 = arith.constant 2.000000e+00 : f32
    %mul3A_228 = vector.broadcast %mul3A_227 : f32 to vector<512x1xf32>
    %mul3A_229 = arith.mulf %mul3A_228, %get3A_217 : vector<512x1xf32>
    %mul3A_230 = arith.mulf %mul3A_229, %get3A_217 : vector<512x1xf32>
    %mul3A_231 = vector.broadcast %mul3A_230 : vector<512x1xf32> to vector<512x256xf32>
    %mul3A_232 = arith.mulf %mul3A_231, %dot_general3A_214 : vector<512x256xf32>
    %get3A_233 = arith.constant 0 : index
    %get3A_234 = arith.constant 0 : index
    %get3A_235 = vector.load %arg6[%get3A_233, %get3A_234] : memref<1x256xf32, #tpu.memory_space<vmem>>, vector<1x256xf32>
    %add3A_236 = vector.broadcast %get3A_235 : vector<1x256xf32> to vector<512x256xf32>
    %add3A_237 = arith.addf %mul3A_232, %add3A_236 : vector<512x256xf32>
    %swap3A_238 = arith.constant 0 : index
    %swap3A_239 = arith.constant 0 : index
    %swap3A_240 = vector.load %arg10[%swap3A_238, %swap3A_239] : memref<512x256xf32, #tpu.memory_space<vmem>>, vector<512x256xf32>
    tpu.vector_store %arg10[%swap3A_238, %swap3A_239], %add3A_237 {strides = array<i32>} : memref<512x256xf32, #tpu.memory_space<vmem>>, vector<512x256xf32>,
    return
  }
  func.func @transform_0(%arg0: i32) -> (i32, i32) {
    %c0_i32 = arith.constant 0 : i32
    %c0_i32_0 = arith.constant 0 : i32
    return %arg0, %c0_i32 : i32, i32
  }
  func.func @transform_1(%arg0: i32) -> (i32, i32) {
    %c0_i32 = arith.constant 0 : i32
    %c0_i32_0 = arith.constant 0 : i32
    %c0_i32_1 = arith.constant 0 : i32
    return %c0_i32, %c0_i32_0 : i32, i32
  }
  func.func @transform_2(%arg0: i32) -> (i32, i32) {
    %c0_i32 = arith.constant 0 : i32
    %c0_i32_0 = arith.constant 0 : i32
    %c0_i32_1 = arith.constant 0 : i32
    return %c0_i32, %c0_i32_0 : i32, i32
  }
  func.func @transform_3(%arg0: i32) -> (i32, i32) {
    %c0_i32 = arith.constant 0 : i32
    %c0_i32_0 = arith.constant 0 : i32
    %c0_i32_1 = arith.constant 0 : i32
    return %c0_i32, %c0_i32_0 : i32, i32
  }
  func.func @transform_4(%arg0: i32) -> (i32, i32) {
    %c0_i32 = arith.constant 0 : i32
    %c0_i32_0 = arith.constant 0 : i32
    %c0_i32_1 = arith.constant 0 : i32
    return %c0_i32, %c0_i32_0 : i32, i32
  }
  func.func @transform_5(%arg0: i32) -> (i32, i32) {
    %c0_i32 = arith.constant 0 : i32
    %c0_i32_0 = arith.constant 0 : i32
    %c0_i32_1 = arith.constant 0 : i32
    return %c0_i32, %c0_i32_0 : i32, i32
  }
  func.func @transform_6(%arg0: i32) -> (i32, i32) {
    %c0_i32 = arith.constant 0 : i32
    %c0_i32_0 = arith.constant 0 : i32
    return %arg0, %c0_i32 : i32, i32
  }
  func.func @transform_7(%arg0: i32) -> (i32, i32) {
    %c0_i32 = arith.constant 0 : i32
    %c0_i32_0 = arith.constant 0 : i32
    return %arg0, %c0_i32 : i32, i32
  }
  func.func @transform_8(%arg0: i32) -> (i32, i32) {
    %c0_i32 = arith.constant 0 : i32
    %c0_i32_0 = arith.constant 0 : i32
    return %arg0, %c0_i32 : i32, i32
  }
  func.func @transform_9(%arg0: i32) -> (i32, i32) {
    %c0_i32 = arith.constant 0 : i32
    %c0_i32_0 = arith.constant 0 : i32
    return %arg0, %c0_i32 : i32, i32
  }
}

module attributes {stable_mosaic.version = 14 : i64} {
  func.func @_final_body(%arg0: i32, %arg1: memref<512x128xf32, #tpu.memory_space<vmem>>, %arg2: memref<512x128xf32, #tpu.memory_space<vmem>>, %arg3: memref<512x256xf32, #tpu.memory_space<vmem>>, %arg4: memref<512x1xf32, #tpu.memory_space<vmem>>, %arg5: memref<256x256xf32, #tpu.memory_space<vmem>>, %arg6: memref<1x256xf32, #tpu.memory_space<vmem>>, %arg7: memref<512x256xf32, #tpu.memory_space<vmem>>) attributes {dimension_semantics = [#tpu.dimension_semantics<arbitrary>], iteration_bounds = array<i64: 20>, scalar_prefetch = 0 : i64, scratch_operands = 0 : i64, tpu.core_type = #tpu.core_type<tc>, window_params = [{transform_indices = @transform_0, window_bounds = array<i64: 512, 128>}, {transform_indices = @transform_1, window_bounds = array<i64: 512, 128>}, {transform_indices = @transform_2, window_bounds = array<i64: 512, 256>}, {transform_indices = @transform_3, window_bounds = array<i64: 512, 1>}, {pipeline_mode = #tpu.pipeline_mode<synchronous>, transform_indices = @transform_4, window_bounds = array<i64: 256, 256>}, {pipeline_mode = #tpu.pipeline_mode<synchronous>, transform_indices = @transform_5, window_bounds = array<i64: 1, 256>}, {transform_indices = @transform_6, window_bounds = array<i64: 512, 256>}]} {
    %get3A = arith.constant 0 : index
    %get3A_0 = arith.constant 0 : index
    %get3A_1 = vector.load %arg1[%get3A, %get3A_0] : memref<512x128xf32, #tpu.memory_space<vmem>>, vector<512x128xf32>
    %get3A_2 = arith.constant 0 : index
    %get3A_3 = arith.constant 0 : index
    %get3A_4 = vector.load %arg2[%get3A_2, %get3A_3] : memref<512x128xf32, #tpu.memory_space<vmem>>, vector<512x128xf32>
    %concatenate3A = tpu.concatenate %get3A_1, %get3A_4 in 1 : vector<512x128xf32>, vector<512x128xf32> -> vector<512x256xf32>
    %get3A_5 = arith.constant 0 : index
    %get3A_6 = arith.constant 0 : index
    %get3A_7 = vector.load %arg4[%get3A_5, %get3A_6] : memref<512x1xf32, #tpu.memory_space<vmem>>, vector<512x1xf32>
    %mul3A = vector.broadcast %get3A_7 : vector<512x1xf32> to vector<512x256xf32>
    %mul3A_8 = arith.mulf %mul3A, %concatenate3A : vector<512x256xf32>
    %get3A_9 = arith.constant 0 : index
    %get3A_10 = arith.constant 0 : index
    %get3A_11 = vector.load %arg3[%get3A_9, %get3A_10] : memref<512x256xf32, #tpu.memory_space<vmem>>, vector<512x256xf32>
    %add3A = arith.addf %mul3A_8, %get3A_11 : vector<512x256xf32>
    %max3A = arith.constant 0.000000e+00 : f32
    %max3A_12 = vector.broadcast %max3A : f32 to vector<512x256xf32>
    %max3A_13 = arith.maximumf %add3A, %max3A_12 : vector<512x256xf32>
    %get3A_14 = arith.constant 0 : index
    %get3A_15 = arith.constant 0 : index
    %get3A_16 = vector.load %arg5[%get3A_14, %get3A_15] : memref<256x256xf32, #tpu.memory_space<vmem>>, vector<256x256xf32>
    %dot_general3A = arith.constant dense<0.000000e+00> : vector<512x256xf32>
    %dot_general3A_17 = tpu.matmul %max3A_13, %get3A_16, %dot_general3A {dimension_numbers = #tpu.dot_dimension_numbers<[1], [0], [0], [1], [0, 0, 1, 1], [], []>, transpose_lhs_hint = false} : vector<512x256xf32>, vector<256x256xf32>, vector<512x256xf32> -> vector<512x256xf32>
    %get3A_18 = arith.constant 0 : index
    %get3A_19 = arith.constant 0 : index
    %get3A_20 = vector.load %arg6[%get3A_18, %get3A_19] : memref<1x256xf32, #tpu.memory_space<vmem>>, vector<1x256xf32>
    %add3A_21 = vector.broadcast %get3A_20 : vector<1x256xf32> to vector<512x256xf32>
    %add3A_22 = arith.addf %dot_general3A_17, %add3A_21 : vector<512x256xf32>
    %swap3A = arith.constant 0 : index
    %swap3A_23 = arith.constant 0 : index
    %swap3A_24 = vector.load %arg7[%swap3A, %swap3A_23] : memref<512x256xf32, #tpu.memory_space<vmem>>, vector<512x256xf32>
    tpu.vector_store %arg7[%swap3A, %swap3A_23], %add3A_22 {strides = array<i32>} : memref<512x256xf32, #tpu.memory_space<vmem>>, vector<512x256xf32>,
    return
  }
  func.func @transform_0(%arg0: i32) -> (i32, i32) {
    %c0_i32 = arith.constant 0 : i32
    %c0_i32_0 = arith.constant 0 : i32
    return %arg0, %c0_i32 : i32, i32
  }
  func.func @transform_1(%arg0: i32) -> (i32, i32) {
    %c0_i32 = arith.constant 0 : i32
    %c0_i32_0 = arith.constant 0 : i32
    return %arg0, %c0_i32 : i32, i32
  }
  func.func @transform_2(%arg0: i32) -> (i32, i32) {
    %c0_i32 = arith.constant 0 : i32
    %c0_i32_0 = arith.constant 0 : i32
    return %arg0, %c0_i32 : i32, i32
  }
  func.func @transform_3(%arg0: i32) -> (i32, i32) {
    %c0_i32 = arith.constant 0 : i32
    %c0_i32_0 = arith.constant 0 : i32
    return %arg0, %c0_i32 : i32, i32
  }
  func.func @transform_4(%arg0: i32) -> (i32, i32) {
    %c0_i32 = arith.constant 0 : i32
    %c0_i32_0 = arith.constant 0 : i32
    %c0_i32_1 = arith.constant 0 : i32
    return %c0_i32, %c0_i32_0 : i32, i32
  }
  func.func @transform_5(%arg0: i32) -> (i32, i32) {
    %c0_i32 = arith.constant 0 : i32
    %c0_i32_0 = arith.constant 0 : i32
    %c0_i32_1 = arith.constant 0 : i32
    return %c0_i32, %c0_i32_0 : i32, i32
  }
  func.func @transform_6(%arg0: i32) -> (i32, i32) {
    %c0_i32 = arith.constant 0 : i32
    %c0_i32_0 = arith.constant 0 : i32
    return %arg0, %c0_i32 : i32, i32
  }
}

</mosaic_0001>

<sc_bundles>
// kernel: kernel.11.cloned.1.call-start
scs
__scs_entry_jumppad:
0x0: {  	(pc) =	sbr.rel $0x88, $3  }
0x1: {  	(tag) =	ssettag $0x0;
	lr =	simm.s32 $0x1  }
0x2: {  	[smem:$0x3F98] =	sst lr;
	_ =	strace $0xD0000000  }
0x3: {  	_ = 	snop  }
0x4: {  	_ = 	snop  }
0x5: {  	_ = 	snop  }
0x6: {  	_ = 	snop  }
0x7: {  	_ = 	snop  }
__scs_overlays_trampoline_lowered:
0x8: {  	[smem:$0x3FA7] =	sst s0  }
0x9: {  	[smem:$0x3FA8] =	sst s1  }
0xa: {  	[smem:$0x3FA9] =	sst s2  }
0xb: {  	[smem:$0x3FAA] =	sst s3  }
0xc: {  	[smem:$0x3FAB] =	sst s4  }
0xd: {  	[smem:$0x3FAC] =	sst s5  }
0xe: {  	[smem:$0x3FAD] =	sst s6  }
0xf: {  	[smem:$0x3FAE] =	sst s7  }
0x10: {  	[smem:$0x3FAF] =	sst s8  }
0x11: {  	[smem:$0x3FB0] =	sst s9;
	s0 =	simm.s32 @!p0 $0x0  }
0x12: {  	s1 =	sld [smem:$0x3F96];
	s0 =	simm.s32 @p0 $0x1  }
0x13: {  	[smem:$0x3FB1] =	sst s0;
	s0 =	simm.s32 @!p1 $0x0  }
0x14: {  	s2 =	sld [smem:$0x3F95];
	s0 =	simm.s32 @p1 $0x1  }
0x15: {  	[smem:$0x3FB2] =	sst s0;
	s0 =	simm.s32 @!p2 $0x0  }
0x16: {  	s3 =	sld [smem:$0x3FDB];
	s0 =	simm.s32 @p2 $0x1  }
0x17: {  	s4 =	simm.s32 $0x1BF5;
	[smem:$0x3FB4] =	sst s0  }
0x18: {  	s0 =	sld [smem:$0x3F97];
	_ =	swait.ge [sflag:s4], $0x0  }
0x19: {  	s7 =	sld [smem:$0x3F98]  }
0x1a: {  	s8 =	sadd.s32 $0xFFFFE003, lr  }
0x1b: {  	s9 =	sadd.s32 $0xFFFFFEF7, lr;
	s5 =	simm.s32 $0xFFFFFFFF;
	p2 =	slt.u32 s8, $0xFFFFF086  }
0x1c: {  	p1 =	slt.u32 s9, $0xF7A;
	s5 =	simm.s32 @!p2 $0x0  }
0x1d: {  	s5 =	simm.s32 @p1 $0x1;
	p0 =	seq.s32 s7, s2  }
0x1e: {  	s7 =	smul.u32 @!p0 $0xF7A, s2;
	p2 =	seq.s32 @!p0 s5, $0x0  }
0x1f: {  	s9 =	smul.u32 $0xF7A, s1;
	s8 =	simm.s32 @!p0 $0x1BF5;
	p2 =	por !p2, p0  }
0x20: {  	[sflag:s8] =	ssyncset.s32 @!p0 $0xFFFFF086;
	s6 =	sadd.s32 @!p0 s3, s7;
	s7 =	simm.s32 @!p0 $0x108  }
0x21: {  	s3 =	sadd.s32 s3, s9;
	s6 =	sadd.s32 @!p0 $0x88, s6;
	s7 =	simm.s32 @p2 $0x1082  }
0x22: {  	[simem:s7], [sflag:s8] =	dma.local @!p0 [hbm:s6], $0xF7A  }
0x23: {  	s9 =	sor.u32 $0xD0000000, s2;
	s6 =	simm.s32 $0x108;
	_ =	swait.ge @!p0 [sflag:s8], $0x0  }
0x24: {  	s3 =	sadd.s32 $0x88, s3;
	s6 =	simm.s32 @!p1 $0x1082;
	[sflag:s4] =	ssyncset.s32 $0xFFFFF086  }
0x25: {  	[simem:s6], [sflag:s4] =	dma.local [hbm:s3], $0xF7A  }
0x26: {  	[smem:$0x3F98] =	sst s1;
	(tag) =	ssettag s2;
	_ =	strace s9  }
0x27: {  	s1 =	sld [smem:$0x3FA8]  }
0x28: {  	s2 =	sld [smem:$0x3FA9]  }
0x29: {  	s4 =	sld [smem:$0x3FAB]  }
0x2a: {  	p0 =	seq.s32 s5, $0x0;
	s5 =	sld [smem:$0x3FAC]  }
0x2b: {  	s6 =	sld [smem:$0x3FAD]  }
0x2c: {  	s7 =	sld [smem:$0x3FAE]  }
0x2d: {  	s3 =	simm.s32 $0x108;
	s8 =	sld [smem:$0x3FAF]  }
0x2e: {  	s3 =	simm.s32 @!p0 $0x1082;
	s9 =	sld [smem:$0x3FB0]  }
0x2f: {  	lr =	sadd.s32 s0, s3;
	s0 =	sld [smem:$0x3FA7]  }
0x30: {  	s3 =	sld [smem:$0x3FAA]  }
0x31: {  	[smem:$0x3FB3] =	sst s10  }
0x32: {  	s10 =	sld [smem:$0x3FB1];
	_ =	sdelay $0x3  }
0x33: {  	p0 =	seq.s32 s10, $0x1;
	s10 =	sld [smem:$0x3FB3];
	_ =	sdelay $0x3  }
0x34: {  	[smem:$0x3FB3] =	sst s10  }
0x35: {  	s10 =	sld [smem:$0x3FB2];
	_ =	sdelay $0x3  }
0x36: {  	p1 =	seq.s32 s10, $0x1;
	s10 =	sld [smem:$0x3FB3];
	_ =	sdelay $0x3  }
0x37: {  	[smem:$0x3FB3] =	sst s10  }
0x38: {  	s10 =	sld [smem:$0x3FB4]  }
0x39: {  	_ = 	snop;
	(pc) =	sbr.ind lr, $3  }
0x3a: {  	_ = 	snop  }
0x3b: {  	_ = 	snop  }
0x3c: {  	p2 =	seq.s32 s10, $0x1;
	s10 =	sld [smem:$0x3FB3]  }
0x3d: {  	_ =	shalt  }
0x3e: {  	_ =	shalt  }
0x3f: {  	_ =	shalt  }
0x40: {  	_ =	shalt  }
0x41: {  	_ =	shalt  }
0x42: {  	_ =	shalt  }
0x43: {  	_ =	shalt  }
0x44: {  	_ =	shalt  }
0x45: {  	_ =	shalt  }
0x46: {  	_ =	shalt  }
0x47: {  	_ =	shalt  }
0x48: {  	_ =	shalt  }
0x49: {  	_ =	shalt  }
0x4a: {  	_ =	shalt  }
0x4b: {  	_ =	shalt  }
0x4c: {  	_ =	shalt  }
0x4d: {  	_ =	shalt  }
0x4e: {  	_ =	shalt  }
0x4f: {  	_ =	shalt  }
0x50: {  	_ =	shalt  }
0x51: {  	_ =	shalt  }
0x52: {  	_ =	shalt  }
0x53: {  	_ =	shalt  }
0x54: {  	_ =	shalt  }
0x55: {  	_ =	shalt  }
0x56: {  	_ =	shalt  }
0x57: {  	_ =	shalt  }
0x58: {  	_ =	shalt  }
0x59: {  	_ =	shalt  }
0x5a: {  	_ =	shalt  }
0x5b: {  	_ =	shalt  }
0x5c: {  	_ =	shalt  }
0x5d: {  	_ =	shalt  }
0x5e: {  	_ =	shalt  }
0x5f: {  	_ =	shalt  }
0x60: {  	_ =	shalt  }
0x61: {  	_ =	shalt  }
0x62: {  	_ =	shalt  }
0x63: {  	_ =	shalt  }
0x64: {  	_ =	shalt  }
0x65: {  	_ =	shalt  }
0x66: {  	_ =	shalt  }
0x67: {  	_ =	shalt  }
0x68: {  	_ =	shalt  }
0x69: {  	_ =	shalt  }
0x6a: {  	_ =	shalt  }
0x6b: {  	_ =	shalt  }
0x6c: {  	_ =	shalt  }
0x6d: {  	_ =	shalt  }
0x6e: {  	_ =	shalt  }
0x6f: {  	_ =	shalt  }
0x70: {  	_ =	shalt  }
0x71: {  	_ =	shalt  }
0x72: {  	_ =	shalt  }
0x73: {  	_ =	shalt  }
0x74: {  	_ =	shalt  }
0x75: {  	_ =	shalt  }
0x76: {  	_ =	shalt  }
0x77: {  	_ =	shalt  }
0x78: {  	_ =	shalt  }
0x79: {  	_ =	shalt  }
0x7a: {  	_ =	shalt  }
0x7b: {  	_ =	shalt  }
0x7c: {  	_ =	shalt  }
0x7d: {  	_ =	shalt  }
0x7e: {  	_ =	shalt  }
0x7f: {  	_ =	shalt  }
0x80: {  	_ =	shalt  }
0x81: {  	_ =	shalt  }
0x82: {  	_ =	shalt  }
0x83: {  	_ =	shalt  }
0x84: {  	_ =	shalt  }
0x85: {  	_ =	shalt  }
0x86: {  	_ =	shalt  }
0x87: {  	_ =	shalt  }
.Lfunc_end0:
.L_simem_size_0:
called_computation_lowered:
.L_overlay_start_0:
0x88: {  	s2 =	sld [smem:$0x3FD9]  }
0x89: {  	s3 =	sld [smem:$0x3FFE];
	_ =	sdelay $0x1  }
0x8a: {  	s1 =	srdreg.scid  }
0x8b: {  	s0 =	sand.u32 $0x1, s1  }
0x8c: {  	s17 =	sshll.u32 s0, $0xA;
	s2 =	sadd.s32 s3, s2  }
0x8d: {  	s2 =	sadd.s32 s2, s17  }
0x8e: {  	[smem:$0x3FBF] =	sst s2  }
0x8f: {  	_ = 	snop  }
0x90: {  	s2 =	sld [smem:$0x3FD0];
	(tm) =	ssettm $0x1  }
0x91: {  	s18 =	sld [smem:$0x3FFB];
	_ =	sdelay $0x3  }
0x92: {  	_ =	strace s18  }
0x93: {  	s3 =	sld [smem:$0x3FFC];
	_ =	sdelay $0x3  }
0x94: {  	_ =	strace s3  }
0x95: {  	s3 =	sld [smem:$0x3FFD];
	_ =	sdelay $0x3  }
0x96: {  	_ =	strace s3  }
0x97: {  	_ =	strace $0x8FFFFFFF  }
0x98: {  	s19 =	sld [smem:$0x3FDB];
	_ =	sdelay $0x1  }
0x99: {  	s4 =	simm.s32 $_scs_section_size  }
0x9a: {  	s5 =	simm.s32 $_size__tile_overlayer_lowered;
	s6 =	simm.s32 $_tile_overlayer_lowered  }
0x9b: {  	s22 =	simm.s32 $0x1BFF;
	s21 =	sshll.u32 s6, $0x1;
	s3 =	sadd.s32 s4, s19  }
0x9c: {  	s7 =	simm.s32 $0x0;
	s20 =	sshll.u32 s5, $0x1;
	s5 =	sadd.s32 s21, s3  }
0x9d: {  	[timem:s7], [sflag:s22] =	dma.local [hbm:s5], s20  }
0x9e: {  	_ =	swait.ge [sflag:s22], s20  }
0x9f: {  	s4 =	ssub.s32 $0x0, s20;
	[sflag:s22] =	ssyncset.done $0x0  }
0xa0: {  	[sflag:s22] =	ssyncadd.s32 s4;
	_ =	sdelay $0x1  }
0xa1: {  	s23 =	simm.s32 $0x1B8B  }
0xa2: {  	_ =	swait.ge [sflag:s23], $0x1  }
0xa3: {  	[sflag:s23] =	ssyncset.done $0x0  }
0xa4: {  	s25 =	simm.s32 $0x1B8E;
	s24 =	sld [smem:$0x3FFE];
	[sflag:s23] =	ssyncadd.s32 $0xFFFFFFFF  }
0xa5: {  	s26 =	simm.s32 $execute0_lowered;
	[smem:$0x3FD2] =	sst s25  }
0xa6: {  	s5 =	sshll.u32 s26, $0x1;
	_ =	strace $0x80000046;
	[dreg:$0x1] =	wrdreg $0xFFFFFFFF  }
0xa7: {  	s28 =	simm.s32 $_size_execute0_lowered;
	s3 =	sadd.s32 s3, s5;
	[dreg:$0x0] =	wrdreg $0x0  }
0xa8: {  	s5 =	sshll.u32 s28, $0x1;
	[dreg:$0x2] =	wrdreg s3  }
0xa9: {  	[dreg:$0x3] =	wrdreg s5  }
0xaa: {  	[dreg:$0x4] =	wrdreg $0xC0  }
0xab: {  	_ =	task [dreg:s7], $0x5FFFF  }
0xac: {  	[dreg:$0x1] =	wrdreg $0xFFFFFFFF  }
0xad: {  	[dreg:$0x0] =	wrdreg $0x60  }
0xae: {  	[dreg:$0x2] =	wrdreg s24  }
0xaf: {  	[dreg:$0x3] =	wrdreg s2  }
0xb0: {  	[dreg:$0x4] =	wrdreg $0x0  }
0xb1: {  	[dreg:$0x5] =	wrdreg $0x9  }
0xb2: {  	_ =	task.clear_ibuf [dreg:s7], $0x6FFFF;
	_ =	strace $0x90000046  }
0xb3: {  	s29 =	simm.s32 $0x9;
	_ =	strace $0x80000048  }
0xb4: {  	_ =	swait.ge [sflag:s29], $0x1  }
0xb5: {  	[sflag:s29] =	ssyncadd.s32 $0xFFFFFFFF  }
0xb6: {  	_ =	strace $0x90000048  }
0xb7: {  	_ =	sfence  }
0xb8: {  	s30 =	sld [smem:$0x0];
	_ =	sdelay $0x2  }
0xb9: {  	s31 =	sshll.u32 s1, $0xD;
	s1 =	sshrl.u32 s1, $0x2  }
0xba: {  	s3 =	sand.u32 $0x4000, s31;
	s1 =	sadd.s32 s1, s30  }
0xbb: {  	s0 =	sor.u32 s3, s0;
	s1 =	sshll.u32 s1, $0x11  }
0xbc: {  	s0 =	sor.u32 s1, s0  }
0xbd: {  	s0 =	sadd.s32 $0x8F2B, s0  }
0xbe: {  	[sflag:s0] =	ssyncadd.remote.s32 $0x1  }
0xbf: {  	_ =	sfence.sel $0xFFFF  }
0xc0: {  	[dreg:$0x0] =	wrdreg $0xFFFFFFFF;
	(pc) =	sbr.abs _section_cstart, $3  }
0xc1: {  	[dreg:$0x1] =	wrdreg $0xFFFFFFFF  }
0xc2: {  	_ =	task.clear_ibuf [dreg:s7], $0x2FFFF;
	_ =	strace $0x9FFFFFFF  }
0xc3: {  	(tm) =	ssettm $0x7FFFFFFF  }
tec
execute0_lowered:
.L_overlay_start_1:
0x0: {  	(tag) =	ssettag $0x1  }
0x1: {  	s7 =	rddreg [dreg:$0x0]  }
0x2: {  	s2 =	rddreg [dreg:$0x1]  }
0x3: {  	s3 =	rddreg [dreg:$0x2]  }
0x4: {  	s0 =	stileid.u32;
	s1 =	rddreg [dreg:$0x3];
	s4 =	simm.s32 $0x0  }
0x5: {  	s30 =	srdreg.scid;
	s16 =	simm.s32 $0x280;
	s17 =	simm.s32 $0x2A80  }
0x6: {  	s18 =	simm.s32 $0x80;
	s19 =	simm.s32 $0x5200;
	s20 =	simm.s32 $0x300  }
0x7: {  	s21 =	simm.s32 $0x0;
	s5 =	smul.u32 $0x4E, s0;
	s6 =	smin.u32 s0, $0x2  }
0x8: {  	[smem:$0x7FF] =	sst s4;
	s14 =	sand.u32 $0x1, s30;
	s12 =	smul.u32 $0x280, s0  }
0x9: {  	s31 =	sshll.u32 s0, $0x6;
	p0 =	slt.u32 s0, $0x2;
	_ =	strace $0x80000047  }
0xa: {  	s8 =	ssub.s32 $0x2, s14;
	s5 =	sadd.s32 s6, s5;
	s6 =	sadd.s32 $0xE200, s7  }
0xb: {  	s9 =	sshrl.u32 s8, $0x1;
	s15 =	sadd.s32 s12, s3;
	s12 =	sshrl.u32 s12, $0x3  }
.Ltmp0:
0xc: {  	s5 =	sshll.u32 s5, $0x4;
	s13 =	ssub.s32 s8, s9;
	(pc) =	sbr.rel .LBB2_1-.Ltmp0, $4  }
0xd: {  	s8 =	simm.s32 $0x4F;
	s9 =	sor.u32 $0x1C01, s31;
	s11 =	sadd.s32 s5, s7  }
0xe: {  	s5 =	sadd.s32 $0xE000, s7;
	s7 =	sadd.s32 $0xE800, s7;
	s8 =	simm.s32 @!p0 $0x4E  }
0xf: {  	s13 =	smax.u32 s13, $0x1;
	p0 =	sne.s32 s14, $0x0;
	s14 =	sshrl.u32 s15, $0x3  }
0x10: {  	s15 =	simm.s32 $0x1;
	s10 =	sadd.s32 $0x9000, s11;
	s11 =	sadd.s32 $0x4000, s11  }
.LBB2_7:
0x11: {  	vm0 =	vgt.s32 v0, v1  }
0x12: {  	v0 =	vsel vm0, v0, v1  }
0x13: {  	[tilespmem:$0x5270] =	vst v0  }
0x14: {  	[spmem:s3] =	stream.indirect.scatter.add.f32 [tilespmem:s16], [sflag:$0x1], $0x1, s19, s18, $0xb8;
	[tilespmem:$0x5280] =	vst v63  }
0x15: {  	_ =	swait.ge [sflag:s15], $0x80  }
0x16: {  	[sflag:s15] =	ssyncset.done $0x0  }
0x17: {  	s22 =	smov.u32 s7;
	[sflag:s15] =	ssyncadd.s32 $0xFFFFFF80  }
.LBB2_8:
0x18: {  	s21 =	sadd.s32 $0x1, s21  }
0x19: {  	p1 =	sne.s32 s21, s13  }
.Ltmp1:
0x1a: {  	s22 =	sadd.s32 s22, s12;
	[bflag:$0x0] =	sbarrier.arrive $0xFFFF;
	(pc) =	sbr.rel @!p1 .LBB2_9-.Ltmp1, $4  }
0x1b: {  	[hbm:s22], [sflag:s9] =	dma.local [spmem:s14], $0x50  }
0x1c: {  	_ =	swait.ge [sflag:s15], $0x50  }
0x1d: {  	[sflag:s15] =	ssyncset.done $0x0  }
0x1e: {  	[sflag:s15] =	ssyncadd.s32 $0xFFFFFFB0  }
.LBB2_1:
0x1f: {  	[spmem:s14], [sflag:s9] =	dma.local [hbm:s5], $0x50  }
0x20: {  	_ =	swait.ge [sflag:s15], $0x50  }
0x21: {  	[sflag:s15] =	ssyncset.done $0x0  }
0x22: {  	[sflag:s15] =	ssyncadd.s32 $0xFFFFFFB0  }
0x23: {  	[tilespmem:s16], [sflag:$0x1] =	stream.linear.gather [hbm4b:s2+s4], $0x80, $0x38;
	[tilespmem:$0x5280] =	vst v63  }
0x24: {  	_ =	swait.ge [sflag:s15], $0x80  }
0x25: {  	[sflag:s15] =	ssyncset.done $0x0  }
.Ltmp2:
0x26: {  	[sflag:s15] =	ssyncadd.s32 $0xFFFFFF80;
	(pc) =	sbr.rel @p0 .LBB2_5-.Ltmp2, $4  }
0x27: {  	[tilespmem:s17], [sflag:$0x1] =	stream.linear.gather [hbm4b:s10+s4], $0x2780, $0x38;
	[tilespmem:$0x5280] =	vst v63  }
0x28: {  	_ =	swait.ge [sflag:s15], $0x2780  }
0x29: {  	[sflag:s15] =	ssyncset.done $0x0  }
0x2a: {  	[sflag:s15] =	ssyncadd.s32 $0xFFFFD880  }
0x2b: {  	[bflag:$0x0] =	sbarrier.arrive $0xFFFF;
	s22 =	simm.s32 $0x2AC0  }
0x2c: {  	v0 =	vld [tilespmem:s22+$0xFFFFFFC0];
	_ =	sdelay $0x4  }
0x2d: {  	[tilespmem:$0x5200] =	vst v0  }
0x2e: {  	v0 =	vld [tilespmem:s22+$0xFFFFFFD0];
	_ =	sdelay $0x4  }
0x2f: {  	[tilespmem:$0x5210] =	vst v0  }
0x30: {  	v0 =	vld [tilespmem:s22+$0xFFFFFFE0];
	_ =	sdelay $0x4  }
0x31: {  	[tilespmem:$0x5220] =	vst v0  }
0x32: {  	v0 =	vld [tilespmem:s22+$0xFFFFFFF0];
	_ =	sdelay $0x4  }
0x33: {  	[tilespmem:$0x5230] =	vst v0  }
0x34: {  	v0 =	vld [tilespmem:s22+$0x0];
	_ =	sdelay $0x4  }
0x35: {  	[tilespmem:$0x5240] =	vst v0  }
0x36: {  	v0 =	vld [tilespmem:s22+$0x10];
	_ =	sdelay $0x4  }
0x37: {  	[tilespmem:$0x5250] =	vst v0  }
0x38: {  	v0 =	vld [tilespmem:s22+$0x20];
	_ =	sdelay $0x4  }
0x39: {  	[tilespmem:$0x5260] =	vst v0  }
0x3a: {  	v0 =	vld [tilespmem:s22+$0x30];
	_ =	sdelay $0x2  }
0x3b: {  	p1 =	seq.s32 s8, $0x1  }
.Ltmp3:
0x3c: {  	_ = 	snop;
	(pc) =	sbr.rel @p1 .LBB2_4-.Ltmp3, $4  }
0x3d: {  	[tilespmem:$0x5270] =	vst v0  }
0x3e: {  	[spmem:s3] =	stream.indirect.scatter.add.f32 [tilespmem:s16], [sflag:$0x1], $0x1, s19, s18, $0xb8;
	[tilespmem:$0x5280] =	vst v63  }
0x3f: {  	_ =	swait.ge [sflag:s15], $0x80  }
0x40: {  	s23 =	sadd.s32 $0xFFFFFFFF, s8;
	[sflag:s15] =	ssyncset.done $0x0  }
.LBB2_3:
0x41: {  	p1 =	seq.s32 s23, $0x1;
	[sflag:s15] =	ssyncadd.s32 $0xFFFFFF80;
	s22 =	sadd.s32 $0x80, s22  }
0x42: {  	s23 =	sadd.s32 $0xFFFFFFFF, s23;
	v0 =	vld [tilespmem:s22+$0xFFFFFFC0];
	_ =	sdelay $0x4  }
0x43: {  	[tilespmem:$0x5200] =	vst v0  }
0x44: {  	v0 =	vld [tilespmem:s22+$0xFFFFFFD0];
	_ =	sdelay $0x4  }
0x45: {  	[tilespmem:$0x5210] =	vst v0  }
0x46: {  	v0 =	vld [tilespmem:s22+$0xFFFFFFE0];
	_ =	sdelay $0x4  }
0x47: {  	[tilespmem:$0x5220] =	vst v0  }
0x48: {  	v0 =	vld [tilespmem:s22+$0xFFFFFFF0];
	_ =	sdelay $0x4  }
0x49: {  	[tilespmem:$0x5230] =	vst v0  }
0x4a: {  	v0 =	vld [tilespmem:s22+$0x0];
	_ =	sdelay $0x4  }
0x4b: {  	[tilespmem:$0x5240] =	vst v0  }
0x4c: {  	v0 =	vld [tilespmem:s22+$0x10];
	_ =	sdelay $0x4  }
0x4d: {  	[tilespmem:$0x5250] =	vst v0  }
0x4e: {  	v0 =	vld [tilespmem:s22+$0x20];
	_ =	sdelay $0x4  }
0x4f: {  	[tilespmem:$0x5260] =	vst v0  }
0x50: {  	v0 =	vld [tilespmem:s22+$0x30];
	_ =	sdelay $0x3  }
.Ltmp4:
0x51: {  	(pc) =	sbr.rel @!p1 .LBB2_3-.Ltmp4, $4  }
0x52: {  	[tilespmem:$0x5270] =	vst v0  }
0x53: {  	[spmem:s3] =	stream.indirect.scatter.add.f32 [tilespmem:s16], [sflag:$0x1], $0x1, s19, s18, $0xb8;
	[tilespmem:$0x5280] =	vst v63  }
0x54: {  	_ =	swait.ge [sflag:s15], $0x80  }
0x55: {  	[sflag:s15] =	ssyncset.done $0x0  }
.LBB2_4:
.Ltmp5:
0x56: {  	(pc) =	sbr.rel .LBB2_8-.Ltmp5, $2  }
0x57: {  	_ =	sdelay $0x2  }
0x58: {  	[sflag:s15] =	ssyncadd.s32 $0xFFFFFF80;
	s22 =	smov.u32 s6  }
.LBB2_5:
0x59: {  	[tilespmem:s20], [sflag:$0x1] =	stream.linear.gather [hbm4b:s11+s4], $0x2780, $0x38;
	[tilespmem:$0x5280] =	vst v63  }
0x5a: {  	_ =	swait.ge [sflag:s15], $0x2780  }
0x5b: {  	[sflag:s15] =	ssyncset.done $0x0  }
0x5c: {  	[sflag:s15] =	ssyncadd.s32 $0xFFFFD880  }
0x5d: {  	s22 =	simm.s32 $0x340;
	[bflag:$0x0] =	sbarrier.arrive $0xFFFF  }
0x5e: {  	s23 =	simm.s32 $0x2AC0;
	v0 =	vld [tilespmem:s22+$0xFFFFFFC0]  }
0x5f: {  	v1 =	vld [tilespmem:s23+$0xFFFFFFC0];
	_ =	sdelay $0x4  }
0x60: {  	vm0 =	vgt.s32 v0, v1  }
0x61: {  	v0 =	vsel vm0, v0, v1  }
0x62: {  	[tilespmem:$0x5200] =	vst v0  }
0x63: {  	v0 =	vld [tilespmem:s22+$0xFFFFFFD0]  }
0x64: {  	v1 =	vld [tilespmem:s23+$0xFFFFFFD0];
	_ =	sdelay $0x4  }
0x65: {  	vm10 =	vgt.s32 v0, v1  }
0x66: {  	v0 =	vsel vm10, v0, v1  }
0x67: {  	[tilespmem:$0x5210] =	vst v0  }
0x68: {  	v0 =	vld [tilespmem:s22+$0xFFFFFFE0]  }
0x69: {  	v1 =	vld [tilespmem:s23+$0xFFFFFFE0];
	_ =	sdelay $0x4  }
0x6a: {  	vm11 =	vgt.s32 v0, v1  }
0x6b: {  	v0 =	vsel vm11, v0, v1  }
0x6c: {  	[tilespmem:$0x5220] =	vst v0  }
0x6d: {  	v0 =	vld [tilespmem:s22+$0xFFFFFFF0]  }
0x6e: {  	v1 =	vld [tilespmem:s23+$0xFFFFFFF0];
	_ =	sdelay $0x4  }
0x6f: {  	vm12 =	vgt.s32 v0, v1  }
0x70: {  	v0 =	vsel vm12, v0, v1  }
0x71: {  	[tilespmem:$0x5230] =	vst v0  }
0x72: {  	v0 =	vld [tilespmem:s22+$0x0]  }
0x73: {  	v1 =	vld [tilespmem:s23+$0x0];
	_ =	sdelay $0x4  }
0x74: {  	vm13 =	vgt.s32 v0, v1  }
0x75: {  	v0 =	vsel vm13, v0, v1  }
0x76: {  	[tilespmem:$0x5240] =	vst v0  }
0x77: {  	v0 =	vld [tilespmem:s22+$0x10]  }
0x78: {  	v1 =	vld [tilespmem:s23+$0x10];
	_ =	sdelay $0x4  }
0x79: {  	vm14 =	vgt.s32 v0, v1  }
0x7a: {  	v0 =	vsel vm14, v0, v1  }
0x7b: {  	[tilespmem:$0x5250] =	vst v0  }
0x7c: {  	v0 =	vld [tilespmem:s22+$0x20]  }
0x7d: {  	v1 =	vld [tilespmem:s23+$0x20];
	_ =	sdelay $0x4  }
0x7e: {  	vm15 =	vgt.s32 v0, v1  }
0x7f: {  	v0 =	vsel vm15, v0, v1  }
0x80: {  	[tilespmem:$0x5260] =	vst v0  }
0x81: {  	p1 =	sne.s32 s8, $0x1;
	v0 =	vld [tilespmem:s22+$0x30]  }
.Ltmp6:
0x82: {  	v1 =	vld [tilespmem:s23+$0x30];
	(pc) =	sbr.rel @!p1 .LBB2_7-.Ltmp6, $2  }
0x83: {  	_ =	sdelay $0x2  }
0x84: {  	s24 =	sadd.s32 $0xFFFFFFFF, s8  }
.LBB2_6:
0x85: {  	p1 =	sne.s32 s24, $0x1;
	s22 =	sadd.s32 $0x80, s22;
	s23 =	sadd.s32 $0x80, s23  }
0x86: {  	s24 =	sadd.s32 $0xFFFFFFFF, s24;
	vm0 =	vgt.s32 v0, v1  }
0x87: {  	v0 =	vsel vm0, v0, v1  }
0x88: {  	[tilespmem:$0x5270] =	vst v0  }
0x89: {  	[spmem:s3] =	stream.indirect.scatter.add.f32 [tilespmem:s16], [sflag:$0x1], $0x1, s19, s18, $0xb8;
	[tilespmem:$0x5280] =	vst v63  }
0x8a: {  	_ =	swait.ge [sflag:s15], $0x80  }
0x8b: {  	[sflag:s15] =	ssyncset.done $0x0  }
0x8c: {  	[sflag:s15] =	ssyncadd.s32 $0xFFFFFF80  }
0x8d: {  	v0 =	vld [tilespmem:s22+$0xFFFFFFC0]  }
0x8e: {  	v1 =	vld [tilespmem:s23+$0xFFFFFFC0];
	_ =	sdelay $0x4  }
0x8f: {  	vm0 =	vgt.s32 v0, v1  }
0x90: {  	v0 =	vsel vm0, v0, v1  }
0x91: {  	[tilespmem:$0x5200] =	vst v0  }
0x92: {  	v0 =	vld [tilespmem:s22+$0xFFFFFFD0]  }
0x93: {  	v1 =	vld [tilespmem:s23+$0xFFFFFFD0];
	_ =	sdelay $0x4  }
0x94: {  	vm0 =	vgt.s32 v0, v1  }
0x95: {  	v0 =	vsel vm0, v0, v1  }
0x96: {  	[tilespmem:$0x5210] =	vst v0  }
0x97: {  	v0 =	vld [tilespmem:s22+$0xFFFFFFE0]  }
0x98: {  	v1 =	vld [tilespmem:s23+$0xFFFFFFE0];
	_ =	sdelay $0x4  }
0x99: {  	vm0 =	vgt.s32 v0, v1  }
0x9a: {  	v0 =	vsel vm0, v0, v1  }
0x9b: {  	[tilespmem:$0x5220] =	vst v0  }
0x9c: {  	v0 =	vld [tilespmem:s22+$0xFFFFFFF0]  }
0x9d: {  	v1 =	vld [tilespmem:s23+$0xFFFFFFF0];
	_ =	sdelay $0x4  }
0x9e: {  	vm0 =	vgt.s32 v0, v1  }
0x9f: {  	v0 =	vsel vm0, v0, v1  }
0xa0: {  	[tilespmem:$0x5230] =	vst v0  }
0xa1: {  	v0 =	vld [tilespmem:s22+$0x0]  }
0xa2: {  	v1 =	vld [tilespmem:s23+$0x0];
	_ =	sdelay $0x4  }
0xa3: {  	vm0 =	vgt.s32 v0, v1  }
0xa4: {  	v0 =	vsel vm0, v0, v1  }
0xa5: {  	[tilespmem:$0x5240] =	vst v0  }
0xa6: {  	v0 =	vld [tilespmem:s22+$0x10]  }
0xa7: {  	v1 =	vld [tilespmem:s23+$0x10];
	_ =	sdelay $0x4  }
0xa8: {  	vm0 =	vgt.s32 v0, v1  }
0xa9: {  	v0 =	vsel vm0, v0, v1  }
0xaa: {  	[tilespmem:$0x5250] =	vst v0  }
0xab: {  	v0 =	vld [tilespmem:s22+$0x20]  }
0xac: {  	v1 =	vld [tilespmem:s23+$0x20];
	_ =	sdelay $0x4  }
.Ltmp7:
0xad: {  	vm0 =	vgt.s32 v0, v1;
	(pc) =	sbr.rel @p1 .LBB2_6-.Ltmp7, $4  }
0xae: {  	v0 =	vsel vm0, v0, v1  }
0xaf: {  	[tilespmem:$0x5260] =	vst v0  }
0xb0: {  	v0 =	vld [tilespmem:s22+$0x30]  }
0xb1: {  	v1 =	vld [tilespmem:s23+$0x30]  }
.Ltmp8:
0xb2: {  	_ = 	snop;
	(pc) =	sbr.rel .LBB2_7-.Ltmp8, $1  }
0xb3: {  	_ =	sdelay $0x3  }
.LBB2_9:
0xb4: {  	_ =	sfence.sel $0x180000  }
0xb5: {  	[bflag:$0x0] =	sbarrier.arrive $0xFFFF  }
0xb6: {  	p0 =	sne.s32 s0, $0x0;
	_ =	strace $0x90000047  }
0xb7: {  	s0 =	sadd.s32 @!p0 $0x100000, s1;
	[bflag:$0x2] =	sbarrier.arrive $0xFFFF  }
0xb8: {  	[sflag:s0] =	ssyncadd.tile.s32 @!p0 $0x1;
	_ =	shalt  }
.Lfunc_end2:
_tile_overlayer_lowered:
.L_overlay_start_2:
0xb9: {  	(tag) =	ssettag $0x2  }
0xba: {  	s0 =	rddreg [dreg:$0x0];
	s2 =	stileid.u32  }
0xbb: {  	s1 =	rddreg [dreg:$0x1];
	p0 =	sne.s32 s2, $0x0  }
0xbc: {  	s3 =	rddreg [dreg:$0x2];
	[bflag:$0x3] =	sbarrier.arrive $0xFFFF;
	s2 =	simm.s32 @!p0 $0x1C01  }
0xbd: {  	[timem:s3], [sflag:s2] =	dma.local @!p0 [hbm:s0], s1  }
0xbe: {  	s0 =	simm.s32 @!p0 $0x1  }
0xbf: {  	_ =	swait.ge @!p0 [sflag:s0], s1  }
0xc0: {  	s1 =	ssub.s32 @!p0 $0x0, s1;
	[sflag:s0] =	ssyncset.done @!p0 $0x0  }
0xc1: {  	[sflag:s0] =	ssyncadd.s32 @!p0 s1  }
0xc2: {  	[bflag:$0x3] =	sbarrier.arrive $0xFFFF  }
0xc3: {  	_ =	shalt  }

// kernel: kernel.14.cloned.1.call-start
scs
__scs_entry_jumppad:
0x0: {  	(pc) =	sbr.rel $0x88, $3  }
0x1: {  	(tag) =	ssettag $0x0;
	lr =	simm.s32 $0x1  }
0x2: {  	[smem:$0x3F98] =	sst lr;
	_ =	strace $0xD0000000  }
0x3: {  	_ = 	snop  }
0x4: {  	_ = 	snop  }
0x5: {  	_ = 	snop  }
0x6: {  	_ = 	snop  }
0x7: {  	_ = 	snop  }
__scs_overlays_trampoline_lowered:
0x8: {  	[smem:$0x3FA7] =	sst s0  }
0x9: {  	[smem:$0x3FA8] =	sst s1  }
0xa: {  	[smem:$0x3FA9] =	sst s2  }
0xb: {  	[smem:$0x3FAA] =	sst s3  }
0xc: {  	[smem:$0x3FAB] =	sst s4  }
0xd: {  	[smem:$0x3FAC] =	sst s5  }
0xe: {  	[smem:$0x3FAD] =	sst s6  }
0xf: {  	[smem:$0x3FAE] =	sst s7  }
0x10: {  	[smem:$0x3FAF] =	sst s8  }
0x11: {  	[smem:$0x3FB0] =	sst s9;
	s0 =	simm.s32 @!p0 $0x0  }
0x12: {  	s1 =	sld [smem:$0x3F96];
	s0 =	simm.s32 @p0 $0x1  }
0x13: {  	[smem:$0x3FB1] =	sst s0;
	s0 =	simm.s32 @!p1 $0x0  }
0x14: {  	s2 =	sld [smem:$0x3F95];
	s0 =	simm.s32 @p1 $0x1  }
0x15: {  	[smem:$0x3FB2] =	sst s0;
	s0 =	simm.s32 @!p2 $0x0  }
0x16: {  	s3 =	sld [smem:$0x3FDB];
	s0 =	simm.s32 @p2 $0x1  }
0x17: {  	s4 =	simm.s32 $0x1BF5;
	[smem:$0x3FB4] =	sst s0  }
0x18: {  	s0 =	sld [smem:$0x3F97];
	_ =	swait.ge [sflag:s4], $0x0  }
0x19: {  	s7 =	sld [smem:$0x3F98]  }
0x1a: {  	s8 =	sadd.s32 $0xFFFFE003, lr  }
0x1b: {  	s9 =	sadd.s32 $0xFFFFFEF7, lr;
	s5 =	simm.s32 $0xFFFFFFFF;
	p2 =	slt.u32 s8, $0xFFFFF086  }
0x1c: {  	p1 =	slt.u32 s9, $0xF7A;
	s5 =	simm.s32 @!p2 $0x0  }
0x1d: {  	s5 =	simm.s32 @p1 $0x1;
	p0 =	seq.s32 s7, s2  }
0x1e: {  	s7 =	smul.u32 @!p0 $0xF7A, s2;
	p2 =	seq.s32 @!p0 s5, $0x0  }
0x1f: {  	s9 =	smul.u32 $0xF7A, s1;
	s8 =	simm.s32 @!p0 $0x1BF5;
	p2 =	por !p2, p0  }
0x20: {  	[sflag:s8] =	ssyncset.s32 @!p0 $0xFFFFF086;
	s6 =	sadd.s32 @!p0 s3, s7;
	s7 =	simm.s32 @!p0 $0x108  }
0x21: {  	s3 =	sadd.s32 s3, s9;
	s6 =	sadd.s32 @!p0 $0x88, s6;
	s7 =	simm.s32 @p2 $0x1082  }
0x22: {  	[simem:s7], [sflag:s8] =	dma.local @!p0 [hbm:s6], $0xF7A  }
0x23: {  	s9 =	sor.u32 $0xD0000000, s2;
	s6 =	simm.s32 $0x108;
	_ =	swait.ge @!p0 [sflag:s8], $0x0  }
0x24: {  	s3 =	sadd.s32 $0x88, s3;
	s6 =	simm.s32 @!p1 $0x1082;
	[sflag:s4] =	ssyncset.s32 $0xFFFFF086  }
0x25: {  	[simem:s6], [sflag:s4] =	dma.local [hbm:s3], $0xF7A  }
0x26: {  	[smem:$0x3F98] =	sst s1;
	(tag) =	ssettag s2;
	_ =	strace s9  }
0x27: {  	s1 =	sld [smem:$0x3FA8]  }
0x28: {  	s2 =	sld [smem:$0x3FA9]  }
0x29: {  	s4 =	sld [smem:$0x3FAB]  }
0x2a: {  	p0 =	seq.s32 s5, $0x0;
	s5 =	sld [smem:$0x3FAC]  }
0x2b: {  	s6 =	sld [smem:$0x3FAD]  }
0x2c: {  	s7 =	sld [smem:$0x3FAE]  }
0x2d: {  	s3 =	simm.s32 $0x108;
	s8 =	sld [smem:$0x3FAF]  }
0x2e: {  	s3 =	simm.s32 @!p0 $0x1082;
	s9 =	sld [smem:$0x3FB0]  }
0x2f: {  	lr =	sadd.s32 s0, s3;
	s0 =	sld [smem:$0x3FA7]  }
0x30: {  	s3 =	sld [smem:$0x3FAA]  }
0x31: {  	[smem:$0x3FB3] =	sst s10  }
0x32: {  	s10 =	sld [smem:$0x3FB1];
	_ =	sdelay $0x3  }
0x33: {  	p0 =	seq.s32 s10, $0x1;
	s10 =	sld [smem:$0x3FB3];
	_ =	sdelay $0x3  }
0x34: {  	[smem:$0x3FB3] =	sst s10  }
0x35: {  	s10 =	sld [smem:$0x3FB2];
	_ =	sdelay $0x3  }
0x36: {  	p1 =	seq.s32 s10, $0x1;
	s10 =	sld [smem:$0x3FB3];
	_ =	sdelay $0x3  }
0x37: {  	[smem:$0x3FB3] =	sst s10  }
0x38: {  	s10 =	sld [smem:$0x3FB4]  }
0x39: {  	_ = 	snop;
	(pc) =	sbr.ind lr, $3  }
0x3a: {  	_ = 	snop  }
0x3b: {  	_ = 	snop  }
0x3c: {  	p2 =	seq.s32 s10, $0x1;
	s10 =	sld [smem:$0x3FB3]  }
0x3d: {  	_ =	shalt  }
0x3e: {  	_ =	shalt  }
0x3f: {  	_ =	shalt  }
0x40: {  	_ =	shalt  }
0x41: {  	_ =	shalt  }
0x42: {  	_ =	shalt  }
0x43: {  	_ =	shalt  }
0x44: {  	_ =	shalt  }
0x45: {  	_ =	shalt  }
0x46: {  	_ =	shalt  }
0x47: {  	_ =	shalt  }
0x48: {  	_ =	shalt  }
0x49: {  	_ =	shalt  }
0x4a: {  	_ =	shalt  }
0x4b: {  	_ =	shalt  }
0x4c: {  	_ =	shalt  }
0x4d: {  	_ =	shalt  }
0x4e: {  	_ =	shalt  }
0x4f: {  	_ =	shalt  }
0x50: {  	_ =	shalt  }
0x51: {  	_ =	shalt  }
0x52: {  	_ =	shalt  }
0x53: {  	_ =	shalt  }
0x54: {  	_ =	shalt  }
0x55: {  	_ =	shalt  }
0x56: {  	_ =	shalt  }
0x57: {  	_ =	shalt  }
0x58: {  	_ =	shalt  }
0x59: {  	_ =	shalt  }
0x5a: {  	_ =	shalt  }
0x5b: {  	_ =	shalt  }
0x5c: {  	_ =	shalt  }
0x5d: {  	_ =	shalt  }
0x5e: {  	_ =	shalt  }
0x5f: {  	_ =	shalt  }
0x60: {  	_ =	shalt  }
0x61: {  	_ =	shalt  }
0x62: {  	_ =	shalt  }
0x63: {  	_ =	shalt  }
0x64: {  	_ =	shalt  }
0x65: {  	_ =	shalt  }
0x66: {  	_ =	shalt  }
0x67: {  	_ =	shalt  }
0x68: {  	_ =	shalt  }
0x69: {  	_ =	shalt  }
0x6a: {  	_ =	shalt  }
0x6b: {  	_ =	shalt  }
0x6c: {  	_ =	shalt  }
0x6d: {  	_ =	shalt  }
0x6e: {  	_ =	shalt  }
0x6f: {  	_ =	shalt  }
0x70: {  	_ =	shalt  }
0x71: {  	_ =	shalt  }
0x72: {  	_ =	shalt  }
0x73: {  	_ =	shalt  }
0x74: {  	_ =	shalt  }
0x75: {  	_ =	shalt  }
0x76: {  	_ =	shalt  }
0x77: {  	_ =	shalt  }
0x78: {  	_ =	shalt  }
0x79: {  	_ =	shalt  }
0x7a: {  	_ =	shalt  }
0x7b: {  	_ =	shalt  }
0x7c: {  	_ =	shalt  }
0x7d: {  	_ =	shalt  }
0x7e: {  	_ =	shalt  }
0x7f: {  	_ =	shalt  }
0x80: {  	_ =	shalt  }
0x81: {  	_ =	shalt  }
0x82: {  	_ =	shalt  }
0x83: {  	_ =	shalt  }
0x84: {  	_ =	shalt  }
0x85: {  	_ =	shalt  }
0x86: {  	_ =	shalt  }
0x87: {  	_ =	shalt  }
.Lfunc_end0:
.L_simem_size_0:
called_computation.1_lowered:
.L_overlay_start_0:
0x88: {  	s2 =	sld [smem:$0x3FD9]  }
0x89: {  	s3 =	sld [smem:$0x3FFE];
	_ =	sdelay $0x1  }
0x8a: {  	s1 =	srdreg.scid  }
0x8b: {  	s0 =	sand.u32 $0x1, s1  }
0x8c: {  	s17 =	sshll.u32 s0, $0xA;
	s2 =	sadd.s32 s3, s2  }
0x8d: {  	s2 =	sadd.s32 s2, s17  }
0x8e: {  	[smem:$0x3FBF] =	sst s2  }
0x8f: {  	_ = 	snop  }
0x90: {  	s2 =	sld [smem:$0x3FD0];
	(tm) =	ssettm $0x1  }
0x91: {  	s18 =	sld [smem:$0x3FFB];
	_ =	sdelay $0x3  }
0x92: {  	_ =	strace s18  }
0x93: {  	s3 =	sld [smem:$0x3FFC];
	_ =	sdelay $0x3  }
0x94: {  	_ =	strace s3  }
0x95: {  	s3 =	sld [smem:$0x3FFD];
	_ =	sdelay $0x3  }
0x96: {  	_ =	strace s3  }
0x97: {  	_ =	strace $0x8FFFFFFF  }
0x98: {  	s19 =	sld [smem:$0x3FDB];
	_ =	sdelay $0x1  }
0x99: {  	s4 =	simm.s32 $_scs_section_size  }
0x9a: {  	s5 =	simm.s32 $_size__tile_overlayer_lowered;
	s6 =	simm.s32 $_tile_overlayer_lowered  }
0x9b: {  	s22 =	simm.s32 $0x1BFF;
	s21 =	sshll.u32 s6, $0x1;
	s3 =	sadd.s32 s4, s19  }
0x9c: {  	s7 =	simm.s32 $0x0;
	s20 =	sshll.u32 s5, $0x1;
	s5 =	sadd.s32 s21, s3  }
0x9d: {  	[timem:s7], [sflag:s22] =	dma.local [hbm:s5], s20  }
0x9e: {  	_ =	swait.ge [sflag:s22], s20  }
0x9f: {  	s4 =	ssub.s32 $0x0, s20;
	[sflag:s22] =	ssyncset.done $0x0  }
0xa0: {  	[sflag:s22] =	ssyncadd.s32 s4;
	_ =	sdelay $0x1  }
0xa1: {  	s23 =	simm.s32 $0x1B8B  }
0xa2: {  	_ =	swait.ge [sflag:s23], $0x1  }
0xa3: {  	[sflag:s23] =	ssyncset.done $0x0  }
0xa4: {  	s25 =	simm.s32 $0x1B8E;
	s24 =	sld [smem:$0x3FFE];
	[sflag:s23] =	ssyncadd.s32 $0xFFFFFFFF  }
0xa5: {  	s26 =	simm.s32 $execute0_lowered;
	[smem:$0x3FD2] =	sst s25  }
0xa6: {  	s5 =	sshll.u32 s26, $0x1;
	_ =	strace $0x80000049;
	[dreg:$0x1] =	wrdreg $0xFFFFFFFF  }
0xa7: {  	s28 =	simm.s32 $_size_execute0_lowered;
	s3 =	sadd.s32 s3, s5;
	[dreg:$0x0] =	wrdreg $0x0  }
0xa8: {  	s5 =	sshll.u32 s28, $0x1;
	[dreg:$0x2] =	wrdreg s3  }
0xa9: {  	[dreg:$0x3] =	wrdreg s5  }
0xaa: {  	[dreg:$0x4] =	wrdreg $0xC0  }
0xab: {  	_ =	task [dreg:s7], $0x5FFFF  }
0xac: {  	[dreg:$0x1] =	wrdreg $0xFFFFFFFF  }
0xad: {  	[dreg:$0x0] =	wrdreg $0x60  }
0xae: {  	[dreg:$0x2] =	wrdreg s2  }
0xaf: {  	[dreg:$0x3] =	wrdreg s24  }
0xb0: {  	[dreg:$0x4] =	wrdreg $0x0  }
0xb1: {  	[dreg:$0x5] =	wrdreg $0x9  }
0xb2: {  	_ =	task.clear_ibuf [dreg:s7], $0x6FFFF;
	_ =	strace $0x90000049  }
0xb3: {  	s29 =	simm.s32 $0x9;
	_ =	strace $0x8000004B  }
0xb4: {  	_ =	swait.ge [sflag:s29], $0x1  }
0xb5: {  	[sflag:s29] =	ssyncadd.s32 $0xFFFFFFFF  }
0xb6: {  	_ =	strace $0x9000004B  }
0xb7: {  	_ =	sfence  }
0xb8: {  	s30 =	sld [smem:$0x0];
	_ =	sdelay $0x2  }
0xb9: {  	s31 =	sshll.u32 s1, $0xD;
	s1 =	sshrl.u32 s1, $0x2  }
0xba: {  	s3 =	sand.u32 $0x4000, s31;
	s1 =	sadd.s32 s1, s30  }
0xbb: {  	s0 =	sor.u32 s3, s0;
	s1 =	sshll.u32 s1, $0x11  }
0xbc: {  	s0 =	sor.u32 s1, s0  }
0xbd: {  	s0 =	sadd.s32 $0x8F2B, s0  }
0xbe: {  	[sflag:s0] =	ssyncadd.remote.s32 $0x1  }
0xbf: {  	_ =	sfence.sel $0xFFFF  }
0xc0: {  	[dreg:$0x0] =	wrdreg $0xFFFFFFFF;
	(pc) =	sbr.abs _section_cstart, $3  }
0xc1: {  	[dreg:$0x1] =	wrdreg $0xFFFFFFFF  }
0xc2: {  	_ =	task.clear_ibuf [dreg:s7], $0x2FFFF;
	_ =	strace $0x9FFFFFFF  }
0xc3: {  	(tm) =	ssettm $0x7FFFFFFF  }
tec
execute0_lowered:
.L_overlay_start_1:
0x0: {  	(tag) =	ssettag $0x1  }
0x1: {  	s11 =	rddreg [dreg:$0x0]  }
0x2: {  	s6 =	rddreg [dreg:$0x1]  }
0x3: {  	s2 =	rddreg [dreg:$0x2]  }
0x4: {  	s0 =	stileid.u32;
	s1 =	rddreg [dreg:$0x3];
	s3 =	simm.s32 $0x0  }
0x5: {  	s5 =	srdreg.scid;
	s20 =	simm.s32 $0x1E780;
	s21 =	simm.s32 $0x2  }
0x6: {  	s22 =	simm.s32 $0x1E800;
	s23 =	simm.s32 $0x0;
	s4 =	smul.u32 $0x4E, s0  }
0x7: {  	s10 =	smin.u32 s0, $0x2;
	[smem:$0x7FF] =	sst s3;
	s12 =	sadd.s32 $0x9000, s6  }
0x8: {  	s13 =	sand.u32 $0x1, s5;
	s7 =	smul.u32 $0x50000, s0;
	s5 =	sadd.s32 $0x36200, s6  }
0x9: {  	s14 =	sadd.s32 $0x38A00, s6;
	s16 =	sadd.s32 $0xFEE00, s6;
	s19 =	smul.u32 $0x4E0, s0  }
0xa: {  	s29 =	sshll.u32 s0, $0x6;
	p0 =	slt.u32 s0, $0x2;
	s30 =	smul.u32 $0x2800, s0  }
0xb: {  	_ =	strace $0x8000004A;
	s15 =	ssub.s32 $0x2, s13;
	s31 =	sshll.u32 s10, $0x4  }
0xc: {  	s4 =	sadd.s32 s10, s4;
	s28 =	sshrl.u32 s15, $0x1;
	s7 =	sshrl.u32 s7, $0x2  }
0xd: {  	s8 =	sshll.u32 s4, $0x4;
	s4 =	sadd.s32 $0xE200, s6;
	s15 =	ssub.s32 s15, s28  }
0xe: {  	s17 =	sadd.s32 s7, s2;
	s7 =	simm.s32 $0x4F;
	s9 =	sadd.s32 s8, s6  }
0xf: {  	s6 =	sor.u32 $0x1C03, s29;
	s7 =	simm.s32 @!p0 $0x4E;
	s18 =	sadd.s32 s8, s12  }
0x10: {  	p0 =	seq.s32 s13, $0x0;
	s12 =	sadd.s32 s19, s12;
	s10 =	smax.u32 s15, $0x1  }
0x11: {  	s13 =	sshrl.u32 s17, $0x3;
	s15 =	simm.s32 $0x1C000;
	s17 =	simm.s32 $0x14000  }
0x12: {  	s19 =	simm.s32 $0x1;
	s8 =	sadd.s32 $0x4000, s9;
	s9 =	sadd.s32 $0x4E0, s18  }
0x13: {  	s16 =	smov.u32 @p0 s14;
	s12 =	sadd.s32 s31, s12;
	s4 =	smov.u32 @p0 s11  }
0x14: {  	s14 =	simm.s32 $0x3;
	s18 =	simm.s32 $0x18000;
	p0 =	sgt.u32 s0, $0x1  }
0x15: {  	s11 =	sadd.s32 s16, s30;
	s12 =	sadd.s32 $0x10, s12;
	s16 =	simm.s32 $0x80  }
.LBB2_1:
0x16: {  	[spmem:s13], [sflag:s6] =	dma.local [hbm:s5], $0x2800  }
0x17: {  	_ =	swait.ge [sflag:s14], $0x2800  }
0x18: {  	[sflag:s14] =	ssyncset.done $0x0  }
0x19: {  	[sflag:s14] =	ssyncadd.s32 $0xFFFFD800  }
0x1a: {  	[tilespmem:s15], [sflag:$0x3] =	stream.linear.gather [hbm4b:s8+s3], $0x2780, $0x38;
	[tilespmem:$0x1E880] =	vst v63  }
0x1b: {  	_ =	swait.ge [sflag:s14], $0x2780  }
0x1c: {  	[sflag:s14] =	ssyncset.done $0x0  }
0x1d: {  	[sflag:s14] =	ssyncadd.s32 $0xFFFFD880  }
0x1e: {  	[bflag:$0x0] =	sbarrier.arrive $0xFFFF  }
0x1f: {  	[tilespmem:s17], [sflag:$0x1] =	stream.indirect.gather [hbm4b:s4+s16], $0x80, s15, s16, $0xb8;
	[tilespmem:$0x1E880] =	vst v63  }
0x20: {  	s24 =	simm.s32 $0x1C080  }
0x21: {  	[tilespmem:s18], [sflag:$0x2] =	stream.indirect.gather [hbm4b:s4+s16], $0x80, s24, s16, $0xb8;
	[tilespmem:$0x1E880] =	vst v63  }
0x22: {  	_ =	swait.ge [sflag:s19], $0x4000  }
0x23: {  	[sflag:s19] =	ssyncset.done $0x0  }
0x24: {  	s31 =	sadd.s32 $0xFFFFFFF0, s12;
	[sflag:s19] =	ssyncadd.s32 $0xFFFFC000  }
0x25: {  	[tilespmem:s20], [sflag:$0x3] =	stream.linear.gather [hbm4b:s31+s3], $0x80, $0x38;
	[tilespmem:$0x1E880] =	vst v63  }
0x26: {  	_ =	swait.ge [sflag:s14], $0x80  }
0x27: {  	[sflag:s14] =	ssyncset.done $0x0  }
0x28: {  	[sflag:s14] =	ssyncadd.s32 $0xFFFFFF80  }
0x29: {  	[spmem:s2] =	stream.indirect.scatter.add.f32 [tilespmem:s17], [sflag:$0x3], $0x80, s20, s16, $0xb8;
	[tilespmem:$0x1E880] =	vst v63  }
0x2a: {  	p1 =	sle.u32 s7, $0x2;
	_ =	swait.ge [sflag:s14], $0x4000  }
0x2b: {  	s25 =	simm.s32 @!p1 $0x1C100;
	[sflag:s14] =	ssyncset.done $0x0  }
0x2c: {  	s26 =	simm.s32 @!p1 $0x80;
	s24 =	simm.s32 @!p1 $0x14000;
	[sflag:s14] =	ssyncadd.s32 $0xFFFFC000  }
0x2d: {  	[tilespmem:s24], [sflag:$0x1] =	stream.indirect.gather @!p1 [hbm4b:s4+s26], $0x80, s25, s26, $0xb8;
	[tilespmem:$0x1E880] =	vst v63  }
0x2e: {  	_ =	swait.ge [sflag:s21], $0x4000  }
0x2f: {  	[sflag:s21] =	ssyncset.done $0x0  }
0x30: {  	[sflag:s21] =	ssyncadd.s32 $0xFFFFC000  }
0x31: {  	[tilespmem:s22], [sflag:$0x3] =	stream.linear.gather [hbm4b:s12+s3], $0x80, $0x38;
	[tilespmem:$0x1E880] =	vst v63  }
0x32: {  	_ =	swait.ge [sflag:s14], $0x80  }
0x33: {  	[sflag:s14] =	ssyncset.done $0x0  }
0x34: {  	s28 =	simm.s32 $0x800;
	[sflag:s14] =	ssyncadd.s32 $0xFFFFFF80  }
0x35: {  	[spmem:s2] =	stream.indirect.scatter.add.f32 [tilespmem:s18], [sflag:$0x3], $0x80, s22, s16, $0xb8;
	[tilespmem:$0x1E880] =	vst v63  }
0x36: {  	s29 =	simm.s32 $0x100;
	s26 =	simm.s32 $0x400;
	_ =	swait.ge [sflag:s14], $0x4000  }
0x37: {  	s25 =	simm.s32 $0x4;
	s24 =	sadd.s32 $0x20, s12;
	[sflag:s14] =	ssyncset.done $0x0  }
.LBB2_2:
0x38: {  	s29 =	sadd.s32 $0x1C080, s29  }
0x39: {  	[sflag:s14] =	ssyncadd.s32 $0xFFFFC000;
	s30 =	smov.u32 s28;
	s28 =	sadd.s32 $0x400, s28  }
0x3a: {  	[tilespmem:s18], [sflag:$0x2] =	stream.indirect.gather [hbm4b:s4+s16], $0x80, s29, s16, $0xb8;
	[tilespmem:$0x1E880] =	vst v63  }
0x3b: {  	p1 =	sne.s32 s28, $0x9C00;
	_ =	swait.ge [sflag:s19], $0x4000  }
0x3c: {  	[sflag:s19] =	ssyncset.done $0x0  }
0x3d: {  	s29 =	sadd.s32 $0xFFFFFFF0, s24;
	[sflag:s19] =	ssyncadd.s32 $0xFFFFC000  }
0x3e: {  	[tilespmem:s20], [sflag:$0x3] =	stream.linear.gather [hbm4b:s29+s3], $0x80, $0x38;
	[tilespmem:$0x1E880] =	vst v63  }
0x3f: {  	_ =	swait.ge [sflag:s14], $0x80  }
0x40: {  	[sflag:s14] =	ssyncset.done $0x0  }
0x41: {  	[sflag:s14] =	ssyncadd.s32 $0xFFFFFF80  }
0x42: {  	[spmem:s2] =	stream.indirect.scatter.add.f32 [tilespmem:s17], [sflag:$0x3], $0x80, s20, s16, $0xb8;
	[tilespmem:$0x1E880] =	vst v63  }
0x43: {  	p2 =	sge.u32 s25, s7;
	_ =	swait.ge [sflag:s14], $0x4000  }
0x44: {  	s26 =	sshra.s32 @!p2 s26, $0x2;
	s29 =	simm.s32 @!p2 $0x14000;
	[sflag:s14] =	ssyncset.done $0x0  }
0x45: {  	s31 =	simm.s32 @!p2 $0x80;
	s26 =	sadd.s32 @!p2 $0x1C100, s26;
	[sflag:s14] =	ssyncadd.s32 $0xFFFFC000  }
0x46: {  	[tilespmem:s29], [sflag:$0x1] =	stream.indirect.gather @!p2 [hbm4b:s4+s31], $0x80, s26, s31, $0xb8;
	[tilespmem:$0x1E880] =	vst v63  }
0x47: {  	s26 =	smov.u32 s30;
	_ =	swait.ge [sflag:s21], $0x4000  }
0x48: {  	[sflag:s21] =	ssyncset.done $0x0  }
0x49: {  	[sflag:s21] =	ssyncadd.s32 $0xFFFFC000  }
0x4a: {  	[tilespmem:s22], [sflag:$0x3] =	stream.linear.gather [hbm4b:s24+s3], $0x80, $0x38;
	[tilespmem:$0x1E880] =	vst v63  }
0x4b: {  	_ =	swait.ge [sflag:s14], $0x80  }
.Ltmp0:
0x4c: {  	[sflag:s14] =	ssyncset.done $0x0;
	(pc) =	sbr.rel @p1 .LBB2_2-.Ltmp0, $4  }
0x4d: {  	[sflag:s14] =	ssyncadd.s32 $0xFFFFFF80  }
0x4e: {  	[spmem:s2] =	stream.indirect.scatter.add.f32 [tilespmem:s18], [sflag:$0x3], $0x80, s22, s16, $0xb8;
	[tilespmem:$0x1E880] =	vst v63  }
0x4f: {  	s25 =	sadd.s32 $0x2, s25;
	_ =	swait.ge [sflag:s14], $0x4000  }
0x50: {  	s29 =	sshra.s32 s26, $0x2;
	s24 =	sadd.s32 $0x20, s24;
	[sflag:s14] =	ssyncset.done $0x0  }
0x51: {  	s28 =	sadd.s32 $0x1C080, s29;
	[sflag:s14] =	ssyncadd.s32 $0xFFFFC000  }
0x52: {  	[tilespmem:s18], [sflag:$0x2] =	stream.indirect.gather [hbm4b:s4+s16], $0x80, s28, s16, $0xb8;
	[tilespmem:$0x1E880] =	vst v63  }
0x53: {  	_ =	swait.ge [sflag:s19], $0x4000  }
0x54: {  	[sflag:s19] =	ssyncset.done $0x0  }
0x55: {  	s31 =	sadd.s32 $0xFFFFFFF0, s24;
	[sflag:s19] =	ssyncadd.s32 $0xFFFFC000  }
0x56: {  	[tilespmem:s20], [sflag:$0x3] =	stream.linear.gather [hbm4b:s31+s3], $0x80, $0x38;
	[tilespmem:$0x1E880] =	vst v63  }
0x57: {  	_ =	swait.ge [sflag:s14], $0x80  }
0x58: {  	[sflag:s14] =	ssyncset.done $0x0  }
0x59: {  	[sflag:s14] =	ssyncadd.s32 $0xFFFFFF80  }
0x5a: {  	[spmem:s2] =	stream.indirect.scatter.add.f32 [tilespmem:s17], [sflag:$0x3], $0x80, s20, s16, $0xb8;
	[tilespmem:$0x1E880] =	vst v63  }
0x5b: {  	p1 =	sge.u32 s25, s7;
	_ =	swait.ge [sflag:s14], $0x4000  }
0x5c: {  	s25 =	sshra.s32 @!p1 s26, $0x2;
	s26 =	simm.s32 @!p1 $0x14000;
	[sflag:s14] =	ssyncset.done $0x0  }
0x5d: {  	s28 =	simm.s32 @!p1 $0x80;
	s25 =	sadd.s32 @!p1 $0x1C100, s25;
	[sflag:s14] =	ssyncadd.s32 $0xFFFFC000  }
0x5e: {  	[tilespmem:s26], [sflag:$0x1] =	stream.indirect.gather @!p1 [hbm4b:s4+s28], $0x80, s25, s28, $0xb8;
	[tilespmem:$0x1E880] =	vst v63  }
0x5f: {  	_ =	swait.ge [sflag:s21], $0x4000  }
0x60: {  	[sflag:s21] =	ssyncset.done $0x0  }
0x61: {  	[sflag:s21] =	ssyncadd.s32 $0xFFFFC000  }
0x62: {  	[tilespmem:s22], [sflag:$0x3] =	stream.linear.gather [hbm4b:s24+s3], $0x80, $0x38;
	[tilespmem:$0x1E880] =	vst v63  }
0x63: {  	_ =	swait.ge [sflag:s14], $0x80  }
0x64: {  	[sflag:s14] =	ssyncset.done $0x0  }
0x65: {  	[sflag:s14] =	ssyncadd.s32 $0xFFFFFF80  }
0x66: {  	[spmem:s2] =	stream.indirect.scatter.add.f32 [tilespmem:s18], [sflag:$0x3], $0x80, s22, s16, $0xb8;
	[tilespmem:$0x1E880] =	vst v63  }
0x67: {  	_ =	swait.ge [sflag:s14], $0x4000  }
0x68: {  	[sflag:s14] =	ssyncset.done $0x0  }
0x69: {  	s24 =	simm.s32 @!p0 $0x1;
	[sflag:s14] =	ssyncadd.s32 $0xFFFFC000  }
0x6a: {  	_ =	swait.ge @!p0 [sflag:s24], $0x4000  }
0x6b: {  	[sflag:s24] =	ssyncset.done @!p0 $0x0  }
0x6c: {  	s25 =	simm.s32 @!p0 $0x1E780;
	[sflag:s24] =	ssyncadd.s32 @!p0 $0xFFFFC000;
	s24 =	simm.s32 @!p0 $0x0  }
0x6d: {  	[tilespmem:s25], [sflag:$0x3] =	stream.linear.gather @!p0 [hbm4b:s9+s24], $0x80, $0x38;
	[tilespmem:$0x1E880] =	vst v63  }
0x6e: {  	s24 =	simm.s32 @!p0 $0x3  }
0x6f: {  	_ =	swait.ge @!p0 [sflag:s24], $0x80  }
0x70: {  	[sflag:s24] =	ssyncset.done @!p0 $0x0  }
0x71: {  	s26 =	simm.s32 @!p0 $0x80;
	s28 =	simm.s32 @!p0 $0x14000;
	[sflag:s24] =	ssyncadd.s32 @!p0 $0xFFFFFF80  }
0x72: {  	[spmem:s2] =	stream.indirect.scatter.add.f32 @!p0 [tilespmem:s28], [sflag:$0x3], $0x80, s25, s26, $0xb8;
	[tilespmem:$0x1E880] =	vst v63  }
0x73: {  	_ =	swait.ge @!p0 [sflag:s24], $0x4000  }
0x74: {  	s23 =	sadd.s32 $0x1, s23;
	[sflag:s24] =	ssyncset.done @!p0 $0x0  }
0x75: {  	p1 =	sne.s32 s23, s10;
	[sflag:s24] =	ssyncadd.s32 @!p0 $0xFFFFC000  }
.Ltmp1:
0x76: {  	[bflag:$0x0] =	sbarrier.arrive $0xFFFF;
	(pc) =	sbr.rel @p1 .LBB2_1-.Ltmp1, $4  }
0x77: {  	[hbm:s11], [sflag:s6] =	dma.local [spmem:s13], $0x2800  }
0x78: {  	_ =	swait.ge [sflag:s14], $0x2800  }
0x79: {  	[sflag:s14] =	ssyncset.done $0x0  }
0x7a: {  	[sflag:s14] =	ssyncadd.s32 $0xFFFFD800  }
0x7b: {  	_ =	sfence.sel $0x180000  }
0x7c: {  	[bflag:$0x0] =	sbarrier.arrive $0xFFFF  }
0x7d: {  	p0 =	sne.s32 s0, $0x0;
	_ =	strace $0x9000004A  }
0x7e: {  	s0 =	sadd.s32 @!p0 $0x100000, s1;
	[bflag:$0x2] =	sbarrier.arrive $0xFFFF  }
0x7f: {  	[sflag:s0] =	ssyncadd.tile.s32 @!p0 $0x1;
	_ =	shalt  }
.Lfunc_end2:
_tile_overlayer_lowered:
.L_overlay_start_2:
0x80: {  	(tag) =	ssettag $0x2  }
0x81: {  	s0 =	rddreg [dreg:$0x0];
	s2 =	stileid.u32  }
0x82: {  	s1 =	rddreg [dreg:$0x1];
	p0 =	sne.s32 s2, $0x0  }
0x83: {  	s3 =	rddreg [dreg:$0x2];
	[bflag:$0x3] =	sbarrier.arrive $0xFFFF;
	s2 =	simm.s32 @!p0 $0x1C03  }
0x84: {  	[timem:s3], [sflag:s2] =	dma.local @!p0 [hbm:s0], s1  }
0x85: {  	s0 =	simm.s32 @!p0 $0x3  }
0x86: {  	_ =	swait.ge @!p0 [sflag:s0], s1  }
0x87: {  	s1 =	ssub.s32 @!p0 $0x0, s1;
	[sflag:s0] =	ssyncset.done @!p0 $0x0  }
0x88: {  	[sflag:s0] =	ssyncadd.s32 @!p0 s1  }
0x89: {  	[bflag:$0x3] =	sbarrier.arrive $0xFFFF  }
0x8a: {  	_ =	shalt  }

// kernel: kernel.17.cloned.1.call-start
scs
__scs_entry_jumppad:
0x0: {  	(pc) =	sbr.rel $0x88, $3  }
0x1: {  	(tag) =	ssettag $0x0;
	lr =	simm.s32 $0x1  }
0x2: {  	[smem:$0x3F98] =	sst lr;
	_ =	strace $0xD0000000  }
0x3: {  	_ = 	snop  }
0x4: {  	_ = 	snop  }
0x5: {  	_ = 	snop  }
0x6: {  	_ = 	snop  }
0x7: {  	_ = 	snop  }
__scs_overlays_trampoline_lowered:
0x8: {  	[smem:$0x3FA7] =	sst s0  }
0x9: {  	[smem:$0x3FA8] =	sst s1  }
0xa: {  	[smem:$0x3FA9] =	sst s2  }
0xb: {  	[smem:$0x3FAA] =	sst s3  }
0xc: {  	[smem:$0x3FAB] =	sst s4  }
0xd: {  	[smem:$0x3FAC] =	sst s5  }
0xe: {  	[smem:$0x3FAD] =	sst s6  }
0xf: {  	[smem:$0x3FAE] =	sst s7  }
0x10: {  	[smem:$0x3FAF] =	sst s8  }
0x11: {  	[smem:$0x3FB0] =	sst s9;
	s0 =	simm.s32 @!p0 $0x0  }
0x12: {  	s1 =	sld [smem:$0x3F96];
	s0 =	simm.s32 @p0 $0x1  }
0x13: {  	[smem:$0x3FB1] =	sst s0;
	s0 =	simm.s32 @!p1 $0x0  }
0x14: {  	s2 =	sld [smem:$0x3F95];
	s0 =	simm.s32 @p1 $0x1  }
0x15: {  	[smem:$0x3FB2] =	sst s0;
	s0 =	simm.s32 @!p2 $0x0  }
0x16: {  	s3 =	sld [smem:$0x3FDB];
	s0 =	simm.s32 @p2 $0x1  }
0x17: {  	s4 =	simm.s32 $0x1BF5;
	[smem:$0x3FB4] =	sst s0  }
0x18: {  	s0 =	sld [smem:$0x3F97];
	_ =	swait.ge [sflag:s4], $0x0  }
0x19: {  	s7 =	sld [smem:$0x3F98]  }
0x1a: {  	s8 =	sadd.s32 $0xFFFFE003, lr  }
0x1b: {  	s9 =	sadd.s32 $0xFFFFFEF7, lr;
	s5 =	simm.s32 $0xFFFFFFFF;
	p2 =	slt.u32 s8, $0xFFFFF086  }
0x1c: {  	p1 =	slt.u32 s9, $0xF7A;
	s5 =	simm.s32 @!p2 $0x0  }
0x1d: {  	s5 =	simm.s32 @p1 $0x1;
	p0 =	seq.s32 s7, s2  }
0x1e: {  	s7 =	smul.u32 @!p0 $0xF7A, s2;
	p2 =	seq.s32 @!p0 s5, $0x0  }
0x1f: {  	s9 =	smul.u32 $0xF7A, s1;
	s8 =	simm.s32 @!p0 $0x1BF5;
	p2 =	por !p2, p0  }
0x20: {  	[sflag:s8] =	ssyncset.s32 @!p0 $0xFFFFF086;
	s6 =	sadd.s32 @!p0 s3, s7;
	s7 =	simm.s32 @!p0 $0x108  }
0x21: {  	s3 =	sadd.s32 s3, s9;
	s6 =	sadd.s32 @!p0 $0x88, s6;
	s7 =	simm.s32 @p2 $0x1082  }
0x22: {  	[simem:s7], [sflag:s8] =	dma.local @!p0 [hbm:s6], $0xF7A  }
0x23: {  	s9 =	sor.u32 $0xD0000000, s2;
	s6 =	simm.s32 $0x108;
	_ =	swait.ge @!p0 [sflag:s8], $0x0  }
0x24: {  	s3 =	sadd.s32 $0x88, s3;
	s6 =	simm.s32 @!p1 $0x1082;
	[sflag:s4] =	ssyncset.s32 $0xFFFFF086  }
0x25: {  	[simem:s6], [sflag:s4] =	dma.local [hbm:s3], $0xF7A  }
0x26: {  	[smem:$0x3F98] =	sst s1;
	(tag) =	ssettag s2;
	_ =	strace s9  }
0x27: {  	s1 =	sld [smem:$0x3FA8]  }
0x28: {  	s2 =	sld [smem:$0x3FA9]  }
0x29: {  	s4 =	sld [smem:$0x3FAB]  }
0x2a: {  	p0 =	seq.s32 s5, $0x0;
	s5 =	sld [smem:$0x3FAC]  }
0x2b: {  	s6 =	sld [smem:$0x3FAD]  }
0x2c: {  	s7 =	sld [smem:$0x3FAE]  }
0x2d: {  	s3 =	simm.s32 $0x108;
	s8 =	sld [smem:$0x3FAF]  }
0x2e: {  	s3 =	simm.s32 @!p0 $0x1082;
	s9 =	sld [smem:$0x3FB0]  }
0x2f: {  	lr =	sadd.s32 s0, s3;
	s0 =	sld [smem:$0x3FA7]  }
0x30: {  	s3 =	sld [smem:$0x3FAA]  }
0x31: {  	[smem:$0x3FB3] =	sst s10  }
0x32: {  	s10 =	sld [smem:$0x3FB1];
	_ =	sdelay $0x3  }
0x33: {  	p0 =	seq.s32 s10, $0x1;
	s10 =	sld [smem:$0x3FB3];
	_ =	sdelay $0x3  }
0x34: {  	[smem:$0x3FB3] =	sst s10  }
0x35: {  	s10 =	sld [smem:$0x3FB2];
	_ =	sdelay $0x3  }
0x36: {  	p1 =	seq.s32 s10, $0x1;
	s10 =	sld [smem:$0x3FB3];
	_ =	sdelay $0x3  }
0x37: {  	[smem:$0x3FB3] =	sst s10  }
0x38: {  	s10 =	sld [smem:$0x3FB4]  }
0x39: {  	_ = 	snop;
	(pc) =	sbr.ind lr, $3  }
0x3a: {  	_ = 	snop  }
0x3b: {  	_ = 	snop  }
0x3c: {  	p2 =	seq.s32 s10, $0x1;
	s10 =	sld [smem:$0x3FB3]  }
0x3d: {  	_ =	shalt  }
0x3e: {  	_ =	shalt  }
0x3f: {  	_ =	shalt  }
0x40: {  	_ =	shalt  }
0x41: {  	_ =	shalt  }
0x42: {  	_ =	shalt  }
0x43: {  	_ =	shalt  }
0x44: {  	_ =	shalt  }
0x45: {  	_ =	shalt  }
0x46: {  	_ =	shalt  }
0x47: {  	_ =	shalt  }
0x48: {  	_ =	shalt  }
0x49: {  	_ =	shalt  }
0x4a: {  	_ =	shalt  }
0x4b: {  	_ =	shalt  }
0x4c: {  	_ =	shalt  }
0x4d: {  	_ =	shalt  }
0x4e: {  	_ =	shalt  }
0x4f: {  	_ =	shalt  }
0x50: {  	_ =	shalt  }
0x51: {  	_ =	shalt  }
0x52: {  	_ =	shalt  }
0x53: {  	_ =	shalt  }
0x54: {  	_ =	shalt  }
0x55: {  	_ =	shalt  }
0x56: {  	_ =	shalt  }
0x57: {  	_ =	shalt  }
0x58: {  	_ =	shalt  }
0x59: {  	_ =	shalt  }
0x5a: {  	_ =	shalt  }
0x5b: {  	_ =	shalt  }
0x5c: {  	_ =	shalt  }
0x5d: {  	_ =	shalt  }
0x5e: {  	_ =	shalt  }
0x5f: {  	_ =	shalt  }
0x60: {  	_ =	shalt  }
0x61: {  	_ =	shalt  }
0x62: {  	_ =	shalt  }
0x63: {  	_ =	shalt  }
0x64: {  	_ =	shalt  }
0x65: {  	_ =	shalt  }
0x66: {  	_ =	shalt  }
0x67: {  	_ =	shalt  }
0x68: {  	_ =	shalt  }
0x69: {  	_ =	shalt  }
0x6a: {  	_ =	shalt  }
0x6b: {  	_ =	shalt  }
0x6c: {  	_ =	shalt  }
0x6d: {  	_ =	shalt  }
0x6e: {  	_ =	shalt  }
0x6f: {  	_ =	shalt  }
0x70: {  	_ =	shalt  }
0x71: {  	_ =	shalt  }
0x72: {  	_ =	shalt  }
0x73: {  	_ =	shalt  }
0x74: {  	_ =	shalt  }
0x75: {  	_ =	shalt  }
0x76: {  	_ =	shalt  }
0x77: {  	_ =	shalt  }
0x78: {  	_ =	shalt  }
0x79: {  	_ =	shalt  }
0x7a: {  	_ =	shalt  }
0x7b: {  	_ =	shalt  }
0x7c: {  	_ =	shalt  }
0x7d: {  	_ =	shalt  }
0x7e: {  	_ =	shalt  }
0x7f: {  	_ =	shalt  }
0x80: {  	_ =	shalt  }
0x81: {  	_ =	shalt  }
0x82: {  	_ =	shalt  }
0x83: {  	_ =	shalt  }
0x84: {  	_ =	shalt  }
0x85: {  	_ =	shalt  }
0x86: {  	_ =	shalt  }
0x87: {  	_ =	shalt  }
.Lfunc_end0:
.L_simem_size_0:
called_computation.2_lowered:
.L_overlay_start_0:
0x88: {  	s2 =	sld [smem:$0x3FD9]  }
0x89: {  	s3 =	sld [smem:$0x3FFE];
	_ =	sdelay $0x1  }
0x8a: {  	s1 =	srdreg.scid  }
0x8b: {  	s0 =	sand.u32 $0x1, s1  }
0x8c: {  	s17 =	sshll.u32 s0, $0xA;
	s2 =	sadd.s32 s3, s2  }
0x8d: {  	s2 =	sadd.s32 s2, s17  }
0x8e: {  	[smem:$0x3FBF] =	sst s2  }
0x8f: {  	_ = 	snop  }
0x90: {  	(tm) =	ssettm $0x1  }
0x91: {  	s18 =	sld [smem:$0x3FFB];
	_ =	sdelay $0x3  }
0x92: {  	_ =	strace s18  }
0x93: {  	s2 =	sld [smem:$0x3FFC];
	_ =	sdelay $0x3  }
0x94: {  	_ =	strace s2  }
0x95: {  	s2 =	sld [smem:$0x3FFD];
	_ =	sdelay $0x3  }
0x96: {  	_ =	strace s2  }
0x97: {  	_ =	strace $0x8FFFFFFF  }
0x98: {  	s19 =	sld [smem:$0x3FDB];
	_ =	sdelay $0x1  }
0x99: {  	s20 =	simm.s32 $_scs_section_size  }
0x9a: {  	s4 =	simm.s32 $_size__tile_overlayer_lowered;
	s5 =	simm.s32 $_tile_overlayer_lowered  }
0x9b: {  	s6 =	simm.s32 $0x1BFF;
	s21 =	sshll.u32 s5, $0x1;
	s3 =	sadd.s32 s20, s19  }
0x9c: {  	s22 =	simm.s32 $0x0;
	s4 =	sshll.u32 s4, $0x1;
	s5 =	sadd.s32 s21, s3  }
0x9d: {  	[timem:s22], [sflag:s6] =	dma.local [hbm:s5], s4  }
0x9e: {  	_ =	swait.ge [sflag:s6], s4  }
0x9f: {  	s4 =	ssub.s32 $0x0, s4;
	[sflag:s6] =	ssyncset.done $0x0  }
0xa0: {  	[sflag:s6] =	ssyncadd.s32 s4;
	_ =	sdelay $0x1  }
0xa1: {  	s23 =	simm.s32 $0x1B8B  }
0xa2: {  	_ =	swait.ge [sflag:s23], $0x1  }
0xa3: {  	[sflag:s23] =	ssyncset.done $0x0  }
0xa4: {  	[sflag:s23] =	ssyncadd.s32 $0xFFFFFFFF  }
0xa5: {  	s4 =	sld [smem:$0x0]  }
0xa6: {  	s5 =	sand.u32 $0xFFFFFFFE, s1  }
0xa7: {  	p0 =	sne.s32 s1, s5  }
0xa8: {  	s5 =	sshll.u32 @p0 s5, $0xE  }
0xa9: {  	s5 =	sadd.s32 @p0 $0x11B8D, s5;
	s6 =	sshll.u32 @p0 s4, $0x11  }
0xaa: {  	s5 =	sor.u32 @p0 s6, s5  }
0xab: {  	[sflag:s5] =	ssyncadd.remote.s32 @p0 $0x1;
	_ =	sdelay $0x1  }
0xac: {  	s5 =	simm.s32 @p0 $0x1B8D  }
0xad: {  	_ =	swait.eq @p0 [sflag:s5], $0x1  }
0xae: {  	[sflag:s5] =	ssyncadd.s32 @p0 $0xFFFFFFFF  }
0xaf: {  	s6 =	sshll.u32 @!p0 s1, $0xE  }
0xb0: {  	s6 =	sor.u32 @!p0 $0x4000, s6;
	s5 =	simm.s32 @!p0 $0x1B8D  }
0xb1: {  	s4 =	sshll.u32 @!p0 s4, $0x11;
	s6 =	sadd.s32 @!p0 $0x11B8D, s6;
	_ =	swait.eq @!p0 [sflag:s5], $0x1  }
0xb2: {  	s4 =	sor.u32 @!p0 s4, s6;
	[sflag:s5] =	ssyncadd.s32 @!p0 $0xFFFFFFFF  }
0xb3: {  	s25 =	simm.s32 $0x1B8E;
	s24 =	sld [smem:$0x3FFE];
	[sflag:s4] =	ssyncadd.remote.s32 @!p0 $0x1  }
0xb4: {  	s26 =	simm.s32 $execute0_lowered;
	[smem:$0x3FD2] =	sst s25  }
0xb5: {  	s5 =	sshll.u32 s26, $0x1;
	_ =	strace $0x8000004C;
	[dreg:$0x1] =	wrdreg $0xFFFFFFFF  }
0xb6: {  	s28 =	simm.s32 $_size_execute0_lowered;
	s3 =	sadd.s32 s3, s5;
	[dreg:$0x0] =	wrdreg $0x0  }
0xb7: {  	s5 =	sshll.u32 s28, $0x1;
	[dreg:$0x2] =	wrdreg s3  }
0xb8: {  	[dreg:$0x3] =	wrdreg s5  }
0xb9: {  	[dreg:$0x4] =	wrdreg $0xC0  }
0xba: {  	_ =	task [dreg:s22], $0x5FFFF  }
0xbb: {  	[dreg:$0x1] =	wrdreg $0xFFFFFFFF  }
0xbc: {  	[dreg:$0x0] =	wrdreg $0x60  }
0xbd: {  	[dreg:$0x2] =	wrdreg s24  }
0xbe: {  	[dreg:$0x3] =	wrdreg $0x0  }
0xbf: {  	[dreg:$0x4] =	wrdreg $0xA  }
0xc0: {  	_ =	task.clear_ibuf [dreg:s22], $0x5FFFF;
	_ =	strace $0x9000004C  }
0xc1: {  	s29 =	simm.s32 $0xA;
	_ =	strace $0x8000004E  }
0xc2: {  	_ =	swait.ge [sflag:s29], $0x1  }
0xc3: {  	[sflag:s29] =	ssyncadd.s32 $0xFFFFFFFF  }
0xc4: {  	_ =	strace $0x9000004E  }
0xc5: {  	_ =	sfence  }
0xc6: {  	s30 =	sld [smem:$0x0];
	_ =	sdelay $0x2  }
0xc7: {  	s31 =	sshll.u32 s1, $0xD;
	s1 =	sshrl.u32 s1, $0x2  }
0xc8: {  	s4 =	sand.u32 $0x4000, s31;
	s1 =	sadd.s32 s1, s30  }
0xc9: {  	s0 =	sor.u32 s4, s0;
	s1 =	sshll.u32 s1, $0x11  }
0xca: {  	s0 =	sor.u32 s1, s0  }
0xcb: {  	s0 =	sadd.s32 $0x8F2B, s0  }
0xcc: {  	[sflag:s0] =	ssyncadd.remote.s32 $0x1  }
0xcd: {  	_ =	sfence.sel $0xFFFF  }
0xce: {  	[dreg:$0x0] =	wrdreg $0xFFFFFFFF;
	(pc) =	sbr.abs _section_cstart, $3  }
0xcf: {  	[dreg:$0x1] =	wrdreg $0xFFFFFFFF  }
0xd0: {  	_ =	task.clear_ibuf [dreg:s22], $0x2FFFF;
	_ =	strace $0x9FFFFFFF  }
0xd1: {  	(tm) =	ssettm $0x7FFFFFFF  }
tec
execute0_lowered:
.L_overlay_start_1:
0x0: {  	(tag) =	ssettag $0x1  }
0x1: {  	s1 =	srdreg.scid  }
0x2: {  	s1 =	sand.u32 $0x1, s1  }
0x3: {  	p0 =	seq.s32 s1, $0x1  }
.Ltmp0:
0x4: {  	_ = 	snop;
	(pc) =	sbr.rel @p0 .LBB2_4-.Ltmp0, $4  }
0x5: {  	s11 =	rddreg [dreg:$0x0]  }
0x6: {  	s2 =	rddreg [dreg:$0x1];
	s8 =	simm.s32 $0x0  }
0x7: {  	[smem:$0x7FF] =	sst s8  }
0x8: {  	s0 =	rddreg [dreg:$0x2];
	_ =	strace $0x8000004D;
	s1 =	stileid.u32  }
0x9: {  	s3 =	sshll.u32 s1, $0x7  }
0xa: {  	s4 =	sshll.u32 s1, $0x6;
	s3 =	sadd.s32 s3, s2  }
0xb: {  	s5 =	sadd.s32 $0xE000, s11;
	s4 =	sor.u32 $0x1C01, s4;
	s6 =	sshrl.u32 s3, $0x3  }
0xc: {  	[spmem:s6], [sflag:s4] =	dma.local [hbm:s5], $0x10  }
0xd: {  	s6 =	smul.u32 $0x280, s1;
	s5 =	simm.s32 $0x1  }
0xe: {  	_ =	swait.ge [sflag:s5], $0x10  }
0xf: {  	s7 =	sadd.s32 $0x60A00, s11;
	s9 =	sshrl.u32 s6, $0x3;
	[sflag:s5] =	ssyncset.done $0x0  }
0x10: {  	s10 =	sadd.s32 s7, s9;
	[sflag:s5] =	ssyncadd.s32 $0xFFFFFFF0;
	s7 =	simm.s32 $0x80  }
0x11: {  	[tilespmem:s7], [sflag:$0x1] =	stream.linear.gather [hbm4b:s10+s8], $0x280, $0x38;
	[tilespmem:$0x680] =	vst v63  }
0x12: {  	_ =	swait.ge [sflag:s5], $0x280  }
0x13: {  	s22 =	sadd.s32 $0x61000, s11;
	[sflag:s5] =	ssyncset.done $0x0  }
0x14: {  	s23 =	simm.s32 $0x300;
	s9 =	sadd.s32 s22, s9;
	[sflag:s5] =	ssyncadd.s32 $0xFFFFFD80  }
0x15: {  	[tilespmem:s23], [sflag:$0x1] =	stream.linear.gather [hbm4b:s9+s8], $0x280, $0x38;
	[tilespmem:$0x680] =	vst v63  }
0x16: {  	_ =	swait.ge [sflag:s5], $0x280  }
0x17: {  	[sflag:s5] =	ssyncset.done $0x0  }
0x18: {  	[sflag:s5] =	ssyncadd.s32 $0xFFFFFD80  }
0x19: {  	s8 =	simm.s32 $0x340;
	[bflag:$0x0] =	sbarrier.arrive $0xFFFF  }
0x1a: {  	v1 =	vld [tilespmem:s8+$0xFFFFFFC0]  }
0x1b: {  	s9 =	simm.s32 $0xC0  }
0x1c: {  	v2 =	vld [tilespmem:s9+$0xFFFFFFC0];
	_ =	sdelay $0x1  }
0x1d: {  	v0 =	vlaneseq.u32;
	s24 =	sadd.s32 $0x0, s6  }
0x1e: {  	v3 =	vor.u32 s24, v0;
	v1 =	vtrunc.f32 v1  }
0x1f: {  	v4 =	vand.u32 $0x38F, v3;
	v3 =	vcvt.s32.f32 v3;
	v1 =	vcvt.f32.s32 v1  }
0x20: {  	v4 =	vor.u32 $0x400, v4;
	vm0 =	vgt.f32 v2, $5.000000000e-01  }
0x21: {  	[tilespmem:$0x600] =	vst v3;
	v1 =	vsel vm0, v1, v4  }
0x22: {  	[tilespmem:$0x580] =	vst v1  }
0x23: {  	v1 =	vld [tilespmem:s8+$0xFFFFFFD0];
	_ =	sdelay $0x1  }
0x24: {  	v2 =	vld [tilespmem:s9+$0xFFFFFFD0];
	_ =	sdelay $0x1  }
0x25: {  	s12 =	sadd.s32 $0x10, s24  }
0x26: {  	v3 =	vor.u32 s12, v0;
	v1 =	vtrunc.f32 v1  }
0x27: {  	v57 =	vand.u32 $0x39F, v3;
	v3 =	vcvt.s32.f32 v3;
	v1 =	vcvt.f32.s32 v1  }
0x28: {  	v4 =	vor.u32 $0x400, v57;
	vm9 =	vgt.f32 v2, $5.000000000e-01  }
0x29: {  	[tilespmem:$0x610] =	vst v3;
	v1 =	vsel vm9, v1, v4  }
0x2a: {  	[tilespmem:$0x590] =	vst v1  }
0x2b: {  	v1 =	vld [tilespmem:s8+$0xFFFFFFE0];
	_ =	sdelay $0x1  }
0x2c: {  	v2 =	vld [tilespmem:s9+$0xFFFFFFE0];
	_ =	sdelay $0x1  }
0x2d: {  	s25 =	sadd.s32 $0x20, s24  }
0x2e: {  	v3 =	vor.u32 s25, v0;
	v1 =	vtrunc.f32 v1  }
0x2f: {  	v58 =	vand.u32 $0x3AF, v3;
	v3 =	vcvt.s32.f32 v3;
	v1 =	vcvt.f32.s32 v1  }
0x30: {  	v4 =	vor.u32 $0x400, v58;
	vm10 =	vgt.f32 v2, $5.000000000e-01  }
0x31: {  	[tilespmem:$0x620] =	vst v3;
	v1 =	vsel vm10, v1, v4  }
0x32: {  	[tilespmem:$0x5A0] =	vst v1  }
0x33: {  	v1 =	vld [tilespmem:s8+$0xFFFFFFF0];
	_ =	sdelay $0x1  }
0x34: {  	v2 =	vld [tilespmem:s9+$0xFFFFFFF0];
	_ =	sdelay $0x1  }
0x35: {  	s26 =	sadd.s32 $0x30, s24  }
0x36: {  	v3 =	vor.u32 s26, v0;
	v1 =	vtrunc.f32 v1  }
0x37: {  	v59 =	vand.u32 $0x3BF, v3;
	v3 =	vcvt.s32.f32 v3;
	v1 =	vcvt.f32.s32 v1  }
0x38: {  	v4 =	vor.u32 $0x400, v59;
	vm11 =	vgt.f32 v2, $5.000000000e-01  }
0x39: {  	[tilespmem:$0x630] =	vst v3;
	v1 =	vsel vm11, v1, v4  }
0x3a: {  	[tilespmem:$0x5B0] =	vst v1  }
0x3b: {  	v1 =	vld [tilespmem:s8+$0x0];
	_ =	sdelay $0x1  }
0x3c: {  	v2 =	vld [tilespmem:s9+$0x0];
	_ =	sdelay $0x1  }
0x3d: {  	s28 =	sadd.s32 $0x40, s24  }
0x3e: {  	v3 =	vor.u32 s28, v0;
	v1 =	vtrunc.f32 v1  }
0x3f: {  	v60 =	vand.u32 $0x3CF, v3;
	v3 =	vcvt.s32.f32 v3;
	v1 =	vcvt.f32.s32 v1  }
0x40: {  	v4 =	vor.u32 $0x400, v60;
	vm12 =	vgt.f32 v2, $5.000000000e-01  }
0x41: {  	[tilespmem:$0x640] =	vst v3;
	v1 =	vsel vm12, v1, v4  }
0x42: {  	[tilespmem:$0x5C0] =	vst v1  }
0x43: {  	v1 =	vld [tilespmem:s8+$0x10];
	_ =	sdelay $0x1  }
0x44: {  	v2 =	vld [tilespmem:s9+$0x10];
	_ =	sdelay $0x1  }
0x45: {  	s29 =	sadd.s32 $0x50, s24  }
0x46: {  	v3 =	vor.u32 s29, v0;
	v1 =	vtrunc.f32 v1  }
0x47: {  	v61 =	vand.u32 $0x3DF, v3;
	v3 =	vcvt.s32.f32 v3;
	v1 =	vcvt.f32.s32 v1  }
0x48: {  	v4 =	vor.u32 $0x400, v61;
	vm13 =	vgt.f32 v2, $5.000000000e-01  }
0x49: {  	[tilespmem:$0x650] =	vst v3;
	v1 =	vsel vm13, v1, v4  }
0x4a: {  	[tilespmem:$0x5D0] =	vst v1  }
0x4b: {  	v1 =	vld [tilespmem:s8+$0x20];
	_ =	sdelay $0x1  }
0x4c: {  	v2 =	vld [tilespmem:s9+$0x20];
	_ =	sdelay $0x1  }
0x4d: {  	s30 =	sadd.s32 $0x60, s24  }
0x4e: {  	v3 =	vor.u32 s30, v0;
	v1 =	vtrunc.f32 v1  }
0x4f: {  	v62 =	vand.u32 $0x3EF, v3;
	v3 =	vcvt.s32.f32 v3;
	v1 =	vcvt.f32.s32 v1  }
0x50: {  	v4 =	vor.u32 $0x400, v62;
	vm14 =	vgt.f32 v2, $5.000000000e-01  }
0x51: {  	[tilespmem:$0x660] =	vst v3;
	v1 =	vsel vm14, v1, v4  }
0x52: {  	[tilespmem:$0x5E0] =	vst v1  }
0x53: {  	v1 =	vld [tilespmem:s8+$0x30];
	_ =	sdelay $0x1  }
0x54: {  	v2 =	vld [tilespmem:s9+$0x30];
	_ =	sdelay $0x1  }
0x55: {  	s10 =	sadd.s32 $0x70, s24  }
0x56: {  	v3 =	vor.u32 s10, v0;
	v1 =	vtrunc.f32 v1  }
0x57: {  	v63 =	vand.u32 $0x3FF, v3;
	v3 =	vcvt.s32.f32 v3;
	v1 =	vcvt.f32.s32 v1  }
0x58: {  	v4 =	vor.u32 $0x400, v63;
	vm15 =	vgt.f32 v2, $5.000000000e-01  }
0x59: {  	[tilespmem:$0x670] =	vst v3;
	v1 =	vsel vm15, v1, v4  }
0x5a: {  	s13 =	sshll.u32 s1, $0x4;
	s12 =	simm.s32 $0x600;
	s10 =	simm.s32 $0x580;
	[tilespmem:$0x5F0] =	vst v1  }
0x5b: {  	[spmem:s2] =	stream.indirect.scatter.add.f32 [tilespmem:s12], [sflag:$0x1], $0x1, s10, s7, $0xb8;
	[tilespmem:$0x680] =	vst v63  }
0x5c: {  	s31 =	sadd.s32 s13, s11;
	_ =	swait.ge [sflag:s5], $0x80  }
0x5d: {  	s13 =	simm.s32 $0x80;
	s11 =	sadd.s32 $0x61600, s31;
	[sflag:s5] =	ssyncset.done $0x0  }
.LBB2_2:
0x5e: {  	[sflag:s5] =	ssyncadd.s32 $0xFFFFFF80;
	s9 =	sadd.s32 $0x80, s9;
	s8 =	sadd.s32 $0x80, s8  }
0x5f: {  	p0 =	sne.s32 s13, $0x200;
	s14 =	smov.u32 s13;
	s13 =	sadd.s32 $0x80, s13;
	v1 =	vld [tilespmem:s8+$0xFFFFFFC0]  }
0x60: {  	_ = 	snop  }
0x61: {  	v2 =	vld [tilespmem:s9+$0xFFFFFFC0];
	_ =	sdelay $0x1  }
0x62: {  	s14 =	sadd.s32 s14, s6  }
0x63: {  	v3 =	vor.u32 s14, v0;
	s15 =	sadd.s32 $0x10, s14;
	s16 =	sadd.s32 $0x20, s14;
	s17 =	sadd.s32 $0x30, s14;
	v1 =	vtrunc.f32 v1  }
0x64: {  	s18 =	sadd.s32 $0x40, s14;
	s19 =	sadd.s32 $0x50, s14;
	s20 =	sadd.s32 $0x60, s14;
	v4 =	vand.u32 $0x38F, v3;
	v3 =	vcvt.s32.f32 v3;
	v1 =	vcvt.f32.s32 v1  }
0x65: {  	s14 =	sadd.s32 $0x70, s14;
	v4 =	vor.u32 $0x400, v4;
	vm0 =	vgt.f32 v2, $5.000000000e-01;
	v2 =	vor.u32 s15, v0  }
0x66: {  	v1 =	vsel vm0, v1, v4;
	[tilespmem:$0x600] =	vst v3;
	v3 =	vand.u32 $0x39F, v2;
	v4 =	vor.u32 s16, v0  }
0x67: {  	v6 =	vor.u32 s17, v0;
	v7 =	vor.u32 s18, v0;
	[tilespmem:$0x580] =	vst v1;
	v5 =	vand.u32 $0x3AF, v4  }
0x68: {  	v11 =	vor.u32 s19, v0;
	v9 =	vand.u32 $0x3BF, v6;
	v10 =	vand.u32 $0x3CF, v7;
	v8 =	vld [tilespmem:s8+$0xFFFFFFD0]  }
0x69: {  	v13 =	vor.u32 s20, v0;
	v14 =	vor.u32 s14, v0;
	v12 =	vand.u32 $0x3DF, v11  }
0x6a: {  	v16 =	vand.u32 $0x3EF, v13;
	v1 =	vand.u32 $0x3FF, v14;
	v15 =	vld [tilespmem:s9+$0xFFFFFFD0];
	_ =	sdelay $0x2  }
0x6b: {  	v8 =	vtrunc.f32 v8  }
0x6c: {  	v2 =	vcvt.s32.f32 v2;
	v8 =	vcvt.f32.s32 v8  }
0x6d: {  	v3 =	vor.u32 $0x400, v3;
	vm0 =	vgt.f32 v15, $5.000000000e-01  }
0x6e: {  	v3 =	vsel vm0, v8, v3;
	[tilespmem:$0x610] =	vst v2  }
0x6f: {  	[tilespmem:$0x590] =	vst v3  }
0x70: {  	v2 =	vld [tilespmem:s8+$0xFFFFFFE0];
	_ =	sdelay $0x1  }
0x71: {  	v3 =	vld [tilespmem:s9+$0xFFFFFFE0];
	_ =	sdelay $0x2  }
0x72: {  	v2 =	vtrunc.f32 v2  }
0x73: {  	v4 =	vcvt.s32.f32 v4;
	v2 =	vcvt.f32.s32 v2  }
0x74: {  	v5 =	vor.u32 $0x400, v5;
	vm0 =	vgt.f32 v3, $5.000000000e-01  }
0x75: {  	v2 =	vsel vm0, v2, v5;
	[tilespmem:$0x620] =	vst v4  }
0x76: {  	[tilespmem:$0x5A0] =	vst v2  }
0x77: {  	v2 =	vld [tilespmem:s8+$0xFFFFFFF0];
	_ =	sdelay $0x1  }
0x78: {  	v3 =	vld [tilespmem:s9+$0xFFFFFFF0];
	_ =	sdelay $0x2  }
0x79: {  	v2 =	vtrunc.f32 v2  }
0x7a: {  	v4 =	vcvt.s32.f32 v6;
	v2 =	vcvt.f32.s32 v2  }
0x7b: {  	v5 =	vor.u32 $0x400, v9;
	vm0 =	vgt.f32 v3, $5.000000000e-01  }
0x7c: {  	v2 =	vsel vm0, v2, v5;
	[tilespmem:$0x630] =	vst v4  }
0x7d: {  	[tilespmem:$0x5B0] =	vst v2  }
0x7e: {  	v2 =	vld [tilespmem:s8+$0x0]  }
0x7f: {  	v3 =	vcvt.s32.f32 v7  }
0x80: {  	v4 =	vld [tilespmem:s9+$0x0]  }
0x81: {  	[tilespmem:$0x640] =	vst v3;
	_ =	sdelay $0x1  }
0x82: {  	v2 =	vtrunc.f32 v2  }
0x83: {  	v2 =	vcvt.f32.s32 v2  }
0x84: {  	v3 =	vor.u32 $0x400, v10;
	vm0 =	vgt.f32 v4, $5.000000000e-01  }
0x85: {  	v2 =	vsel vm0, v2, v3  }
0x86: {  	[tilespmem:$0x5C0] =	vst v2  }
0x87: {  	v2 =	vld [tilespmem:s8+$0x10]  }
0x88: {  	v3 =	vcvt.s32.f32 v11  }
0x89: {  	v4 =	vld [tilespmem:s9+$0x10]  }
0x8a: {  	[tilespmem:$0x650] =	vst v3;
	_ =	sdelay $0x1  }
0x8b: {  	v2 =	vtrunc.f32 v2  }
0x8c: {  	v2 =	vcvt.f32.s32 v2  }
0x8d: {  	v3 =	vor.u32 $0x400, v12;
	vm0 =	vgt.f32 v4, $5.000000000e-01  }
0x8e: {  	v2 =	vsel vm0, v2, v3  }
0x8f: {  	[tilespmem:$0x5D0] =	vst v2  }
0x90: {  	v3 =	vcvt.s32.f32 v13;
	v2 =	vld [tilespmem:s8+$0x20]  }
0x91: {  	v4 =	vld [tilespmem:s9+$0x20]  }
0x92: {  	[tilespmem:$0x660] =	vst v3;
	_ =	sdelay $0x2  }
0x93: {  	v2 =	vtrunc.f32 v2  }
0x94: {  	v2 =	vcvt.f32.s32 v2  }
0x95: {  	v3 =	vor.u32 $0x400, v16;
	vm0 =	vgt.f32 v4, $5.000000000e-01  }
0x96: {  	v2 =	vsel vm0, v2, v3  }
0x97: {  	[tilespmem:$0x5E0] =	vst v2  }
0x98: {  	v3 =	vcvt.s32.f32 v14;
	v2 =	vld [tilespmem:s8+$0x30]  }
0x99: {  	v4 =	vld [tilespmem:s9+$0x30]  }
0x9a: {  	[tilespmem:$0x670] =	vst v3;
	_ =	sdelay $0x2  }
0x9b: {  	v2 =	vtrunc.f32 v2  }
0x9c: {  	v2 =	vcvt.f32.s32 v2  }
0x9d: {  	v1 =	vor.u32 $0x400, v1;
	vm0 =	vgt.f32 v4, $5.000000000e-01  }
.Ltmp1:
0x9e: {  	v1 =	vsel vm0, v2, v1;
	(pc) =	sbr.rel @p0 .LBB2_2-.Ltmp1, $4  }
0x9f: {  	[tilespmem:$0x5F0] =	vst v1  }
0xa0: {  	[spmem:s2] =	stream.indirect.scatter.add.f32 [tilespmem:s12], [sflag:$0x1], $0x1, s10, s7, $0xb8;
	[tilespmem:$0x680] =	vst v63  }
0xa1: {  	_ =	swait.ge [sflag:s5], $0x80  }
0xa2: {  	[sflag:s5] =	ssyncset.done $0x0  }
0xa3: {  	[sflag:s5] =	ssyncadd.s32 $0xFFFFFF80;
	p0 =	sgt.u32 s1, $0x7  }
0xa4: {  	[bflag:$0x0] =	sbarrier.arrive $0xFFFF;
	s2 =	sshrl.u32 @!p0 s3, $0x3  }
0xa5: {  	[hbm:s11], [sflag:s4] =	dma.local @!p0 [spmem:s2], $0x10  }
0xa6: {  	s2 =	simm.s32 @!p0 $0x1  }
0xa7: {  	_ =	swait.ge @!p0 [sflag:s2], $0x10  }
0xa8: {  	[sflag:s2] =	ssyncset.done @!p0 $0x0  }
0xa9: {  	[sflag:s2] =	ssyncadd.s32 @!p0 $0xFFFFFFF0  }
.LBB2_4:
0xaa: {  	_ =	sfence.sel $0x180000  }
0xab: {  	[bflag:$0x0] =	sbarrier.arrive $0xFFFF  }
0xac: {  	p0 =	sne.s32 s1, $0x0;
	_ =	strace $0x9000004D  }
0xad: {  	s0 =	sadd.s32 @!p0 $0x100000, s0;
	[bflag:$0x2] =	sbarrier.arrive $0xFFFF  }
0xae: {  	[sflag:s0] =	ssyncadd.tile.s32 @!p0 $0x1;
	_ =	shalt  }
.Lfunc_end2:
_tile_overlayer_lowered:
.L_overlay_start_2:
0xaf: {  	(tag) =	ssettag $0x2  }
0xb0: {  	s0 =	rddreg [dreg:$0x0];
	s2 =	stileid.u32  }
0xb1: {  	s1 =	rddreg [dreg:$0x1];
	p0 =	sne.s32 s2, $0x0  }
0xb2: {  	s3 =	rddreg [dreg:$0x2];
	[bflag:$0x3] =	sbarrier.arrive $0xFFFF;
	s2 =	simm.s32 @!p0 $0x1C01  }
0xb3: {  	[timem:s3], [sflag:s2] =	dma.local @!p0 [hbm:s0], s1  }
0xb4: {  	s0 =	simm.s32 @!p0 $0x1  }
0xb5: {  	_ =	swait.ge @!p0 [sflag:s0], s1  }
0xb6: {  	s1 =	ssub.s32 @!p0 $0x0, s1;
	[sflag:s0] =	ssyncset.done @!p0 $0x0  }
0xb7: {  	[sflag:s0] =	ssyncadd.s32 @!p0 s1  }
0xb8: {  	[bflag:$0x3] =	sbarrier.arrive $0xFFFF  }
0xb9: {  	_ =	shalt  }

// kernel: kernel.20.cloned.1.call-start
scs
__scs_entry_jumppad:
0x0: {  	(pc) =	sbr.rel $0x88, $3  }
0x1: {  	(tag) =	ssettag $0x0;
	lr =	simm.s32 $0x1  }
0x2: {  	[smem:$0x3F98] =	sst lr;
	_ =	strace $0xD0000000  }
0x3: {  	_ = 	snop  }
0x4: {  	_ = 	snop  }
0x5: {  	_ = 	snop  }
0x6: {  	_ = 	snop  }
0x7: {  	_ = 	snop  }
__scs_overlays_trampoline_lowered:
0x8: {  	[smem:$0x3FA7] =	sst s0  }
0x9: {  	[smem:$0x3FA8] =	sst s1  }
0xa: {  	[smem:$0x3FA9] =	sst s2  }
0xb: {  	[smem:$0x3FAA] =	sst s3  }
0xc: {  	[smem:$0x3FAB] =	sst s4  }
0xd: {  	[smem:$0x3FAC] =	sst s5  }
0xe: {  	[smem:$0x3FAD] =	sst s6  }
0xf: {  	[smem:$0x3FAE] =	sst s7  }
0x10: {  	[smem:$0x3FAF] =	sst s8  }
0x11: {  	[smem:$0x3FB0] =	sst s9;
	s0 =	simm.s32 @!p0 $0x0  }
0x12: {  	s1 =	sld [smem:$0x3F96];
	s0 =	simm.s32 @p0 $0x1  }
0x13: {  	[smem:$0x3FB1] =	sst s0;
	s0 =	simm.s32 @!p1 $0x0  }
0x14: {  	s2 =	sld [smem:$0x3F95];
	s0 =	simm.s32 @p1 $0x1  }
0x15: {  	[smem:$0x3FB2] =	sst s0;
	s0 =	simm.s32 @!p2 $0x0  }
0x16: {  	s3 =	sld [smem:$0x3FDB];
	s0 =	simm.s32 @p2 $0x1  }
0x17: {  	s4 =	simm.s32 $0x1BF5;
	[smem:$0x3FB4] =	sst s0  }
0x18: {  	s0 =	sld [smem:$0x3F97];
	_ =	swait.ge [sflag:s4], $0x0  }
0x19: {  	s7 =	sld [smem:$0x3F98]  }
0x1a: {  	s8 =	sadd.s32 $0xFFFFE003, lr  }
0x1b: {  	s9 =	sadd.s32 $0xFFFFFEF7, lr;
	s5 =	simm.s32 $0xFFFFFFFF;
	p2 =	slt.u32 s8, $0xFFFFF086  }
0x1c: {  	p1 =	slt.u32 s9, $0xF7A;
	s5 =	simm.s32 @!p2 $0x0  }
0x1d: {  	s5 =	simm.s32 @p1 $0x1;
	p0 =	seq.s32 s7, s2  }
0x1e: {  	s7 =	smul.u32 @!p0 $0xF7A, s2;
	p2 =	seq.s32 @!p0 s5, $0x0  }
0x1f: {  	s9 =	smul.u32 $0xF7A, s1;
	s8 =	simm.s32 @!p0 $0x1BF5;
	p2 =	por !p2, p0  }
0x20: {  	[sflag:s8] =	ssyncset.s32 @!p0 $0xFFFFF086;
	s6 =	sadd.s32 @!p0 s3, s7;
	s7 =	simm.s32 @!p0 $0x108  }
0x21: {  	s3 =	sadd.s32 s3, s9;
	s6 =	sadd.s32 @!p0 $0x88, s6;
	s7 =	simm.s32 @p2 $0x1082  }
0x22: {  	[simem:s7], [sflag:s8] =	dma.local @!p0 [hbm:s6], $0xF7A  }
0x23: {  	s9 =	sor.u32 $0xD0000000, s2;
	s6 =	simm.s32 $0x108;
	_ =	swait.ge @!p0 [sflag:s8], $0x0  }
0x24: {  	s3 =	sadd.s32 $0x88, s3;
	s6 =	simm.s32 @!p1 $0x1082;
	[sflag:s4] =	ssyncset.s32 $0xFFFFF086  }
0x25: {  	[simem:s6], [sflag:s4] =	dma.local [hbm:s3], $0xF7A  }
0x26: {  	[smem:$0x3F98] =	sst s1;
	(tag) =	ssettag s2;
	_ =	strace s9  }
0x27: {  	s1 =	sld [smem:$0x3FA8]  }
0x28: {  	s2 =	sld [smem:$0x3FA9]  }
0x29: {  	s4 =	sld [smem:$0x3FAB]  }
0x2a: {  	p0 =	seq.s32 s5, $0x0;
	s5 =	sld [smem:$0x3FAC]  }
0x2b: {  	s6 =	sld [smem:$0x3FAD]  }
0x2c: {  	s7 =	sld [smem:$0x3FAE]  }
0x2d: {  	s3 =	simm.s32 $0x108;
	s8 =	sld [smem:$0x3FAF]  }
0x2e: {  	s3 =	simm.s32 @!p0 $0x1082;
	s9 =	sld [smem:$0x3FB0]  }
0x2f: {  	lr =	sadd.s32 s0, s3;
	s0 =	sld [smem:$0x3FA7]  }
0x30: {  	s3 =	sld [smem:$0x3FAA]  }
0x31: {  	[smem:$0x3FB3] =	sst s10  }
0x32: {  	s10 =	sld [smem:$0x3FB1];
	_ =	sdelay $0x3  }
0x33: {  	p0 =	seq.s32 s10, $0x1;
	s10 =	sld [smem:$0x3FB3];
	_ =	sdelay $0x3  }
0x34: {  	[smem:$0x3FB3] =	sst s10  }
0x35: {  	s10 =	sld [smem:$0x3FB2];
	_ =	sdelay $0x3  }
0x36: {  	p1 =	seq.s32 s10, $0x1;
	s10 =	sld [smem:$0x3FB3];
	_ =	sdelay $0x3  }
0x37: {  	[smem:$0x3FB3] =	sst s10  }
0x38: {  	s10 =	sld [smem:$0x3FB4]  }
0x39: {  	_ = 	snop;
	(pc) =	sbr.ind lr, $3  }
0x3a: {  	_ = 	snop  }
0x3b: {  	_ = 	snop  }
0x3c: {  	p2 =	seq.s32 s10, $0x1;
	s10 =	sld [smem:$0x3FB3]  }
0x3d: {  	_ =	shalt  }
0x3e: {  	_ =	shalt  }
0x3f: {  	_ =	shalt  }
0x40: {  	_ =	shalt  }
0x41: {  	_ =	shalt  }
0x42: {  	_ =	shalt  }
0x43: {  	_ =	shalt  }
0x44: {  	_ =	shalt  }
0x45: {  	_ =	shalt  }
0x46: {  	_ =	shalt  }
0x47: {  	_ =	shalt  }
0x48: {  	_ =	shalt  }
0x49: {  	_ =	shalt  }
0x4a: {  	_ =	shalt  }
0x4b: {  	_ =	shalt  }
0x4c: {  	_ =	shalt  }
0x4d: {  	_ =	shalt  }
0x4e: {  	_ =	shalt  }
0x4f: {  	_ =	shalt  }
0x50: {  	_ =	shalt  }
0x51: {  	_ =	shalt  }
0x52: {  	_ =	shalt  }
0x53: {  	_ =	shalt  }
0x54: {  	_ =	shalt  }
0x55: {  	_ =	shalt  }
0x56: {  	_ =	shalt  }
0x57: {  	_ =	shalt  }
0x58: {  	_ =	shalt  }
0x59: {  	_ =	shalt  }
0x5a: {  	_ =	shalt  }
0x5b: {  	_ =	shalt  }
0x5c: {  	_ =	shalt  }
0x5d: {  	_ =	shalt  }
0x5e: {  	_ =	shalt  }
0x5f: {  	_ =	shalt  }
0x60: {  	_ =	shalt  }
0x61: {  	_ =	shalt  }
0x62: {  	_ =	shalt  }
0x63: {  	_ =	shalt  }
0x64: {  	_ =	shalt  }
0x65: {  	_ =	shalt  }
0x66: {  	_ =	shalt  }
0x67: {  	_ =	shalt  }
0x68: {  	_ =	shalt  }
0x69: {  	_ =	shalt  }
0x6a: {  	_ =	shalt  }
0x6b: {  	_ =	shalt  }
0x6c: {  	_ =	shalt  }
0x6d: {  	_ =	shalt  }
0x6e: {  	_ =	shalt  }
0x6f: {  	_ =	shalt  }
0x70: {  	_ =	shalt  }
0x71: {  	_ =	shalt  }
0x72: {  	_ =	shalt  }
0x73: {  	_ =	shalt  }
0x74: {  	_ =	shalt  }
0x75: {  	_ =	shalt  }
0x76: {  	_ =	shalt  }
0x77: {  	_ =	shalt  }
0x78: {  	_ =	shalt  }
0x79: {  	_ =	shalt  }
0x7a: {  	_ =	shalt  }
0x7b: {  	_ =	shalt  }
0x7c: {  	_ =	shalt  }
0x7d: {  	_ =	shalt  }
0x7e: {  	_ =	shalt  }
0x7f: {  	_ =	shalt  }
0x80: {  	_ =	shalt  }
0x81: {  	_ =	shalt  }
0x82: {  	_ =	shalt  }
0x83: {  	_ =	shalt  }
0x84: {  	_ =	shalt  }
0x85: {  	_ =	shalt  }
0x86: {  	_ =	shalt  }
0x87: {  	_ =	shalt  }
.Lfunc_end0:
.L_simem_size_0:
called_computation.3_lowered:
.L_overlay_start_0:
0x88: {  	s2 =	sld [smem:$0x3FD9]  }
0x89: {  	s3 =	sld [smem:$0x3FFE];
	_ =	sdelay $0x1  }
0x8a: {  	s1 =	srdreg.scid  }
0x8b: {  	s0 =	sand.u32 $0x1, s1  }
0x8c: {  	s17 =	sshll.u32 s0, $0xA;
	s2 =	sadd.s32 s3, s2  }
0x8d: {  	s2 =	sadd.s32 s2, s17  }
0x8e: {  	[smem:$0x3FBF] =	sst s2  }
0x8f: {  	_ = 	snop  }
0x90: {  	s2 =	sld [smem:$0x3FD0];
	(tm) =	ssettm $0x1  }
0x91: {  	s18 =	sld [smem:$0x3FFB];
	_ =	sdelay $0x3  }
0x92: {  	_ =	strace s18  }
0x93: {  	s3 =	sld [smem:$0x3FFC];
	_ =	sdelay $0x3  }
0x94: {  	_ =	strace s3  }
0x95: {  	s3 =	sld [smem:$0x3FFD];
	_ =	sdelay $0x3  }
0x96: {  	_ =	strace s3  }
0x97: {  	_ =	strace $0x8FFFFFFF  }
0x98: {  	s19 =	sld [smem:$0x3FDB];
	_ =	sdelay $0x1  }
0x99: {  	s4 =	simm.s32 $_scs_section_size  }
0x9a: {  	s5 =	simm.s32 $_size__tile_overlayer_lowered;
	s6 =	simm.s32 $_tile_overlayer_lowered  }
0x9b: {  	s22 =	simm.s32 $0x1BFF;
	s21 =	sshll.u32 s6, $0x1;
	s3 =	sadd.s32 s4, s19  }
0x9c: {  	s7 =	simm.s32 $0x0;
	s20 =	sshll.u32 s5, $0x1;
	s5 =	sadd.s32 s21, s3  }
0x9d: {  	[timem:s7], [sflag:s22] =	dma.local [hbm:s5], s20  }
0x9e: {  	_ =	swait.ge [sflag:s22], s20  }
0x9f: {  	s4 =	ssub.s32 $0x0, s20;
	[sflag:s22] =	ssyncset.done $0x0  }
0xa0: {  	[sflag:s22] =	ssyncadd.s32 s4;
	_ =	sdelay $0x1  }
0xa1: {  	s23 =	simm.s32 $0x1B8B  }
0xa2: {  	_ =	swait.ge [sflag:s23], $0x1  }
0xa3: {  	[sflag:s23] =	ssyncset.done $0x0  }
0xa4: {  	s25 =	simm.s32 $0x1B8E;
	s24 =	sld [smem:$0x3FFE];
	[sflag:s23] =	ssyncadd.s32 $0xFFFFFFFF  }
0xa5: {  	s26 =	simm.s32 $execute0_lowered;
	[smem:$0x3FD2] =	sst s25  }
0xa6: {  	s5 =	sshll.u32 s26, $0x1;
	_ =	strace $0x8000004F;
	[dreg:$0x1] =	wrdreg $0xFFFFFFFF  }
0xa7: {  	s28 =	simm.s32 $_size_execute0_lowered;
	s3 =	sadd.s32 s3, s5;
	[dreg:$0x0] =	wrdreg $0x0  }
0xa8: {  	s5 =	sshll.u32 s28, $0x1;
	[dreg:$0x2] =	wrdreg s3  }
0xa9: {  	[dreg:$0x3] =	wrdreg s5  }
0xaa: {  	[dreg:$0x4] =	wrdreg $0xC0  }
0xab: {  	_ =	task [dreg:s7], $0x5FFFF  }
0xac: {  	[dreg:$0x1] =	wrdreg $0xFFFFFFFF  }
0xad: {  	[dreg:$0x0] =	wrdreg $0x60  }
0xae: {  	[dreg:$0x2] =	wrdreg s24  }
0xaf: {  	[dreg:$0x3] =	wrdreg s2  }
0xb0: {  	[dreg:$0x4] =	wrdreg $0x9  }
0xb1: {  	_ =	task.clear_ibuf [dreg:s7], $0x5FFFF;
	_ =	strace $0x9000004F  }
0xb2: {  	s29 =	simm.s32 $0x9;
	_ =	strace $0x80000051  }
0xb3: {  	_ =	swait.ge [sflag:s29], $0x1  }
0xb4: {  	[sflag:s29] =	ssyncadd.s32 $0xFFFFFFFF  }
0xb5: {  	_ =	strace $0x90000051  }
0xb6: {  	_ =	sfence  }
0xb7: {  	s30 =	sld [smem:$0x0];
	_ =	sdelay $0x2  }
0xb8: {  	s31 =	sshll.u32 s1, $0xD;
	s1 =	sshrl.u32 s1, $0x2  }
0xb9: {  	s3 =	sand.u32 $0x4000, s31;
	s1 =	sadd.s32 s1, s30  }
0xba: {  	s0 =	sor.u32 s3, s0;
	s1 =	sshll.u32 s1, $0x11  }
0xbb: {  	s0 =	sor.u32 s1, s0  }
0xbc: {  	s0 =	sadd.s32 $0x8F2B, s0  }
0xbd: {  	[sflag:s0] =	ssyncadd.remote.s32 $0x1  }
0xbe: {  	_ =	sfence.sel $0xFFFF  }
0xbf: {  	[dreg:$0x0] =	wrdreg $0xFFFFFFFF;
	(pc) =	sbr.abs _section_cstart, $3  }
0xc0: {  	[dreg:$0x1] =	wrdreg $0xFFFFFFFF  }
0xc1: {  	_ =	task.clear_ibuf [dreg:s7], $0x2FFFF;
	_ =	strace $0x9FFFFFFF  }
0xc2: {  	(tm) =	ssettm $0x7FFFFFFF  }
0xc3: {  	_ =	shalt  }
tec
execute0_lowered:
.L_overlay_start_1:
0x0: {  	(tag) =	ssettag $0x1  }
0x1: {  	s1 =	stileid.u32  }
0x2: {  	p0 =	sgt.u32 s1, $0x7  }
.Ltmp0:
0x3: {  	_ = 	snop;
	(pc) =	sbr.rel @p0 .LBB2_6-.Ltmp0, $4  }
0x4: {  	s6 =	rddreg [dreg:$0x0]  }
0x5: {  	s5 =	rddreg [dreg:$0x1];
	s2 =	simm.s32 $0x0  }
0x6: {  	[smem:$0x7FF] =	sst s2  }
0x7: {  	s0 =	rddreg [dreg:$0x2];
	_ =	strace $0x80000050  }
0x8: {  	s7 =	sadd.s32 $0x61600, s6;
	s3 =	sadd.s32 $0xFEE00, s6  }
0x9: {  	s8 =	sshll.u32 s1, $0xB;
	s9 =	srdreg.scid;
	s4 =	sadd.s32 $0x61800, s6  }
0xa: {  	s30 =	sshll.u32 s1, $0xC;
	s10 =	sshll.u32 s1, $0x4;
	s11 =	simm.s32 $0x8100  }
0xb: {  	s12 =	simm.s32 $0x1;
	s13 =	simm.s32 $0x100;
	s14 =	simm.s32 $0x900  }
0xc: {  	s15 =	simm.s32 $0x1100;
	s16 =	simm.s32 $0x1900;
	s17 =	simm.s32 $0x2100  }
0xd: {  	s18 =	simm.s32 $0x2900;
	s19 =	simm.s32 $0x3100;
	s20 =	simm.s32 $0x3900  }
0xe: {  	s21 =	simm.s32 $0x4100;
	s22 =	simm.s32 $0x4900;
	s23 =	simm.s32 $0x5100  }
0xf: {  	s24 =	simm.s32 $0x5900;
	s28 =	simm.s32 $0x7100;
	s29 =	simm.s32 $0x7900  }
.Ltmp1:
0x10: {  	s25 =	sadd.s32 s8, s6;
	s26 =	sand.u32 $0x1, s9;
	(pc) =	sbr.rel .LBB2_2-.Ltmp1, $4  }
0x11: {  	s5 =	sadd.s32 s5, s30;
	s7 =	sadd.s32 s7, s10;
	s8 =	ssub.s32 $0x2, s26  }
0x12: {  	v2 =	vlaneseq.u32;
	s9 =	simm.s32 $0x80;
	s10 =	simm.s32 $0x2;
	s31 =	sshrl.u32 s8, $0x1  }
0x13: {  	vm0 =	vmmov $0xffff;
	v1 =	vshrl.u32 v2, $0x3;
	p0 =	seq.s32 s26, $0x1;
	s6 =	sadd.s32 $0xE000, s25;
	s8 =	ssub.s32 s8, s31  }
0x14: {  	v0 =	vand.u32 $0x7, v2;
	v2 =	vor.u32 $0x8, v2;
	s25 =	simm.s32 $0x6100;
	v1 =	vmul.u32 $0x8, v1;
	s26 =	simm.s32 $0x6900;
	s8 =	smax.u32 s8, $0x1  }
.LBB2_4:
0x15: {  	[tilespmem:s11], [sflag:$0x1] =	stream.indirect.gather [hbm4b:s4+s9], $0x80, s2, s9, $0xb8;
	[tilespmem:$0xC100] =	vst v63  }
0x16: {  	_ =	swait.ge [sflag:s12], $0x4000  }
0x17: {  	[sflag:s12] =	ssyncset.done $0x0  }
0x18: {  	[sflag:s12] =	ssyncadd.s32 $0xFFFFC000  }
0x19: {  	[hbm4b:s6+s2] =	stream.linear.scatter [tilespmem:s11], [sflag:$0x2], $0x4000, $0x38;
	[tilespmem:$0xC100] =	vst v63  }
0x1a: {  	_ =	swait.ge [sflag:s10], $0x4000  }
0x1b: {  	[sflag:s10] =	ssyncset.done $0x0  }
0x1c: {  	[sflag:s10] =	ssyncadd.s32 $0xFFFFC000  }
.LBB2_5:
0x1d: {  	s8 =	sadd.s32 $0xFFFFFFFF, s8  }
0x1e: {  	p1 =	sne.s32 s8, $0x0  }
.Ltmp2:
0x1f: {  	_ = 	snop;
	(pc) =	sbr.rel @!p1 .LBB2_6-.Ltmp2, $1  }
0x20: {  	_ =	sdelay $0x3  }
.LBB2_2:
0x21: {  	[tilespmem:s9], [sflag:$0x2] =	stream.linear.gather [hbm4b:s7+s2], $0x80, $0x38;
	[tilespmem:$0xC100] =	vst v63  }
0x22: {  	_ =	swait.ge [sflag:s10], $0x80  }
0x23: {  	[sflag:s10] =	ssyncset.done $0x0  }
0x24: {  	[sflag:s10] =	ssyncadd.s32 $0xFFFFFF80  }
0x25: {  	v3 =	vld [tilespmem:$0x90]  }
0x26: {  	v4 =	vld [tilespmem:$0xA0]  }
0x27: {  	v5 =	vld [tilespmem:$0xB0]  }
0x28: {  	v6 =	vld [tilespmem:$0xC0]  }
0x29: {  	v7 =	vld [tilespmem:$0xD0]  }
0x2a: {  	v8 =	vld [tilespmem:$0xE0];
	v3 =	vtrunc.f32 v3  }
0x2b: {  	v9 =	vld [tilespmem:$0x80];
	v4 =	vtrunc.f32 v4;
	v3 =	vcvt.f32.s32 v3  }
0x2c: {  	v10 =	vld [tilespmem:$0xF0];
	v5 =	vtrunc.f32 v5;
	v4 =	vcvt.f32.s32 v4  }
0x2d: {  	[tilespmem:$0x10] =	vst v3;
	v3 =	vcvt.f32.s32 v5;
	v5 =	vtrunc.f32 v6  }
0x2e: {  	[tilespmem:$0x20] =	vst v4;
	v4 =	vcvt.f32.s32 v5;
	v5 =	vtrunc.f32 v7  }
0x2f: {  	[tilespmem:$0x30] =	vst v3;
	v3 =	vcvt.f32.s32 v5;
	v5 =	vtrunc.f32 v8  }
.Ltmp3:
0x30: {  	[tilespmem:$0x40] =	vst v4;
	v4 =	vtrunc.f32 v9;
	v5 =	vcvt.f32.s32 v5;
	(pc) =	sbr.rel @p0 .LBB2_4-.Ltmp3, $4  }
0x31: {  	[tilespmem:$0x50] =	vst v3;
	v3 =	vcvt.f32.s32 v4;
	v4 =	vtrunc.f32 v10  }
0x32: {  	[tilespmem:$0x60] =	vst v5;
	v4 =	vcvt.f32.s32 v4  }
0x33: {  	[tilespmem:$0x0] =	vst v3  }
0x34: {  	[tilespmem:$0x70] =	vst v4  }
0x35: {  	v4 =	vshll.u32 v3, $0x1  }
0x36: {  	v3 =	vand.u32 $0x7, v3;
	v4 =	vand.u32 $0xFFFFFFF0, v4  }
0x37: {  	v3 =	vor.u32 v3, v4  }
0x38: {  	v4 =	vperm.xlane v3, v0;
	_ =	sdelay $0x1  }
0x39: {  	v3 =	vperm.xlane v3, v2;
	v4 =	vadd.s32 v1, v4;
	_ =	sdelay $0x1  }
0x3a: {  	v3 =	vadd.s32 v1, v3;
	_ =	sdelay $0x2  }
0x3b: {  	[tilespmem:s13], [sflag:$0x1] =	stream.indirect_vreg.gather [hbm4b:s3+s2], $0x80, v4, vm0, $0xb8;
	[tilespmem:$0xC100] =	vst v63  }
0x3c: {  	_ = 	snop  }
0x3d: {  	[tilespmem:s14], [sflag:$0x1] =	stream.indirect_vreg.gather [hbm4b:s3+s2], $0x80, v3, vm0, $0xb8;
	[tilespmem:$0xC100] =	vst v63  }
0x3e: {  	v3 =	vld [tilespmem:$0x10];
	_ =	sdelay $0x4  }
0x3f: {  	v57 =	vshll.u32 v3, $0x1  }
0x40: {  	v3 =	vand.u32 $0x7, v3;
	v4 =	vand.u32 $0xFFFFFFF0, v57  }
0x41: {  	v3 =	vor.u32 v3, v4  }
0x42: {  	v4 =	vperm.xlane v3, v0;
	_ =	sdelay $0x1  }
0x43: {  	v3 =	vperm.xlane v3, v2;
	v4 =	vadd.s32 v1, v4;
	_ =	sdelay $0x1  }
0x44: {  	v3 =	vadd.s32 v1, v3;
	_ =	sdelay $0x2  }
0x45: {  	[tilespmem:s15], [sflag:$0x1] =	stream.indirect_vreg.gather [hbm4b:s3+s2], $0x80, v4, vm0, $0xb8;
	[tilespmem:$0xC100] =	vst v63  }
0x46: {  	_ = 	snop  }
0x47: {  	[tilespmem:s16], [sflag:$0x1] =	stream.indirect_vreg.gather [hbm4b:s3+s2], $0x80, v3, vm0, $0xb8;
	[tilespmem:$0xC100] =	vst v63  }
0x48: {  	v3 =	vld [tilespmem:$0x20];
	_ =	sdelay $0x4  }
0x49: {  	v58 =	vshll.u32 v3, $0x1  }
0x4a: {  	v3 =	vand.u32 $0x7, v3;
	v4 =	vand.u32 $0xFFFFFFF0, v58  }
0x4b: {  	v3 =	vor.u32 v3, v4  }
0x4c: {  	v4 =	vperm.xlane v3, v0;
	_ =	sdelay $0x1  }
0x4d: {  	v3 =	vperm.xlane v3, v2;
	v4 =	vadd.s32 v1, v4;
	_ =	sdelay $0x1  }
0x4e: {  	v3 =	vadd.s32 v1, v3;
	_ =	sdelay $0x2  }
0x4f: {  	[tilespmem:s17], [sflag:$0x1] =	stream.indirect_vreg.gather [hbm4b:s3+s2], $0x80, v4, vm0, $0xb8;
	[tilespmem:$0xC100] =	vst v63  }
0x50: {  	_ = 	snop  }
0x51: {  	[tilespmem:s18], [sflag:$0x1] =	stream.indirect_vreg.gather [hbm4b:s3+s2], $0x80, v3, vm0, $0xb8;
	[tilespmem:$0xC100] =	vst v63  }
0x52: {  	v3 =	vld [tilespmem:$0x30];
	_ =	sdelay $0x4  }
0x53: {  	v59 =	vshll.u32 v3, $0x1  }
0x54: {  	v3 =	vand.u32 $0x7, v3;
	v4 =	vand.u32 $0xFFFFFFF0, v59  }
0x55: {  	v3 =	vor.u32 v3, v4  }
0x56: {  	v4 =	vperm.xlane v3, v0;
	_ =	sdelay $0x1  }
0x57: {  	v3 =	vperm.xlane v3, v2;
	v4 =	vadd.s32 v1, v4;
	_ =	sdelay $0x1  }
0x58: {  	v3 =	vadd.s32 v1, v3;
	_ =	sdelay $0x2  }
0x59: {  	[tilespmem:s19], [sflag:$0x1] =	stream.indirect_vreg.gather [hbm4b:s3+s2], $0x80, v4, vm0, $0xb8;
	[tilespmem:$0xC100] =	vst v63  }
0x5a: {  	_ = 	snop  }
0x5b: {  	[tilespmem:s20], [sflag:$0x1] =	stream.indirect_vreg.gather [hbm4b:s3+s2], $0x80, v3, vm0, $0xb8;
	[tilespmem:$0xC100] =	vst v63  }
0x5c: {  	v3 =	vld [tilespmem:$0x40];
	_ =	sdelay $0x4  }
0x5d: {  	v60 =	vshll.u32 v3, $0x1  }
0x5e: {  	v3 =	vand.u32 $0x7, v3;
	v4 =	vand.u32 $0xFFFFFFF0, v60  }
0x5f: {  	v3 =	vor.u32 v3, v4  }
0x60: {  	v4 =	vperm.xlane v3, v0;
	_ =	sdelay $0x1  }
0x61: {  	v3 =	vperm.xlane v3, v2;
	v4 =	vadd.s32 v1, v4;
	_ =	sdelay $0x1  }
0x62: {  	v3 =	vadd.s32 v1, v3;
	_ =	sdelay $0x2  }
0x63: {  	[tilespmem:s21], [sflag:$0x1] =	stream.indirect_vreg.gather [hbm4b:s3+s2], $0x80, v4, vm0, $0xb8;
	[tilespmem:$0xC100] =	vst v63  }
0x64: {  	_ = 	snop  }
0x65: {  	[tilespmem:s22], [sflag:$0x1] =	stream.indirect_vreg.gather [hbm4b:s3+s2], $0x80, v3, vm0, $0xb8;
	[tilespmem:$0xC100] =	vst v63  }
0x66: {  	v3 =	vld [tilespmem:$0x50];
	_ =	sdelay $0x4  }
0x67: {  	v61 =	vshll.u32 v3, $0x1  }
0x68: {  	v3 =	vand.u32 $0x7, v3;
	v4 =	vand.u32 $0xFFFFFFF0, v61  }
0x69: {  	v3 =	vor.u32 v3, v4  }
0x6a: {  	v4 =	vperm.xlane v3, v0;
	_ =	sdelay $0x1  }
0x6b: {  	v3 =	vperm.xlane v3, v2;
	v4 =	vadd.s32 v1, v4;
	_ =	sdelay $0x1  }
0x6c: {  	v3 =	vadd.s32 v1, v3;
	_ =	sdelay $0x2  }
0x6d: {  	[tilespmem:s23], [sflag:$0x1] =	stream.indirect_vreg.gather [hbm4b:s3+s2], $0x80, v4, vm0, $0xb8;
	[tilespmem:$0xC100] =	vst v63  }
0x6e: {  	_ = 	snop  }
0x6f: {  	[tilespmem:s24], [sflag:$0x1] =	stream.indirect_vreg.gather [hbm4b:s3+s2], $0x80, v3, vm0, $0xb8;
	[tilespmem:$0xC100] =	vst v63  }
0x70: {  	v3 =	vld [tilespmem:$0x60];
	_ =	sdelay $0x4  }
0x71: {  	v62 =	vshll.u32 v3, $0x1  }
0x72: {  	v3 =	vand.u32 $0x7, v3;
	v4 =	vand.u32 $0xFFFFFFF0, v62  }
0x73: {  	v3 =	vor.u32 v3, v4  }
0x74: {  	v4 =	vperm.xlane v3, v0;
	_ =	sdelay $0x1  }
0x75: {  	v3 =	vperm.xlane v3, v2;
	v4 =	vadd.s32 v1, v4;
	_ =	sdelay $0x1  }
0x76: {  	v3 =	vadd.s32 v1, v3;
	_ =	sdelay $0x2  }
0x77: {  	[tilespmem:s25], [sflag:$0x1] =	stream.indirect_vreg.gather [hbm4b:s3+s2], $0x80, v4, vm0, $0xb8;
	[tilespmem:$0xC100] =	vst v63  }
0x78: {  	_ = 	snop  }
0x79: {  	[tilespmem:s26], [sflag:$0x1] =	stream.indirect_vreg.gather [hbm4b:s3+s2], $0x80, v3, vm0, $0xb8;
	[tilespmem:$0xC100] =	vst v63  }
0x7a: {  	v3 =	vld [tilespmem:$0x70];
	_ =	sdelay $0x4  }
0x7b: {  	v63 =	vshll.u32 v3, $0x1  }
0x7c: {  	v3 =	vand.u32 $0x7, v3;
	v4 =	vand.u32 $0xFFFFFFF0, v63  }
0x7d: {  	v3 =	vor.u32 v3, v4  }
0x7e: {  	v4 =	vperm.xlane v3, v0;
	_ =	sdelay $0x1  }
0x7f: {  	v3 =	vperm.xlane v3, v2;
	v4 =	vadd.s32 v1, v4;
	_ =	sdelay $0x1  }
0x80: {  	v3 =	vadd.s32 v1, v3;
	_ =	sdelay $0x2  }
0x81: {  	[tilespmem:s28], [sflag:$0x1] =	stream.indirect_vreg.gather [hbm4b:s3+s2], $0x80, v4, vm0, $0xb8;
	[tilespmem:$0xC100] =	vst v63  }
0x82: {  	_ = 	snop  }
0x83: {  	[tilespmem:s29], [sflag:$0x1] =	stream.indirect_vreg.gather [hbm4b:s3+s2], $0x80, v3, vm0, $0xb8;
	[tilespmem:$0xC100] =	vst v63  }
0x84: {  	_ =	swait.ge [sflag:s12], $0x8000  }
0x85: {  	[sflag:s12] =	ssyncset.done $0x0  }
.Ltmp4:
0x86: {  	[sflag:s12] =	ssyncadd.s32 $0xFFFF8000;
	(pc) =	sbr.rel .LBB2_5-.Ltmp4, $4  }
0x87: {  	[hbm4b:s5+s2] =	stream.linear.scatter [tilespmem:s13], [sflag:$0x2], $0x8000, $0x38;
	[tilespmem:$0xC100] =	vst v63  }
0x88: {  	_ =	swait.ge [sflag:s10], $0x8000  }
0x89: {  	[sflag:s10] =	ssyncset.done $0x0  }
0x8a: {  	[sflag:s10] =	ssyncadd.s32 $0xFFFF8000  }
.LBB2_6:
0x8b: {  	_ =	sfence.sel $0x180000  }
0x8c: {  	[bflag:$0x0] =	sbarrier.arrive $0xFFFF  }
0x8d: {  	p0 =	sne.s32 s1, $0x0;
	_ =	strace $0x90000050  }
0x8e: {  	s0 =	sadd.s32 @!p0 $0x100000, s0;
	[bflag:$0x2] =	sbarrier.arrive $0xFFFF  }
0x8f: {  	[sflag:s0] =	ssyncadd.tile.s32 @!p0 $0x1;
	_ =	shalt  }
.Lfunc_end2:
_tile_overlayer_lowered:
.L_overlay_start_2:
0x90: {  	(tag) =	ssettag $0x2  }
0x91: {  	s0 =	rddreg [dreg:$0x0];
	s2 =	stileid.u32  }
0x92: {  	s1 =	rddreg [dreg:$0x1];
	p0 =	sne.s32 s2, $0x0  }
0x93: {  	s3 =	rddreg [dreg:$0x2];
	[bflag:$0x3] =	sbarrier.arrive $0xFFFF;
	s2 =	simm.s32 @!p0 $0x1C02  }
0x94: {  	[timem:s3], [sflag:s2] =	dma.local @!p0 [hbm:s0], s1  }
0x95: {  	s0 =	simm.s32 @!p0 $0x2  }
0x96: {  	_ =	swait.ge @!p0 [sflag:s0], s1  }
0x97: {  	s1 =	ssub.s32 @!p0 $0x0, s1;
	[sflag:s0] =	ssyncset.done @!p0 $0x0  }
0x98: {  	[sflag:s0] =	ssyncadd.s32 @!p0 s1  }
0x99: {  	[bflag:$0x3] =	sbarrier.arrive $0xFFFF  }
0x9a: {  	_ =	shalt  }

// kernel: kernel.23.cloned.1.call-start
scs
__scs_entry_jumppad:
0x0: {  	(pc) =	sbr.rel $0x88, $3  }
0x1: {  	(tag) =	ssettag $0x0;
	lr =	simm.s32 $0x1  }
0x2: {  	[smem:$0x3F98] =	sst lr;
	_ =	strace $0xD0000000  }
0x3: {  	_ = 	snop  }
0x4: {  	_ = 	snop  }
0x5: {  	_ = 	snop  }
0x6: {  	_ = 	snop  }
0x7: {  	_ = 	snop  }
__scs_overlays_trampoline_lowered:
0x8: {  	[smem:$0x3FA7] =	sst s0  }
0x9: {  	[smem:$0x3FA8] =	sst s1  }
0xa: {  	[smem:$0x3FA9] =	sst s2  }
0xb: {  	[smem:$0x3FAA] =	sst s3  }
0xc: {  	[smem:$0x3FAB] =	sst s4  }
0xd: {  	[smem:$0x3FAC] =	sst s5  }
0xe: {  	[smem:$0x3FAD] =	sst s6  }
0xf: {  	[smem:$0x3FAE] =	sst s7  }
0x10: {  	[smem:$0x3FAF] =	sst s8  }
0x11: {  	[smem:$0x3FB0] =	sst s9;
	s0 =	simm.s32 @!p0 $0x0  }
0x12: {  	s1 =	sld [smem:$0x3F96];
	s0 =	simm.s32 @p0 $0x1  }
0x13: {  	[smem:$0x3FB1] =	sst s0;
	s0 =	simm.s32 @!p1 $0x0  }
0x14: {  	s2 =	sld [smem:$0x3F95];
	s0 =	simm.s32 @p1 $0x1  }
0x15: {  	[smem:$0x3FB2] =	sst s0;
	s0 =	simm.s32 @!p2 $0x0  }
0x16: {  	s3 =	sld [smem:$0x3FDB];
	s0 =	simm.s32 @p2 $0x1  }
0x17: {  	s4 =	simm.s32 $0x1BF5;
	[smem:$0x3FB4] =	sst s0  }
0x18: {  	s0 =	sld [smem:$0x3F97];
	_ =	swait.ge [sflag:s4], $0x0  }
0x19: {  	s7 =	sld [smem:$0x3F98]  }
0x1a: {  	s8 =	sadd.s32 $0xFFFFE003, lr  }
0x1b: {  	s9 =	sadd.s32 $0xFFFFFEF7, lr;
	s5 =	simm.s32 $0xFFFFFFFF;
	p2 =	slt.u32 s8, $0xFFFFF086  }
0x1c: {  	p1 =	slt.u32 s9, $0xF7A;
	s5 =	simm.s32 @!p2 $0x0  }
0x1d: {  	s5 =	simm.s32 @p1 $0x1;
	p0 =	seq.s32 s7, s2  }
0x1e: {  	s7 =	smul.u32 @!p0 $0xF7A, s2;
	p2 =	seq.s32 @!p0 s5, $0x0  }
0x1f: {  	s9 =	smul.u32 $0xF7A, s1;
	s8 =	simm.s32 @!p0 $0x1BF5;
	p2 =	por !p2, p0  }
0x20: {  	[sflag:s8] =	ssyncset.s32 @!p0 $0xFFFFF086;
	s6 =	sadd.s32 @!p0 s3, s7;
	s7 =	simm.s32 @!p0 $0x108  }
0x21: {  	s3 =	sadd.s32 s3, s9;
	s6 =	sadd.s32 @!p0 $0x88, s6;
	s7 =	simm.s32 @p2 $0x1082  }
0x22: {  	[simem:s7], [sflag:s8] =	dma.local @!p0 [hbm:s6], $0xF7A  }
0x23: {  	s9 =	sor.u32 $0xD0000000, s2;
	s6 =	simm.s32 $0x108;
	_ =	swait.ge @!p0 [sflag:s8], $0x0  }
0x24: {  	s3 =	sadd.s32 $0x88, s3;
	s6 =	simm.s32 @!p1 $0x1082;
	[sflag:s4] =	ssyncset.s32 $0xFFFFF086  }
0x25: {  	[simem:s6], [sflag:s4] =	dma.local [hbm:s3], $0xF7A  }
0x26: {  	[smem:$0x3F98] =	sst s1;
	(tag) =	ssettag s2;
	_ =	strace s9  }
0x27: {  	s1 =	sld [smem:$0x3FA8]  }
0x28: {  	s2 =	sld [smem:$0x3FA9]  }
0x29: {  	s4 =	sld [smem:$0x3FAB]  }
0x2a: {  	p0 =	seq.s32 s5, $0x0;
	s5 =	sld [smem:$0x3FAC]  }
0x2b: {  	s6 =	sld [smem:$0x3FAD]  }
0x2c: {  	s7 =	sld [smem:$0x3FAE]  }
0x2d: {  	s3 =	simm.s32 $0x108;
	s8 =	sld [smem:$0x3FAF]  }
0x2e: {  	s3 =	simm.s32 @!p0 $0x1082;
	s9 =	sld [smem:$0x3FB0]  }
0x2f: {  	lr =	sadd.s32 s0, s3;
	s0 =	sld [smem:$0x3FA7]  }
0x30: {  	s3 =	sld [smem:$0x3FAA]  }
0x31: {  	[smem:$0x3FB3] =	sst s10  }
0x32: {  	s10 =	sld [smem:$0x3FB1];
	_ =	sdelay $0x3  }
0x33: {  	p0 =	seq.s32 s10, $0x1;
	s10 =	sld [smem:$0x3FB3];
	_ =	sdelay $0x3  }
0x34: {  	[smem:$0x3FB3] =	sst s10  }
0x35: {  	s10 =	sld [smem:$0x3FB2];
	_ =	sdelay $0x3  }
0x36: {  	p1 =	seq.s32 s10, $0x1;
	s10 =	sld [smem:$0x3FB3];
	_ =	sdelay $0x3  }
0x37: {  	[smem:$0x3FB3] =	sst s10  }
0x38: {  	s10 =	sld [smem:$0x3FB4]  }
0x39: {  	_ = 	snop;
	(pc) =	sbr.ind lr, $3  }
0x3a: {  	_ = 	snop  }
0x3b: {  	_ = 	snop  }
0x3c: {  	p2 =	seq.s32 s10, $0x1;
	s10 =	sld [smem:$0x3FB3]  }
0x3d: {  	_ =	shalt  }
0x3e: {  	_ =	shalt  }
0x3f: {  	_ =	shalt  }
0x40: {  	_ =	shalt  }
0x41: {  	_ =	shalt  }
0x42: {  	_ =	shalt  }
0x43: {  	_ =	shalt  }
0x44: {  	_ =	shalt  }
0x45: {  	_ =	shalt  }
0x46: {  	_ =	shalt  }
0x47: {  	_ =	shalt  }
0x48: {  	_ =	shalt  }
0x49: {  	_ =	shalt  }
0x4a: {  	_ =	shalt  }
0x4b: {  	_ =	shalt  }
0x4c: {  	_ =	shalt  }
0x4d: {  	_ =	shalt  }
0x4e: {  	_ =	shalt  }
0x4f: {  	_ =	shalt  }
0x50: {  	_ =	shalt  }
0x51: {  	_ =	shalt  }
0x52: {  	_ =	shalt  }
0x53: {  	_ =	shalt  }
0x54: {  	_ =	shalt  }
0x55: {  	_ =	shalt  }
0x56: {  	_ =	shalt  }
0x57: {  	_ =	shalt  }
0x58: {  	_ =	shalt  }
0x59: {  	_ =	shalt  }
0x5a: {  	_ =	shalt  }
0x5b: {  	_ =	shalt  }
0x5c: {  	_ =	shalt  }
0x5d: {  	_ =	shalt  }
0x5e: {  	_ =	shalt  }
0x5f: {  	_ =	shalt  }
0x60: {  	_ =	shalt  }
0x61: {  	_ =	shalt  }
0x62: {  	_ =	shalt  }
0x63: {  	_ =	shalt  }
0x64: {  	_ =	shalt  }
0x65: {  	_ =	shalt  }
0x66: {  	_ =	shalt  }
0x67: {  	_ =	shalt  }
0x68: {  	_ =	shalt  }
0x69: {  	_ =	shalt  }
0x6a: {  	_ =	shalt  }
0x6b: {  	_ =	shalt  }
0x6c: {  	_ =	shalt  }
0x6d: {  	_ =	shalt  }
0x6e: {  	_ =	shalt  }
0x6f: {  	_ =	shalt  }
0x70: {  	_ =	shalt  }
0x71: {  	_ =	shalt  }
0x72: {  	_ =	shalt  }
0x73: {  	_ =	shalt  }
0x74: {  	_ =	shalt  }
0x75: {  	_ =	shalt  }
0x76: {  	_ =	shalt  }
0x77: {  	_ =	shalt  }
0x78: {  	_ =	shalt  }
0x79: {  	_ =	shalt  }
0x7a: {  	_ =	shalt  }
0x7b: {  	_ =	shalt  }
0x7c: {  	_ =	shalt  }
0x7d: {  	_ =	shalt  }
0x7e: {  	_ =	shalt  }
0x7f: {  	_ =	shalt  }
0x80: {  	_ =	shalt  }
0x81: {  	_ =	shalt  }
0x82: {  	_ =	shalt  }
0x83: {  	_ =	shalt  }
0x84: {  	_ =	shalt  }
0x85: {  	_ =	shalt  }
0x86: {  	_ =	shalt  }
0x87: {  	_ =	shalt  }
.Lfunc_end0:
.L_simem_size_0:
called_computation.4_lowered:
.L_overlay_start_0:
0x88: {  	s2 =	sld [smem:$0x3FD9]  }
0x89: {  	s3 =	sld [smem:$0x3FFE];
	_ =	sdelay $0x1  }
0x8a: {  	s1 =	srdreg.scid  }
0x8b: {  	s0 =	sand.u32 $0x1, s1  }
0x8c: {  	s17 =	sshll.u32 s0, $0xA;
	s2 =	sadd.s32 s3, s2  }
0x8d: {  	s2 =	sadd.s32 s2, s17  }
0x8e: {  	[smem:$0x3FBF] =	sst s2  }
0x8f: {  	_ = 	snop  }
0x90: {  	s2 =	sld [smem:$0x3FD0];
	(tm) =	ssettm $0x1  }
0x91: {  	s18 =	sld [smem:$0x3FFB];
	_ =	sdelay $0x3  }
0x92: {  	_ =	strace s18  }
0x93: {  	s3 =	sld [smem:$0x3FFC];
	_ =	sdelay $0x3  }
0x94: {  	_ =	strace s3  }
0x95: {  	s3 =	sld [smem:$0x3FFD];
	_ =	sdelay $0x3  }
0x96: {  	_ =	strace s3  }
0x97: {  	_ =	strace $0x8FFFFFFF  }
0x98: {  	s19 =	sld [smem:$0x3FDB];
	_ =	sdelay $0x1  }
0x99: {  	s4 =	simm.s32 $_scs_section_size  }
0x9a: {  	s5 =	simm.s32 $_size__tile_overlayer_lowered;
	s6 =	simm.s32 $_tile_overlayer_lowered  }
0x9b: {  	s22 =	simm.s32 $0x1BFF;
	s21 =	sshll.u32 s6, $0x1;
	s3 =	sadd.s32 s4, s19  }
0x9c: {  	s7 =	simm.s32 $0x0;
	s20 =	sshll.u32 s5, $0x1;
	s5 =	sadd.s32 s21, s3  }
0x9d: {  	[timem:s7], [sflag:s22] =	dma.local [hbm:s5], s20  }
0x9e: {  	_ =	swait.ge [sflag:s22], s20  }
0x9f: {  	s4 =	ssub.s32 $0x0, s20;
	[sflag:s22] =	ssyncset.done $0x0  }
0xa0: {  	[sflag:s22] =	ssyncadd.s32 s4;
	_ =	sdelay $0x1  }
0xa1: {  	s23 =	simm.s32 $0x1B8B  }
0xa2: {  	_ =	swait.ge [sflag:s23], $0x1  }
0xa3: {  	[sflag:s23] =	ssyncset.done $0x0  }
0xa4: {  	s25 =	simm.s32 $0x1B8E;
	s24 =	sld [smem:$0x3FFE];
	[sflag:s23] =	ssyncadd.s32 $0xFFFFFFFF  }
0xa5: {  	s26 =	simm.s32 $execute0_lowered;
	[smem:$0x3FD2] =	sst s25  }
0xa6: {  	s5 =	sshll.u32 s26, $0x1;
	_ =	strace $0x80000052;
	[dreg:$0x1] =	wrdreg $0xFFFFFFFF  }
0xa7: {  	s28 =	simm.s32 $_size_execute0_lowered;
	s3 =	sadd.s32 s3, s5;
	[dreg:$0x0] =	wrdreg $0x0  }
0xa8: {  	s5 =	sshll.u32 s28, $0x1;
	[dreg:$0x2] =	wrdreg s3  }
0xa9: {  	[dreg:$0x3] =	wrdreg s5  }
0xaa: {  	[dreg:$0x4] =	wrdreg $0xC0  }
0xab: {  	_ =	task [dreg:s7], $0x5FFFF  }
0xac: {  	[dreg:$0x1] =	wrdreg $0xFFFFFFFF  }
0xad: {  	[dreg:$0x0] =	wrdreg $0x60  }
0xae: {  	[dreg:$0x2] =	wrdreg s2  }
0xaf: {  	[dreg:$0x3] =	wrdreg s24  }
0xb0: {  	[dreg:$0x4] =	wrdreg $0x0  }
0xb1: {  	[dreg:$0x5] =	wrdreg $0x9  }
0xb2: {  	_ =	task.clear_ibuf [dreg:s7], $0x6FFFF;
	_ =	strace $0x90000052  }
0xb3: {  	s29 =	simm.s32 $0x9;
	_ =	strace $0x80000054  }
0xb4: {  	_ =	swait.ge [sflag:s29], $0x1  }
0xb5: {  	[sflag:s29] =	ssyncadd.s32 $0xFFFFFFFF  }
0xb6: {  	_ =	strace $0x90000054  }
0xb7: {  	_ =	sfence  }
0xb8: {  	s30 =	sld [smem:$0x0];
	_ =	sdelay $0x2  }
0xb9: {  	s31 =	sshll.u32 s1, $0xD;
	s1 =	sshrl.u32 s1, $0x2  }
0xba: {  	s3 =	sand.u32 $0x4000, s31;
	s1 =	sadd.s32 s1, s30  }
0xbb: {  	s0 =	sor.u32 s3, s0;
	s1 =	sshll.u32 s1, $0x11  }
0xbc: {  	s0 =	sor.u32 s1, s0  }
0xbd: {  	s0 =	sadd.s32 $0x8F2B, s0  }
0xbe: {  	[sflag:s0] =	ssyncadd.remote.s32 $0x1  }
0xbf: {  	_ =	sfence.sel $0xFFFF  }
0xc0: {  	[dreg:$0x0] =	wrdreg $0xFFFFFFFF;
	(pc) =	sbr.abs _section_cstart, $3  }
0xc1: {  	[dreg:$0x1] =	wrdreg $0xFFFFFFFF  }
0xc2: {  	_ =	task.clear_ibuf [dreg:s7], $0x2FFFF;
	_ =	strace $0x9FFFFFFF  }
0xc3: {  	(tm) =	ssettm $0x7FFFFFFF  }
tec
execute0_lowered:
.L_overlay_start_1:
0x0: {  	(tag) =	ssettag $0x1  }
0x1: {  	s11 =	rddreg [dreg:$0x0]  }
0x2: {  	s6 =	rddreg [dreg:$0x1]  }
0x3: {  	s2 =	rddreg [dreg:$0x2]  }
0x4: {  	s0 =	stileid.u32;
	s1 =	rddreg [dreg:$0x3];
	s3 =	simm.s32 $0x0  }
0x5: {  	s5 =	srdreg.scid;
	s20 =	simm.s32 $0x1E780;
	s21 =	simm.s32 $0x2  }
0x6: {  	s22 =	simm.s32 $0x1E800;
	s23 =	simm.s32 $0x0;
	s4 =	smul.u32 $0x4E, s0  }
0x7: {  	s10 =	smin.u32 s0, $0x2;
	[smem:$0x7FF] =	sst s3;
	s12 =	sadd.s32 $0x9000, s6  }
0x8: {  	s13 =	sand.u32 $0x1, s5;
	s7 =	smul.u32 $0x50000, s0;
	s5 =	sadd.s32 $0x36200, s6  }
0x9: {  	s14 =	sadd.s32 $0x88A00, s6;
	s16 =	sadd.s32 $0xB0A00, s6;
	s19 =	smul.u32 $0x4E0, s0  }
0xa: {  	s29 =	sshll.u32 s0, $0x6;
	p0 =	slt.u32 s0, $0x2;
	s30 =	smul.u32 $0x2800, s0  }
0xb: {  	_ =	strace $0x80000053;
	s15 =	ssub.s32 $0x2, s13;
	s31 =	sshll.u32 s10, $0x4  }
0xc: {  	s4 =	sadd.s32 s10, s4;
	s28 =	sshrl.u32 s15, $0x1;
	s7 =	sshrl.u32 s7, $0x2  }
0xd: {  	s8 =	sshll.u32 s4, $0x4;
	s4 =	sadd.s32 $0xE000, s6;
	s15 =	ssub.s32 s15, s28  }
0xe: {  	s17 =	sadd.s32 s7, s2;
	s7 =	simm.s32 $0x4F;
	s9 =	sadd.s32 s8, s6  }
0xf: {  	s6 =	sor.u32 $0x1C03, s29;
	s7 =	simm.s32 @!p0 $0x4E;
	s18 =	sadd.s32 s8, s12  }
0x10: {  	p0 =	seq.s32 s13, $0x0;
	s12 =	sadd.s32 s19, s12;
	s10 =	smax.u32 s15, $0x1  }
0x11: {  	s13 =	sshrl.u32 s17, $0x3;
	s15 =	simm.s32 $0x1C000;
	s17 =	simm.s32 $0x14000  }
0x12: {  	s19 =	simm.s32 $0x1;
	s8 =	sadd.s32 $0x4000, s9;
	s9 =	sadd.s32 $0x4E0, s18  }
0x13: {  	s16 =	smov.u32 @p0 s14;
	s12 =	sadd.s32 s31, s12;
	s4 =	smov.u32 @p0 s11  }
0x14: {  	s14 =	simm.s32 $0x3;
	s18 =	simm.s32 $0x18000;
	p0 =	sgt.u32 s0, $0x1  }
0x15: {  	s11 =	sadd.s32 s16, s30;
	s12 =	sadd.s32 $0x10, s12;
	s16 =	simm.s32 $0x80  }
.LBB2_1:
0x16: {  	[spmem:s13], [sflag:s6] =	dma.local [hbm:s5], $0x2800  }
0x17: {  	_ =	swait.ge [sflag:s14], $0x2800  }
0x18: {  	[sflag:s14] =	ssyncset.done $0x0  }
0x19: {  	[sflag:s14] =	ssyncadd.s32 $0xFFFFD800  }
0x1a: {  	[tilespmem:s15], [sflag:$0x3] =	stream.linear.gather [hbm4b:s8+s3], $0x2780, $0x38;
	[tilespmem:$0x1E880] =	vst v63  }
0x1b: {  	_ =	swait.ge [sflag:s14], $0x2780  }
0x1c: {  	[sflag:s14] =	ssyncset.done $0x0  }
0x1d: {  	[sflag:s14] =	ssyncadd.s32 $0xFFFFD880  }
0x1e: {  	[bflag:$0x0] =	sbarrier.arrive $0xFFFF  }
0x1f: {  	[tilespmem:s17], [sflag:$0x1] =	stream.indirect.gather [hbm4b:s4+s16], $0x80, s15, s16, $0xb8;
	[tilespmem:$0x1E880] =	vst v63  }
0x20: {  	s24 =	simm.s32 $0x1C080  }
0x21: {  	[tilespmem:s18], [sflag:$0x2] =	stream.indirect.gather [hbm4b:s4+s16], $0x80, s24, s16, $0xb8;
	[tilespmem:$0x1E880] =	vst v63  }
0x22: {  	_ =	swait.ge [sflag:s19], $0x4000  }
0x23: {  	[sflag:s19] =	ssyncset.done $0x0  }
0x24: {  	s31 =	sadd.s32 $0xFFFFFFF0, s12;
	[sflag:s19] =	ssyncadd.s32 $0xFFFFC000  }
0x25: {  	[tilespmem:s20], [sflag:$0x3] =	stream.linear.gather [hbm4b:s31+s3], $0x80, $0x38;
	[tilespmem:$0x1E880] =	vst v63  }
0x26: {  	_ =	swait.ge [sflag:s14], $0x80  }
0x27: {  	[sflag:s14] =	ssyncset.done $0x0  }
0x28: {  	[sflag:s14] =	ssyncadd.s32 $0xFFFFFF80  }
0x29: {  	[spmem:s2] =	stream.indirect.scatter.add.f32 [tilespmem:s17], [sflag:$0x3], $0x80, s20, s16, $0xb8;
	[tilespmem:$0x1E880] =	vst v63  }
0x2a: {  	p1 =	sle.u32 s7, $0x2;
	_ =	swait.ge [sflag:s14], $0x4000  }
0x2b: {  	s25 =	simm.s32 @!p1 $0x1C100;
	[sflag:s14] =	ssyncset.done $0x0  }
0x2c: {  	s26 =	simm.s32 @!p1 $0x80;
	s24 =	simm.s32 @!p1 $0x14000;
	[sflag:s14] =	ssyncadd.s32 $0xFFFFC000  }
0x2d: {  	[tilespmem:s24], [sflag:$0x1] =	stream.indirect.gather @!p1 [hbm4b:s4+s26], $0x80, s25, s26, $0xb8;
	[tilespmem:$0x1E880] =	vst v63  }
0x2e: {  	_ =	swait.ge [sflag:s21], $0x4000  }
0x2f: {  	[sflag:s21] =	ssyncset.done $0x0  }
0x30: {  	[sflag:s21] =	ssyncadd.s32 $0xFFFFC000  }
0x31: {  	[tilespmem:s22], [sflag:$0x3] =	stream.linear.gather [hbm4b:s12+s3], $0x80, $0x38;
	[tilespmem:$0x1E880] =	vst v63  }
0x32: {  	_ =	swait.ge [sflag:s14], $0x80  }
0x33: {  	[sflag:s14] =	ssyncset.done $0x0  }
0x34: {  	s28 =	simm.s32 $0x800;
	[sflag:s14] =	ssyncadd.s32 $0xFFFFFF80  }
0x35: {  	[spmem:s2] =	stream.indirect.scatter.add.f32 [tilespmem:s18], [sflag:$0x3], $0x80, s22, s16, $0xb8;
	[tilespmem:$0x1E880] =	vst v63  }
0x36: {  	s29 =	simm.s32 $0x100;
	s26 =	simm.s32 $0x400;
	_ =	swait.ge [sflag:s14], $0x4000  }
0x37: {  	s25 =	simm.s32 $0x4;
	s24 =	sadd.s32 $0x20, s12;
	[sflag:s14] =	ssyncset.done $0x0  }
.LBB2_2:
0x38: {  	s29 =	sadd.s32 $0x1C080, s29  }
0x39: {  	[sflag:s14] =	ssyncadd.s32 $0xFFFFC000;
	s30 =	smov.u32 s28;
	s28 =	sadd.s32 $0x400, s28  }
0x3a: {  	[tilespmem:s18], [sflag:$0x2] =	stream.indirect.gather [hbm4b:s4+s16], $0x80, s29, s16, $0xb8;
	[tilespmem:$0x1E880] =	vst v63  }
0x3b: {  	p1 =	sne.s32 s28, $0x9C00;
	_ =	swait.ge [sflag:s19], $0x4000  }
0x3c: {  	[sflag:s19] =	ssyncset.done $0x0  }
0x3d: {  	s29 =	sadd.s32 $0xFFFFFFF0, s24;
	[sflag:s19] =	ssyncadd.s32 $0xFFFFC000  }
0x3e: {  	[tilespmem:s20], [sflag:$0x3] =	stream.linear.gather [hbm4b:s29+s3], $0x80, $0x38;
	[tilespmem:$0x1E880] =	vst v63  }
0x3f: {  	_ =	swait.ge [sflag:s14], $0x80  }
0x40: {  	[sflag:s14] =	ssyncset.done $0x0  }
0x41: {  	[sflag:s14] =	ssyncadd.s32 $0xFFFFFF80  }
0x42: {  	[spmem:s2] =	stream.indirect.scatter.add.f32 [tilespmem:s17], [sflag:$0x3], $0x80, s20, s16, $0xb8;
	[tilespmem:$0x1E880] =	vst v63  }
0x43: {  	p2 =	sge.u32 s25, s7;
	_ =	swait.ge [sflag:s14], $0x4000  }
0x44: {  	s26 =	sshra.s32 @!p2 s26, $0x2;
	s29 =	simm.s32 @!p2 $0x14000;
	[sflag:s14] =	ssyncset.done $0x0  }
0x45: {  	s31 =	simm.s32 @!p2 $0x80;
	s26 =	sadd.s32 @!p2 $0x1C100, s26;
	[sflag:s14] =	ssyncadd.s32 $0xFFFFC000  }
0x46: {  	[tilespmem:s29], [sflag:$0x1] =	stream.indirect.gather @!p2 [hbm4b:s4+s31], $0x80, s26, s31, $0xb8;
	[tilespmem:$0x1E880] =	vst v63  }
0x47: {  	s26 =	smov.u32 s30;
	_ =	swait.ge [sflag:s21], $0x4000  }
0x48: {  	[sflag:s21] =	ssyncset.done $0x0  }
0x49: {  	[sflag:s21] =	ssyncadd.s32 $0xFFFFC000  }
0x4a: {  	[tilespmem:s22], [sflag:$0x3] =	stream.linear.gather [hbm4b:s24+s3], $0x80, $0x38;
	[tilespmem:$0x1E880] =	vst v63  }
0x4b: {  	_ =	swait.ge [sflag:s14], $0x80  }
.Ltmp0:
0x4c: {  	[sflag:s14] =	ssyncset.done $0x0;
	(pc) =	sbr.rel @p1 .LBB2_2-.Ltmp0, $4  }
0x4d: {  	[sflag:s14] =	ssyncadd.s32 $0xFFFFFF80  }
0x4e: {  	[spmem:s2] =	stream.indirect.scatter.add.f32 [tilespmem:s18], [sflag:$0x3], $0x80, s22, s16, $0xb8;
	[tilespmem:$0x1E880] =	vst v63  }
0x4f: {  	s25 =	sadd.s32 $0x2, s25;
	_ =	swait.ge [sflag:s14], $0x4000  }
0x50: {  	s29 =	sshra.s32 s26, $0x2;
	s24 =	sadd.s32 $0x20, s24;
	[sflag:s14] =	ssyncset.done $0x0  }
0x51: {  	s28 =	sadd.s32 $0x1C080, s29;
	[sflag:s14] =	ssyncadd.s32 $0xFFFFC000  }
0x52: {  	[tilespmem:s18], [sflag:$0x2] =	stream.indirect.gather [hbm4b:s4+s16], $0x80, s28, s16, $0xb8;
	[tilespmem:$0x1E880] =	vst v63  }
0x53: {  	_ =	swait.ge [sflag:s19], $0x4000  }
0x54: {  	[sflag:s19] =	ssyncset.done $0x0  }
0x55: {  	s31 =	sadd.s32 $0xFFFFFFF0, s24;
	[sflag:s19] =	ssyncadd.s32 $0xFFFFC000  }
0x56: {  	[tilespmem:s20], [sflag:$0x3] =	stream.linear.gather [hbm4b:s31+s3], $0x80, $0x38;
	[tilespmem:$0x1E880] =	vst v63  }
0x57: {  	_ =	swait.ge [sflag:s14], $0x80  }
0x58: {  	[sflag:s14] =	ssyncset.done $0x0  }
0x59: {  	[sflag:s14] =	ssyncadd.s32 $0xFFFFFF80  }
0x5a: {  	[spmem:s2] =	stream.indirect.scatter.add.f32 [tilespmem:s17], [sflag:$0x3], $0x80, s20, s16, $0xb8;
	[tilespmem:$0x1E880] =	vst v63  }
0x5b: {  	p1 =	sge.u32 s25, s7;
	_ =	swait.ge [sflag:s14], $0x4000  }
0x5c: {  	s25 =	sshra.s32 @!p1 s26, $0x2;
	s26 =	simm.s32 @!p1 $0x14000;
	[sflag:s14] =	ssyncset.done $0x0  }
0x5d: {  	s28 =	simm.s32 @!p1 $0x80;
	s25 =	sadd.s32 @!p1 $0x1C100, s25;
	[sflag:s14] =	ssyncadd.s32 $0xFFFFC000  }
0x5e: {  	[tilespmem:s26], [sflag:$0x1] =	stream.indirect.gather @!p1 [hbm4b:s4+s28], $0x80, s25, s28, $0xb8;
	[tilespmem:$0x1E880] =	vst v63  }
0x5f: {  	_ =	swait.ge [sflag:s21], $0x4000  }
0x60: {  	[sflag:s21] =	ssyncset.done $0x0  }
0x61: {  	[sflag:s21] =	ssyncadd.s32 $0xFFFFC000  }
0x62: {  	[tilespmem:s22], [sflag:$0x3] =	stream.linear.gather [hbm4b:s24+s3], $0x80, $0x38;
	[tilespmem:$0x1E880] =	vst v63  }
0x63: {  	_ =	swait.ge [sflag:s14], $0x80  }
0x64: {  	[sflag:s14] =	ssyncset.done $0x0  }
0x65: {  	[sflag:s14] =	ssyncadd.s32 $0xFFFFFF80  }
0x66: {  	[spmem:s2] =	stream.indirect.scatter.add.f32 [tilespmem:s18], [sflag:$0x3], $0x80, s22, s16, $0xb8;
	[tilespmem:$0x1E880] =	vst v63  }
0x67: {  	_ =	swait.ge [sflag:s14], $0x4000  }
0x68: {  	[sflag:s14] =	ssyncset.done $0x0  }
0x69: {  	s24 =	simm.s32 @!p0 $0x1;
	[sflag:s14] =	ssyncadd.s32 $0xFFFFC000  }
0x6a: {  	_ =	swait.ge @!p0 [sflag:s24], $0x4000  }
0x6b: {  	[sflag:s24] =	ssyncset.done @!p0 $0x0  }
0x6c: {  	s25 =	simm.s32 @!p0 $0x1E780;
	[sflag:s24] =	ssyncadd.s32 @!p0 $0xFFFFC000;
	s24 =	simm.s32 @!p0 $0x0  }
0x6d: {  	[tilespmem:s25], [sflag:$0x3] =	stream.linear.gather @!p0 [hbm4b:s9+s24], $0x80, $0x38;
	[tilespmem:$0x1E880] =	vst v63  }
0x6e: {  	s24 =	simm.s32 @!p0 $0x3  }
0x6f: {  	_ =	swait.ge @!p0 [sflag:s24], $0x80  }
0x70: {  	[sflag:s24] =	ssyncset.done @!p0 $0x0  }
0x71: {  	s26 =	simm.s32 @!p0 $0x80;
	s28 =	simm.s32 @!p0 $0x14000;
	[sflag:s24] =	ssyncadd.s32 @!p0 $0xFFFFFF80  }
0x72: {  	[spmem:s2] =	stream.indirect.scatter.add.f32 @!p0 [tilespmem:s28], [sflag:$0x3], $0x80, s25, s26, $0xb8;
	[tilespmem:$0x1E880] =	vst v63  }
0x73: {  	_ =	swait.ge @!p0 [sflag:s24], $0x4000  }
0x74: {  	s23 =	sadd.s32 $0x1, s23;
	[sflag:s24] =	ssyncset.done @!p0 $0x0  }
0x75: {  	p1 =	sne.s32 s23, s10;
	[sflag:s24] =	ssyncadd.s32 @!p0 $0xFFFFC000  }
.Ltmp1:
0x76: {  	[bflag:$0x0] =	sbarrier.arrive $0xFFFF;
	(pc) =	sbr.rel @p1 .LBB2_1-.Ltmp1, $4  }
0x77: {  	[hbm:s11], [sflag:s6] =	dma.local [spmem:s13], $0x2800  }
0x78: {  	_ =	swait.ge [sflag:s14], $0x2800  }
0x79: {  	[sflag:s14] =	ssyncset.done $0x0  }
0x7a: {  	[sflag:s14] =	ssyncadd.s32 $0xFFFFD800  }
0x7b: {  	_ =	sfence.sel $0x180000  }
0x7c: {  	[bflag:$0x0] =	sbarrier.arrive $0xFFFF  }
0x7d: {  	p0 =	sne.s32 s0, $0x0;
	_ =	strace $0x90000053  }
0x7e: {  	s0 =	sadd.s32 @!p0 $0x100000, s1;
	[bflag:$0x2] =	sbarrier.arrive $0xFFFF  }
0x7f: {  	[sflag:s0] =	ssyncadd.tile.s32 @!p0 $0x1;
	_ =	shalt  }
.Lfunc_end2:
_tile_overlayer_lowered:
.L_overlay_start_2:
0x80: {  	(tag) =	ssettag $0x2  }
0x81: {  	s0 =	rddreg [dreg:$0x0];
	s2 =	stileid.u32  }
0x82: {  	s1 =	rddreg [dreg:$0x1];
	p0 =	sne.s32 s2, $0x0  }
0x83: {  	s3 =	rddreg [dreg:$0x2];
	[bflag:$0x3] =	sbarrier.arrive $0xFFFF;
	s2 =	simm.s32 @!p0 $0x1C03  }
0x84: {  	[timem:s3], [sflag:s2] =	dma.local @!p0 [hbm:s0], s1  }
0x85: {  	s0 =	simm.s32 @!p0 $0x3  }
0x86: {  	_ =	swait.ge @!p0 [sflag:s0], s1  }
0x87: {  	s1 =	ssub.s32 @!p0 $0x0, s1;
	[sflag:s0] =	ssyncset.done @!p0 $0x0  }
0x88: {  	[sflag:s0] =	ssyncadd.s32 @!p0 s1  }
0x89: {  	[bflag:$0x3] =	sbarrier.arrive $0xFFFF  }
0x8a: {  	_ =	shalt  }

</sc_bundles>
